<compile_context>
chip_gen: v7x
topology: tpu7x:2x2x1
jax: 0.10.2.dev20260603
libtpu: 0.0.44.dev20260713+nightly
codegen_flags: <defaults>
</compile_context>

<pallas_src>
import jax
import jax.numpy as jnp
from jax import lax
from jax.experimental import pallas as pl
from jax.experimental.pallas import tpu as pltpu
from jax.experimental.pallas import tpu_sc as plsc

D = 128
TOTAL_ROWS = 200000
NW = 32
CHUNK = 256
SC_ROWS = 100000
TC_ROWS = TOTAL_ROWS - SC_ROWS
ROWS_W = 3136
ROWS_LAST = SC_ROWS - (NW - 1) * ROWS_W
NCHUNK = 13
GROUPS = CHUNK // 16
TC_BLOCK = 16384


def _sc_matvec_body(x_hbm, a2_hbm, y_hbm, buf0, buf1, a2_v, ybuf0, ybuf1,
                    sem0, sem1, osem0, osem1):
    cid = lax.axis_index("c")
    sid = lax.axis_index("s")
    wid = sid * 2 + cid
    start = wid * ROWS_W
    rows_w = jnp.where(wid == NW - 1, ROWS_LAST, ROWS_W)
    last_off = rows_w - CHUNK

    pltpu.sync_copy(a2_hbm, a2_v.at[pl.ds(0, D)])
    pltpu.sync_copy(a2_hbm.at[pl.ds(0, 16)], a2_v.at[pl.ds(D, 16)])

    iota16 = lax.iota(jnp.int32, 16)
    row_base = [(iota16 + (g * 16)) * D for g in range(GROUPS)]

    bufs = [buf0, buf1]
    ybufs = [ybuf0, ybuf1]
    sems = [sem0, sem1]
    osems = [osem0, osem1]
    offs = [jnp.minimum(i * CHUNK, last_off) for i in range(NCHUNK)]

    def start_in(i):
        row0 = TC_ROWS + start + offs[i]
        return pltpu.async_copy(
            x_hbm.at[pl.ds(row0 * D, CHUNK * D)], bufs[i % 2], sems[i % 2])

    in_cp = {0: start_in(0)}
    out_cp = {}
    for i in range(NCHUNK):
        p = i % 2
        if i + 1 < NCHUNK:
            in_cp[i + 1] = start_in(i + 1)
        in_cp[i].wait()

        def jbody(j, accs):
            feat = (iota16 + j) & (D - 1)
            coeff = a2_v[pl.ds(j, 16)]
            return tuple(
                accs[g] + plsc.load_gather(bufs[p], [row_base[g] + feat])
                * coeff
                for g in range(GROUPS)
            )

        zero = jnp.zeros((16,), jnp.float32)
        accs = lax.fori_loop(0, D, jbody, (zero,) * GROUPS)
        if i - 2 in out_cp:
            out_cp[i - 2].wait()
        for g in range(GROUPS):
            ybufs[p][pl.ds(g * 16, 16)] = accs[g]
        out_cp[i] = pltpu.async_copy(
            ybufs[p], y_hbm.at[pl.ds(start + offs[i], CHUNK)], osems[p])
    out_cp[NCHUNK - 2].wait()
    out_cp[NCHUNK - 1].wait()


def _sc_matvec(x_flat, a2):
    mesh = plsc.VectorSubcoreMesh(core_axis_name="c", subcore_axis_name="s")
    return pl.kernel(
        _sc_matvec_body,
        out_type=jax.ShapeDtypeStruct((SC_ROWS,), jnp.float32),
        mesh=mesh,
        compiler_params=pltpu.CompilerParams(needs_layout_passes=False),
        scratch_types=[
            pltpu.VMEM((CHUNK * D,), jnp.float32),
            pltpu.VMEM((CHUNK * D,), jnp.float32),
            pltpu.VMEM((D + 32,), jnp.float32),
            pltpu.VMEM((CHUNK,), jnp.float32),
            pltpu.VMEM((CHUNK,), jnp.float32),
            pltpu.SemaphoreType.DMA,
            pltpu.SemaphoreType.DMA,
            pltpu.SemaphoreType.DMA,
            pltpu.SemaphoreType.DMA,
        ],
    )(x_flat, a2)


def _tc_matvec_body(x_ref, a2_ref, o_ref):
    o_ref[...] = lax.dot_general(
        a2_ref[...], x_ref[...], (((1,), (1,)), ((), ())),
        preferred_element_type=jnp.float32)[0]


def _tc_matvec(x2d, a2row):
    grid = (TC_ROWS + TC_BLOCK - 1) // TC_BLOCK
    return pl.pallas_call(
        _tc_matvec_body,
        grid=(grid,),
        in_specs=[
            pl.BlockSpec((TC_BLOCK, D), lambda i: (i, 0)),
            pl.BlockSpec((1, D), lambda i: (0, 0)),
        ],
        out_specs=pl.BlockSpec((TC_BLOCK,), lambda i: (i,)),
        out_shape=jax.ShapeDtypeStruct((TC_ROWS,), jnp.float32),
    )(x2d, a2row)


def _norm_body(y01_ref, y23_ref, tgt_ref, a1_ref, o_ref):
    c = tgt_ref[...] * a1_ref[...]
    rows = []
    for b in range(4):
        src = y01_ref if b < 2 else y23_ref
        seg = src[pl.ds((b % 2) * 50000, 50000)]
        e = seg + jnp.sum(c[b])
        e = jnp.where(e > 0, e, 0.01 * e)
        rows.append(e / jnp.sum(e))
    o_ref[...] = jnp.stack(rows, axis=0)


def _tc_normalize(y01, y23, tgt, a1):
    return pl.pallas_call(
        _norm_body,
        out_shape=jax.ShapeDtypeStruct((4, 50000), jnp.float32),
    )(y01, y23, tgt, a1)


@jax.jit
def _run(x, node_index, a):
    batch, node_num, d = x.shape
    tgt = jnp.take(x, node_index, axis=1)
    a1 = a[:d, 0].reshape(1, d)
    a2 = a[d:, 0]
    y_sc = _sc_matvec(x.reshape(batch * node_num * d), a2)
    y_tc = _tc_matvec(x.reshape(batch * node_num, d), a2.reshape(1, d))
    return _tc_normalize(y_tc, y_sc, tgt, a1)


def kernel(x, node_index, adj_mask, a):
    return _run(x, node_index, a)

# --- scband reference (transcript-rebuilt; emitter-appended) ---
"""Pipeline reference for scband-attention-dist-87789131530406 (READ-ONLY COPY).

The authoritative reference and input builder live on the scoring server;
editing this copy changes nothing except your own understanding.
"""

import jax, jax.numpy as jnp
import numpy as np

BATCH, NODE_NUM, NUM_INPUTS = 4, 50000, 128


def setup_inputs(seed: int = 0) -> dict:
    key = jax.random.key(seed)
    k1, k2, k3 = jax.random.split(key, 3)
    x = jax.random.normal(k1, (BATCH, NODE_NUM, NUM_INPUTS), dtype=jnp.float32)
    node_index = 777
    adj_mask = jax.random.randint(k2, (NODE_NUM,), 0, 2, dtype=jnp.int32)
    # parameter a: xavier_uniform with gain=1.414 on shape (2*num_inputs, 1)
    fan_in, fan_out = 1, 2 * NUM_INPUTS  # torch convention: fan_in=size(1), fan_out=size(0)
    bound = 1.414 * np.sqrt(6.0 / (fan_in + fan_out))
    a = jax.random.uniform(k3, (2 * NUM_INPUTS, 1), dtype=jnp.float32, minval=-bound, maxval=bound)
    return {"x": x, "node_index": node_index, "adj_mask": adj_mask, "a": a}


def reference(x, node_index, adj_mask, a):
    batch, node_num, d = x.shape
    # gather target node features: x[:, node_index] -> [B, d]
    target = jnp.take(x, node_index, axis=1)
    target_exp = jnp.broadcast_to(target[:, None, :], (batch, node_num, d))
    concat_input = jnp.concatenate([target_exp, x], axis=-1)  # [B, N, 2d]
    e = jnp.matmul(concat_input, a)[..., 0]  # [B, N]
    # LeakyReLU default negative_slope=0.01
    e = jnp.where(e > 0, e, 0.01 * e)
    zero_vec = -9000000000000000.0 * jnp.ones_like(e)
    attention = jnp.where(adj_mask > 0, e, zero_vec)
    attention = jax.nn.softmax(attention, axis=1) * adj_mask[None, :].astype(e.dtype)
    # torch returns Categorical(probs=e); Categorical normalizes probs along last dim
    probs = e / jnp.sum(e, axis=-1, keepdims=True)
    return probs

if __name__ == "__main__":
    import jax
    _d = setup_inputs()
    print(jax.jit(kernel)(*tuple(_d.values())))

</pallas_src>

<mosaic_0001>
#map = affine_map<(d0, d1) -> (0)>
module attributes {stable_mosaic.version = 14 : i64} {
  func.func @_sc_matvec_body(%arg0: i32, %arg1: i32, %arg2: memref<25600000xf32, #tpu.memory_space<hbm>>, %arg3: memref<128xf32, #tpu.memory_space<hbm>>, %arg4: memref<100000xf32, #tpu.memory_space<hbm>>, %arg5: memref<32768xf32, #tpu.memory_space<vmem>>, %arg6: memref<32768xf32, #tpu.memory_space<vmem>>, %arg7: memref<160xf32, #tpu.memory_space<vmem>>, %arg8: memref<256xf32, #tpu.memory_space<vmem>>, %arg9: memref<256xf32, #tpu.memory_space<vmem>>, %arg10: memref<!tpu.dma_semaphore, #tpu.memory_space<semaphore_mem>>, %arg11: memref<!tpu.dma_semaphore, #tpu.memory_space<semaphore_mem>>, %arg12: memref<!tpu.dma_semaphore, #tpu.memory_space<semaphore_mem>>, %arg13: memref<!tpu.dma_semaphore, #tpu.memory_space<semaphore_mem>>) attributes {dimension_semantics = [#tpu.dimension_semantics<core_parallel>, #tpu.dimension_semantics<subcore_parallel>], iteration_bounds = array<i64: 2, 16>, scalar_prefetch = 0 : i64, scratch_operands = 9 : i64, tpu.core_type = #tpu.core_type<sc_vector_subcore>, window_params = [{transform_indices = #map}, {transform_indices = #map}, {transform_indices = #map}]} {
    %mul3A = arith.constant 2 : i32
    %mul3A_0 = arith.muli %arg1, %mul3A : i32
    %add3A = arith.addi %mul3A_0, %arg0 : i32
    %mul3A_1 = arith.constant 3136 : i32
    %mul3A_2 = arith.muli %add3A, %mul3A_1 : i32
    %eq3A = arith.constant 31 : i32
    %eq3A_3 = arith.cmpi eq, %add3A, %eq3A : i32
    %jit3A = arith.constant 2784 : i32
    %jit3A_4 = arith.constant 3136 : i32
    %select_n3A = arith.select %eq3A_3, %jit3A, %jit3A_4 : i32
    %sub3A = arith.constant 256 : i32
    %sub3A_5 = arith.subi %select_n3A, %sub3A : i32
    "tpu.region"() ({
      %run_scoped3A = tpu.sem_alloc : memref<!tpu.dma_semaphore, #tpu.memory_space<semaphore_mem>>
      %dma_start3A_824 = arith.constant 0 : i32
      %dma_start3A_825 = tpu.memref_slice %arg7[%dma_start3A_824] : memref<160xf32, #tpu.memory_space<vmem>> -> memref<128xf32, #tpu.memory_space<vmem>>
      %dma_start3A_826 = arith.constant 0 : i32
      %dma_start3A_827 = tpu.memref_slice %arg7[%dma_start3A_826] : memref<160xf32, #tpu.memory_space<vmem>> -> memref<128xf32, #tpu.memory_space<vmem>>
      tpu.enqueue_dma source(%arg3 : memref<128xf32, #tpu.memory_space<hbm>>) target(%dma_start3A_827 : memref<128xf32, #tpu.memory_space<vmem>>) target_semaphore(%run_scoped3A : memref<!tpu.dma_semaphore, #tpu.memory_space<semaphore_mem>>)
      %dma_wait3A_828 = arith.constant 0 : i32
      %dma_wait3A_829 = tpu.memref_slice %arg7[%dma_wait3A_828] : memref<160xf32, #tpu.memory_space<vmem>> -> memref<128xf32, #tpu.memory_space<vmem>>
      %dma_wait3A_830 = arith.constant 0 : i32
      %dma_wait3A_831 = tpu.memref_slice %arg7[%dma_wait3A_830] : memref<160xf32, #tpu.memory_space<vmem>> -> memref<128xf32, #tpu.memory_space<vmem>>
      tpu.wait_dma2 semaphore(%run_scoped3A : memref<!tpu.dma_semaphore, #tpu.memory_space<semaphore_mem>>) src(%arg3 : memref<128xf32, #tpu.memory_space<hbm>>) dst(%dma_wait3A_831 : memref<128xf32, #tpu.memory_space<vmem>>)
      tpu.yield
    }) : () -> ()
    "tpu.region"() ({
      %run_scoped3A = tpu.sem_alloc : memref<!tpu.dma_semaphore, #tpu.memory_space<semaphore_mem>>
      %dma_start3A_824 = arith.constant 128 : i32
      %dma_start3A_825 = tpu.memref_slice %arg7[%dma_start3A_824] : memref<160xf32, #tpu.memory_space<vmem>> -> memref<16xf32, #tpu.memory_space<vmem>>
      %dma_start3A_826 = arith.constant 0 : i32
      %dma_start3A_827 = tpu.memref_slice %arg3[%dma_start3A_826] : memref<128xf32, #tpu.memory_space<hbm>> -> memref<16xf32, #tpu.memory_space<hbm>>
      %dma_start3A_828 = arith.constant 128 : i32
      %dma_start3A_829 = tpu.memref_slice %arg7[%dma_start3A_828] : memref<160xf32, #tpu.memory_space<vmem>> -> memref<16xf32, #tpu.memory_space<vmem>>
      %dma_start3A_830 = arith.constant 0 : i32
      %dma_start3A_831 = tpu.memref_slice %arg3[%dma_start3A_830] : memref<128xf32, #tpu.memory_space<hbm>> -> memref<16xf32, #tpu.memory_space<hbm>>
      tpu.enqueue_dma source(%dma_start3A_831 : memref<16xf32, #tpu.memory_space<hbm>>) target(%dma_start3A_829 : memref<16xf32, #tpu.memory_space<vmem>>) target_semaphore(%run_scoped3A : memref<!tpu.dma_semaphore, #tpu.memory_space<semaphore_mem>>)
      %dma_wait3A_832 = arith.constant 128 : i32
      %dma_wait3A_833 = tpu.memref_slice %arg7[%dma_wait3A_832] : memref<160xf32, #tpu.memory_space<vmem>> -> memref<16xf32, #tpu.memory_space<vmem>>
      %dma_wait3A_834 = arith.constant 0 : i32
      %dma_wait3A_835 = tpu.memref_slice %arg3[%dma_wait3A_834] : memref<128xf32, #tpu.memory_space<hbm>> -> memref<16xf32, #tpu.memory_space<hbm>>
      %dma_wait3A_836 = arith.constant 128 : i32
      %dma_wait3A_837 = tpu.memref_slice %arg7[%dma_wait3A_836] : memref<160xf32, #tpu.memory_space<vmem>> -> memref<16xf32, #tpu.memory_space<vmem>>
      %dma_wait3A_838 = arith.constant 0 : i32
      %dma_wait3A_839 = tpu.memref_slice %arg3[%dma_wait3A_838] : memref<128xf32, #tpu.memory_space<hbm>> -> memref<16xf32, #tpu.memory_space<hbm>>
      tpu.wait_dma2 semaphore(%run_scoped3A : memref<!tpu.dma_semaphore, #tpu.memory_space<semaphore_mem>>) src(%dma_wait3A_839 : memref<16xf32, #tpu.memory_space<hbm>>) dst(%dma_wait3A_837 : memref<16xf32, #tpu.memory_space<vmem>>)
      tpu.yield
    }) : () -> ()
    %iota3A = tpu.iota {dimensions = array<i32: 0>} : vector<16xi32>
    %add3A_6 = arith.constant 0 : i32
    %add3A_7 = vector.broadcast %add3A_6 : i32 to vector<16xi32>
    %add3A_8 = arith.addi %iota3A, %add3A_7 : vector<16xi32>
    %mul3A_9 = arith.constant 128 : i32
    %mul3A_10 = vector.broadcast %mul3A_9 : i32 to vector<16xi32>
    %mul3A_11 = arith.muli %add3A_8, %mul3A_10 : vector<16xi32>
    %add3A_12 = arith.constant 16 : i32
    %add3A_13 = vector.broadcast %add3A_12 : i32 to vector<16xi32>
    %add3A_14 = arith.addi %iota3A, %add3A_13 : vector<16xi32>
    %mul3A_15 = arith.constant 128 : i32
    %mul3A_16 = vector.broadcast %mul3A_15 : i32 to vector<16xi32>
    %mul3A_17 = arith.muli %add3A_14, %mul3A_16 : vector<16xi32>
    %add3A_18 = arith.constant 32 : i32
    %add3A_19 = vector.broadcast %add3A_18 : i32 to vector<16xi32>
    %add3A_20 = arith.addi %iota3A, %add3A_19 : vector<16xi32>
    %mul3A_21 = arith.constant 128 : i32
    %mul3A_22 = vector.broadcast %mul3A_21 : i32 to vector<16xi32>
    %mul3A_23 = arith.muli %add3A_20, %mul3A_22 : vector<16xi32>
    %add3A_24 = arith.constant 48 : i32
    %add3A_25 = vector.broadcast %add3A_24 : i32 to vector<16xi32>
    %add3A_26 = arith.addi %iota3A, %add3A_25 : vector<16xi32>
    %mul3A_27 = arith.constant 128 : i32
    %mul3A_28 = vector.broadcast %mul3A_27 : i32 to vector<16xi32>
    %mul3A_29 = arith.muli %add3A_26, %mul3A_28 : vector<16xi32>
    %add3A_30 = arith.constant 64 : i32
    %add3A_31 = vector.broadcast %add3A_30 : i32 to vector<16xi32>
    %add3A_32 = arith.addi %iota3A, %add3A_31 : vector<16xi32>
    %mul3A_33 = arith.constant 128 : i32
    %mul3A_34 = vector.broadcast %mul3A_33 : i32 to vector<16xi32>
    %mul3A_35 = arith.muli %add3A_32, %mul3A_34 : vector<16xi32>
    %add3A_36 = arith.constant 80 : i32
    %add3A_37 = vector.broadcast %add3A_36 : i32 to vector<16xi32>
    %add3A_38 = arith.addi %iota3A, %add3A_37 : vector<16xi32>
    %mul3A_39 = arith.constant 128 : i32
    %mul3A_40 = vector.broadcast %mul3A_39 : i32 to vector<16xi32>
    %mul3A_41 = arith.muli %add3A_38, %mul3A_40 : vector<16xi32>
    %add3A_42 = arith.constant 96 : i32
    %add3A_43 = vector.broadcast %add3A_42 : i32 to vector<16xi32>
    %add3A_44 = arith.addi %iota3A, %add3A_43 : vector<16xi32>
    %mul3A_45 = arith.constant 128 : i32
    %mul3A_46 = vector.broadcast %mul3A_45 : i32 to vector<16xi32>
    %mul3A_47 = arith.muli %add3A_44, %mul3A_46 : vector<16xi32>
    %add3A_48 = arith.constant 112 : i32
    %add3A_49 = vector.broadcast %add3A_48 : i32 to vector<16xi32>
    %add3A_50 = arith.addi %iota3A, %add3A_49 : vector<16xi32>
    %mul3A_51 = arith.constant 128 : i32
    %mul3A_52 = vector.broadcast %mul3A_51 : i32 to vector<16xi32>
    %mul3A_53 = arith.muli %add3A_50, %mul3A_52 : vector<16xi32>
    %add3A_54 = arith.constant 128 : i32
    %add3A_55 = vector.broadcast %add3A_54 : i32 to vector<16xi32>
    %add3A_56 = arith.addi %iota3A, %add3A_55 : vector<16xi32>
    %mul3A_57 = arith.constant 128 : i32
    %mul3A_58 = vector.broadcast %mul3A_57 : i32 to vector<16xi32>
    %mul3A_59 = arith.muli %add3A_56, %mul3A_58 : vector<16xi32>
    %add3A_60 = arith.constant 144 : i32
    %add3A_61 = vector.broadcast %add3A_60 : i32 to vector<16xi32>
    %add3A_62 = arith.addi %iota3A, %add3A_61 : vector<16xi32>
    %mul3A_63 = arith.constant 128 : i32
    %mul3A_64 = vector.broadcast %mul3A_63 : i32 to vector<16xi32>
    %mul3A_65 = arith.muli %add3A_62, %mul3A_64 : vector<16xi32>
    %add3A_66 = arith.constant 160 : i32
    %add3A_67 = vector.broadcast %add3A_66 : i32 to vector<16xi32>
    %add3A_68 = arith.addi %iota3A, %add3A_67 : vector<16xi32>
    %mul3A_69 = arith.constant 128 : i32
    %mul3A_70 = vector.broadcast %mul3A_69 : i32 to vector<16xi32>
    %mul3A_71 = arith.muli %add3A_68, %mul3A_70 : vector<16xi32>
    %add3A_72 = arith.constant 176 : i32
    %add3A_73 = vector.broadcast %add3A_72 : i32 to vector<16xi32>
    %add3A_74 = arith.addi %iota3A, %add3A_73 : vector<16xi32>
    %mul3A_75 = arith.constant 128 : i32
    %mul3A_76 = vector.broadcast %mul3A_75 : i32 to vector<16xi32>
    %mul3A_77 = arith.muli %add3A_74, %mul3A_76 : vector<16xi32>
    %add3A_78 = arith.constant 192 : i32
    %add3A_79 = vector.broadcast %add3A_78 : i32 to vector<16xi32>
    %add3A_80 = arith.addi %iota3A, %add3A_79 : vector<16xi32>
    %mul3A_81 = arith.constant 128 : i32
    %mul3A_82 = vector.broadcast %mul3A_81 : i32 to vector<16xi32>
    %mul3A_83 = arith.muli %add3A_80, %mul3A_82 : vector<16xi32>
    %add3A_84 = arith.constant 208 : i32
    %add3A_85 = vector.broadcast %add3A_84 : i32 to vector<16xi32>
    %add3A_86 = arith.addi %iota3A, %add3A_85 : vector<16xi32>
    %mul3A_87 = arith.constant 128 : i32
    %mul3A_88 = vector.broadcast %mul3A_87 : i32 to vector<16xi32>
    %mul3A_89 = arith.muli %add3A_86, %mul3A_88 : vector<16xi32>
    %add3A_90 = arith.constant 224 : i32
    %add3A_91 = vector.broadcast %add3A_90 : i32 to vector<16xi32>
    %add3A_92 = arith.addi %iota3A, %add3A_91 : vector<16xi32>
    %mul3A_93 = arith.constant 128 : i32
    %mul3A_94 = vector.broadcast %mul3A_93 : i32 to vector<16xi32>
    %mul3A_95 = arith.muli %add3A_92, %mul3A_94 : vector<16xi32>
    %add3A_96 = arith.constant 240 : i32
    %add3A_97 = vector.broadcast %add3A_96 : i32 to vector<16xi32>
    %add3A_98 = arith.addi %iota3A, %add3A_97 : vector<16xi32>
    %mul3A_99 = arith.constant 128 : i32
    %mul3A_100 = vector.broadcast %mul3A_99 : i32 to vector<16xi32>
    %mul3A_101 = arith.muli %add3A_98, %mul3A_100 : vector<16xi32>
    %min3A = arith.constant 0 : i32
    %min3A_102 = arith.minsi %min3A, %sub3A_5 : i32
    %min3A_103 = arith.constant 256 : i32
    %min3A_104 = arith.minsi %min3A_103, %sub3A_5 : i32
    %min3A_105 = arith.constant 512 : i32
    %min3A_106 = arith.minsi %min3A_105, %sub3A_5 : i32
    %min3A_107 = arith.constant 768 : i32
    %min3A_108 = arith.minsi %min3A_107, %sub3A_5 : i32
    %min3A_109 = arith.constant 1024 : i32
    %min3A_110 = arith.minsi %min3A_109, %sub3A_5 : i32
    %min3A_111 = arith.constant 1280 : i32
    %min3A_112 = arith.minsi %min3A_111, %sub3A_5 : i32
    %min3A_113 = arith.constant 1536 : i32
    %min3A_114 = arith.minsi %min3A_113, %sub3A_5 : i32
    %min3A_115 = arith.constant 1792 : i32
    %min3A_116 = arith.minsi %min3A_115, %sub3A_5 : i32
    %min3A_117 = arith.constant 2048 : i32
    %min3A_118 = arith.minsi %min3A_117, %sub3A_5 : i32
    %min3A_119 = arith.constant 2304 : i32
    %min3A_120 = arith.minsi %min3A_119, %sub3A_5 : i32
    %min3A_121 = arith.constant 2560 : i32
    %min3A_122 = arith.minsi %min3A_121, %sub3A_5 : i32
    %min3A_123 = arith.constant 2816 : i32
    %min3A_124 = arith.minsi %min3A_123, %sub3A_5 : i32
    %min3A_125 = arith.constant 3072 : i32
    %min3A_126 = arith.minsi %min3A_125, %sub3A_5 : i32
    %add3A_127 = arith.constant 100000 : i32
    %add3A_128 = arith.addi %add3A_127, %mul3A_2 : i32
    %add3A_129 = arith.addi %add3A_128, %min3A_102 : i32
    %mul3A_130 = arith.constant 128 : i32
    %mul3A_131 = arith.muli %add3A_129, %mul3A_130 : i32
    %dma_start3A = tpu.memref_slice %arg2[%mul3A_131] : memref<25600000xf32, #tpu.memory_space<hbm>> -> memref<32768xf32, #tpu.memory_space<hbm>>
    %dma_start3A_132 = tpu.memref_slice %arg2[%mul3A_131] : memref<25600000xf32, #tpu.memory_space<hbm>> -> memref<32768xf32, #tpu.memory_space<hbm>>
    tpu.enqueue_dma source(%dma_start3A_132 : memref<32768xf32, #tpu.memory_space<hbm>>) target(%arg5 : memref<32768xf32, #tpu.memory_space<vmem>>) target_semaphore(%arg10 : memref<!tpu.dma_semaphore, #tpu.memory_space<semaphore_mem>>)
    %add3A_133 = arith.constant 100000 : i32
    %add3A_134 = arith.addi %add3A_133, %mul3A_2 : i32
    %add3A_135 = arith.addi %add3A_134, %min3A_104 : i32
    %mul3A_136 = arith.constant 128 : i32
    %mul3A_137 = arith.muli %add3A_135, %mul3A_136 : i32
    %dma_start3A_138 = tpu.memref_slice %arg2[%mul3A_137] : memref<25600000xf32, #tpu.memory_space<hbm>> -> memref<32768xf32, #tpu.memory_space<hbm>>
    %dma_start3A_139 = tpu.memref_slice %arg2[%mul3A_137] : memref<25600000xf32, #tpu.memory_space<hbm>> -> memref<32768xf32, #tpu.memory_space<hbm>>
    tpu.enqueue_dma source(%dma_start3A_139 : memref<32768xf32, #tpu.memory_space<hbm>>) target(%arg6 : memref<32768xf32, #tpu.memory_space<vmem>>) target_semaphore(%arg11 : memref<!tpu.dma_semaphore, #tpu.memory_space<semaphore_mem>>)
    %dma_wait3A = tpu.memref_slice %arg2[%mul3A_131] : memref<25600000xf32, #tpu.memory_space<hbm>> -> memref<32768xf32, #tpu.memory_space<hbm>>
    %dma_wait3A_140 = tpu.memref_slice %arg2[%mul3A_131] : memref<25600000xf32, #tpu.memory_space<hbm>> -> memref<32768xf32, #tpu.memory_space<hbm>>
    tpu.wait_dma2 semaphore(%arg10 : memref<!tpu.dma_semaphore, #tpu.memory_space<semaphore_mem>>) src(%dma_wait3A_140 : memref<32768xf32, #tpu.memory_space<hbm>>) dst(%arg5 : memref<32768xf32, #tpu.memory_space<vmem>>)
    %broadcast_in_dim3A = arith.constant 0.000000e+00 : f32
    %broadcast_in_dim3A_141 = vector.broadcast %broadcast_in_dim3A : f32 to vector<16xf32>
    %scan3A = arith.constant 0 : i32
    %scan3A_142 = arith.constant 128 : i32
    %scan3A_143 = arith.addi %scan3A, %scan3A_142 : i32
    %scan3A_144 = arith.constant 1 : i32
    %scan3A_145:16 = scf.for %scan3A_824 = %scan3A to %scan3A_143 step %scan3A_144 iter_args(%scan3A_825 = %broadcast_in_dim3A_141, %scan3A_826 = %broadcast_in_dim3A_141, %scan3A_827 = %broadcast_in_dim3A_141, %scan3A_828 = %broadcast_in_dim3A_141, %scan3A_829 = %broadcast_in_dim3A_141, %scan3A_830 = %broadcast_in_dim3A_141, %scan3A_831 = %broadcast_in_dim3A_141, %scan3A_832 = %broadcast_in_dim3A_141, %scan3A_833 = %broadcast_in_dim3A_141, %scan3A_834 = %broadcast_in_dim3A_141, %scan3A_835 = %broadcast_in_dim3A_141, %scan3A_836 = %broadcast_in_dim3A_141, %scan3A_837 = %broadcast_in_dim3A_141, %scan3A_838 = %broadcast_in_dim3A_141, %scan3A_839 = %broadcast_in_dim3A_141, %scan3A_840 = %broadcast_in_dim3A_141) -> (vector<16xf32>, vector<16xf32>, vector<16xf32>, vector<16xf32>, vector<16xf32>, vector<16xf32>, vector<16xf32>, vector<16xf32>, vector<16xf32>, vector<16xf32>, vector<16xf32>, vector<16xf32>, vector<16xf32>, vector<16xf32>, vector<16xf32>, vector<16xf32>)  : i32 {
      %add3A_841 = vector.broadcast %scan3A_824 : i32 to vector<16xi32>
      %add3A_842 = arith.addi %iota3A, %add3A_841 : vector<16xi32>
      %and3A = arith.constant 127 : i32
      %and3A_843 = vector.broadcast %and3A : i32 to vector<16xi32>
      %and3A_844 = arith.andi %add3A_842, %and3A_843 : vector<16xi32>
      %get3A = arith.index_cast %scan3A_824 : i32 to index
      %get3A_845 = tpu.vector_load %arg7[%get3A] {strides = array<i32>} : memref<160xf32, #tpu.memory_space<vmem>>, vector<16xf32>,
      %add3A_846 = arith.addi %mul3A_11, %and3A_844 : vector<16xi32>
      %gather3A = tpu.vector_load_idx %arg5[%add3A_846] : memref<32768xf32, #tpu.memory_space<vmem>>[vector<16xi32>], vector<16xf32>,
      %mul3A_847 = arith.mulf %gather3A, %get3A_845 : vector<16xf32>
      %add3A_848 = arith.addf %scan3A_825, %mul3A_847 : vector<16xf32>
      %add3A_849 = arith.addi %mul3A_17, %and3A_844 : vector<16xi32>
      %gather3A_850 = tpu.vector_load_idx %arg5[%add3A_849] : memref<32768xf32, #tpu.memory_space<vmem>>[vector<16xi32>], vector<16xf32>,
      %mul3A_851 = arith.mulf %gather3A_850, %get3A_845 : vector<16xf32>
      %add3A_852 = arith.addf %scan3A_826, %mul3A_851 : vector<16xf32>
      %add3A_853 = arith.addi %mul3A_23, %and3A_844 : vector<16xi32>
      %gather3A_854 = tpu.vector_load_idx %arg5[%add3A_853] : memref<32768xf32, #tpu.memory_space<vmem>>[vector<16xi32>], vector<16xf32>,
      %mul3A_855 = arith.mulf %gather3A_854, %get3A_845 : vector<16xf32>
      %add3A_856 = arith.addf %scan3A_827, %mul3A_855 : vector<16xf32>
      %add3A_857 = arith.addi %mul3A_29, %and3A_844 : vector<16xi32>
      %gather3A_858 = tpu.vector_load_idx %arg5[%add3A_857] : memref<32768xf32, #tpu.memory_space<vmem>>[vector<16xi32>], vector<16xf32>,
      %mul3A_859 = arith.mulf %gather3A_858, %get3A_845 : vector<16xf32>
      %add3A_860 = arith.addf %scan3A_828, %mul3A_859 : vector<16xf32>
      %add3A_861 = arith.addi %mul3A_35, %and3A_844 : vector<16xi32>
      %gather3A_862 = tpu.vector_load_idx %arg5[%add3A_861] : memref<32768xf32, #tpu.memory_space<vmem>>[vector<16xi32>], vector<16xf32>,
      %mul3A_863 = arith.mulf %gather3A_862, %get3A_845 : vector<16xf32>
      %add3A_864 = arith.addf %scan3A_829, %mul3A_863 : vector<16xf32>
      %add3A_865 = arith.addi %mul3A_41, %and3A_844 : vector<16xi32>
      %gather3A_866 = tpu.vector_load_idx %arg5[%add3A_865] : memref<32768xf32, #tpu.memory_space<vmem>>[vector<16xi32>], vector<16xf32>,
      %mul3A_867 = arith.mulf %gather3A_866, %get3A_845 : vector<16xf32>
      %add3A_868 = arith.addf %scan3A_830, %mul3A_867 : vector<16xf32>
      %add3A_869 = arith.addi %mul3A_47, %and3A_844 : vector<16xi32>
      %gather3A_870 = tpu.vector_load_idx %arg5[%add3A_869] : memref<32768xf32, #tpu.memory_space<vmem>>[vector<16xi32>], vector<16xf32>,
      %mul3A_871 = arith.mulf %gather3A_870, %get3A_845 : vector<16xf32>
      %add3A_872 = arith.addf %scan3A_831, %mul3A_871 : vector<16xf32>
      %add3A_873 = arith.addi %mul3A_53, %and3A_844 : vector<16xi32>
      %gather3A_874 = tpu.vector_load_idx %arg5[%add3A_873] : memref<32768xf32, #tpu.memory_space<vmem>>[vector<16xi32>], vector<16xf32>,
      %mul3A_875 = arith.mulf %gather3A_874, %get3A_845 : vector<16xf32>
      %add3A_876 = arith.addf %scan3A_832, %mul3A_875 : vector<16xf32>
      %add3A_877 = arith.addi %mul3A_59, %and3A_844 : vector<16xi32>
      %gather3A_878 = tpu.vector_load_idx %arg5[%add3A_877] : memref<32768xf32, #tpu.memory_space<vmem>>[vector<16xi32>], vector<16xf32>,
      %mul3A_879 = arith.mulf %gather3A_878, %get3A_845 : vector<16xf32>
      %add3A_880 = arith.addf %scan3A_833, %mul3A_879 : vector<16xf32>
      %add3A_881 = arith.addi %mul3A_65, %and3A_844 : vector<16xi32>
      %gather3A_882 = tpu.vector_load_idx %arg5[%add3A_881] : memref<32768xf32, #tpu.memory_space<vmem>>[vector<16xi32>], vector<16xf32>,
      %mul3A_883 = arith.mulf %gather3A_882, %get3A_845 : vector<16xf32>
      %add3A_884 = arith.addf %scan3A_834, %mul3A_883 : vector<16xf32>
      %add3A_885 = arith.addi %mul3A_71, %and3A_844 : vector<16xi32>
      %gather3A_886 = tpu.vector_load_idx %arg5[%add3A_885] : memref<32768xf32, #tpu.memory_space<vmem>>[vector<16xi32>], vector<16xf32>,
      %mul3A_887 = arith.mulf %gather3A_886, %get3A_845 : vector<16xf32>
      %add3A_888 = arith.addf %scan3A_835, %mul3A_887 : vector<16xf32>
      %add3A_889 = arith.addi %mul3A_77, %and3A_844 : vector<16xi32>
      %gather3A_890 = tpu.vector_load_idx %arg5[%add3A_889] : memref<32768xf32, #tpu.memory_space<vmem>>[vector<16xi32>], vector<16xf32>,
      %mul3A_891 = arith.mulf %gather3A_890, %get3A_845 : vector<16xf32>
      %add3A_892 = arith.addf %scan3A_836, %mul3A_891 : vector<16xf32>
      %add3A_893 = arith.addi %mul3A_83, %and3A_844 : vector<16xi32>
      %gather3A_894 = tpu.vector_load_idx %arg5[%add3A_893] : memref<32768xf32, #tpu.memory_space<vmem>>[vector<16xi32>], vector<16xf32>,
      %mul3A_895 = arith.mulf %gather3A_894, %get3A_845 : vector<16xf32>
      %add3A_896 = arith.addf %scan3A_837, %mul3A_895 : vector<16xf32>
      %add3A_897 = arith.addi %mul3A_89, %and3A_844 : vector<16xi32>
      %gather3A_898 = tpu.vector_load_idx %arg5[%add3A_897] : memref<32768xf32, #tpu.memory_space<vmem>>[vector<16xi32>], vector<16xf32>,
      %mul3A_899 = arith.mulf %gather3A_898, %get3A_845 : vector<16xf32>
      %add3A_900 = arith.addf %scan3A_838, %mul3A_899 : vector<16xf32>
      %add3A_901 = arith.addi %mul3A_95, %and3A_844 : vector<16xi32>
      %gather3A_902 = tpu.vector_load_idx %arg5[%add3A_901] : memref<32768xf32, #tpu.memory_space<vmem>>[vector<16xi32>], vector<16xf32>,
      %mul3A_903 = arith.mulf %gather3A_902, %get3A_845 : vector<16xf32>
      %add3A_904 = arith.addf %scan3A_839, %mul3A_903 : vector<16xf32>
      %add3A_905 = arith.addi %mul3A_101, %and3A_844 : vector<16xi32>
      %gather3A_906 = tpu.vector_load_idx %arg5[%add3A_905] : memref<32768xf32, #tpu.memory_space<vmem>>[vector<16xi32>], vector<16xf32>,
      %mul3A_907 = arith.mulf %gather3A_906, %get3A_845 : vector<16xf32>
      %add3A_908 = arith.addf %scan3A_840, %mul3A_907 : vector<16xf32>
      scf.yield %add3A_848, %add3A_852, %add3A_856, %add3A_860, %add3A_864, %add3A_868, %add3A_872, %add3A_876, %add3A_880, %add3A_884, %add3A_888, %add3A_892, %add3A_896, %add3A_900, %add3A_904, %add3A_908 : vector<16xf32>, vector<16xf32>, vector<16xf32>, vector<16xf32>, vector<16xf32>, vector<16xf32>, vector<16xf32>, vector<16xf32>, vector<16xf32>, vector<16xf32>, vector<16xf32>, vector<16xf32>, vector<16xf32>, vector<16xf32>, vector<16xf32>, vector<16xf32>
    }
    %scan3A_146 = arith.constant 128 : i32
    %swap3A = arith.constant 0 : index
    %swap3A_147 = tpu.vector_load %arg8[%swap3A] {strides = array<i32>} : memref<256xf32, #tpu.memory_space<vmem>>, vector<16xf32>,
    tpu.vector_store %arg8[%swap3A], %scan3A_145#0 {strides = array<i32>} : memref<256xf32, #tpu.memory_space<vmem>>, vector<16xf32>,
    %swap3A_148 = arith.constant 16 : index
    %swap3A_149 = tpu.vector_load %arg8[%swap3A_148] {strides = array<i32>} : memref<256xf32, #tpu.memory_space<vmem>>, vector<16xf32>,
    tpu.vector_store %arg8[%swap3A_148], %scan3A_145#1 {strides = array<i32>} : memref<256xf32, #tpu.memory_space<vmem>>, vector<16xf32>,
    %swap3A_150 = arith.constant 32 : index
    %swap3A_151 = tpu.vector_load %arg8[%swap3A_150] {strides = array<i32>} : memref<256xf32, #tpu.memory_space<vmem>>, vector<16xf32>,
    tpu.vector_store %arg8[%swap3A_150], %scan3A_145#2 {strides = array<i32>} : memref<256xf32, #tpu.memory_space<vmem>>, vector<16xf32>,
    %swap3A_152 = arith.constant 48 : index
    %swap3A_153 = tpu.vector_load %arg8[%swap3A_152] {strides = array<i32>} : memref<256xf32, #tpu.memory_space<vmem>>, vector<16xf32>,
    tpu.vector_store %arg8[%swap3A_152], %scan3A_145#3 {strides = array<i32>} : memref<256xf32, #tpu.memory_space<vmem>>, vector<16xf32>,
    %swap3A_154 = arith.constant 64 : index
    %swap3A_155 = tpu.vector_load %arg8[%swap3A_154] {strides = array<i32>} : memref<256xf32, #tpu.memory_space<vmem>>, vector<16xf32>,
    tpu.vector_store %arg8[%swap3A_154], %scan3A_145#4 {strides = array<i32>} : memref<256xf32, #tpu.memory_space<vmem>>, vector<16xf32>,
    %swap3A_156 = arith.constant 80 : index
    %swap3A_157 = tpu.vector_load %arg8[%swap3A_156] {strides = array<i32>} : memref<256xf32, #tpu.memory_space<vmem>>, vector<16xf32>,
    tpu.vector_store %arg8[%swap3A_156], %scan3A_145#5 {strides = array<i32>} : memref<256xf32, #tpu.memory_space<vmem>>, vector<16xf32>,
    %swap3A_158 = arith.constant 96 : index
    %swap3A_159 = tpu.vector_load %arg8[%swap3A_158] {strides = array<i32>} : memref<256xf32, #tpu.memory_space<vmem>>, vector<16xf32>,
    tpu.vector_store %arg8[%swap3A_158], %scan3A_145#6 {strides = array<i32>} : memref<256xf32, #tpu.memory_space<vmem>>, vector<16xf32>,
    %swap3A_160 = arith.constant 112 : index
    %swap3A_161 = tpu.vector_load %arg8[%swap3A_160] {strides = array<i32>} : memref<256xf32, #tpu.memory_space<vmem>>, vector<16xf32>,
    tpu.vector_store %arg8[%swap3A_160], %scan3A_145#7 {strides = array<i32>} : memref<256xf32, #tpu.memory_space<vmem>>, vector<16xf32>,
    %swap3A_162 = arith.constant 128 : index
    %swap3A_163 = tpu.vector_load %arg8[%swap3A_162] {strides = array<i32>} : memref<256xf32, #tpu.memory_space<vmem>>, vector<16xf32>,
    tpu.vector_store %arg8[%swap3A_162], %scan3A_145#8 {strides = array<i32>} : memref<256xf32, #tpu.memory_space<vmem>>, vector<16xf32>,
    %swap3A_164 = arith.constant 144 : index
    %swap3A_165 = tpu.vector_load %arg8[%swap3A_164] {strides = array<i32>} : memref<256xf32, #tpu.memory_space<vmem>>, vector<16xf32>,
    tpu.vector_store %arg8[%swap3A_164], %scan3A_145#9 {strides = array<i32>} : memref<256xf32, #tpu.memory_space<vmem>>, vector<16xf32>,
    %swap3A_166 = arith.constant 160 : index
    %swap3A_167 = tpu.vector_load %arg8[%swap3A_166] {strides = array<i32>} : memref<256xf32, #tpu.memory_space<vmem>>, vector<16xf32>,
    tpu.vector_store %arg8[%swap3A_166], %scan3A_145#10 {strides = array<i32>} : memref<256xf32, #tpu.memory_space<vmem>>, vector<16xf32>,
    %swap3A_168 = arith.constant 176 : index
    %swap3A_169 = tpu.vector_load %arg8[%swap3A_168] {strides = array<i32>} : memref<256xf32, #tpu.memory_space<vmem>>, vector<16xf32>,
    tpu.vector_store %arg8[%swap3A_168], %scan3A_145#11 {strides = array<i32>} : memref<256xf32, #tpu.memory_space<vmem>>, vector<16xf32>,
    %swap3A_170 = arith.constant 192 : index
    %swap3A_171 = tpu.vector_load %arg8[%swap3A_170] {strides = array<i32>} : memref<256xf32, #tpu.memory_space<vmem>>, vector<16xf32>,
    tpu.vector_store %arg8[%swap3A_170], %scan3A_145#12 {strides = array<i32>} : memref<256xf32, #tpu.memory_space<vmem>>, vector<16xf32>,
    %swap3A_172 = arith.constant 208 : index
    %swap3A_173 = tpu.vector_load %arg8[%swap3A_172] {strides = array<i32>} : memref<256xf32, #tpu.memory_space<vmem>>, vector<16xf32>,
    tpu.vector_store %arg8[%swap3A_172], %scan3A_145#13 {strides = array<i32>} : memref<256xf32, #tpu.memory_space<vmem>>, vector<16xf32>,
    %swap3A_174 = arith.constant 224 : index
    %swap3A_175 = tpu.vector_load %arg8[%swap3A_174] {strides = array<i32>} : memref<256xf32, #tpu.memory_space<vmem>>, vector<16xf32>,
    tpu.vector_store %arg8[%swap3A_174], %scan3A_145#14 {strides = array<i32>} : memref<256xf32, #tpu.memory_space<vmem>>, vector<16xf32>,
    %swap3A_176 = arith.constant 240 : index
    %swap3A_177 = tpu.vector_load %arg8[%swap3A_176] {strides = array<i32>} : memref<256xf32, #tpu.memory_space<vmem>>, vector<16xf32>,
    tpu.vector_store %arg8[%swap3A_176], %scan3A_145#15 {strides = array<i32>} : memref<256xf32, #tpu.memory_space<vmem>>, vector<16xf32>,
    %add3A_178 = arith.addi %mul3A_2, %min3A_102 : i32
    %dma_start3A_179 = tpu.memref_slice %arg4[%add3A_178] : memref<100000xf32, #tpu.memory_space<hbm>> -> memref<256xf32, #tpu.memory_space<hbm>>
    %dma_start3A_180 = tpu.memref_slice %arg4[%add3A_178] : memref<100000xf32, #tpu.memory_space<hbm>> -> memref<256xf32, #tpu.memory_space<hbm>>
    tpu.enqueue_dma source(%arg8 : memref<256xf32, #tpu.memory_space<vmem>>) target(%dma_start3A_180 : memref<256xf32, #tpu.memory_space<hbm>>) target_semaphore(%arg12 : memref<!tpu.dma_semaphore, #tpu.memory_space<semaphore_mem>>)
    %add3A_181 = arith.constant 100000 : i32
    %add3A_182 = arith.addi %add3A_181, %mul3A_2 : i32
    %add3A_183 = arith.addi %add3A_182, %min3A_106 : i32
    %mul3A_184 = arith.constant 128 : i32
    %mul3A_185 = arith.muli %add3A_183, %mul3A_184 : i32
    %dma_start3A_186 = tpu.memref_slice %arg2[%mul3A_185] : memref<25600000xf32, #tpu.memory_space<hbm>> -> memref<32768xf32, #tpu.memory_space<hbm>>
    %dma_start3A_187 = tpu.memref_slice %arg2[%mul3A_185] : memref<25600000xf32, #tpu.memory_space<hbm>> -> memref<32768xf32, #tpu.memory_space<hbm>>
    tpu.enqueue_dma source(%dma_start3A_187 : memref<32768xf32, #tpu.memory_space<hbm>>) target(%arg5 : memref<32768xf32, #tpu.memory_space<vmem>>) target_semaphore(%arg10 : memref<!tpu.dma_semaphore, #tpu.memory_space<semaphore_mem>>)
    %dma_wait3A_188 = tpu.memref_slice %arg2[%mul3A_137] : memref<25600000xf32, #tpu.memory_space<hbm>> -> memref<32768xf32, #tpu.memory_space<hbm>>
    %dma_wait3A_189 = tpu.memref_slice %arg2[%mul3A_137] : memref<25600000xf32, #tpu.memory_space<hbm>> -> memref<32768xf32, #tpu.memory_space<hbm>>
    tpu.wait_dma2 semaphore(%arg11 : memref<!tpu.dma_semaphore, #tpu.memory_space<semaphore_mem>>) src(%dma_wait3A_189 : memref<32768xf32, #tpu.memory_space<hbm>>) dst(%arg6 : memref<32768xf32, #tpu.memory_space<vmem>>)
    %broadcast_in_dim3A_190 = arith.constant 0.000000e+00 : f32
    %broadcast_in_dim3A_191 = vector.broadcast %broadcast_in_dim3A_190 : f32 to vector<16xf32>
    %scan3A_192 = arith.constant 0 : i32
    %scan3A_193 = arith.constant 128 : i32
    %scan3A_194 = arith.addi %scan3A_192, %scan3A_193 : i32
    %scan3A_195 = arith.constant 1 : i32
    %scan3A_196:16 = scf.for %scan3A_824 = %scan3A_192 to %scan3A_194 step %scan3A_195 iter_args(%scan3A_825 = %broadcast_in_dim3A_191, %scan3A_826 = %broadcast_in_dim3A_191, %scan3A_827 = %broadcast_in_dim3A_191, %scan3A_828 = %broadcast_in_dim3A_191, %scan3A_829 = %broadcast_in_dim3A_191, %scan3A_830 = %broadcast_in_dim3A_191, %scan3A_831 = %broadcast_in_dim3A_191, %scan3A_832 = %broadcast_in_dim3A_191, %scan3A_833 = %broadcast_in_dim3A_191, %scan3A_834 = %broadcast_in_dim3A_191, %scan3A_835 = %broadcast_in_dim3A_191, %scan3A_836 = %broadcast_in_dim3A_191, %scan3A_837 = %broadcast_in_dim3A_191, %scan3A_838 = %broadcast_in_dim3A_191, %scan3A_839 = %broadcast_in_dim3A_191, %scan3A_840 = %broadcast_in_dim3A_191) -> (vector<16xf32>, vector<16xf32>, vector<16xf32>, vector<16xf32>, vector<16xf32>, vector<16xf32>, vector<16xf32>, vector<16xf32>, vector<16xf32>, vector<16xf32>, vector<16xf32>, vector<16xf32>, vector<16xf32>, vector<16xf32>, vector<16xf32>, vector<16xf32>)  : i32 {
      %add3A_841 = vector.broadcast %scan3A_824 : i32 to vector<16xi32>
      %add3A_842 = arith.addi %iota3A, %add3A_841 : vector<16xi32>
      %and3A = arith.constant 127 : i32
      %and3A_843 = vector.broadcast %and3A : i32 to vector<16xi32>
      %and3A_844 = arith.andi %add3A_842, %and3A_843 : vector<16xi32>
      %get3A = arith.index_cast %scan3A_824 : i32 to index
      %get3A_845 = tpu.vector_load %arg7[%get3A] {strides = array<i32>} : memref<160xf32, #tpu.memory_space<vmem>>, vector<16xf32>,
      %add3A_846 = arith.addi %mul3A_11, %and3A_844 : vector<16xi32>
      %gather3A = tpu.vector_load_idx %arg6[%add3A_846] : memref<32768xf32, #tpu.memory_space<vmem>>[vector<16xi32>], vector<16xf32>,
      %mul3A_847 = arith.mulf %gather3A, %get3A_845 : vector<16xf32>
      %add3A_848 = arith.addf %scan3A_825, %mul3A_847 : vector<16xf32>
      %add3A_849 = arith.addi %mul3A_17, %and3A_844 : vector<16xi32>
      %gather3A_850 = tpu.vector_load_idx %arg6[%add3A_849] : memref<32768xf32, #tpu.memory_space<vmem>>[vector<16xi32>], vector<16xf32>,
      %mul3A_851 = arith.mulf %gather3A_850, %get3A_845 : vector<16xf32>
      %add3A_852 = arith.addf %scan3A_826, %mul3A_851 : vector<16xf32>
      %add3A_853 = arith.addi %mul3A_23, %and3A_844 : vector<16xi32>
      %gather3A_854 = tpu.vector_load_idx %arg6[%add3A_853] : memref<32768xf32, #tpu.memory_space<vmem>>[vector<16xi32>], vector<16xf32>,
      %mul3A_855 = arith.mulf %gather3A_854, %get3A_845 : vector<16xf32>
      %add3A_856 = arith.addf %scan3A_827, %mul3A_855 : vector<16xf32>
      %add3A_857 = arith.addi %mul3A_29, %and3A_844 : vector<16xi32>
      %gather3A_858 = tpu.vector_load_idx %arg6[%add3A_857] : memref<32768xf32, #tpu.memory_space<vmem>>[vector<16xi32>], vector<16xf32>,
      %mul3A_859 = arith.mulf %gather3A_858, %get3A_845 : vector<16xf32>
      %add3A_860 = arith.addf %scan3A_828, %mul3A_859 : vector<16xf32>
      %add3A_861 = arith.addi %mul3A_35, %and3A_844 : vector<16xi32>
      %gather3A_862 = tpu.vector_load_idx %arg6[%add3A_861] : memref<32768xf32, #tpu.memory_space<vmem>>[vector<16xi32>], vector<16xf32>,
      %mul3A_863 = arith.mulf %gather3A_862, %get3A_845 : vector<16xf32>
      %add3A_864 = arith.addf %scan3A_829, %mul3A_863 : vector<16xf32>
      %add3A_865 = arith.addi %mul3A_41, %and3A_844 : vector<16xi32>
      %gather3A_866 = tpu.vector_load_idx %arg6[%add3A_865] : memref<32768xf32, #tpu.memory_space<vmem>>[vector<16xi32>], vector<16xf32>,
      %mul3A_867 = arith.mulf %gather3A_866, %get3A_845 : vector<16xf32>
      %add3A_868 = arith.addf %scan3A_830, %mul3A_867 : vector<16xf32>
      %add3A_869 = arith.addi %mul3A_47, %and3A_844 : vector<16xi32>
      %gather3A_870 = tpu.vector_load_idx %arg6[%add3A_869] : memref<32768xf32, #tpu.memory_space<vmem>>[vector<16xi32>], vector<16xf32>,
      %mul3A_871 = arith.mulf %gather3A_870, %get3A_845 : vector<16xf32>
      %add3A_872 = arith.addf %scan3A_831, %mul3A_871 : vector<16xf32>
      %add3A_873 = arith.addi %mul3A_53, %and3A_844 : vector<16xi32>
      %gather3A_874 = tpu.vector_load_idx %arg6[%add3A_873] : memref<32768xf32, #tpu.memory_space<vmem>>[vector<16xi32>], vector<16xf32>,
      %mul3A_875 = arith.mulf %gather3A_874, %get3A_845 : vector<16xf32>
      %add3A_876 = arith.addf %scan3A_832, %mul3A_875 : vector<16xf32>
      %add3A_877 = arith.addi %mul3A_59, %and3A_844 : vector<16xi32>
      %gather3A_878 = tpu.vector_load_idx %arg6[%add3A_877] : memref<32768xf32, #tpu.memory_space<vmem>>[vector<16xi32>], vector<16xf32>,
      %mul3A_879 = arith.mulf %gather3A_878, %get3A_845 : vector<16xf32>
      %add3A_880 = arith.addf %scan3A_833, %mul3A_879 : vector<16xf32>
      %add3A_881 = arith.addi %mul3A_65, %and3A_844 : vector<16xi32>
      %gather3A_882 = tpu.vector_load_idx %arg6[%add3A_881] : memref<32768xf32, #tpu.memory_space<vmem>>[vector<16xi32>], vector<16xf32>,
      %mul3A_883 = arith.mulf %gather3A_882, %get3A_845 : vector<16xf32>
      %add3A_884 = arith.addf %scan3A_834, %mul3A_883 : vector<16xf32>
      %add3A_885 = arith.addi %mul3A_71, %and3A_844 : vector<16xi32>
      %gather3A_886 = tpu.vector_load_idx %arg6[%add3A_885] : memref<32768xf32, #tpu.memory_space<vmem>>[vector<16xi32>], vector<16xf32>,
      %mul3A_887 = arith.mulf %gather3A_886, %get3A_845 : vector<16xf32>
      %add3A_888 = arith.addf %scan3A_835, %mul3A_887 : vector<16xf32>
      %add3A_889 = arith.addi %mul3A_77, %and3A_844 : vector<16xi32>
      %gather3A_890 = tpu.vector_load_idx %arg6[%add3A_889] : memref<32768xf32, #tpu.memory_space<vmem>>[vector<16xi32>], vector<16xf32>,
      %mul3A_891 = arith.mulf %gather3A_890, %get3A_845 : vector<16xf32>
      %add3A_892 = arith.addf %scan3A_836, %mul3A_891 : vector<16xf32>
      %add3A_893 = arith.addi %mul3A_83, %and3A_844 : vector<16xi32>
      %gather3A_894 = tpu.vector_load_idx %arg6[%add3A_893] : memref<32768xf32, #tpu.memory_space<vmem>>[vector<16xi32>], vector<16xf32>,
      %mul3A_895 = arith.mulf %gather3A_894, %get3A_845 : vector<16xf32>
      %add3A_896 = arith.addf %scan3A_837, %mul3A_895 : vector<16xf32>
      %add3A_897 = arith.addi %mul3A_89, %and3A_844 : vector<16xi32>
      %gather3A_898 = tpu.vector_load_idx %arg6[%add3A_897] : memref<32768xf32, #tpu.memory_space<vmem>>[vector<16xi32>], vector<16xf32>,
      %mul3A_899 = arith.mulf %gather3A_898, %get3A_845 : vector<16xf32>
      %add3A_900 = arith.addf %scan3A_838, %mul3A_899 : vector<16xf32>
      %add3A_901 = arith.addi %mul3A_95, %and3A_844 : vector<16xi32>
      %gather3A_902 = tpu.vector_load_idx %arg6[%add3A_901] : memref<32768xf32, #tpu.memory_space<vmem>>[vector<16xi32>], vector<16xf32>,
      %mul3A_903 = arith.mulf %gather3A_902, %get3A_845 : vector<16xf32>
      %add3A_904 = arith.addf %scan3A_839, %mul3A_903 : vector<16xf32>
      %add3A_905 = arith.addi %mul3A_101, %and3A_844 : vector<16xi32>
      %gather3A_906 = tpu.vector_load_idx %arg6[%add3A_905] : memref<32768xf32, #tpu.memory_space<vmem>>[vector<16xi32>], vector<16xf32>,
      %mul3A_907 = arith.mulf %gather3A_906, %get3A_845 : vector<16xf32>
      %add3A_908 = arith.addf %scan3A_840, %mul3A_907 : vector<16xf32>
      scf.yield %add3A_848, %add3A_852, %add3A_856, %add3A_860, %add3A_864, %add3A_868, %add3A_872, %add3A_876, %add3A_880, %add3A_884, %add3A_888, %add3A_892, %add3A_896, %add3A_900, %add3A_904, %add3A_908 : vector<16xf32>, vector<16xf32>, vector<16xf32>, vector<16xf32>, vector<16xf32>, vector<16xf32>, vector<16xf32>, vector<16xf32>, vector<16xf32>, vector<16xf32>, vector<16xf32>, vector<16xf32>, vector<16xf32>, vector<16xf32>, vector<16xf32>, vector<16xf32>
    }
    %scan3A_197 = arith.constant 128 : i32
    %swap3A_198 = arith.constant 0 : index
    %swap3A_199 = tpu.vector_load %arg9[%swap3A_198] {strides = array<i32>} : memref<256xf32, #tpu.memory_space<vmem>>, vector<16xf32>,
    tpu.vector_store %arg9[%swap3A_198], %scan3A_196#0 {strides = array<i32>} : memref<256xf32, #tpu.memory_space<vmem>>, vector<16xf32>,
    %swap3A_200 = arith.constant 16 : index
    %swap3A_201 = tpu.vector_load %arg9[%swap3A_200] {strides = array<i32>} : memref<256xf32, #tpu.memory_space<vmem>>, vector<16xf32>,
    tpu.vector_store %arg9[%swap3A_200], %scan3A_196#1 {strides = array<i32>} : memref<256xf32, #tpu.memory_space<vmem>>, vector<16xf32>,
    %swap3A_202 = arith.constant 32 : index
    %swap3A_203 = tpu.vector_load %arg9[%swap3A_202] {strides = array<i32>} : memref<256xf32, #tpu.memory_space<vmem>>, vector<16xf32>,
    tpu.vector_store %arg9[%swap3A_202], %scan3A_196#2 {strides = array<i32>} : memref<256xf32, #tpu.memory_space<vmem>>, vector<16xf32>,
    %swap3A_204 = arith.constant 48 : index
    %swap3A_205 = tpu.vector_load %arg9[%swap3A_204] {strides = array<i32>} : memref<256xf32, #tpu.memory_space<vmem>>, vector<16xf32>,
    tpu.vector_store %arg9[%swap3A_204], %scan3A_196#3 {strides = array<i32>} : memref<256xf32, #tpu.memory_space<vmem>>, vector<16xf32>,
    %swap3A_206 = arith.constant 64 : index
    %swap3A_207 = tpu.vector_load %arg9[%swap3A_206] {strides = array<i32>} : memref<256xf32, #tpu.memory_space<vmem>>, vector<16xf32>,
    tpu.vector_store %arg9[%swap3A_206], %scan3A_196#4 {strides = array<i32>} : memref<256xf32, #tpu.memory_space<vmem>>, vector<16xf32>,
    %swap3A_208 = arith.constant 80 : index
    %swap3A_209 = tpu.vector_load %arg9[%swap3A_208] {strides = array<i32>} : memref<256xf32, #tpu.memory_space<vmem>>, vector<16xf32>,
    tpu.vector_store %arg9[%swap3A_208], %scan3A_196#5 {strides = array<i32>} : memref<256xf32, #tpu.memory_space<vmem>>, vector<16xf32>,
    %swap3A_210 = arith.constant 96 : index
    %swap3A_211 = tpu.vector_load %arg9[%swap3A_210] {strides = array<i32>} : memref<256xf32, #tpu.memory_space<vmem>>, vector<16xf32>,
    tpu.vector_store %arg9[%swap3A_210], %scan3A_196#6 {strides = array<i32>} : memref<256xf32, #tpu.memory_space<vmem>>, vector<16xf32>,
    %swap3A_212 = arith.constant 112 : index
    %swap3A_213 = tpu.vector_load %arg9[%swap3A_212] {strides = array<i32>} : memref<256xf32, #tpu.memory_space<vmem>>, vector<16xf32>,
    tpu.vector_store %arg9[%swap3A_212], %scan3A_196#7 {strides = array<i32>} : memref<256xf32, #tpu.memory_space<vmem>>, vector<16xf32>,
    %swap3A_214 = arith.constant 128 : index
    %swap3A_215 = tpu.vector_load %arg9[%swap3A_214] {strides = array<i32>} : memref<256xf32, #tpu.memory_space<vmem>>, vector<16xf32>,
    tpu.vector_store %arg9[%swap3A_214], %scan3A_196#8 {strides = array<i32>} : memref<256xf32, #tpu.memory_space<vmem>>, vector<16xf32>,
    %swap3A_216 = arith.constant 144 : index
    %swap3A_217 = tpu.vector_load %arg9[%swap3A_216] {strides = array<i32>} : memref<256xf32, #tpu.memory_space<vmem>>, vector<16xf32>,
    tpu.vector_store %arg9[%swap3A_216], %scan3A_196#9 {strides = array<i32>} : memref<256xf32, #tpu.memory_space<vmem>>, vector<16xf32>,
    %swap3A_218 = arith.constant 160 : index
    %swap3A_219 = tpu.vector_load %arg9[%swap3A_218] {strides = array<i32>} : memref<256xf32, #tpu.memory_space<vmem>>, vector<16xf32>,
    tpu.vector_store %arg9[%swap3A_218], %scan3A_196#10 {strides = array<i32>} : memref<256xf32, #tpu.memory_space<vmem>>, vector<16xf32>,
    %swap3A_220 = arith.constant 176 : index
    %swap3A_221 = tpu.vector_load %arg9[%swap3A_220] {strides = array<i32>} : memref<256xf32, #tpu.memory_space<vmem>>, vector<16xf32>,
    tpu.vector_store %arg9[%swap3A_220], %scan3A_196#11 {strides = array<i32>} : memref<256xf32, #tpu.memory_space<vmem>>, vector<16xf32>,
    %swap3A_222 = arith.constant 192 : index
    %swap3A_223 = tpu.vector_load %arg9[%swap3A_222] {strides = array<i32>} : memref<256xf32, #tpu.memory_space<vmem>>, vector<16xf32>,
    tpu.vector_store %arg9[%swap3A_222], %scan3A_196#12 {strides = array<i32>} : memref<256xf32, #tpu.memory_space<vmem>>, vector<16xf32>,
    %swap3A_224 = arith.constant 208 : index
    %swap3A_225 = tpu.vector_load %arg9[%swap3A_224] {strides = array<i32>} : memref<256xf32, #tpu.memory_space<vmem>>, vector<16xf32>,
    tpu.vector_store %arg9[%swap3A_224], %scan3A_196#13 {strides = array<i32>} : memref<256xf32, #tpu.memory_space<vmem>>, vector<16xf32>,
    %swap3A_226 = arith.constant 224 : index
    %swap3A_227 = tpu.vector_load %arg9[%swap3A_226] {strides = array<i32>} : memref<256xf32, #tpu.memory_space<vmem>>, vector<16xf32>,
    tpu.vector_store %arg9[%swap3A_226], %scan3A_196#14 {strides = array<i32>} : memref<256xf32, #tpu.memory_space<vmem>>, vector<16xf32>,
    %swap3A_228 = arith.constant 240 : index
    %swap3A_229 = tpu.vector_load %arg9[%swap3A_228] {strides = array<i32>} : memref<256xf32, #tpu.memory_space<vmem>>, vector<16xf32>,
    tpu.vector_store %arg9[%swap3A_228], %scan3A_196#15 {strides = array<i32>} : memref<256xf32, #tpu.memory_space<vmem>>, vector<16xf32>,
    %add3A_230 = arith.addi %mul3A_2, %min3A_104 : i32
    %dma_start3A_231 = tpu.memref_slice %arg4[%add3A_230] : memref<100000xf32, #tpu.memory_space<hbm>> -> memref<256xf32, #tpu.memory_space<hbm>>
    %dma_start3A_232 = tpu.memref_slice %arg4[%add3A_230] : memref<100000xf32, #tpu.memory_space<hbm>> -> memref<256xf32, #tpu.memory_space<hbm>>
    tpu.enqueue_dma source(%arg9 : memref<256xf32, #tpu.memory_space<vmem>>) target(%dma_start3A_232 : memref<256xf32, #tpu.memory_space<hbm>>) target_semaphore(%arg13 : memref<!tpu.dma_semaphore, #tpu.memory_space<semaphore_mem>>)
    %add3A_233 = arith.constant 100000 : i32
    %add3A_234 = arith.addi %add3A_233, %mul3A_2 : i32
    %add3A_235 = arith.addi %add3A_234, %min3A_108 : i32
    %mul3A_236 = arith.constant 128 : i32
    %mul3A_237 = arith.muli %add3A_235, %mul3A_236 : i32
    %dma_start3A_238 = tpu.memref_slice %arg2[%mul3A_237] : memref<25600000xf32, #tpu.memory_space<hbm>> -> memref<32768xf32, #tpu.memory_space<hbm>>
    %dma_start3A_239 = tpu.memref_slice %arg2[%mul3A_237] : memref<25600000xf32, #tpu.memory_space<hbm>> -> memref<32768xf32, #tpu.memory_space<hbm>>
    tpu.enqueue_dma source(%dma_start3A_239 : memref<32768xf32, #tpu.memory_space<hbm>>) target(%arg6 : memref<32768xf32, #tpu.memory_space<vmem>>) target_semaphore(%arg11 : memref<!tpu.dma_semaphore, #tpu.memory_space<semaphore_mem>>)
    %dma_wait3A_240 = tpu.memref_slice %arg2[%mul3A_185] : memref<25600000xf32, #tpu.memory_space<hbm>> -> memref<32768xf32, #tpu.memory_space<hbm>>
    %dma_wait3A_241 = tpu.memref_slice %arg2[%mul3A_185] : memref<25600000xf32, #tpu.memory_space<hbm>> -> memref<32768xf32, #tpu.memory_space<hbm>>
    tpu.wait_dma2 semaphore(%arg10 : memref<!tpu.dma_semaphore, #tpu.memory_space<semaphore_mem>>) src(%dma_wait3A_241 : memref<32768xf32, #tpu.memory_space<hbm>>) dst(%arg5 : memref<32768xf32, #tpu.memory_space<vmem>>)
    %broadcast_in_dim3A_242 = arith.constant 0.000000e+00 : f32
    %broadcast_in_dim3A_243 = vector.broadcast %broadcast_in_dim3A_242 : f32 to vector<16xf32>
    %scan3A_244 = arith.constant 0 : i32
    %scan3A_245 = arith.constant 128 : i32
    %scan3A_246 = arith.addi %scan3A_244, %scan3A_245 : i32
    %scan3A_247 = arith.constant 1 : i32
    %scan3A_248:16 = scf.for %scan3A_824 = %scan3A_244 to %scan3A_246 step %scan3A_247 iter_args(%scan3A_825 = %broadcast_in_dim3A_243, %scan3A_826 = %broadcast_in_dim3A_243, %scan3A_827 = %broadcast_in_dim3A_243, %scan3A_828 = %broadcast_in_dim3A_243, %scan3A_829 = %broadcast_in_dim3A_243, %scan3A_830 = %broadcast_in_dim3A_243, %scan3A_831 = %broadcast_in_dim3A_243, %scan3A_832 = %broadcast_in_dim3A_243, %scan3A_833 = %broadcast_in_dim3A_243, %scan3A_834 = %broadcast_in_dim3A_243, %scan3A_835 = %broadcast_in_dim3A_243, %scan3A_836 = %broadcast_in_dim3A_243, %scan3A_837 = %broadcast_in_dim3A_243, %scan3A_838 = %broadcast_in_dim3A_243, %scan3A_839 = %broadcast_in_dim3A_243, %scan3A_840 = %broadcast_in_dim3A_243) -> (vector<16xf32>, vector<16xf32>, vector<16xf32>, vector<16xf32>, vector<16xf32>, vector<16xf32>, vector<16xf32>, vector<16xf32>, vector<16xf32>, vector<16xf32>, vector<16xf32>, vector<16xf32>, vector<16xf32>, vector<16xf32>, vector<16xf32>, vector<16xf32>)  : i32 {
      %add3A_841 = vector.broadcast %scan3A_824 : i32 to vector<16xi32>
      %add3A_842 = arith.addi %iota3A, %add3A_841 : vector<16xi32>
      %and3A = arith.constant 127 : i32
      %and3A_843 = vector.broadcast %and3A : i32 to vector<16xi32>
      %and3A_844 = arith.andi %add3A_842, %and3A_843 : vector<16xi32>
      %get3A = arith.index_cast %scan3A_824 : i32 to index
      %get3A_845 = tpu.vector_load %arg7[%get3A] {strides = array<i32>} : memref<160xf32, #tpu.memory_space<vmem>>, vector<16xf32>,
      %add3A_846 = arith.addi %mul3A_11, %and3A_844 : vector<16xi32>
      %gather3A = tpu.vector_load_idx %arg5[%add3A_846] : memref<32768xf32, #tpu.memory_space<vmem>>[vector<16xi32>], vector<16xf32>,
      %mul3A_847 = arith.mulf %gather3A, %get3A_845 : vector<16xf32>
      %add3A_848 = arith.addf %scan3A_825, %mul3A_847 : vector<16xf32>
      %add3A_849 = arith.addi %mul3A_17, %and3A_844 : vector<16xi32>
      %gather3A_850 = tpu.vector_load_idx %arg5[%add3A_849] : memref<32768xf32, #tpu.memory_space<vmem>>[vector<16xi32>], vector<16xf32>,
      %mul3A_851 = arith.mulf %gather3A_850, %get3A_845 : vector<16xf32>
      %add3A_852 = arith.addf %scan3A_826, %mul3A_851 : vector<16xf32>
      %add3A_853 = arith.addi %mul3A_23, %and3A_844 : vector<16xi32>
      %gather3A_854 = tpu.vector_load_idx %arg5[%add3A_853] : memref<32768xf32, #tpu.memory_space<vmem>>[vector<16xi32>], vector<16xf32>,
      %mul3A_855 = arith.mulf %gather3A_854, %get3A_845 : vector<16xf32>
      %add3A_856 = arith.addf %scan3A_827, %mul3A_855 : vector<16xf32>
      %add3A_857 = arith.addi %mul3A_29, %and3A_844 : vector<16xi32>
      %gather3A_858 = tpu.vector_load_idx %arg5[%add3A_857] : memref<32768xf32, #tpu.memory_space<vmem>>[vector<16xi32>], vector<16xf32>,
      %mul3A_859 = arith.mulf %gather3A_858, %get3A_845 : vector<16xf32>
      %add3A_860 = arith.addf %scan3A_828, %mul3A_859 : vector<16xf32>
      %add3A_861 = arith.addi %mul3A_35, %and3A_844 : vector<16xi32>
      %gather3A_862 = tpu.vector_load_idx %arg5[%add3A_861] : memref<32768xf32, #tpu.memory_space<vmem>>[vector<16xi32>], vector<16xf32>,
      %mul3A_863 = arith.mulf %gather3A_862, %get3A_845 : vector<16xf32>
      %add3A_864 = arith.addf %scan3A_829, %mul3A_863 : vector<16xf32>
      %add3A_865 = arith.addi %mul3A_41, %and3A_844 : vector<16xi32>
      %gather3A_866 = tpu.vector_load_idx %arg5[%add3A_865] : memref<32768xf32, #tpu.memory_space<vmem>>[vector<16xi32>], vector<16xf32>,
      %mul3A_867 = arith.mulf %gather3A_866, %get3A_845 : vector<16xf32>
      %add3A_868 = arith.addf %scan3A_830, %mul3A_867 : vector<16xf32>
      %add3A_869 = arith.addi %mul3A_47, %and3A_844 : vector<16xi32>
      %gather3A_870 = tpu.vector_load_idx %arg5[%add3A_869] : memref<32768xf32, #tpu.memory_space<vmem>>[vector<16xi32>], vector<16xf32>,
      %mul3A_871 = arith.mulf %gather3A_870, %get3A_845 : vector<16xf32>
      %add3A_872 = arith.addf %scan3A_831, %mul3A_871 : vector<16xf32>
      %add3A_873 = arith.addi %mul3A_53, %and3A_844 : vector<16xi32>
      %gather3A_874 = tpu.vector_load_idx %arg5[%add3A_873] : memref<32768xf32, #tpu.memory_space<vmem>>[vector<16xi32>], vector<16xf32>,
      %mul3A_875 = arith.mulf %gather3A_874, %get3A_845 : vector<16xf32>
      %add3A_876 = arith.addf %scan3A_832, %mul3A_875 : vector<16xf32>
      %add3A_877 = arith.addi %mul3A_59, %and3A_844 : vector<16xi32>
      %gather3A_878 = tpu.vector_load_idx %arg5[%add3A_877] : memref<32768xf32, #tpu.memory_space<vmem>>[vector<16xi32>], vector<16xf32>,
      %mul3A_879 = arith.mulf %gather3A_878, %get3A_845 : vector<16xf32>
      %add3A_880 = arith.addf %scan3A_833, %mul3A_879 : vector<16xf32>
      %add3A_881 = arith.addi %mul3A_65, %and3A_844 : vector<16xi32>
      %gather3A_882 = tpu.vector_load_idx %arg5[%add3A_881] : memref<32768xf32, #tpu.memory_space<vmem>>[vector<16xi32>], vector<16xf32>,
      %mul3A_883 = arith.mulf %gather3A_882, %get3A_845 : vector<16xf32>
      %add3A_884 = arith.addf %scan3A_834, %mul3A_883 : vector<16xf32>
      %add3A_885 = arith.addi %mul3A_71, %and3A_844 : vector<16xi32>
      %gather3A_886 = tpu.vector_load_idx %arg5[%add3A_885] : memref<32768xf32, #tpu.memory_space<vmem>>[vector<16xi32>], vector<16xf32>,
      %mul3A_887 = arith.mulf %gather3A_886, %get3A_845 : vector<16xf32>
      %add3A_888 = arith.addf %scan3A_835, %mul3A_887 : vector<16xf32>
      %add3A_889 = arith.addi %mul3A_77, %and3A_844 : vector<16xi32>
      %gather3A_890 = tpu.vector_load_idx %arg5[%add3A_889] : memref<32768xf32, #tpu.memory_space<vmem>>[vector<16xi32>], vector<16xf32>,
      %mul3A_891 = arith.mulf %gather3A_890, %get3A_845 : vector<16xf32>
      %add3A_892 = arith.addf %scan3A_836, %mul3A_891 : vector<16xf32>
      %add3A_893 = arith.addi %mul3A_83, %and3A_844 : vector<16xi32>
      %gather3A_894 = tpu.vector_load_idx %arg5[%add3A_893] : memref<32768xf32, #tpu.memory_space<vmem>>[vector<16xi32>], vector<16xf32>,
      %mul3A_895 = arith.mulf %gather3A_894, %get3A_845 : vector<16xf32>
      %add3A_896 = arith.addf %scan3A_837, %mul3A_895 : vector<16xf32>
      %add3A_897 = arith.addi %mul3A_89, %and3A_844 : vector<16xi32>
      %gather3A_898 = tpu.vector_load_idx %arg5[%add3A_897] : memref<32768xf32, #tpu.memory_space<vmem>>[vector<16xi32>], vector<16xf32>,
      %mul3A_899 = arith.mulf %gather3A_898, %get3A_845 : vector<16xf32>
      %add3A_900 = arith.addf %scan3A_838, %mul3A_899 : vector<16xf32>
      %add3A_901 = arith.addi %mul3A_95, %and3A_844 : vector<16xi32>
      %gather3A_902 = tpu.vector_load_idx %arg5[%add3A_901] : memref<32768xf32, #tpu.memory_space<vmem>>[vector<16xi32>], vector<16xf32>,
      %mul3A_903 = arith.mulf %gather3A_902, %get3A_845 : vector<16xf32>
      %add3A_904 = arith.addf %scan3A_839, %mul3A_903 : vector<16xf32>
      %add3A_905 = arith.addi %mul3A_101, %and3A_844 : vector<16xi32>
      %gather3A_906 = tpu.vector_load_idx %arg5[%add3A_905] : memref<32768xf32, #tpu.memory_space<vmem>>[vector<16xi32>], vector<16xf32>,
      %mul3A_907 = arith.mulf %gather3A_906, %get3A_845 : vector<16xf32>
      %add3A_908 = arith.addf %scan3A_840, %mul3A_907 : vector<16xf32>
      scf.yield %add3A_848, %add3A_852, %add3A_856, %add3A_860, %add3A_864, %add3A_868, %add3A_872, %add3A_876, %add3A_880, %add3A_884, %add3A_888, %add3A_892, %add3A_896, %add3A_900, %add3A_904, %add3A_908 : vector<16xf32>, vector<16xf32>, vector<16xf32>, vector<16xf32>, vector<16xf32>, vector<16xf32>, vector<16xf32>, vector<16xf32>, vector<16xf32>, vector<16xf32>, vector<16xf32>, vector<16xf32>, vector<16xf32>, vector<16xf32>, vector<16xf32>, vector<16xf32>
    }
    %scan3A_249 = arith.constant 128 : i32
    %dma_wait3A_250 = tpu.memref_slice %arg4[%add3A_178] : memref<100000xf32, #tpu.memory_space<hbm>> -> memref<256xf32, #tpu.memory_space<hbm>>
    %dma_wait3A_251 = tpu.memref_slice %arg4[%add3A_178] : memref<100000xf32, #tpu.memory_space<hbm>> -> memref<256xf32, #tpu.memory_space<hbm>>
    tpu.wait_dma2 semaphore(%arg12 : memref<!tpu.dma_semaphore, #tpu.memory_space<semaphore_mem>>) src(%arg8 : memref<256xf32, #tpu.memory_space<vmem>>) dst(%dma_wait3A_251 : memref<256xf32, #tpu.memory_space<hbm>>)
    %swap3A_252 = arith.constant 0 : index
    %swap3A_253 = tpu.vector_load %arg8[%swap3A_252] {strides = array<i32>} : memref<256xf32, #tpu.memory_space<vmem>>, vector<16xf32>,
    tpu.vector_store %arg8[%swap3A_252], %scan3A_248#0 {strides = array<i32>} : memref<256xf32, #tpu.memory_space<vmem>>, vector<16xf32>,
    %swap3A_254 = arith.constant 16 : index
    %swap3A_255 = tpu.vector_load %arg8[%swap3A_254] {strides = array<i32>} : memref<256xf32, #tpu.memory_space<vmem>>, vector<16xf32>,
    tpu.vector_store %arg8[%swap3A_254], %scan3A_248#1 {strides = array<i32>} : memref<256xf32, #tpu.memory_space<vmem>>, vector<16xf32>,
    %swap3A_256 = arith.constant 32 : index
    %swap3A_257 = tpu.vector_load %arg8[%swap3A_256] {strides = array<i32>} : memref<256xf32, #tpu.memory_space<vmem>>, vector<16xf32>,
    tpu.vector_store %arg8[%swap3A_256], %scan3A_248#2 {strides = array<i32>} : memref<256xf32, #tpu.memory_space<vmem>>, vector<16xf32>,
    %swap3A_258 = arith.constant 48 : index
    %swap3A_259 = tpu.vector_load %arg8[%swap3A_258] {strides = array<i32>} : memref<256xf32, #tpu.memory_space<vmem>>, vector<16xf32>,
    tpu.vector_store %arg8[%swap3A_258], %scan3A_248#3 {strides = array<i32>} : memref<256xf32, #tpu.memory_space<vmem>>, vector<16xf32>,
    %swap3A_260 = arith.constant 64 : index
    %swap3A_261 = tpu.vector_load %arg8[%swap3A_260] {strides = array<i32>} : memref<256xf32, #tpu.memory_space<vmem>>, vector<16xf32>,
    tpu.vector_store %arg8[%swap3A_260], %scan3A_248#4 {strides = array<i32>} : memref<256xf32, #tpu.memory_space<vmem>>, vector<16xf32>,
    %swap3A_262 = arith.constant 80 : index
    %swap3A_263 = tpu.vector_load %arg8[%swap3A_262] {strides = array<i32>} : memref<256xf32, #tpu.memory_space<vmem>>, vector<16xf32>,
    tpu.vector_store %arg8[%swap3A_262], %scan3A_248#5 {strides = array<i32>} : memref<256xf32, #tpu.memory_space<vmem>>, vector<16xf32>,
    %swap3A_264 = arith.constant 96 : index
    %swap3A_265 = tpu.vector_load %arg8[%swap3A_264] {strides = array<i32>} : memref<256xf32, #tpu.memory_space<vmem>>, vector<16xf32>,
    tpu.vector_store %arg8[%swap3A_264], %scan3A_248#6 {strides = array<i32>} : memref<256xf32, #tpu.memory_space<vmem>>, vector<16xf32>,
    %swap3A_266 = arith.constant 112 : index
    %swap3A_267 = tpu.vector_load %arg8[%swap3A_266] {strides = array<i32>} : memref<256xf32, #tpu.memory_space<vmem>>, vector<16xf32>,
    tpu.vector_store %arg8[%swap3A_266], %scan3A_248#7 {strides = array<i32>} : memref<256xf32, #tpu.memory_space<vmem>>, vector<16xf32>,
    %swap3A_268 = arith.constant 128 : index
    %swap3A_269 = tpu.vector_load %arg8[%swap3A_268] {strides = array<i32>} : memref<256xf32, #tpu.memory_space<vmem>>, vector<16xf32>,
    tpu.vector_store %arg8[%swap3A_268], %scan3A_248#8 {strides = array<i32>} : memref<256xf32, #tpu.memory_space<vmem>>, vector<16xf32>,
    %swap3A_270 = arith.constant 144 : index
    %swap3A_271 = tpu.vector_load %arg8[%swap3A_270] {strides = array<i32>} : memref<256xf32, #tpu.memory_space<vmem>>, vector<16xf32>,
    tpu.vector_store %arg8[%swap3A_270], %scan3A_248#9 {strides = array<i32>} : memref<256xf32, #tpu.memory_space<vmem>>, vector<16xf32>,
    %swap3A_272 = arith.constant 160 : index
    %swap3A_273 = tpu.vector_load %arg8[%swap3A_272] {strides = array<i32>} : memref<256xf32, #tpu.memory_space<vmem>>, vector<16xf32>,
    tpu.vector_store %arg8[%swap3A_272], %scan3A_248#10 {strides = array<i32>} : memref<256xf32, #tpu.memory_space<vmem>>, vector<16xf32>,
    %swap3A_274 = arith.constant 176 : index
    %swap3A_275 = tpu.vector_load %arg8[%swap3A_274] {strides = array<i32>} : memref<256xf32, #tpu.memory_space<vmem>>, vector<16xf32>,
    tpu.vector_store %arg8[%swap3A_274], %scan3A_248#11 {strides = array<i32>} : memref<256xf32, #tpu.memory_space<vmem>>, vector<16xf32>,
    %swap3A_276 = arith.constant 192 : index
    %swap3A_277 = tpu.vector_load %arg8[%swap3A_276] {strides = array<i32>} : memref<256xf32, #tpu.memory_space<vmem>>, vector<16xf32>,
    tpu.vector_store %arg8[%swap3A_276], %scan3A_248#12 {strides = array<i32>} : memref<256xf32, #tpu.memory_space<vmem>>, vector<16xf32>,
    %swap3A_278 = arith.constant 208 : index
    %swap3A_279 = tpu.vector_load %arg8[%swap3A_278] {strides = array<i32>} : memref<256xf32, #tpu.memory_space<vmem>>, vector<16xf32>,
    tpu.vector_store %arg8[%swap3A_278], %scan3A_248#13 {strides = array<i32>} : memref<256xf32, #tpu.memory_space<vmem>>, vector<16xf32>,
    %swap3A_280 = arith.constant 224 : index
    %swap3A_281 = tpu.vector_load %arg8[%swap3A_280] {strides = array<i32>} : memref<256xf32, #tpu.memory_space<vmem>>, vector<16xf32>,
    tpu.vector_store %arg8[%swap3A_280], %scan3A_248#14 {strides = array<i32>} : memref<256xf32, #tpu.memory_space<vmem>>, vector<16xf32>,
    %swap3A_282 = arith.constant 240 : index
    %swap3A_283 = tpu.vector_load %arg8[%swap3A_282] {strides = array<i32>} : memref<256xf32, #tpu.memory_space<vmem>>, vector<16xf32>,
    tpu.vector_store %arg8[%swap3A_282], %scan3A_248#15 {strides = array<i32>} : memref<256xf32, #tpu.memory_space<vmem>>, vector<16xf32>,
    %add3A_284 = arith.addi %mul3A_2, %min3A_106 : i32
    %dma_start3A_285 = tpu.memref_slice %arg4[%add3A_284] : memref<100000xf32, #tpu.memory_space<hbm>> -> memref<256xf32, #tpu.memory_space<hbm>>
    %dma_start3A_286 = tpu.memref_slice %arg4[%add3A_284] : memref<100000xf32, #tpu.memory_space<hbm>> -> memref<256xf32, #tpu.memory_space<hbm>>
    tpu.enqueue_dma source(%arg8 : memref<256xf32, #tpu.memory_space<vmem>>) target(%dma_start3A_286 : memref<256xf32, #tpu.memory_space<hbm>>) target_semaphore(%arg12 : memref<!tpu.dma_semaphore, #tpu.memory_space<semaphore_mem>>)
    %add3A_287 = arith.constant 100000 : i32
    %add3A_288 = arith.addi %add3A_287, %mul3A_2 : i32
    %add3A_289 = arith.addi %add3A_288, %min3A_110 : i32
    %mul3A_290 = arith.constant 128 : i32
    %mul3A_291 = arith.muli %add3A_289, %mul3A_290 : i32
    %dma_start3A_292 = tpu.memref_slice %arg2[%mul3A_291] : memref<25600000xf32, #tpu.memory_space<hbm>> -> memref<32768xf32, #tpu.memory_space<hbm>>
    %dma_start3A_293 = tpu.memref_slice %arg2[%mul3A_291] : memref<25600000xf32, #tpu.memory_space<hbm>> -> memref<32768xf32, #tpu.memory_space<hbm>>
    tpu.enqueue_dma source(%dma_start3A_293 : memref<32768xf32, #tpu.memory_space<hbm>>) target(%arg5 : memref<32768xf32, #tpu.memory_space<vmem>>) target_semaphore(%arg10 : memref<!tpu.dma_semaphore, #tpu.memory_space<semaphore_mem>>)
    %dma_wait3A_294 = tpu.memref_slice %arg2[%mul3A_237] : memref<25600000xf32, #tpu.memory_space<hbm>> -> memref<32768xf32, #tpu.memory_space<hbm>>
    %dma_wait3A_295 = tpu.memref_slice %arg2[%mul3A_237] : memref<25600000xf32, #tpu.memory_space<hbm>> -> memref<32768xf32, #tpu.memory_space<hbm>>
    tpu.wait_dma2 semaphore(%arg11 : memref<!tpu.dma_semaphore, #tpu.memory_space<semaphore_mem>>) src(%dma_wait3A_295 : memref<32768xf32, #tpu.memory_space<hbm>>) dst(%arg6 : memref<32768xf32, #tpu.memory_space<vmem>>)
    %broadcast_in_dim3A_296 = arith.constant 0.000000e+00 : f32
    %broadcast_in_dim3A_297 = vector.broadcast %broadcast_in_dim3A_296 : f32 to vector<16xf32>
    %scan3A_298 = arith.constant 0 : i32
    %scan3A_299 = arith.constant 128 : i32
    %scan3A_300 = arith.addi %scan3A_298, %scan3A_299 : i32
    %scan3A_301 = arith.constant 1 : i32
    %scan3A_302:16 = scf.for %scan3A_824 = %scan3A_298 to %scan3A_300 step %scan3A_301 iter_args(%scan3A_825 = %broadcast_in_dim3A_297, %scan3A_826 = %broadcast_in_dim3A_297, %scan3A_827 = %broadcast_in_dim3A_297, %scan3A_828 = %broadcast_in_dim3A_297, %scan3A_829 = %broadcast_in_dim3A_297, %scan3A_830 = %broadcast_in_dim3A_297, %scan3A_831 = %broadcast_in_dim3A_297, %scan3A_832 = %broadcast_in_dim3A_297, %scan3A_833 = %broadcast_in_dim3A_297, %scan3A_834 = %broadcast_in_dim3A_297, %scan3A_835 = %broadcast_in_dim3A_297, %scan3A_836 = %broadcast_in_dim3A_297, %scan3A_837 = %broadcast_in_dim3A_297, %scan3A_838 = %broadcast_in_dim3A_297, %scan3A_839 = %broadcast_in_dim3A_297, %scan3A_840 = %broadcast_in_dim3A_297) -> (vector<16xf32>, vector<16xf32>, vector<16xf32>, vector<16xf32>, vector<16xf32>, vector<16xf32>, vector<16xf32>, vector<16xf32>, vector<16xf32>, vector<16xf32>, vector<16xf32>, vector<16xf32>, vector<16xf32>, vector<16xf32>, vector<16xf32>, vector<16xf32>)  : i32 {
      %add3A_841 = vector.broadcast %scan3A_824 : i32 to vector<16xi32>
      %add3A_842 = arith.addi %iota3A, %add3A_841 : vector<16xi32>
      %and3A = arith.constant 127 : i32
      %and3A_843 = vector.broadcast %and3A : i32 to vector<16xi32>
      %and3A_844 = arith.andi %add3A_842, %and3A_843 : vector<16xi32>
      %get3A = arith.index_cast %scan3A_824 : i32 to index
      %get3A_845 = tpu.vector_load %arg7[%get3A] {strides = array<i32>} : memref<160xf32, #tpu.memory_space<vmem>>, vector<16xf32>,
      %add3A_846 = arith.addi %mul3A_11, %and3A_844 : vector<16xi32>
      %gather3A = tpu.vector_load_idx %arg6[%add3A_846] : memref<32768xf32, #tpu.memory_space<vmem>>[vector<16xi32>], vector<16xf32>,
      %mul3A_847 = arith.mulf %gather3A, %get3A_845 : vector<16xf32>
      %add3A_848 = arith.addf %scan3A_825, %mul3A_847 : vector<16xf32>
      %add3A_849 = arith.addi %mul3A_17, %and3A_844 : vector<16xi32>
      %gather3A_850 = tpu.vector_load_idx %arg6[%add3A_849] : memref<32768xf32, #tpu.memory_space<vmem>>[vector<16xi32>], vector<16xf32>,
      %mul3A_851 = arith.mulf %gather3A_850, %get3A_845 : vector<16xf32>
      %add3A_852 = arith.addf %scan3A_826, %mul3A_851 : vector<16xf32>
      %add3A_853 = arith.addi %mul3A_23, %and3A_844 : vector<16xi32>
      %gather3A_854 = tpu.vector_load_idx %arg6[%add3A_853] : memref<32768xf32, #tpu.memory_space<vmem>>[vector<16xi32>], vector<16xf32>,
      %mul3A_855 = arith.mulf %gather3A_854, %get3A_845 : vector<16xf32>
      %add3A_856 = arith.addf %scan3A_827, %mul3A_855 : vector<16xf32>
      %add3A_857 = arith.addi %mul3A_29, %and3A_844 : vector<16xi32>
      %gather3A_858 = tpu.vector_load_idx %arg6[%add3A_857] : memref<32768xf32, #tpu.memory_space<vmem>>[vector<16xi32>], vector<16xf32>,
      %mul3A_859 = arith.mulf %gather3A_858, %get3A_845 : vector<16xf32>
      %add3A_860 = arith.addf %scan3A_828, %mul3A_859 : vector<16xf32>
      %add3A_861 = arith.addi %mul3A_35, %and3A_844 : vector<16xi32>
      %gather3A_862 = tpu.vector_load_idx %arg6[%add3A_861] : memref<32768xf32, #tpu.memory_space<vmem>>[vector<16xi32>], vector<16xf32>,
      %mul3A_863 = arith.mulf %gather3A_862, %get3A_845 : vector<16xf32>
      %add3A_864 = arith.addf %scan3A_829, %mul3A_863 : vector<16xf32>
      %add3A_865 = arith.addi %mul3A_41, %and3A_844 : vector<16xi32>
      %gather3A_866 = tpu.vector_load_idx %arg6[%add3A_865] : memref<32768xf32, #tpu.memory_space<vmem>>[vector<16xi32>], vector<16xf32>,
      %mul3A_867 = arith.mulf %gather3A_866, %get3A_845 : vector<16xf32>
      %add3A_868 = arith.addf %scan3A_830, %mul3A_867 : vector<16xf32>
      %add3A_869 = arith.addi %mul3A_47, %and3A_844 : vector<16xi32>
      %gather3A_870 = tpu.vector_load_idx %arg6[%add3A_869] : memref<32768xf32, #tpu.memory_space<vmem>>[vector<16xi32>], vector<16xf32>,
      %mul3A_871 = arith.mulf %gather3A_870, %get3A_845 : vector<16xf32>
      %add3A_872 = arith.addf %scan3A_831, %mul3A_871 : vector<16xf32>
      %add3A_873 = arith.addi %mul3A_53, %and3A_844 : vector<16xi32>
      %gather3A_874 = tpu.vector_load_idx %arg6[%add3A_873] : memref<32768xf32, #tpu.memory_space<vmem>>[vector<16xi32>], vector<16xf32>,
      %mul3A_875 = arith.mulf %gather3A_874, %get3A_845 : vector<16xf32>
      %add3A_876 = arith.addf %scan3A_832, %mul3A_875 : vector<16xf32>
      %add3A_877 = arith.addi %mul3A_59, %and3A_844 : vector<16xi32>
      %gather3A_878 = tpu.vector_load_idx %arg6[%add3A_877] : memref<32768xf32, #tpu.memory_space<vmem>>[vector<16xi32>], vector<16xf32>,
      %mul3A_879 = arith.mulf %gather3A_878, %get3A_845 : vector<16xf32>
      %add3A_880 = arith.addf %scan3A_833, %mul3A_879 : vector<16xf32>
      %add3A_881 = arith.addi %mul3A_65, %and3A_844 : vector<16xi32>
      %gather3A_882 = tpu.vector_load_idx %arg6[%add3A_881] : memref<32768xf32, #tpu.memory_space<vmem>>[vector<16xi32>], vector<16xf32>,
      %mul3A_883 = arith.mulf %gather3A_882, %get3A_845 : vector<16xf32>
      %add3A_884 = arith.addf %scan3A_834, %mul3A_883 : vector<16xf32>
      %add3A_885 = arith.addi %mul3A_71, %and3A_844 : vector<16xi32>
      %gather3A_886 = tpu.vector_load_idx %arg6[%add3A_885] : memref<32768xf32, #tpu.memory_space<vmem>>[vector<16xi32>], vector<16xf32>,
      %mul3A_887 = arith.mulf %gather3A_886, %get3A_845 : vector<16xf32>
      %add3A_888 = arith.addf %scan3A_835, %mul3A_887 : vector<16xf32>
      %add3A_889 = arith.addi %mul3A_77, %and3A_844 : vector<16xi32>
      %gather3A_890 = tpu.vector_load_idx %arg6[%add3A_889] : memref<32768xf32, #tpu.memory_space<vmem>>[vector<16xi32>], vector<16xf32>,
      %mul3A_891 = arith.mulf %gather3A_890, %get3A_845 : vector<16xf32>
      %add3A_892 = arith.addf %scan3A_836, %mul3A_891 : vector<16xf32>
      %add3A_893 = arith.addi %mul3A_83, %and3A_844 : vector<16xi32>
      %gather3A_894 = tpu.vector_load_idx %arg6[%add3A_893] : memref<32768xf32, #tpu.memory_space<vmem>>[vector<16xi32>], vector<16xf32>,
      %mul3A_895 = arith.mulf %gather3A_894, %get3A_845 : vector<16xf32>
      %add3A_896 = arith.addf %scan3A_837, %mul3A_895 : vector<16xf32>
      %add3A_897 = arith.addi %mul3A_89, %and3A_844 : vector<16xi32>
      %gather3A_898 = tpu.vector_load_idx %arg6[%add3A_897] : memref<32768xf32, #tpu.memory_space<vmem>>[vector<16xi32>], vector<16xf32>,
      %mul3A_899 = arith.mulf %gather3A_898, %get3A_845 : vector<16xf32>
      %add3A_900 = arith.addf %scan3A_838, %mul3A_899 : vector<16xf32>
      %add3A_901 = arith.addi %mul3A_95, %and3A_844 : vector<16xi32>
      %gather3A_902 = tpu.vector_load_idx %arg6[%add3A_901] : memref<32768xf32, #tpu.memory_space<vmem>>[vector<16xi32>], vector<16xf32>,
      %mul3A_903 = arith.mulf %gather3A_902, %get3A_845 : vector<16xf32>
      %add3A_904 = arith.addf %scan3A_839, %mul3A_903 : vector<16xf32>
      %add3A_905 = arith.addi %mul3A_101, %and3A_844 : vector<16xi32>
      %gather3A_906 = tpu.vector_load_idx %arg6[%add3A_905] : memref<32768xf32, #tpu.memory_space<vmem>>[vector<16xi32>], vector<16xf32>,
      %mul3A_907 = arith.mulf %gather3A_906, %get3A_845 : vector<16xf32>
      %add3A_908 = arith.addf %scan3A_840, %mul3A_907 : vector<16xf32>
      scf.yield %add3A_848, %add3A_852, %add3A_856, %add3A_860, %add3A_864, %add3A_868, %add3A_872, %add3A_876, %add3A_880, %add3A_884, %add3A_888, %add3A_892, %add3A_896, %add3A_900, %add3A_904, %add3A_908 : vector<16xf32>, vector<16xf32>, vector<16xf32>, vector<16xf32>, vector<16xf32>, vector<16xf32>, vector<16xf32>, vector<16xf32>, vector<16xf32>, vector<16xf32>, vector<16xf32>, vector<16xf32>, vector<16xf32>, vector<16xf32>, vector<16xf32>, vector<16xf32>
    }
    %scan3A_303 = arith.constant 128 : i32
    %dma_wait3A_304 = tpu.memref_slice %arg4[%add3A_230] : memref<100000xf32, #tpu.memory_space<hbm>> -> memref<256xf32, #tpu.memory_space<hbm>>
    %dma_wait3A_305 = tpu.memref_slice %arg4[%add3A_230] : memref<100000xf32, #tpu.memory_space<hbm>> -> memref<256xf32, #tpu.memory_space<hbm>>
    tpu.wait_dma2 semaphore(%arg13 : memref<!tpu.dma_semaphore, #tpu.memory_space<semaphore_mem>>) src(%arg9 : memref<256xf32, #tpu.memory_space<vmem>>) dst(%dma_wait3A_305 : memref<256xf32, #tpu.memory_space<hbm>>)
    %swap3A_306 = arith.constant 0 : index
    %swap3A_307 = tpu.vector_load %arg9[%swap3A_306] {strides = array<i32>} : memref<256xf32, #tpu.memory_space<vmem>>, vector<16xf32>,
    tpu.vector_store %arg9[%swap3A_306], %scan3A_302#0 {strides = array<i32>} : memref<256xf32, #tpu.memory_space<vmem>>, vector<16xf32>,
    %swap3A_308 = arith.constant 16 : index
    %swap3A_309 = tpu.vector_load %arg9[%swap3A_308] {strides = array<i32>} : memref<256xf32, #tpu.memory_space<vmem>>, vector<16xf32>,
    tpu.vector_store %arg9[%swap3A_308], %scan3A_302#1 {strides = array<i32>} : memref<256xf32, #tpu.memory_space<vmem>>, vector<16xf32>,
    %swap3A_310 = arith.constant 32 : index
    %swap3A_311 = tpu.vector_load %arg9[%swap3A_310] {strides = array<i32>} : memref<256xf32, #tpu.memory_space<vmem>>, vector<16xf32>,
    tpu.vector_store %arg9[%swap3A_310], %scan3A_302#2 {strides = array<i32>} : memref<256xf32, #tpu.memory_space<vmem>>, vector<16xf32>,
    %swap3A_312 = arith.constant 48 : index
    %swap3A_313 = tpu.vector_load %arg9[%swap3A_312] {strides = array<i32>} : memref<256xf32, #tpu.memory_space<vmem>>, vector<16xf32>,
    tpu.vector_store %arg9[%swap3A_312], %scan3A_302#3 {strides = array<i32>} : memref<256xf32, #tpu.memory_space<vmem>>, vector<16xf32>,
    %swap3A_314 = arith.constant 64 : index
    %swap3A_315 = tpu.vector_load %arg9[%swap3A_314] {strides = array<i32>} : memref<256xf32, #tpu.memory_space<vmem>>, vector<16xf32>,
    tpu.vector_store %arg9[%swap3A_314], %scan3A_302#4 {strides = array<i32>} : memref<256xf32, #tpu.memory_space<vmem>>, vector<16xf32>,
    %swap3A_316 = arith.constant 80 : index
    %swap3A_317 = tpu.vector_load %arg9[%swap3A_316] {strides = array<i32>} : memref<256xf32, #tpu.memory_space<vmem>>, vector<16xf32>,
    tpu.vector_store %arg9[%swap3A_316], %scan3A_302#5 {strides = array<i32>} : memref<256xf32, #tpu.memory_space<vmem>>, vector<16xf32>,
    %swap3A_318 = arith.constant 96 : index
    %swap3A_319 = tpu.vector_load %arg9[%swap3A_318] {strides = array<i32>} : memref<256xf32, #tpu.memory_space<vmem>>, vector<16xf32>,
    tpu.vector_store %arg9[%swap3A_318], %scan3A_302#6 {strides = array<i32>} : memref<256xf32, #tpu.memory_space<vmem>>, vector<16xf32>,
    %swap3A_320 = arith.constant 112 : index
    %swap3A_321 = tpu.vector_load %arg9[%swap3A_320] {strides = array<i32>} : memref<256xf32, #tpu.memory_space<vmem>>, vector<16xf32>,
    tpu.vector_store %arg9[%swap3A_320], %scan3A_302#7 {strides = array<i32>} : memref<256xf32, #tpu.memory_space<vmem>>, vector<16xf32>,
    %swap3A_322 = arith.constant 128 : index
    %swap3A_323 = tpu.vector_load %arg9[%swap3A_322] {strides = array<i32>} : memref<256xf32, #tpu.memory_space<vmem>>, vector<16xf32>,
    tpu.vector_store %arg9[%swap3A_322], %scan3A_302#8 {strides = array<i32>} : memref<256xf32, #tpu.memory_space<vmem>>, vector<16xf32>,
    %swap3A_324 = arith.constant 144 : index
    %swap3A_325 = tpu.vector_load %arg9[%swap3A_324] {strides = array<i32>} : memref<256xf32, #tpu.memory_space<vmem>>, vector<16xf32>,
    tpu.vector_store %arg9[%swap3A_324], %scan3A_302#9 {strides = array<i32>} : memref<256xf32, #tpu.memory_space<vmem>>, vector<16xf32>,
    %swap3A_326 = arith.constant 160 : index
    %swap3A_327 = tpu.vector_load %arg9[%swap3A_326] {strides = array<i32>} : memref<256xf32, #tpu.memory_space<vmem>>, vector<16xf32>,
    tpu.vector_store %arg9[%swap3A_326], %scan3A_302#10 {strides = array<i32>} : memref<256xf32, #tpu.memory_space<vmem>>, vector<16xf32>,
    %swap3A_328 = arith.constant 176 : index
    %swap3A_329 = tpu.vector_load %arg9[%swap3A_328] {strides = array<i32>} : memref<256xf32, #tpu.memory_space<vmem>>, vector<16xf32>,
    tpu.vector_store %arg9[%swap3A_328], %scan3A_302#11 {strides = array<i32>} : memref<256xf32, #tpu.memory_space<vmem>>, vector<16xf32>,
    %swap3A_330 = arith.constant 192 : index
    %swap3A_331 = tpu.vector_load %arg9[%swap3A_330] {strides = array<i32>} : memref<256xf32, #tpu.memory_space<vmem>>, vector<16xf32>,
    tpu.vector_store %arg9[%swap3A_330], %scan3A_302#12 {strides = array<i32>} : memref<256xf32, #tpu.memory_space<vmem>>, vector<16xf32>,
    %swap3A_332 = arith.constant 208 : index
    %swap3A_333 = tpu.vector_load %arg9[%swap3A_332] {strides = array<i32>} : memref<256xf32, #tpu.memory_space<vmem>>, vector<16xf32>,
    tpu.vector_store %arg9[%swap3A_332], %scan3A_302#13 {strides = array<i32>} : memref<256xf32, #tpu.memory_space<vmem>>, vector<16xf32>,
    %swap3A_334 = arith.constant 224 : index
    %swap3A_335 = tpu.vector_load %arg9[%swap3A_334] {strides = array<i32>} : memref<256xf32, #tpu.memory_space<vmem>>, vector<16xf32>,
    tpu.vector_store %arg9[%swap3A_334], %scan3A_302#14 {strides = array<i32>} : memref<256xf32, #tpu.memory_space<vmem>>, vector<16xf32>,
    %swap3A_336 = arith.constant 240 : index
    %swap3A_337 = tpu.vector_load %arg9[%swap3A_336] {strides = array<i32>} : memref<256xf32, #tpu.memory_space<vmem>>, vector<16xf32>,
    tpu.vector_store %arg9[%swap3A_336], %scan3A_302#15 {strides = array<i32>} : memref<256xf32, #tpu.memory_space<vmem>>, vector<16xf32>,
    %add3A_338 = arith.addi %mul3A_2, %min3A_108 : i32
    %dma_start3A_339 = tpu.memref_slice %arg4[%add3A_338] : memref<100000xf32, #tpu.memory_space<hbm>> -> memref<256xf32, #tpu.memory_space<hbm>>
    %dma_start3A_340 = tpu.memref_slice %arg4[%add3A_338] : memref<100000xf32, #tpu.memory_space<hbm>> -> memref<256xf32, #tpu.memory_space<hbm>>
    tpu.enqueue_dma source(%arg9 : memref<256xf32, #tpu.memory_space<vmem>>) target(%dma_start3A_340 : memref<256xf32, #tpu.memory_space<hbm>>) target_semaphore(%arg13 : memref<!tpu.dma_semaphore, #tpu.memory_space<semaphore_mem>>)
    %add3A_341 = arith.constant 100000 : i32
    %add3A_342 = arith.addi %add3A_341, %mul3A_2 : i32
    %add3A_343 = arith.addi %add3A_342, %min3A_112 : i32
    %mul3A_344 = arith.constant 128 : i32
    %mul3A_345 = arith.muli %add3A_343, %mul3A_344 : i32
    %dma_start3A_346 = tpu.memref_slice %arg2[%mul3A_345] : memref<25600000xf32, #tpu.memory_space<hbm>> -> memref<32768xf32, #tpu.memory_space<hbm>>
    %dma_start3A_347 = tpu.memref_slice %arg2[%mul3A_345] : memref<25600000xf32, #tpu.memory_space<hbm>> -> memref<32768xf32, #tpu.memory_space<hbm>>
    tpu.enqueue_dma source(%dma_start3A_347 : memref<32768xf32, #tpu.memory_space<hbm>>) target(%arg6 : memref<32768xf32, #tpu.memory_space<vmem>>) target_semaphore(%arg11 : memref<!tpu.dma_semaphore, #tpu.memory_space<semaphore_mem>>)
    %dma_wait3A_348 = tpu.memref_slice %arg2[%mul3A_291] : memref<25600000xf32, #tpu.memory_space<hbm>> -> memref<32768xf32, #tpu.memory_space<hbm>>
    %dma_wait3A_349 = tpu.memref_slice %arg2[%mul3A_291] : memref<25600000xf32, #tpu.memory_space<hbm>> -> memref<32768xf32, #tpu.memory_space<hbm>>
    tpu.wait_dma2 semaphore(%arg10 : memref<!tpu.dma_semaphore, #tpu.memory_space<semaphore_mem>>) src(%dma_wait3A_349 : memref<32768xf32, #tpu.memory_space<hbm>>) dst(%arg5 : memref<32768xf32, #tpu.memory_space<vmem>>)
    %broadcast_in_dim3A_350 = arith.constant 0.000000e+00 : f32
    %broadcast_in_dim3A_351 = vector.broadcast %broadcast_in_dim3A_350 : f32 to vector<16xf32>
    %scan3A_352 = arith.constant 0 : i32
    %scan3A_353 = arith.constant 128 : i32
    %scan3A_354 = arith.addi %scan3A_352, %scan3A_353 : i32
    %scan3A_355 = arith.constant 1 : i32
    %scan3A_356:16 = scf.for %scan3A_824 = %scan3A_352 to %scan3A_354 step %scan3A_355 iter_args(%scan3A_825 = %broadcast_in_dim3A_351, %scan3A_826 = %broadcast_in_dim3A_351, %scan3A_827 = %broadcast_in_dim3A_351, %scan3A_828 = %broadcast_in_dim3A_351, %scan3A_829 = %broadcast_in_dim3A_351, %scan3A_830 = %broadcast_in_dim3A_351, %scan3A_831 = %broadcast_in_dim3A_351, %scan3A_832 = %broadcast_in_dim3A_351, %scan3A_833 = %broadcast_in_dim3A_351, %scan3A_834 = %broadcast_in_dim3A_351, %scan3A_835 = %broadcast_in_dim3A_351, %scan3A_836 = %broadcast_in_dim3A_351, %scan3A_837 = %broadcast_in_dim3A_351, %scan3A_838 = %broadcast_in_dim3A_351, %scan3A_839 = %broadcast_in_dim3A_351, %scan3A_840 = %broadcast_in_dim3A_351) -> (vector<16xf32>, vector<16xf32>, vector<16xf32>, vector<16xf32>, vector<16xf32>, vector<16xf32>, vector<16xf32>, vector<16xf32>, vector<16xf32>, vector<16xf32>, vector<16xf32>, vector<16xf32>, vector<16xf32>, vector<16xf32>, vector<16xf32>, vector<16xf32>)  : i32 {
      %add3A_841 = vector.broadcast %scan3A_824 : i32 to vector<16xi32>
      %add3A_842 = arith.addi %iota3A, %add3A_841 : vector<16xi32>
      %and3A = arith.constant 127 : i32
      %and3A_843 = vector.broadcast %and3A : i32 to vector<16xi32>
      %and3A_844 = arith.andi %add3A_842, %and3A_843 : vector<16xi32>
      %get3A = arith.index_cast %scan3A_824 : i32 to index
      %get3A_845 = tpu.vector_load %arg7[%get3A] {strides = array<i32>} : memref<160xf32, #tpu.memory_space<vmem>>, vector<16xf32>,
      %add3A_846 = arith.addi %mul3A_11, %and3A_844 : vector<16xi32>
      %gather3A = tpu.vector_load_idx %arg5[%add3A_846] : memref<32768xf32, #tpu.memory_space<vmem>>[vector<16xi32>], vector<16xf32>,
      %mul3A_847 = arith.mulf %gather3A, %get3A_845 : vector<16xf32>
      %add3A_848 = arith.addf %scan3A_825, %mul3A_847 : vector<16xf32>
      %add3A_849 = arith.addi %mul3A_17, %and3A_844 : vector<16xi32>
      %gather3A_850 = tpu.vector_load_idx %arg5[%add3A_849] : memref<32768xf32, #tpu.memory_space<vmem>>[vector<16xi32>], vector<16xf32>,
      %mul3A_851 = arith.mulf %gather3A_850, %get3A_845 : vector<16xf32>
      %add3A_852 = arith.addf %scan3A_826, %mul3A_851 : vector<16xf32>
      %add3A_853 = arith.addi %mul3A_23, %and3A_844 : vector<16xi32>
      %gather3A_854 = tpu.vector_load_idx %arg5[%add3A_853] : memref<32768xf32, #tpu.memory_space<vmem>>[vector<16xi32>], vector<16xf32>,
      %mul3A_855 = arith.mulf %gather3A_854, %get3A_845 : vector<16xf32>
      %add3A_856 = arith.addf %scan3A_827, %mul3A_855 : vector<16xf32>
      %add3A_857 = arith.addi %mul3A_29, %and3A_844 : vector<16xi32>
      %gather3A_858 = tpu.vector_load_idx %arg5[%add3A_857] : memref<32768xf32, #tpu.memory_space<vmem>>[vector<16xi32>], vector<16xf32>,
      %mul3A_859 = arith.mulf %gather3A_858, %get3A_845 : vector<16xf32>
      %add3A_860 = arith.addf %scan3A_828, %mul3A_859 : vector<16xf32>
      %add3A_861 = arith.addi %mul3A_35, %and3A_844 : vector<16xi32>
      %gather3A_862 = tpu.vector_load_idx %arg5[%add3A_861] : memref<32768xf32, #tpu.memory_space<vmem>>[vector<16xi32>], vector<16xf32>,
      %mul3A_863 = arith.mulf %gather3A_862, %get3A_845 : vector<16xf32>
      %add3A_864 = arith.addf %scan3A_829, %mul3A_863 : vector<16xf32>
      %add3A_865 = arith.addi %mul3A_41, %and3A_844 : vector<16xi32>
      %gather3A_866 = tpu.vector_load_idx %arg5[%add3A_865] : memref<32768xf32, #tpu.memory_space<vmem>>[vector<16xi32>], vector<16xf32>,
      %mul3A_867 = arith.mulf %gather3A_866, %get3A_845 : vector<16xf32>
      %add3A_868 = arith.addf %scan3A_830, %mul3A_867 : vector<16xf32>
      %add3A_869 = arith.addi %mul3A_47, %and3A_844 : vector<16xi32>
      %gather3A_870 = tpu.vector_load_idx %arg5[%add3A_869] : memref<32768xf32, #tpu.memory_space<vmem>>[vector<16xi32>], vector<16xf32>,
      %mul3A_871 = arith.mulf %gather3A_870, %get3A_845 : vector<16xf32>
      %add3A_872 = arith.addf %scan3A_831, %mul3A_871 : vector<16xf32>
      %add3A_873 = arith.addi %mul3A_53, %and3A_844 : vector<16xi32>
      %gather3A_874 = tpu.vector_load_idx %arg5[%add3A_873] : memref<32768xf32, #tpu.memory_space<vmem>>[vector<16xi32>], vector<16xf32>,
      %mul3A_875 = arith.mulf %gather3A_874, %get3A_845 : vector<16xf32>
      %add3A_876 = arith.addf %scan3A_832, %mul3A_875 : vector<16xf32>
      %add3A_877 = arith.addi %mul3A_59, %and3A_844 : vector<16xi32>
      %gather3A_878 = tpu.vector_load_idx %arg5[%add3A_877] : memref<32768xf32, #tpu.memory_space<vmem>>[vector<16xi32>], vector<16xf32>,
      %mul3A_879 = arith.mulf %gather3A_878, %get3A_845 : vector<16xf32>
      %add3A_880 = arith.addf %scan3A_833, %mul3A_879 : vector<16xf32>
      %add3A_881 = arith.addi %mul3A_65, %and3A_844 : vector<16xi32>
      %gather3A_882 = tpu.vector_load_idx %arg5[%add3A_881] : memref<32768xf32, #tpu.memory_space<vmem>>[vector<16xi32>], vector<16xf32>,
      %mul3A_883 = arith.mulf %gather3A_882, %get3A_845 : vector<16xf32>
      %add3A_884 = arith.addf %scan3A_834, %mul3A_883 : vector<16xf32>
      %add3A_885 = arith.addi %mul3A_71, %and3A_844 : vector<16xi32>
      %gather3A_886 = tpu.vector_load_idx %arg5[%add3A_885] : memref<32768xf32, #tpu.memory_space<vmem>>[vector<16xi32>], vector<16xf32>,
      %mul3A_887 = arith.mulf %gather3A_886, %get3A_845 : vector<16xf32>
      %add3A_888 = arith.addf %scan3A_835, %mul3A_887 : vector<16xf32>
      %add3A_889 = arith.addi %mul3A_77, %and3A_844 : vector<16xi32>
      %gather3A_890 = tpu.vector_load_idx %arg5[%add3A_889] : memref<32768xf32, #tpu.memory_space<vmem>>[vector<16xi32>], vector<16xf32>,
      %mul3A_891 = arith.mulf %gather3A_890, %get3A_845 : vector<16xf32>
      %add3A_892 = arith.addf %scan3A_836, %mul3A_891 : vector<16xf32>
      %add3A_893 = arith.addi %mul3A_83, %and3A_844 : vector<16xi32>
      %gather3A_894 = tpu.vector_load_idx %arg5[%add3A_893] : memref<32768xf32, #tpu.memory_space<vmem>>[vector<16xi32>], vector<16xf32>,
      %mul3A_895 = arith.mulf %gather3A_894, %get3A_845 : vector<16xf32>
      %add3A_896 = arith.addf %scan3A_837, %mul3A_895 : vector<16xf32>
      %add3A_897 = arith.addi %mul3A_89, %and3A_844 : vector<16xi32>
      %gather3A_898 = tpu.vector_load_idx %arg5[%add3A_897] : memref<32768xf32, #tpu.memory_space<vmem>>[vector<16xi32>], vector<16xf32>,
      %mul3A_899 = arith.mulf %gather3A_898, %get3A_845 : vector<16xf32>
      %add3A_900 = arith.addf %scan3A_838, %mul3A_899 : vector<16xf32>
      %add3A_901 = arith.addi %mul3A_95, %and3A_844 : vector<16xi32>
      %gather3A_902 = tpu.vector_load_idx %arg5[%add3A_901] : memref<32768xf32, #tpu.memory_space<vmem>>[vector<16xi32>], vector<16xf32>,
      %mul3A_903 = arith.mulf %gather3A_902, %get3A_845 : vector<16xf32>
      %add3A_904 = arith.addf %scan3A_839, %mul3A_903 : vector<16xf32>
      %add3A_905 = arith.addi %mul3A_101, %and3A_844 : vector<16xi32>
      %gather3A_906 = tpu.vector_load_idx %arg5[%add3A_905] : memref<32768xf32, #tpu.memory_space<vmem>>[vector<16xi32>], vector<16xf32>,
      %mul3A_907 = arith.mulf %gather3A_906, %get3A_845 : vector<16xf32>
      %add3A_908 = arith.addf %scan3A_840, %mul3A_907 : vector<16xf32>
      scf.yield %add3A_848, %add3A_852, %add3A_856, %add3A_860, %add3A_864, %add3A_868, %add3A_872, %add3A_876, %add3A_880, %add3A_884, %add3A_888, %add3A_892, %add3A_896, %add3A_900, %add3A_904, %add3A_908 : vector<16xf32>, vector<16xf32>, vector<16xf32>, vector<16xf32>, vector<16xf32>, vector<16xf32>, vector<16xf32>, vector<16xf32>, vector<16xf32>, vector<16xf32>, vector<16xf32>, vector<16xf32>, vector<16xf32>, vector<16xf32>, vector<16xf32>, vector<16xf32>
    }
    %scan3A_357 = arith.constant 128 : i32
    %dma_wait3A_358 = tpu.memref_slice %arg4[%add3A_284] : memref<100000xf32, #tpu.memory_space<hbm>> -> memref<256xf32, #tpu.memory_space<hbm>>
    %dma_wait3A_359 = tpu.memref_slice %arg4[%add3A_284] : memref<100000xf32, #tpu.memory_space<hbm>> -> memref<256xf32, #tpu.memory_space<hbm>>
    tpu.wait_dma2 semaphore(%arg12 : memref<!tpu.dma_semaphore, #tpu.memory_space<semaphore_mem>>) src(%arg8 : memref<256xf32, #tpu.memory_space<vmem>>) dst(%dma_wait3A_359 : memref<256xf32, #tpu.memory_space<hbm>>)
    %swap3A_360 = arith.constant 0 : index
    %swap3A_361 = tpu.vector_load %arg8[%swap3A_360] {strides = array<i32>} : memref<256xf32, #tpu.memory_space<vmem>>, vector<16xf32>,
    tpu.vector_store %arg8[%swap3A_360], %scan3A_356#0 {strides = array<i32>} : memref<256xf32, #tpu.memory_space<vmem>>, vector<16xf32>,
    %swap3A_362 = arith.constant 16 : index
    %swap3A_363 = tpu.vector_load %arg8[%swap3A_362] {strides = array<i32>} : memref<256xf32, #tpu.memory_space<vmem>>, vector<16xf32>,
    tpu.vector_store %arg8[%swap3A_362], %scan3A_356#1 {strides = array<i32>} : memref<256xf32, #tpu.memory_space<vmem>>, vector<16xf32>,
    %swap3A_364 = arith.constant 32 : index
    %swap3A_365 = tpu.vector_load %arg8[%swap3A_364] {strides = array<i32>} : memref<256xf32, #tpu.memory_space<vmem>>, vector<16xf32>,
    tpu.vector_store %arg8[%swap3A_364], %scan3A_356#2 {strides = array<i32>} : memref<256xf32, #tpu.memory_space<vmem>>, vector<16xf32>,
    %swap3A_366 = arith.constant 48 : index
    %swap3A_367 = tpu.vector_load %arg8[%swap3A_366] {strides = array<i32>} : memref<256xf32, #tpu.memory_space<vmem>>, vector<16xf32>,
    tpu.vector_store %arg8[%swap3A_366], %scan3A_356#3 {strides = array<i32>} : memref<256xf32, #tpu.memory_space<vmem>>, vector<16xf32>,
    %swap3A_368 = arith.constant 64 : index
    %swap3A_369 = tpu.vector_load %arg8[%swap3A_368] {strides = array<i32>} : memref<256xf32, #tpu.memory_space<vmem>>, vector<16xf32>,
    tpu.vector_store %arg8[%swap3A_368], %scan3A_356#4 {strides = array<i32>} : memref<256xf32, #tpu.memory_space<vmem>>, vector<16xf32>,
    %swap3A_370 = arith.constant 80 : index
    %swap3A_371 = tpu.vector_load %arg8[%swap3A_370] {strides = array<i32>} : memref<256xf32, #tpu.memory_space<vmem>>, vector<16xf32>,
    tpu.vector_store %arg8[%swap3A_370], %scan3A_356#5 {strides = array<i32>} : memref<256xf32, #tpu.memory_space<vmem>>, vector<16xf32>,
    %swap3A_372 = arith.constant 96 : index
    %swap3A_373 = tpu.vector_load %arg8[%swap3A_372] {strides = array<i32>} : memref<256xf32, #tpu.memory_space<vmem>>, vector<16xf32>,
    tpu.vector_store %arg8[%swap3A_372], %scan3A_356#6 {strides = array<i32>} : memref<256xf32, #tpu.memory_space<vmem>>, vector<16xf32>,
    %swap3A_374 = arith.constant 112 : index
    %swap3A_375 = tpu.vector_load %arg8[%swap3A_374] {strides = array<i32>} : memref<256xf32, #tpu.memory_space<vmem>>, vector<16xf32>,
    tpu.vector_store %arg8[%swap3A_374], %scan3A_356#7 {strides = array<i32>} : memref<256xf32, #tpu.memory_space<vmem>>, vector<16xf32>,
    %swap3A_376 = arith.constant 128 : index
    %swap3A_377 = tpu.vector_load %arg8[%swap3A_376] {strides = array<i32>} : memref<256xf32, #tpu.memory_space<vmem>>, vector<16xf32>,
    tpu.vector_store %arg8[%swap3A_376], %scan3A_356#8 {strides = array<i32>} : memref<256xf32, #tpu.memory_space<vmem>>, vector<16xf32>,
    %swap3A_378 = arith.constant 144 : index
    %swap3A_379 = tpu.vector_load %arg8[%swap3A_378] {strides = array<i32>} : memref<256xf32, #tpu.memory_space<vmem>>, vector<16xf32>,
    tpu.vector_store %arg8[%swap3A_378], %scan3A_356#9 {strides = array<i32>} : memref<256xf32, #tpu.memory_space<vmem>>, vector<16xf32>,
    %swap3A_380 = arith.constant 160 : index
    %swap3A_381 = tpu.vector_load %arg8[%swap3A_380] {strides = array<i32>} : memref<256xf32, #tpu.memory_space<vmem>>, vector<16xf32>,
    tpu.vector_store %arg8[%swap3A_380], %scan3A_356#10 {strides = array<i32>} : memref<256xf32, #tpu.memory_space<vmem>>, vector<16xf32>,
    %swap3A_382 = arith.constant 176 : index
    %swap3A_383 = tpu.vector_load %arg8[%swap3A_382] {strides = array<i32>} : memref<256xf32, #tpu.memory_space<vmem>>, vector<16xf32>,
    tpu.vector_store %arg8[%swap3A_382], %scan3A_356#11 {strides = array<i32>} : memref<256xf32, #tpu.memory_space<vmem>>, vector<16xf32>,
    %swap3A_384 = arith.constant 192 : index
    %swap3A_385 = tpu.vector_load %arg8[%swap3A_384] {strides = array<i32>} : memref<256xf32, #tpu.memory_space<vmem>>, vector<16xf32>,
    tpu.vector_store %arg8[%swap3A_384], %scan3A_356#12 {strides = array<i32>} : memref<256xf32, #tpu.memory_space<vmem>>, vector<16xf32>,
    %swap3A_386 = arith.constant 208 : index
    %swap3A_387 = tpu.vector_load %arg8[%swap3A_386] {strides = array<i32>} : memref<256xf32, #tpu.memory_space<vmem>>, vector<16xf32>,
    tpu.vector_store %arg8[%swap3A_386], %scan3A_356#13 {strides = array<i32>} : memref<256xf32, #tpu.memory_space<vmem>>, vector<16xf32>,
    %swap3A_388 = arith.constant 224 : index
    %swap3A_389 = tpu.vector_load %arg8[%swap3A_388] {strides = array<i32>} : memref<256xf32, #tpu.memory_space<vmem>>, vector<16xf32>,
    tpu.vector_store %arg8[%swap3A_388], %scan3A_356#14 {strides = array<i32>} : memref<256xf32, #tpu.memory_space<vmem>>, vector<16xf32>,
    %swap3A_390 = arith.constant 240 : index
    %swap3A_391 = tpu.vector_load %arg8[%swap3A_390] {strides = array<i32>} : memref<256xf32, #tpu.memory_space<vmem>>, vector<16xf32>,
    tpu.vector_store %arg8[%swap3A_390], %scan3A_356#15 {strides = array<i32>} : memref<256xf32, #tpu.memory_space<vmem>>, vector<16xf32>,
    %add3A_392 = arith.addi %mul3A_2, %min3A_110 : i32
    %dma_start3A_393 = tpu.memref_slice %arg4[%add3A_392] : memref<100000xf32, #tpu.memory_space<hbm>> -> memref<256xf32, #tpu.memory_space<hbm>>
    %dma_start3A_394 = tpu.memref_slice %arg4[%add3A_392] : memref<100000xf32, #tpu.memory_space<hbm>> -> memref<256xf32, #tpu.memory_space<hbm>>
    tpu.enqueue_dma source(%arg8 : memref<256xf32, #tpu.memory_space<vmem>>) target(%dma_start3A_394 : memref<256xf32, #tpu.memory_space<hbm>>) target_semaphore(%arg12 : memref<!tpu.dma_semaphore, #tpu.memory_space<semaphore_mem>>)
    %add3A_395 = arith.constant 100000 : i32
    %add3A_396 = arith.addi %add3A_395, %mul3A_2 : i32
    %add3A_397 = arith.addi %add3A_396, %min3A_114 : i32
    %mul3A_398 = arith.constant 128 : i32
    %mul3A_399 = arith.muli %add3A_397, %mul3A_398 : i32
    %dma_start3A_400 = tpu.memref_slice %arg2[%mul3A_399] : memref<25600000xf32, #tpu.memory_space<hbm>> -> memref<32768xf32, #tpu.memory_space<hbm>>
    %dma_start3A_401 = tpu.memref_slice %arg2[%mul3A_399] : memref<25600000xf32, #tpu.memory_space<hbm>> -> memref<32768xf32, #tpu.memory_space<hbm>>
    tpu.enqueue_dma source(%dma_start3A_401 : memref<32768xf32, #tpu.memory_space<hbm>>) target(%arg5 : memref<32768xf32, #tpu.memory_space<vmem>>) target_semaphore(%arg10 : memref<!tpu.dma_semaphore, #tpu.memory_space<semaphore_mem>>)
    %dma_wait3A_402 = tpu.memref_slice %arg2[%mul3A_345] : memref<25600000xf32, #tpu.memory_space<hbm>> -> memref<32768xf32, #tpu.memory_space<hbm>>
    %dma_wait3A_403 = tpu.memref_slice %arg2[%mul3A_345] : memref<25600000xf32, #tpu.memory_space<hbm>> -> memref<32768xf32, #tpu.memory_space<hbm>>
    tpu.wait_dma2 semaphore(%arg11 : memref<!tpu.dma_semaphore, #tpu.memory_space<semaphore_mem>>) src(%dma_wait3A_403 : memref<32768xf32, #tpu.memory_space<hbm>>) dst(%arg6 : memref<32768xf32, #tpu.memory_space<vmem>>)
    %broadcast_in_dim3A_404 = arith.constant 0.000000e+00 : f32
    %broadcast_in_dim3A_405 = vector.broadcast %broadcast_in_dim3A_404 : f32 to vector<16xf32>
    %scan3A_406 = arith.constant 0 : i32
    %scan3A_407 = arith.constant 128 : i32
    %scan3A_408 = arith.addi %scan3A_406, %scan3A_407 : i32
    %scan3A_409 = arith.constant 1 : i32
    %scan3A_410:16 = scf.for %scan3A_824 = %scan3A_406 to %scan3A_408 step %scan3A_409 iter_args(%scan3A_825 = %broadcast_in_dim3A_405, %scan3A_826 = %broadcast_in_dim3A_405, %scan3A_827 = %broadcast_in_dim3A_405, %scan3A_828 = %broadcast_in_dim3A_405, %scan3A_829 = %broadcast_in_dim3A_405, %scan3A_830 = %broadcast_in_dim3A_405, %scan3A_831 = %broadcast_in_dim3A_405, %scan3A_832 = %broadcast_in_dim3A_405, %scan3A_833 = %broadcast_in_dim3A_405, %scan3A_834 = %broadcast_in_dim3A_405, %scan3A_835 = %broadcast_in_dim3A_405, %scan3A_836 = %broadcast_in_dim3A_405, %scan3A_837 = %broadcast_in_dim3A_405, %scan3A_838 = %broadcast_in_dim3A_405, %scan3A_839 = %broadcast_in_dim3A_405, %scan3A_840 = %broadcast_in_dim3A_405) -> (vector<16xf32>, vector<16xf32>, vector<16xf32>, vector<16xf32>, vector<16xf32>, vector<16xf32>, vector<16xf32>, vector<16xf32>, vector<16xf32>, vector<16xf32>, vector<16xf32>, vector<16xf32>, vector<16xf32>, vector<16xf32>, vector<16xf32>, vector<16xf32>)  : i32 {
      %add3A_841 = vector.broadcast %scan3A_824 : i32 to vector<16xi32>
      %add3A_842 = arith.addi %iota3A, %add3A_841 : vector<16xi32>
      %and3A = arith.constant 127 : i32
      %and3A_843 = vector.broadcast %and3A : i32 to vector<16xi32>
      %and3A_844 = arith.andi %add3A_842, %and3A_843 : vector<16xi32>
      %get3A = arith.index_cast %scan3A_824 : i32 to index
      %get3A_845 = tpu.vector_load %arg7[%get3A] {strides = array<i32>} : memref<160xf32, #tpu.memory_space<vmem>>, vector<16xf32>,
      %add3A_846 = arith.addi %mul3A_11, %and3A_844 : vector<16xi32>
      %gather3A = tpu.vector_load_idx %arg6[%add3A_846] : memref<32768xf32, #tpu.memory_space<vmem>>[vector<16xi32>], vector<16xf32>,
      %mul3A_847 = arith.mulf %gather3A, %get3A_845 : vector<16xf32>
      %add3A_848 = arith.addf %scan3A_825, %mul3A_847 : vector<16xf32>
      %add3A_849 = arith.addi %mul3A_17, %and3A_844 : vector<16xi32>
      %gather3A_850 = tpu.vector_load_idx %arg6[%add3A_849] : memref<32768xf32, #tpu.memory_space<vmem>>[vector<16xi32>], vector<16xf32>,
      %mul3A_851 = arith.mulf %gather3A_850, %get3A_845 : vector<16xf32>
      %add3A_852 = arith.addf %scan3A_826, %mul3A_851 : vector<16xf32>
      %add3A_853 = arith.addi %mul3A_23, %and3A_844 : vector<16xi32>
      %gather3A_854 = tpu.vector_load_idx %arg6[%add3A_853] : memref<32768xf32, #tpu.memory_space<vmem>>[vector<16xi32>], vector<16xf32>,
      %mul3A_855 = arith.mulf %gather3A_854, %get3A_845 : vector<16xf32>
      %add3A_856 = arith.addf %scan3A_827, %mul3A_855 : vector<16xf32>
      %add3A_857 = arith.addi %mul3A_29, %and3A_844 : vector<16xi32>
      %gather3A_858 = tpu.vector_load_idx %arg6[%add3A_857] : memref<32768xf32, #tpu.memory_space<vmem>>[vector<16xi32>], vector<16xf32>,
      %mul3A_859 = arith.mulf %gather3A_858, %get3A_845 : vector<16xf32>
      %add3A_860 = arith.addf %scan3A_828, %mul3A_859 : vector<16xf32>
      %add3A_861 = arith.addi %mul3A_35, %and3A_844 : vector<16xi32>
      %gather3A_862 = tpu.vector_load_idx %arg6[%add3A_861] : memref<32768xf32, #tpu.memory_space<vmem>>[vector<16xi32>], vector<16xf32>,
      %mul3A_863 = arith.mulf %gather3A_862, %get3A_845 : vector<16xf32>
      %add3A_864 = arith.addf %scan3A_829, %mul3A_863 : vector<16xf32>
      %add3A_865 = arith.addi %mul3A_41, %and3A_844 : vector<16xi32>
      %gather3A_866 = tpu.vector_load_idx %arg6[%add3A_865] : memref<32768xf32, #tpu.memory_space<vmem>>[vector<16xi32>], vector<16xf32>,
      %mul3A_867 = arith.mulf %gather3A_866, %get3A_845 : vector<16xf32>
      %add3A_868 = arith.addf %scan3A_830, %mul3A_867 : vector<16xf32>
      %add3A_869 = arith.addi %mul3A_47, %and3A_844 : vector<16xi32>
      %gather3A_870 = tpu.vector_load_idx %arg6[%add3A_869] : memref<32768xf32, #tpu.memory_space<vmem>>[vector<16xi32>], vector<16xf32>,
      %mul3A_871 = arith.mulf %gather3A_870, %get3A_845 : vector<16xf32>
      %add3A_872 = arith.addf %scan3A_831, %mul3A_871 : vector<16xf32>
      %add3A_873 = arith.addi %mul3A_53, %and3A_844 : vector<16xi32>
      %gather3A_874 = tpu.vector_load_idx %arg6[%add3A_873] : memref<32768xf32, #tpu.memory_space<vmem>>[vector<16xi32>], vector<16xf32>,
      %mul3A_875 = arith.mulf %gather3A_874, %get3A_845 : vector<16xf32>
      %add3A_876 = arith.addf %scan3A_832, %mul3A_875 : vector<16xf32>
      %add3A_877 = arith.addi %mul3A_59, %and3A_844 : vector<16xi32>
      %gather3A_878 = tpu.vector_load_idx %arg6[%add3A_877] : memref<32768xf32, #tpu.memory_space<vmem>>[vector<16xi32>], vector<16xf32>,
      %mul3A_879 = arith.mulf %gather3A_878, %get3A_845 : vector<16xf32>
      %add3A_880 = arith.addf %scan3A_833, %mul3A_879 : vector<16xf32>
      %add3A_881 = arith.addi %mul3A_65, %and3A_844 : vector<16xi32>
      %gather3A_882 = tpu.vector_load_idx %arg6[%add3A_881] : memref<32768xf32, #tpu.memory_space<vmem>>[vector<16xi32>], vector<16xf32>,
      %mul3A_883 = arith.mulf %gather3A_882, %get3A_845 : vector<16xf32>
      %add3A_884 = arith.addf %scan3A_834, %mul3A_883 : vector<16xf32>
      %add3A_885 = arith.addi %mul3A_71, %and3A_844 : vector<16xi32>
      %gather3A_886 = tpu.vector_load_idx %arg6[%add3A_885] : memref<32768xf32, #tpu.memory_space<vmem>>[vector<16xi32>], vector<16xf32>,
      %mul3A_887 = arith.mulf %gather3A_886, %get3A_845 : vector<16xf32>
      %add3A_888 = arith.addf %scan3A_835, %mul3A_887 : vector<16xf32>
      %add3A_889 = arith.addi %mul3A_77, %and3A_844 : vector<16xi32>
      %gather3A_890 = tpu.vector_load_idx %arg6[%add3A_889] : memref<32768xf32, #tpu.memory_space<vmem>>[vector<16xi32>], vector<16xf32>,
      %mul3A_891 = arith.mulf %gather3A_890, %get3A_845 : vector<16xf32>
      %add3A_892 = arith.addf %scan3A_836, %mul3A_891 : vector<16xf32>
      %add3A_893 = arith.addi %mul3A_83, %and3A_844 : vector<16xi32>
      %gather3A_894 = tpu.vector_load_idx %arg6[%add3A_893] : memref<32768xf32, #tpu.memory_space<vmem>>[vector<16xi32>], vector<16xf32>,
      %mul3A_895 = arith.mulf %gather3A_894, %get3A_845 : vector<16xf32>
      %add3A_896 = arith.addf %scan3A_837, %mul3A_895 : vector<16xf32>
      %add3A_897 = arith.addi %mul3A_89, %and3A_844 : vector<16xi32>
      %gather3A_898 = tpu.vector_load_idx %arg6[%add3A_897] : memref<32768xf32, #tpu.memory_space<vmem>>[vector<16xi32>], vector<16xf32>,
      %mul3A_899 = arith.mulf %gather3A_898, %get3A_845 : vector<16xf32>
      %add3A_900 = arith.addf %scan3A_838, %mul3A_899 : vector<16xf32>
      %add3A_901 = arith.addi %mul3A_95, %and3A_844 : vector<16xi32>
      %gather3A_902 = tpu.vector_load_idx %arg6[%add3A_901] : memref<32768xf32, #tpu.memory_space<vmem>>[vector<16xi32>], vector<16xf32>,
      %mul3A_903 = arith.mulf %gather3A_902, %get3A_845 : vector<16xf32>
      %add3A_904 = arith.addf %scan3A_839, %mul3A_903 : vector<16xf32>
      %add3A_905 = arith.addi %mul3A_101, %and3A_844 : vector<16xi32>
      %gather3A_906 = tpu.vector_load_idx %arg6[%add3A_905] : memref<32768xf32, #tpu.memory_space<vmem>>[vector<16xi32>], vector<16xf32>,
      %mul3A_907 = arith.mulf %gather3A_906, %get3A_845 : vector<16xf32>
      %add3A_908 = arith.addf %scan3A_840, %mul3A_907 : vector<16xf32>
      scf.yield %add3A_848, %add3A_852, %add3A_856, %add3A_860, %add3A_864, %add3A_868, %add3A_872, %add3A_876, %add3A_880, %add3A_884, %add3A_888, %add3A_892, %add3A_896, %add3A_900, %add3A_904, %add3A_908 : vector<16xf32>, vector<16xf32>, vector<16xf32>, vector<16xf32>, vector<16xf32>, vector<16xf32>, vector<16xf32>, vector<16xf32>, vector<16xf32>, vector<16xf32>, vector<16xf32>, vector<16xf32>, vector<16xf32>, vector<16xf32>, vector<16xf32>, vector<16xf32>
    }
    %scan3A_411 = arith.constant 128 : i32
    %dma_wait3A_412 = tpu.memref_slice %arg4[%add3A_338] : memref<100000xf32, #tpu.memory_space<hbm>> -> memref<256xf32, #tpu.memory_space<hbm>>
    %dma_wait3A_413 = tpu.memref_slice %arg4[%add3A_338] : memref<100000xf32, #tpu.memory_space<hbm>> -> memref<256xf32, #tpu.memory_space<hbm>>
    tpu.wait_dma2 semaphore(%arg13 : memref<!tpu.dma_semaphore, #tpu.memory_space<semaphore_mem>>) src(%arg9 : memref<256xf32, #tpu.memory_space<vmem>>) dst(%dma_wait3A_413 : memref<256xf32, #tpu.memory_space<hbm>>)
    %swap3A_414 = arith.constant 0 : index
    %swap3A_415 = tpu.vector_load %arg9[%swap3A_414] {strides = array<i32>} : memref<256xf32, #tpu.memory_space<vmem>>, vector<16xf32>,
    tpu.vector_store %arg9[%swap3A_414], %scan3A_410#0 {strides = array<i32>} : memref<256xf32, #tpu.memory_space<vmem>>, vector<16xf32>,
    %swap3A_416 = arith.constant 16 : index
    %swap3A_417 = tpu.vector_load %arg9[%swap3A_416] {strides = array<i32>} : memref<256xf32, #tpu.memory_space<vmem>>, vector<16xf32>,
    tpu.vector_store %arg9[%swap3A_416], %scan3A_410#1 {strides = array<i32>} : memref<256xf32, #tpu.memory_space<vmem>>, vector<16xf32>,
    %swap3A_418 = arith.constant 32 : index
    %swap3A_419 = tpu.vector_load %arg9[%swap3A_418] {strides = array<i32>} : memref<256xf32, #tpu.memory_space<vmem>>, vector<16xf32>,
    tpu.vector_store %arg9[%swap3A_418], %scan3A_410#2 {strides = array<i32>} : memref<256xf32, #tpu.memory_space<vmem>>, vector<16xf32>,
    %swap3A_420 = arith.constant 48 : index
    %swap3A_421 = tpu.vector_load %arg9[%swap3A_420] {strides = array<i32>} : memref<256xf32, #tpu.memory_space<vmem>>, vector<16xf32>,
    tpu.vector_store %arg9[%swap3A_420], %scan3A_410#3 {strides = array<i32>} : memref<256xf32, #tpu.memory_space<vmem>>, vector<16xf32>,
    %swap3A_422 = arith.constant 64 : index
    %swap3A_423 = tpu.vector_load %arg9[%swap3A_422] {strides = array<i32>} : memref<256xf32, #tpu.memory_space<vmem>>, vector<16xf32>,
    tpu.vector_store %arg9[%swap3A_422], %scan3A_410#4 {strides = array<i32>} : memref<256xf32, #tpu.memory_space<vmem>>, vector<16xf32>,
    %swap3A_424 = arith.constant 80 : index
    %swap3A_425 = tpu.vector_load %arg9[%swap3A_424] {strides = array<i32>} : memref<256xf32, #tpu.memory_space<vmem>>, vector<16xf32>,
    tpu.vector_store %arg9[%swap3A_424], %scan3A_410#5 {strides = array<i32>} : memref<256xf32, #tpu.memory_space<vmem>>, vector<16xf32>,
    %swap3A_426 = arith.constant 96 : index
    %swap3A_427 = tpu.vector_load %arg9[%swap3A_426] {strides = array<i32>} : memref<256xf32, #tpu.memory_space<vmem>>, vector<16xf32>,
    tpu.vector_store %arg9[%swap3A_426], %scan3A_410#6 {strides = array<i32>} : memref<256xf32, #tpu.memory_space<vmem>>, vector<16xf32>,
    %swap3A_428 = arith.constant 112 : index
    %swap3A_429 = tpu.vector_load %arg9[%swap3A_428] {strides = array<i32>} : memref<256xf32, #tpu.memory_space<vmem>>, vector<16xf32>,
    tpu.vector_store %arg9[%swap3A_428], %scan3A_410#7 {strides = array<i32>} : memref<256xf32, #tpu.memory_space<vmem>>, vector<16xf32>,
    %swap3A_430 = arith.constant 128 : index
    %swap3A_431 = tpu.vector_load %arg9[%swap3A_430] {strides = array<i32>} : memref<256xf32, #tpu.memory_space<vmem>>, vector<16xf32>,
    tpu.vector_store %arg9[%swap3A_430], %scan3A_410#8 {strides = array<i32>} : memref<256xf32, #tpu.memory_space<vmem>>, vector<16xf32>,
    %swap3A_432 = arith.constant 144 : index
    %swap3A_433 = tpu.vector_load %arg9[%swap3A_432] {strides = array<i32>} : memref<256xf32, #tpu.memory_space<vmem>>, vector<16xf32>,
    tpu.vector_store %arg9[%swap3A_432], %scan3A_410#9 {strides = array<i32>} : memref<256xf32, #tpu.memory_space<vmem>>, vector<16xf32>,
    %swap3A_434 = arith.constant 160 : index
    %swap3A_435 = tpu.vector_load %arg9[%swap3A_434] {strides = array<i32>} : memref<256xf32, #tpu.memory_space<vmem>>, vector<16xf32>,
    tpu.vector_store %arg9[%swap3A_434], %scan3A_410#10 {strides = array<i32>} : memref<256xf32, #tpu.memory_space<vmem>>, vector<16xf32>,
    %swap3A_436 = arith.constant 176 : index
    %swap3A_437 = tpu.vector_load %arg9[%swap3A_436] {strides = array<i32>} : memref<256xf32, #tpu.memory_space<vmem>>, vector<16xf32>,
    tpu.vector_store %arg9[%swap3A_436], %scan3A_410#11 {strides = array<i32>} : memref<256xf32, #tpu.memory_space<vmem>>, vector<16xf32>,
    %swap3A_438 = arith.constant 192 : index
    %swap3A_439 = tpu.vector_load %arg9[%swap3A_438] {strides = array<i32>} : memref<256xf32, #tpu.memory_space<vmem>>, vector<16xf32>,
    tpu.vector_store %arg9[%swap3A_438], %scan3A_410#12 {strides = array<i32>} : memref<256xf32, #tpu.memory_space<vmem>>, vector<16xf32>,
    %swap3A_440 = arith.constant 208 : index
    %swap3A_441 = tpu.vector_load %arg9[%swap3A_440] {strides = array<i32>} : memref<256xf32, #tpu.memory_space<vmem>>, vector<16xf32>,
    tpu.vector_store %arg9[%swap3A_440], %scan3A_410#13 {strides = array<i32>} : memref<256xf32, #tpu.memory_space<vmem>>, vector<16xf32>,
    %swap3A_442 = arith.constant 224 : index
    %swap3A_443 = tpu.vector_load %arg9[%swap3A_442] {strides = array<i32>} : memref<256xf32, #tpu.memory_space<vmem>>, vector<16xf32>,
    tpu.vector_store %arg9[%swap3A_442], %scan3A_410#14 {strides = array<i32>} : memref<256xf32, #tpu.memory_space<vmem>>, vector<16xf32>,
    %swap3A_444 = arith.constant 240 : index
    %swap3A_445 = tpu.vector_load %arg9[%swap3A_444] {strides = array<i32>} : memref<256xf32, #tpu.memory_space<vmem>>, vector<16xf32>,
    tpu.vector_store %arg9[%swap3A_444], %scan3A_410#15 {strides = array<i32>} : memref<256xf32, #tpu.memory_space<vmem>>, vector<16xf32>,
    %add3A_446 = arith.addi %mul3A_2, %min3A_112 : i32
    %dma_start3A_447 = tpu.memref_slice %arg4[%add3A_446] : memref<100000xf32, #tpu.memory_space<hbm>> -> memref<256xf32, #tpu.memory_space<hbm>>
    %dma_start3A_448 = tpu.memref_slice %arg4[%add3A_446] : memref<100000xf32, #tpu.memory_space<hbm>> -> memref<256xf32, #tpu.memory_space<hbm>>
    tpu.enqueue_dma source(%arg9 : memref<256xf32, #tpu.memory_space<vmem>>) target(%dma_start3A_448 : memref<256xf32, #tpu.memory_space<hbm>>) target_semaphore(%arg13 : memref<!tpu.dma_semaphore, #tpu.memory_space<semaphore_mem>>)
    %add3A_449 = arith.constant 100000 : i32
    %add3A_450 = arith.addi %add3A_449, %mul3A_2 : i32
    %add3A_451 = arith.addi %add3A_450, %min3A_116 : i32
    %mul3A_452 = arith.constant 128 : i32
    %mul3A_453 = arith.muli %add3A_451, %mul3A_452 : i32
    %dma_start3A_454 = tpu.memref_slice %arg2[%mul3A_453] : memref<25600000xf32, #tpu.memory_space<hbm>> -> memref<32768xf32, #tpu.memory_space<hbm>>
    %dma_start3A_455 = tpu.memref_slice %arg2[%mul3A_453] : memref<25600000xf32, #tpu.memory_space<hbm>> -> memref<32768xf32, #tpu.memory_space<hbm>>
    tpu.enqueue_dma source(%dma_start3A_455 : memref<32768xf32, #tpu.memory_space<hbm>>) target(%arg6 : memref<32768xf32, #tpu.memory_space<vmem>>) target_semaphore(%arg11 : memref<!tpu.dma_semaphore, #tpu.memory_space<semaphore_mem>>)
    %dma_wait3A_456 = tpu.memref_slice %arg2[%mul3A_399] : memref<25600000xf32, #tpu.memory_space<hbm>> -> memref<32768xf32, #tpu.memory_space<hbm>>
    %dma_wait3A_457 = tpu.memref_slice %arg2[%mul3A_399] : memref<25600000xf32, #tpu.memory_space<hbm>> -> memref<32768xf32, #tpu.memory_space<hbm>>
    tpu.wait_dma2 semaphore(%arg10 : memref<!tpu.dma_semaphore, #tpu.memory_space<semaphore_mem>>) src(%dma_wait3A_457 : memref<32768xf32, #tpu.memory_space<hbm>>) dst(%arg5 : memref<32768xf32, #tpu.memory_space<vmem>>)
    %broadcast_in_dim3A_458 = arith.constant 0.000000e+00 : f32
    %broadcast_in_dim3A_459 = vector.broadcast %broadcast_in_dim3A_458 : f32 to vector<16xf32>
    %scan3A_460 = arith.constant 0 : i32
    %scan3A_461 = arith.constant 128 : i32
    %scan3A_462 = arith.addi %scan3A_460, %scan3A_461 : i32
    %scan3A_463 = arith.constant 1 : i32
    %scan3A_464:16 = scf.for %scan3A_824 = %scan3A_460 to %scan3A_462 step %scan3A_463 iter_args(%scan3A_825 = %broadcast_in_dim3A_459, %scan3A_826 = %broadcast_in_dim3A_459, %scan3A_827 = %broadcast_in_dim3A_459, %scan3A_828 = %broadcast_in_dim3A_459, %scan3A_829 = %broadcast_in_dim3A_459, %scan3A_830 = %broadcast_in_dim3A_459, %scan3A_831 = %broadcast_in_dim3A_459, %scan3A_832 = %broadcast_in_dim3A_459, %scan3A_833 = %broadcast_in_dim3A_459, %scan3A_834 = %broadcast_in_dim3A_459, %scan3A_835 = %broadcast_in_dim3A_459, %scan3A_836 = %broadcast_in_dim3A_459, %scan3A_837 = %broadcast_in_dim3A_459, %scan3A_838 = %broadcast_in_dim3A_459, %scan3A_839 = %broadcast_in_dim3A_459, %scan3A_840 = %broadcast_in_dim3A_459) -> (vector<16xf32>, vector<16xf32>, vector<16xf32>, vector<16xf32>, vector<16xf32>, vector<16xf32>, vector<16xf32>, vector<16xf32>, vector<16xf32>, vector<16xf32>, vector<16xf32>, vector<16xf32>, vector<16xf32>, vector<16xf32>, vector<16xf32>, vector<16xf32>)  : i32 {
      %add3A_841 = vector.broadcast %scan3A_824 : i32 to vector<16xi32>
      %add3A_842 = arith.addi %iota3A, %add3A_841 : vector<16xi32>
      %and3A = arith.constant 127 : i32
      %and3A_843 = vector.broadcast %and3A : i32 to vector<16xi32>
      %and3A_844 = arith.andi %add3A_842, %and3A_843 : vector<16xi32>
      %get3A = arith.index_cast %scan3A_824 : i32 to index
      %get3A_845 = tpu.vector_load %arg7[%get3A] {strides = array<i32>} : memref<160xf32, #tpu.memory_space<vmem>>, vector<16xf32>,
      %add3A_846 = arith.addi %mul3A_11, %and3A_844 : vector<16xi32>
      %gather3A = tpu.vector_load_idx %arg5[%add3A_846] : memref<32768xf32, #tpu.memory_space<vmem>>[vector<16xi32>], vector<16xf32>,
      %mul3A_847 = arith.mulf %gather3A, %get3A_845 : vector<16xf32>
      %add3A_848 = arith.addf %scan3A_825, %mul3A_847 : vector<16xf32>
      %add3A_849 = arith.addi %mul3A_17, %and3A_844 : vector<16xi32>
      %gather3A_850 = tpu.vector_load_idx %arg5[%add3A_849] : memref<32768xf32, #tpu.memory_space<vmem>>[vector<16xi32>], vector<16xf32>,
      %mul3A_851 = arith.mulf %gather3A_850, %get3A_845 : vector<16xf32>
      %add3A_852 = arith.addf %scan3A_826, %mul3A_851 : vector<16xf32>
      %add3A_853 = arith.addi %mul3A_23, %and3A_844 : vector<16xi32>
      %gather3A_854 = tpu.vector_load_idx %arg5[%add3A_853] : memref<32768xf32, #tpu.memory_space<vmem>>[vector<16xi32>], vector<16xf32>,
      %mul3A_855 = arith.mulf %gather3A_854, %get3A_845 : vector<16xf32>
      %add3A_856 = arith.addf %scan3A_827, %mul3A_855 : vector<16xf32>
      %add3A_857 = arith.addi %mul3A_29, %and3A_844 : vector<16xi32>
      %gather3A_858 = tpu.vector_load_idx %arg5[%add3A_857] : memref<32768xf32, #tpu.memory_space<vmem>>[vector<16xi32>], vector<16xf32>,
      %mul3A_859 = arith.mulf %gather3A_858, %get3A_845 : vector<16xf32>
      %add3A_860 = arith.addf %scan3A_828, %mul3A_859 : vector<16xf32>
      %add3A_861 = arith.addi %mul3A_35, %and3A_844 : vector<16xi32>
      %gather3A_862 = tpu.vector_load_idx %arg5[%add3A_861] : memref<32768xf32, #tpu.memory_space<vmem>>[vector<16xi32>], vector<16xf32>,
      %mul3A_863 = arith.mulf %gather3A_862, %get3A_845 : vector<16xf32>
      %add3A_864 = arith.addf %scan3A_829, %mul3A_863 : vector<16xf32>
      %add3A_865 = arith.addi %mul3A_41, %and3A_844 : vector<16xi32>
      %gather3A_866 = tpu.vector_load_idx %arg5[%add3A_865] : memref<32768xf32, #tpu.memory_space<vmem>>[vector<16xi32>], vector<16xf32>,
      %mul3A_867 = arith.mulf %gather3A_866, %get3A_845 : vector<16xf32>
      %add3A_868 = arith.addf %scan3A_830, %mul3A_867 : vector<16xf32>
      %add3A_869 = arith.addi %mul3A_47, %and3A_844 : vector<16xi32>
      %gather3A_870 = tpu.vector_load_idx %arg5[%add3A_869] : memref<32768xf32, #tpu.memory_space<vmem>>[vector<16xi32>], vector<16xf32>,
      %mul3A_871 = arith.mulf %gather3A_870, %get3A_845 : vector<16xf32>
      %add3A_872 = arith.addf %scan3A_831, %mul3A_871 : vector<16xf32>
      %add3A_873 = arith.addi %mul3A_53, %and3A_844 : vector<16xi32>
      %gather3A_874 = tpu.vector_load_idx %arg5[%add3A_873] : memref<32768xf32, #tpu.memory_space<vmem>>[vector<16xi32>], vector<16xf32>,
      %mul3A_875 = arith.mulf %gather3A_874, %get3A_845 : vector<16xf32>
      %add3A_876 = arith.addf %scan3A_832, %mul3A_875 : vector<16xf32>
      %add3A_877 = arith.addi %mul3A_59, %and3A_844 : vector<16xi32>
      %gather3A_878 = tpu.vector_load_idx %arg5[%add3A_877] : memref<32768xf32, #tpu.memory_space<vmem>>[vector<16xi32>], vector<16xf32>,
      %mul3A_879 = arith.mulf %gather3A_878, %get3A_845 : vector<16xf32>
      %add3A_880 = arith.addf %scan3A_833, %mul3A_879 : vector<16xf32>
      %add3A_881 = arith.addi %mul3A_65, %and3A_844 : vector<16xi32>
      %gather3A_882 = tpu.vector_load_idx %arg5[%add3A_881] : memref<32768xf32, #tpu.memory_space<vmem>>[vector<16xi32>], vector<16xf32>,
      %mul3A_883 = arith.mulf %gather3A_882, %get3A_845 : vector<16xf32>
      %add3A_884 = arith.addf %scan3A_834, %mul3A_883 : vector<16xf32>
      %add3A_885 = arith.addi %mul3A_71, %and3A_844 : vector<16xi32>
      %gather3A_886 = tpu.vector_load_idx %arg5[%add3A_885] : memref<32768xf32, #tpu.memory_space<vmem>>[vector<16xi32>], vector<16xf32>,
      %mul3A_887 = arith.mulf %gather3A_886, %get3A_845 : vector<16xf32>
      %add3A_888 = arith.addf %scan3A_835, %mul3A_887 : vector<16xf32>
      %add3A_889 = arith.addi %mul3A_77, %and3A_844 : vector<16xi32>
      %gather3A_890 = tpu.vector_load_idx %arg5[%add3A_889] : memref<32768xf32, #tpu.memory_space<vmem>>[vector<16xi32>], vector<16xf32>,
      %mul3A_891 = arith.mulf %gather3A_890, %get3A_845 : vector<16xf32>
      %add3A_892 = arith.addf %scan3A_836, %mul3A_891 : vector<16xf32>
      %add3A_893 = arith.addi %mul3A_83, %and3A_844 : vector<16xi32>
      %gather3A_894 = tpu.vector_load_idx %arg5[%add3A_893] : memref<32768xf32, #tpu.memory_space<vmem>>[vector<16xi32>], vector<16xf32>,
      %mul3A_895 = arith.mulf %gather3A_894, %get3A_845 : vector<16xf32>
      %add3A_896 = arith.addf %scan3A_837, %mul3A_895 : vector<16xf32>
      %add3A_897 = arith.addi %mul3A_89, %and3A_844 : vector<16xi32>
      %gather3A_898 = tpu.vector_load_idx %arg5[%add3A_897] : memref<32768xf32, #tpu.memory_space<vmem>>[vector<16xi32>], vector<16xf32>,
      %mul3A_899 = arith.mulf %gather3A_898, %get3A_845 : vector<16xf32>
      %add3A_900 = arith.addf %scan3A_838, %mul3A_899 : vector<16xf32>
      %add3A_901 = arith.addi %mul3A_95, %and3A_844 : vector<16xi32>
      %gather3A_902 = tpu.vector_load_idx %arg5[%add3A_901] : memref<32768xf32, #tpu.memory_space<vmem>>[vector<16xi32>], vector<16xf32>,
      %mul3A_903 = arith.mulf %gather3A_902, %get3A_845 : vector<16xf32>
      %add3A_904 = arith.addf %scan3A_839, %mul3A_903 : vector<16xf32>
      %add3A_905 = arith.addi %mul3A_101, %and3A_844 : vector<16xi32>
      %gather3A_906 = tpu.vector_load_idx %arg5[%add3A_905] : memref<32768xf32, #tpu.memory_space<vmem>>[vector<16xi32>], vector<16xf32>,
      %mul3A_907 = arith.mulf %gather3A_906, %get3A_845 : vector<16xf32>
      %add3A_908 = arith.addf %scan3A_840, %mul3A_907 : vector<16xf32>
      scf.yield %add3A_848, %add3A_852, %add3A_856, %add3A_860, %add3A_864, %add3A_868, %add3A_872, %add3A_876, %add3A_880, %add3A_884, %add3A_888, %add3A_892, %add3A_896, %add3A_900, %add3A_904, %add3A_908 : vector<16xf32>, vector<16xf32>, vector<16xf32>, vector<16xf32>, vector<16xf32>, vector<16xf32>, vector<16xf32>, vector<16xf32>, vector<16xf32>, vector<16xf32>, vector<16xf32>, vector<16xf32>, vector<16xf32>, vector<16xf32>, vector<16xf32>, vector<16xf32>
    }
    %scan3A_465 = arith.constant 128 : i32
    %dma_wait3A_466 = tpu.memref_slice %arg4[%add3A_392] : memref<100000xf32, #tpu.memory_space<hbm>> -> memref<256xf32, #tpu.memory_space<hbm>>
    %dma_wait3A_467 = tpu.memref_slice %arg4[%add3A_392] : memref<100000xf32, #tpu.memory_space<hbm>> -> memref<256xf32, #tpu.memory_space<hbm>>
    tpu.wait_dma2 semaphore(%arg12 : memref<!tpu.dma_semaphore, #tpu.memory_space<semaphore_mem>>) src(%arg8 : memref<256xf32, #tpu.memory_space<vmem>>) dst(%dma_wait3A_467 : memref<256xf32, #tpu.memory_space<hbm>>)
    %swap3A_468 = arith.constant 0 : index
    %swap3A_469 = tpu.vector_load %arg8[%swap3A_468] {strides = array<i32>} : memref<256xf32, #tpu.memory_space<vmem>>, vector<16xf32>,
    tpu.vector_store %arg8[%swap3A_468], %scan3A_464#0 {strides = array<i32>} : memref<256xf32, #tpu.memory_space<vmem>>, vector<16xf32>,
    %swap3A_470 = arith.constant 16 : index
    %swap3A_471 = tpu.vector_load %arg8[%swap3A_470] {strides = array<i32>} : memref<256xf32, #tpu.memory_space<vmem>>, vector<16xf32>,
    tpu.vector_store %arg8[%swap3A_470], %scan3A_464#1 {strides = array<i32>} : memref<256xf32, #tpu.memory_space<vmem>>, vector<16xf32>,
    %swap3A_472 = arith.constant 32 : index
    %swap3A_473 = tpu.vector_load %arg8[%swap3A_472] {strides = array<i32>} : memref<256xf32, #tpu.memory_space<vmem>>, vector<16xf32>,
    tpu.vector_store %arg8[%swap3A_472], %scan3A_464#2 {strides = array<i32>} : memref<256xf32, #tpu.memory_space<vmem>>, vector<16xf32>,
    %swap3A_474 = arith.constant 48 : index
    %swap3A_475 = tpu.vector_load %arg8[%swap3A_474] {strides = array<i32>} : memref<256xf32, #tpu.memory_space<vmem>>, vector<16xf32>,
    tpu.vector_store %arg8[%swap3A_474], %scan3A_464#3 {strides = array<i32>} : memref<256xf32, #tpu.memory_space<vmem>>, vector<16xf32>,
    %swap3A_476 = arith.constant 64 : index
    %swap3A_477 = tpu.vector_load %arg8[%swap3A_476] {strides = array<i32>} : memref<256xf32, #tpu.memory_space<vmem>>, vector<16xf32>,
    tpu.vector_store %arg8[%swap3A_476], %scan3A_464#4 {strides = array<i32>} : memref<256xf32, #tpu.memory_space<vmem>>, vector<16xf32>,
    %swap3A_478 = arith.constant 80 : index
    %swap3A_479 = tpu.vector_load %arg8[%swap3A_478] {strides = array<i32>} : memref<256xf32, #tpu.memory_space<vmem>>, vector<16xf32>,
    tpu.vector_store %arg8[%swap3A_478], %scan3A_464#5 {strides = array<i32>} : memref<256xf32, #tpu.memory_space<vmem>>, vector<16xf32>,
    %swap3A_480 = arith.constant 96 : index
    %swap3A_481 = tpu.vector_load %arg8[%swap3A_480] {strides = array<i32>} : memref<256xf32, #tpu.memory_space<vmem>>, vector<16xf32>,
    tpu.vector_store %arg8[%swap3A_480], %scan3A_464#6 {strides = array<i32>} : memref<256xf32, #tpu.memory_space<vmem>>, vector<16xf32>,
    %swap3A_482 = arith.constant 112 : index
    %swap3A_483 = tpu.vector_load %arg8[%swap3A_482] {strides = array<i32>} : memref<256xf32, #tpu.memory_space<vmem>>, vector<16xf32>,
    tpu.vector_store %arg8[%swap3A_482], %scan3A_464#7 {strides = array<i32>} : memref<256xf32, #tpu.memory_space<vmem>>, vector<16xf32>,
    %swap3A_484 = arith.constant 128 : index
    %swap3A_485 = tpu.vector_load %arg8[%swap3A_484] {strides = array<i32>} : memref<256xf32, #tpu.memory_space<vmem>>, vector<16xf32>,
    tpu.vector_store %arg8[%swap3A_484], %scan3A_464#8 {strides = array<i32>} : memref<256xf32, #tpu.memory_space<vmem>>, vector<16xf32>,
    %swap3A_486 = arith.constant 144 : index
    %swap3A_487 = tpu.vector_load %arg8[%swap3A_486] {strides = array<i32>} : memref<256xf32, #tpu.memory_space<vmem>>, vector<16xf32>,
    tpu.vector_store %arg8[%swap3A_486], %scan3A_464#9 {strides = array<i32>} : memref<256xf32, #tpu.memory_space<vmem>>, vector<16xf32>,
    %swap3A_488 = arith.constant 160 : index
    %swap3A_489 = tpu.vector_load %arg8[%swap3A_488] {strides = array<i32>} : memref<256xf32, #tpu.memory_space<vmem>>, vector<16xf32>,
    tpu.vector_store %arg8[%swap3A_488], %scan3A_464#10 {strides = array<i32>} : memref<256xf32, #tpu.memory_space<vmem>>, vector<16xf32>,
    %swap3A_490 = arith.constant 176 : index
    %swap3A_491 = tpu.vector_load %arg8[%swap3A_490] {strides = array<i32>} : memref<256xf32, #tpu.memory_space<vmem>>, vector<16xf32>,
    tpu.vector_store %arg8[%swap3A_490], %scan3A_464#11 {strides = array<i32>} : memref<256xf32, #tpu.memory_space<vmem>>, vector<16xf32>,
    %swap3A_492 = arith.constant 192 : index
    %swap3A_493 = tpu.vector_load %arg8[%swap3A_492] {strides = array<i32>} : memref<256xf32, #tpu.memory_space<vmem>>, vector<16xf32>,
    tpu.vector_store %arg8[%swap3A_492], %scan3A_464#12 {strides = array<i32>} : memref<256xf32, #tpu.memory_space<vmem>>, vector<16xf32>,
    %swap3A_494 = arith.constant 208 : index
    %swap3A_495 = tpu.vector_load %arg8[%swap3A_494] {strides = array<i32>} : memref<256xf32, #tpu.memory_space<vmem>>, vector<16xf32>,
    tpu.vector_store %arg8[%swap3A_494], %scan3A_464#13 {strides = array<i32>} : memref<256xf32, #tpu.memory_space<vmem>>, vector<16xf32>,
    %swap3A_496 = arith.constant 224 : index
    %swap3A_497 = tpu.vector_load %arg8[%swap3A_496] {strides = array<i32>} : memref<256xf32, #tpu.memory_space<vmem>>, vector<16xf32>,
    tpu.vector_store %arg8[%swap3A_496], %scan3A_464#14 {strides = array<i32>} : memref<256xf32, #tpu.memory_space<vmem>>, vector<16xf32>,
    %swap3A_498 = arith.constant 240 : index
    %swap3A_499 = tpu.vector_load %arg8[%swap3A_498] {strides = array<i32>} : memref<256xf32, #tpu.memory_space<vmem>>, vector<16xf32>,
    tpu.vector_store %arg8[%swap3A_498], %scan3A_464#15 {strides = array<i32>} : memref<256xf32, #tpu.memory_space<vmem>>, vector<16xf32>,
    %add3A_500 = arith.addi %mul3A_2, %min3A_114 : i32
    %dma_start3A_501 = tpu.memref_slice %arg4[%add3A_500] : memref<100000xf32, #tpu.memory_space<hbm>> -> memref<256xf32, #tpu.memory_space<hbm>>
    %dma_start3A_502 = tpu.memref_slice %arg4[%add3A_500] : memref<100000xf32, #tpu.memory_space<hbm>> -> memref<256xf32, #tpu.memory_space<hbm>>
    tpu.enqueue_dma source(%arg8 : memref<256xf32, #tpu.memory_space<vmem>>) target(%dma_start3A_502 : memref<256xf32, #tpu.memory_space<hbm>>) target_semaphore(%arg12 : memref<!tpu.dma_semaphore, #tpu.memory_space<semaphore_mem>>)
    %add3A_503 = arith.constant 100000 : i32
    %add3A_504 = arith.addi %add3A_503, %mul3A_2 : i32
    %add3A_505 = arith.addi %add3A_504, %min3A_118 : i32
    %mul3A_506 = arith.constant 128 : i32
    %mul3A_507 = arith.muli %add3A_505, %mul3A_506 : i32
    %dma_start3A_508 = tpu.memref_slice %arg2[%mul3A_507] : memref<25600000xf32, #tpu.memory_space<hbm>> -> memref<32768xf32, #tpu.memory_space<hbm>>
    %dma_start3A_509 = tpu.memref_slice %arg2[%mul3A_507] : memref<25600000xf32, #tpu.memory_space<hbm>> -> memref<32768xf32, #tpu.memory_space<hbm>>
    tpu.enqueue_dma source(%dma_start3A_509 : memref<32768xf32, #tpu.memory_space<hbm>>) target(%arg5 : memref<32768xf32, #tpu.memory_space<vmem>>) target_semaphore(%arg10 : memref<!tpu.dma_semaphore, #tpu.memory_space<semaphore_mem>>)
    %dma_wait3A_510 = tpu.memref_slice %arg2[%mul3A_453] : memref<25600000xf32, #tpu.memory_space<hbm>> -> memref<32768xf32, #tpu.memory_space<hbm>>
    %dma_wait3A_511 = tpu.memref_slice %arg2[%mul3A_453] : memref<25600000xf32, #tpu.memory_space<hbm>> -> memref<32768xf32, #tpu.memory_space<hbm>>
    tpu.wait_dma2 semaphore(%arg11 : memref<!tpu.dma_semaphore, #tpu.memory_space<semaphore_mem>>) src(%dma_wait3A_511 : memref<32768xf32, #tpu.memory_space<hbm>>) dst(%arg6 : memref<32768xf32, #tpu.memory_space<vmem>>)
    %broadcast_in_dim3A_512 = arith.constant 0.000000e+00 : f32
    %broadcast_in_dim3A_513 = vector.broadcast %broadcast_in_dim3A_512 : f32 to vector<16xf32>
    %scan3A_514 = arith.constant 0 : i32
    %scan3A_515 = arith.constant 128 : i32
    %scan3A_516 = arith.addi %scan3A_514, %scan3A_515 : i32
    %scan3A_517 = arith.constant 1 : i32
    %scan3A_518:16 = scf.for %scan3A_824 = %scan3A_514 to %scan3A_516 step %scan3A_517 iter_args(%scan3A_825 = %broadcast_in_dim3A_513, %scan3A_826 = %broadcast_in_dim3A_513, %scan3A_827 = %broadcast_in_dim3A_513, %scan3A_828 = %broadcast_in_dim3A_513, %scan3A_829 = %broadcast_in_dim3A_513, %scan3A_830 = %broadcast_in_dim3A_513, %scan3A_831 = %broadcast_in_dim3A_513, %scan3A_832 = %broadcast_in_dim3A_513, %scan3A_833 = %broadcast_in_dim3A_513, %scan3A_834 = %broadcast_in_dim3A_513, %scan3A_835 = %broadcast_in_dim3A_513, %scan3A_836 = %broadcast_in_dim3A_513, %scan3A_837 = %broadcast_in_dim3A_513, %scan3A_838 = %broadcast_in_dim3A_513, %scan3A_839 = %broadcast_in_dim3A_513, %scan3A_840 = %broadcast_in_dim3A_513) -> (vector<16xf32>, vector<16xf32>, vector<16xf32>, vector<16xf32>, vector<16xf32>, vector<16xf32>, vector<16xf32>, vector<16xf32>, vector<16xf32>, vector<16xf32>, vector<16xf32>, vector<16xf32>, vector<16xf32>, vector<16xf32>, vector<16xf32>, vector<16xf32>)  : i32 {
      %add3A_841 = vector.broadcast %scan3A_824 : i32 to vector<16xi32>
      %add3A_842 = arith.addi %iota3A, %add3A_841 : vector<16xi32>
      %and3A = arith.constant 127 : i32
      %and3A_843 = vector.broadcast %and3A : i32 to vector<16xi32>
      %and3A_844 = arith.andi %add3A_842, %and3A_843 : vector<16xi32>
      %get3A = arith.index_cast %scan3A_824 : i32 to index
      %get3A_845 = tpu.vector_load %arg7[%get3A] {strides = array<i32>} : memref<160xf32, #tpu.memory_space<vmem>>, vector<16xf32>,
      %add3A_846 = arith.addi %mul3A_11, %and3A_844 : vector<16xi32>
      %gather3A = tpu.vector_load_idx %arg6[%add3A_846] : memref<32768xf32, #tpu.memory_space<vmem>>[vector<16xi32>], vector<16xf32>,
      %mul3A_847 = arith.mulf %gather3A, %get3A_845 : vector<16xf32>
      %add3A_848 = arith.addf %scan3A_825, %mul3A_847 : vector<16xf32>
      %add3A_849 = arith.addi %mul3A_17, %and3A_844 : vector<16xi32>
      %gather3A_850 = tpu.vector_load_idx %arg6[%add3A_849] : memref<32768xf32, #tpu.memory_space<vmem>>[vector<16xi32>], vector<16xf32>,
      %mul3A_851 = arith.mulf %gather3A_850, %get3A_845 : vector<16xf32>
      %add3A_852 = arith.addf %scan3A_826, %mul3A_851 : vector<16xf32>
      %add3A_853 = arith.addi %mul3A_23, %and3A_844 : vector<16xi32>
      %gather3A_854 = tpu.vector_load_idx %arg6[%add3A_853] : memref<32768xf32, #tpu.memory_space<vmem>>[vector<16xi32>], vector<16xf32>,
      %mul3A_855 = arith.mulf %gather3A_854, %get3A_845 : vector<16xf32>
      %add3A_856 = arith.addf %scan3A_827, %mul3A_855 : vector<16xf32>
      %add3A_857 = arith.addi %mul3A_29, %and3A_844 : vector<16xi32>
      %gather3A_858 = tpu.vector_load_idx %arg6[%add3A_857] : memref<32768xf32, #tpu.memory_space<vmem>>[vector<16xi32>], vector<16xf32>,
      %mul3A_859 = arith.mulf %gather3A_858, %get3A_845 : vector<16xf32>
      %add3A_860 = arith.addf %scan3A_828, %mul3A_859 : vector<16xf32>
      %add3A_861 = arith.addi %mul3A_35, %and3A_844 : vector<16xi32>
      %gather3A_862 = tpu.vector_load_idx %arg6[%add3A_861] : memref<32768xf32, #tpu.memory_space<vmem>>[vector<16xi32>], vector<16xf32>,
      %mul3A_863 = arith.mulf %gather3A_862, %get3A_845 : vector<16xf32>
      %add3A_864 = arith.addf %scan3A_829, %mul3A_863 : vector<16xf32>
      %add3A_865 = arith.addi %mul3A_41, %and3A_844 : vector<16xi32>
      %gather3A_866 = tpu.vector_load_idx %arg6[%add3A_865] : memref<32768xf32, #tpu.memory_space<vmem>>[vector<16xi32>], vector<16xf32>,
      %mul3A_867 = arith.mulf %gather3A_866, %get3A_845 : vector<16xf32>
      %add3A_868 = arith.addf %scan3A_830, %mul3A_867 : vector<16xf32>
      %add3A_869 = arith.addi %mul3A_47, %and3A_844 : vector<16xi32>
      %gather3A_870 = tpu.vector_load_idx %arg6[%add3A_869] : memref<32768xf32, #tpu.memory_space<vmem>>[vector<16xi32>], vector<16xf32>,
      %mul3A_871 = arith.mulf %gather3A_870, %get3A_845 : vector<16xf32>
      %add3A_872 = arith.addf %scan3A_831, %mul3A_871 : vector<16xf32>
      %add3A_873 = arith.addi %mul3A_53, %and3A_844 : vector<16xi32>
      %gather3A_874 = tpu.vector_load_idx %arg6[%add3A_873] : memref<32768xf32, #tpu.memory_space<vmem>>[vector<16xi32>], vector<16xf32>,
      %mul3A_875 = arith.mulf %gather3A_874, %get3A_845 : vector<16xf32>
      %add3A_876 = arith.addf %scan3A_832, %mul3A_875 : vector<16xf32>
      %add3A_877 = arith.addi %mul3A_59, %and3A_844 : vector<16xi32>
      %gather3A_878 = tpu.vector_load_idx %arg6[%add3A_877] : memref<32768xf32, #tpu.memory_space<vmem>>[vector<16xi32>], vector<16xf32>,
      %mul3A_879 = arith.mulf %gather3A_878, %get3A_845 : vector<16xf32>
      %add3A_880 = arith.addf %scan3A_833, %mul3A_879 : vector<16xf32>
      %add3A_881 = arith.addi %mul3A_65, %and3A_844 : vector<16xi32>
      %gather3A_882 = tpu.vector_load_idx %arg6[%add3A_881] : memref<32768xf32, #tpu.memory_space<vmem>>[vector<16xi32>], vector<16xf32>,
      %mul3A_883 = arith.mulf %gather3A_882, %get3A_845 : vector<16xf32>
      %add3A_884 = arith.addf %scan3A_834, %mul3A_883 : vector<16xf32>
      %add3A_885 = arith.addi %mul3A_71, %and3A_844 : vector<16xi32>
      %gather3A_886 = tpu.vector_load_idx %arg6[%add3A_885] : memref<32768xf32, #tpu.memory_space<vmem>>[vector<16xi32>], vector<16xf32>,
      %mul3A_887 = arith.mulf %gather3A_886, %get3A_845 : vector<16xf32>
      %add3A_888 = arith.addf %scan3A_835, %mul3A_887 : vector<16xf32>
      %add3A_889 = arith.addi %mul3A_77, %and3A_844 : vector<16xi32>
      %gather3A_890 = tpu.vector_load_idx %arg6[%add3A_889] : memref<32768xf32, #tpu.memory_space<vmem>>[vector<16xi32>], vector<16xf32>,
      %mul3A_891 = arith.mulf %gather3A_890, %get3A_845 : vector<16xf32>
      %add3A_892 = arith.addf %scan3A_836, %mul3A_891 : vector<16xf32>
      %add3A_893 = arith.addi %mul3A_83, %and3A_844 : vector<16xi32>
      %gather3A_894 = tpu.vector_load_idx %arg6[%add3A_893] : memref<32768xf32, #tpu.memory_space<vmem>>[vector<16xi32>], vector<16xf32>,
      %mul3A_895 = arith.mulf %gather3A_894, %get3A_845 : vector<16xf32>
      %add3A_896 = arith.addf %scan3A_837, %mul3A_895 : vector<16xf32>
      %add3A_897 = arith.addi %mul3A_89, %and3A_844 : vector<16xi32>
      %gather3A_898 = tpu.vector_load_idx %arg6[%add3A_897] : memref<32768xf32, #tpu.memory_space<vmem>>[vector<16xi32>], vector<16xf32>,
      %mul3A_899 = arith.mulf %gather3A_898, %get3A_845 : vector<16xf32>
      %add3A_900 = arith.addf %scan3A_838, %mul3A_899 : vector<16xf32>
      %add3A_901 = arith.addi %mul3A_95, %and3A_844 : vector<16xi32>
      %gather3A_902 = tpu.vector_load_idx %arg6[%add3A_901] : memref<32768xf32, #tpu.memory_space<vmem>>[vector<16xi32>], vector<16xf32>,
      %mul3A_903 = arith.mulf %gather3A_902, %get3A_845 : vector<16xf32>
      %add3A_904 = arith.addf %scan3A_839, %mul3A_903 : vector<16xf32>
      %add3A_905 = arith.addi %mul3A_101, %and3A_844 : vector<16xi32>
      %gather3A_906 = tpu.vector_load_idx %arg6[%add3A_905] : memref<32768xf32, #tpu.memory_space<vmem>>[vector<16xi32>], vector<16xf32>,
      %mul3A_907 = arith.mulf %gather3A_906, %get3A_845 : vector<16xf32>
      %add3A_908 = arith.addf %scan3A_840, %mul3A_907 : vector<16xf32>
      scf.yield %add3A_848, %add3A_852, %add3A_856, %add3A_860, %add3A_864, %add3A_868, %add3A_872, %add3A_876, %add3A_880, %add3A_884, %add3A_888, %add3A_892, %add3A_896, %add3A_900, %add3A_904, %add3A_908 : vector<16xf32>, vector<16xf32>, vector<16xf32>, vector<16xf32>, vector<16xf32>, vector<16xf32>, vector<16xf32>, vector<16xf32>, vector<16xf32>, vector<16xf32>, vector<16xf32>, vector<16xf32>, vector<16xf32>, vector<16xf32>, vector<16xf32>, vector<16xf32>
    }
    %scan3A_519 = arith.constant 128 : i32
    %dma_wait3A_520 = tpu.memref_slice %arg4[%add3A_446] : memref<100000xf32, #tpu.memory_space<hbm>> -> memref<256xf32, #tpu.memory_space<hbm>>
    %dma_wait3A_521 = tpu.memref_slice %arg4[%add3A_446] : memref<100000xf32, #tpu.memory_space<hbm>> -> memref<256xf32, #tpu.memory_space<hbm>>
    tpu.wait_dma2 semaphore(%arg13 : memref<!tpu.dma_semaphore, #tpu.memory_space<semaphore_mem>>) src(%arg9 : memref<256xf32, #tpu.memory_space<vmem>>) dst(%dma_wait3A_521 : memref<256xf32, #tpu.memory_space<hbm>>)
    %swap3A_522 = arith.constant 0 : index
    %swap3A_523 = tpu.vector_load %arg9[%swap3A_522] {strides = array<i32>} : memref<256xf32, #tpu.memory_space<vmem>>, vector<16xf32>,
    tpu.vector_store %arg9[%swap3A_522], %scan3A_518#0 {strides = array<i32>} : memref<256xf32, #tpu.memory_space<vmem>>, vector<16xf32>,
    %swap3A_524 = arith.constant 16 : index
    %swap3A_525 = tpu.vector_load %arg9[%swap3A_524] {strides = array<i32>} : memref<256xf32, #tpu.memory_space<vmem>>, vector<16xf32>,
    tpu.vector_store %arg9[%swap3A_524], %scan3A_518#1 {strides = array<i32>} : memref<256xf32, #tpu.memory_space<vmem>>, vector<16xf32>,
    %swap3A_526 = arith.constant 32 : index
    %swap3A_527 = tpu.vector_load %arg9[%swap3A_526] {strides = array<i32>} : memref<256xf32, #tpu.memory_space<vmem>>, vector<16xf32>,
    tpu.vector_store %arg9[%swap3A_526], %scan3A_518#2 {strides = array<i32>} : memref<256xf32, #tpu.memory_space<vmem>>, vector<16xf32>,
    %swap3A_528 = arith.constant 48 : index
    %swap3A_529 = tpu.vector_load %arg9[%swap3A_528] {strides = array<i32>} : memref<256xf32, #tpu.memory_space<vmem>>, vector<16xf32>,
    tpu.vector_store %arg9[%swap3A_528], %scan3A_518#3 {strides = array<i32>} : memref<256xf32, #tpu.memory_space<vmem>>, vector<16xf32>,
    %swap3A_530 = arith.constant 64 : index
    %swap3A_531 = tpu.vector_load %arg9[%swap3A_530] {strides = array<i32>} : memref<256xf32, #tpu.memory_space<vmem>>, vector<16xf32>,
    tpu.vector_store %arg9[%swap3A_530], %scan3A_518#4 {strides = array<i32>} : memref<256xf32, #tpu.memory_space<vmem>>, vector<16xf32>,
    %swap3A_532 = arith.constant 80 : index
    %swap3A_533 = tpu.vector_load %arg9[%swap3A_532] {strides = array<i32>} : memref<256xf32, #tpu.memory_space<vmem>>, vector<16xf32>,
    tpu.vector_store %arg9[%swap3A_532], %scan3A_518#5 {strides = array<i32>} : memref<256xf32, #tpu.memory_space<vmem>>, vector<16xf32>,
    %swap3A_534 = arith.constant 96 : index
    %swap3A_535 = tpu.vector_load %arg9[%swap3A_534] {strides = array<i32>} : memref<256xf32, #tpu.memory_space<vmem>>, vector<16xf32>,
    tpu.vector_store %arg9[%swap3A_534], %scan3A_518#6 {strides = array<i32>} : memref<256xf32, #tpu.memory_space<vmem>>, vector<16xf32>,
    %swap3A_536 = arith.constant 112 : index
    %swap3A_537 = tpu.vector_load %arg9[%swap3A_536] {strides = array<i32>} : memref<256xf32, #tpu.memory_space<vmem>>, vector<16xf32>,
    tpu.vector_store %arg9[%swap3A_536], %scan3A_518#7 {strides = array<i32>} : memref<256xf32, #tpu.memory_space<vmem>>, vector<16xf32>,
    %swap3A_538 = arith.constant 128 : index
    %swap3A_539 = tpu.vector_load %arg9[%swap3A_538] {strides = array<i32>} : memref<256xf32, #tpu.memory_space<vmem>>, vector<16xf32>,
    tpu.vector_store %arg9[%swap3A_538], %scan3A_518#8 {strides = array<i32>} : memref<256xf32, #tpu.memory_space<vmem>>, vector<16xf32>,
    %swap3A_540 = arith.constant 144 : index
    %swap3A_541 = tpu.vector_load %arg9[%swap3A_540] {strides = array<i32>} : memref<256xf32, #tpu.memory_space<vmem>>, vector<16xf32>,
    tpu.vector_store %arg9[%swap3A_540], %scan3A_518#9 {strides = array<i32>} : memref<256xf32, #tpu.memory_space<vmem>>, vector<16xf32>,
    %swap3A_542 = arith.constant 160 : index
    %swap3A_543 = tpu.vector_load %arg9[%swap3A_542] {strides = array<i32>} : memref<256xf32, #tpu.memory_space<vmem>>, vector<16xf32>,
    tpu.vector_store %arg9[%swap3A_542], %scan3A_518#10 {strides = array<i32>} : memref<256xf32, #tpu.memory_space<vmem>>, vector<16xf32>,
    %swap3A_544 = arith.constant 176 : index
    %swap3A_545 = tpu.vector_load %arg9[%swap3A_544] {strides = array<i32>} : memref<256xf32, #tpu.memory_space<vmem>>, vector<16xf32>,
    tpu.vector_store %arg9[%swap3A_544], %scan3A_518#11 {strides = array<i32>} : memref<256xf32, #tpu.memory_space<vmem>>, vector<16xf32>,
    %swap3A_546 = arith.constant 192 : index
    %swap3A_547 = tpu.vector_load %arg9[%swap3A_546] {strides = array<i32>} : memref<256xf32, #tpu.memory_space<vmem>>, vector<16xf32>,
    tpu.vector_store %arg9[%swap3A_546], %scan3A_518#12 {strides = array<i32>} : memref<256xf32, #tpu.memory_space<vmem>>, vector<16xf32>,
    %swap3A_548 = arith.constant 208 : index
    %swap3A_549 = tpu.vector_load %arg9[%swap3A_548] {strides = array<i32>} : memref<256xf32, #tpu.memory_space<vmem>>, vector<16xf32>,
    tpu.vector_store %arg9[%swap3A_548], %scan3A_518#13 {strides = array<i32>} : memref<256xf32, #tpu.memory_space<vmem>>, vector<16xf32>,
    %swap3A_550 = arith.constant 224 : index
    %swap3A_551 = tpu.vector_load %arg9[%swap3A_550] {strides = array<i32>} : memref<256xf32, #tpu.memory_space<vmem>>, vector<16xf32>,
    tpu.vector_store %arg9[%swap3A_550], %scan3A_518#14 {strides = array<i32>} : memref<256xf32, #tpu.memory_space<vmem>>, vector<16xf32>,
    %swap3A_552 = arith.constant 240 : index
    %swap3A_553 = tpu.vector_load %arg9[%swap3A_552] {strides = array<i32>} : memref<256xf32, #tpu.memory_space<vmem>>, vector<16xf32>,
    tpu.vector_store %arg9[%swap3A_552], %scan3A_518#15 {strides = array<i32>} : memref<256xf32, #tpu.memory_space<vmem>>, vector<16xf32>,
    %add3A_554 = arith.addi %mul3A_2, %min3A_116 : i32
    %dma_start3A_555 = tpu.memref_slice %arg4[%add3A_554] : memref<100000xf32, #tpu.memory_space<hbm>> -> memref<256xf32, #tpu.memory_space<hbm>>
    %dma_start3A_556 = tpu.memref_slice %arg4[%add3A_554] : memref<100000xf32, #tpu.memory_space<hbm>> -> memref<256xf32, #tpu.memory_space<hbm>>
    tpu.enqueue_dma source(%arg9 : memref<256xf32, #tpu.memory_space<vmem>>) target(%dma_start3A_556 : memref<256xf32, #tpu.memory_space<hbm>>) target_semaphore(%arg13 : memref<!tpu.dma_semaphore, #tpu.memory_space<semaphore_mem>>)
    %add3A_557 = arith.constant 100000 : i32
    %add3A_558 = arith.addi %add3A_557, %mul3A_2 : i32
    %add3A_559 = arith.addi %add3A_558, %min3A_120 : i32
    %mul3A_560 = arith.constant 128 : i32
    %mul3A_561 = arith.muli %add3A_559, %mul3A_560 : i32
    %dma_start3A_562 = tpu.memref_slice %arg2[%mul3A_561] : memref<25600000xf32, #tpu.memory_space<hbm>> -> memref<32768xf32, #tpu.memory_space<hbm>>
    %dma_start3A_563 = tpu.memref_slice %arg2[%mul3A_561] : memref<25600000xf32, #tpu.memory_space<hbm>> -> memref<32768xf32, #tpu.memory_space<hbm>>
    tpu.enqueue_dma source(%dma_start3A_563 : memref<32768xf32, #tpu.memory_space<hbm>>) target(%arg6 : memref<32768xf32, #tpu.memory_space<vmem>>) target_semaphore(%arg11 : memref<!tpu.dma_semaphore, #tpu.memory_space<semaphore_mem>>)
    %dma_wait3A_564 = tpu.memref_slice %arg2[%mul3A_507] : memref<25600000xf32, #tpu.memory_space<hbm>> -> memref<32768xf32, #tpu.memory_space<hbm>>
    %dma_wait3A_565 = tpu.memref_slice %arg2[%mul3A_507] : memref<25600000xf32, #tpu.memory_space<hbm>> -> memref<32768xf32, #tpu.memory_space<hbm>>
    tpu.wait_dma2 semaphore(%arg10 : memref<!tpu.dma_semaphore, #tpu.memory_space<semaphore_mem>>) src(%dma_wait3A_565 : memref<32768xf32, #tpu.memory_space<hbm>>) dst(%arg5 : memref<32768xf32, #tpu.memory_space<vmem>>)
    %broadcast_in_dim3A_566 = arith.constant 0.000000e+00 : f32
    %broadcast_in_dim3A_567 = vector.broadcast %broadcast_in_dim3A_566 : f32 to vector<16xf32>
    %scan3A_568 = arith.constant 0 : i32
    %scan3A_569 = arith.constant 128 : i32
    %scan3A_570 = arith.addi %scan3A_568, %scan3A_569 : i32
    %scan3A_571 = arith.constant 1 : i32
    %scan3A_572:16 = scf.for %scan3A_824 = %scan3A_568 to %scan3A_570 step %scan3A_571 iter_args(%scan3A_825 = %broadcast_in_dim3A_567, %scan3A_826 = %broadcast_in_dim3A_567, %scan3A_827 = %broadcast_in_dim3A_567, %scan3A_828 = %broadcast_in_dim3A_567, %scan3A_829 = %broadcast_in_dim3A_567, %scan3A_830 = %broadcast_in_dim3A_567, %scan3A_831 = %broadcast_in_dim3A_567, %scan3A_832 = %broadcast_in_dim3A_567, %scan3A_833 = %broadcast_in_dim3A_567, %scan3A_834 = %broadcast_in_dim3A_567, %scan3A_835 = %broadcast_in_dim3A_567, %scan3A_836 = %broadcast_in_dim3A_567, %scan3A_837 = %broadcast_in_dim3A_567, %scan3A_838 = %broadcast_in_dim3A_567, %scan3A_839 = %broadcast_in_dim3A_567, %scan3A_840 = %broadcast_in_dim3A_567) -> (vector<16xf32>, vector<16xf32>, vector<16xf32>, vector<16xf32>, vector<16xf32>, vector<16xf32>, vector<16xf32>, vector<16xf32>, vector<16xf32>, vector<16xf32>, vector<16xf32>, vector<16xf32>, vector<16xf32>, vector<16xf32>, vector<16xf32>, vector<16xf32>)  : i32 {
      %add3A_841 = vector.broadcast %scan3A_824 : i32 to vector<16xi32>
      %add3A_842 = arith.addi %iota3A, %add3A_841 : vector<16xi32>
      %and3A = arith.constant 127 : i32
      %and3A_843 = vector.broadcast %and3A : i32 to vector<16xi32>
      %and3A_844 = arith.andi %add3A_842, %and3A_843 : vector<16xi32>
      %get3A = arith.index_cast %scan3A_824 : i32 to index
      %get3A_845 = tpu.vector_load %arg7[%get3A] {strides = array<i32>} : memref<160xf32, #tpu.memory_space<vmem>>, vector<16xf32>,
      %add3A_846 = arith.addi %mul3A_11, %and3A_844 : vector<16xi32>
      %gather3A = tpu.vector_load_idx %arg5[%add3A_846] : memref<32768xf32, #tpu.memory_space<vmem>>[vector<16xi32>], vector<16xf32>,
      %mul3A_847 = arith.mulf %gather3A, %get3A_845 : vector<16xf32>
      %add3A_848 = arith.addf %scan3A_825, %mul3A_847 : vector<16xf32>
      %add3A_849 = arith.addi %mul3A_17, %and3A_844 : vector<16xi32>
      %gather3A_850 = tpu.vector_load_idx %arg5[%add3A_849] : memref<32768xf32, #tpu.memory_space<vmem>>[vector<16xi32>], vector<16xf32>,
      %mul3A_851 = arith.mulf %gather3A_850, %get3A_845 : vector<16xf32>
      %add3A_852 = arith.addf %scan3A_826, %mul3A_851 : vector<16xf32>
      %add3A_853 = arith.addi %mul3A_23, %and3A_844 : vector<16xi32>
      %gather3A_854 = tpu.vector_load_idx %arg5[%add3A_853] : memref<32768xf32, #tpu.memory_space<vmem>>[vector<16xi32>], vector<16xf32>,
      %mul3A_855 = arith.mulf %gather3A_854, %get3A_845 : vector<16xf32>
      %add3A_856 = arith.addf %scan3A_827, %mul3A_855 : vector<16xf32>
      %add3A_857 = arith.addi %mul3A_29, %and3A_844 : vector<16xi32>
      %gather3A_858 = tpu.vector_load_idx %arg5[%add3A_857] : memref<32768xf32, #tpu.memory_space<vmem>>[vector<16xi32>], vector<16xf32>,
      %mul3A_859 = arith.mulf %gather3A_858, %get3A_845 : vector<16xf32>
      %add3A_860 = arith.addf %scan3A_828, %mul3A_859 : vector<16xf32>
      %add3A_861 = arith.addi %mul3A_35, %and3A_844 : vector<16xi32>
      %gather3A_862 = tpu.vector_load_idx %arg5[%add3A_861] : memref<32768xf32, #tpu.memory_space<vmem>>[vector<16xi32>], vector<16xf32>,
      %mul3A_863 = arith.mulf %gather3A_862, %get3A_845 : vector<16xf32>
      %add3A_864 = arith.addf %scan3A_829, %mul3A_863 : vector<16xf32>
      %add3A_865 = arith.addi %mul3A_41, %and3A_844 : vector<16xi32>
      %gather3A_866 = tpu.vector_load_idx %arg5[%add3A_865] : memref<32768xf32, #tpu.memory_space<vmem>>[vector<16xi32>], vector<16xf32>,
      %mul3A_867 = arith.mulf %gather3A_866, %get3A_845 : vector<16xf32>
      %add3A_868 = arith.addf %scan3A_830, %mul3A_867 : vector<16xf32>
      %add3A_869 = arith.addi %mul3A_47, %and3A_844 : vector<16xi32>
      %gather3A_870 = tpu.vector_load_idx %arg5[%add3A_869] : memref<32768xf32, #tpu.memory_space<vmem>>[vector<16xi32>], vector<16xf32>,
      %mul3A_871 = arith.mulf %gather3A_870, %get3A_845 : vector<16xf32>
      %add3A_872 = arith.addf %scan3A_831, %mul3A_871 : vector<16xf32>
      %add3A_873 = arith.addi %mul3A_53, %and3A_844 : vector<16xi32>
      %gather3A_874 = tpu.vector_load_idx %arg5[%add3A_873] : memref<32768xf32, #tpu.memory_space<vmem>>[vector<16xi32>], vector<16xf32>,
      %mul3A_875 = arith.mulf %gather3A_874, %get3A_845 : vector<16xf32>
      %add3A_876 = arith.addf %scan3A_832, %mul3A_875 : vector<16xf32>
      %add3A_877 = arith.addi %mul3A_59, %and3A_844 : vector<16xi32>
      %gather3A_878 = tpu.vector_load_idx %arg5[%add3A_877] : memref<32768xf32, #tpu.memory_space<vmem>>[vector<16xi32>], vector<16xf32>,
      %mul3A_879 = arith.mulf %gather3A_878, %get3A_845 : vector<16xf32>
      %add3A_880 = arith.addf %scan3A_833, %mul3A_879 : vector<16xf32>
      %add3A_881 = arith.addi %mul3A_65, %and3A_844 : vector<16xi32>
      %gather3A_882 = tpu.vector_load_idx %arg5[%add3A_881] : memref<32768xf32, #tpu.memory_space<vmem>>[vector<16xi32>], vector<16xf32>,
      %mul3A_883 = arith.mulf %gather3A_882, %get3A_845 : vector<16xf32>
      %add3A_884 = arith.addf %scan3A_834, %mul3A_883 : vector<16xf32>
      %add3A_885 = arith.addi %mul3A_71, %and3A_844 : vector<16xi32>
      %gather3A_886 = tpu.vector_load_idx %arg5[%add3A_885] : memref<32768xf32, #tpu.memory_space<vmem>>[vector<16xi32>], vector<16xf32>,
      %mul3A_887 = arith.mulf %gather3A_886, %get3A_845 : vector<16xf32>
      %add3A_888 = arith.addf %scan3A_835, %mul3A_887 : vector<16xf32>
      %add3A_889 = arith.addi %mul3A_77, %and3A_844 : vector<16xi32>
      %gather3A_890 = tpu.vector_load_idx %arg5[%add3A_889] : memref<32768xf32, #tpu.memory_space<vmem>>[vector<16xi32>], vector<16xf32>,
      %mul3A_891 = arith.mulf %gather3A_890, %get3A_845 : vector<16xf32>
      %add3A_892 = arith.addf %scan3A_836, %mul3A_891 : vector<16xf32>
      %add3A_893 = arith.addi %mul3A_83, %and3A_844 : vector<16xi32>
      %gather3A_894 = tpu.vector_load_idx %arg5[%add3A_893] : memref<32768xf32, #tpu.memory_space<vmem>>[vector<16xi32>], vector<16xf32>,
      %mul3A_895 = arith.mulf %gather3A_894, %get3A_845 : vector<16xf32>
      %add3A_896 = arith.addf %scan3A_837, %mul3A_895 : vector<16xf32>
      %add3A_897 = arith.addi %mul3A_89, %and3A_844 : vector<16xi32>
      %gather3A_898 = tpu.vector_load_idx %arg5[%add3A_897] : memref<32768xf32, #tpu.memory_space<vmem>>[vector<16xi32>], vector<16xf32>,
      %mul3A_899 = arith.mulf %gather3A_898, %get3A_845 : vector<16xf32>
      %add3A_900 = arith.addf %scan3A_838, %mul3A_899 : vector<16xf32>
      %add3A_901 = arith.addi %mul3A_95, %and3A_844 : vector<16xi32>
      %gather3A_902 = tpu.vector_load_idx %arg5[%add3A_901] : memref<32768xf32, #tpu.memory_space<vmem>>[vector<16xi32>], vector<16xf32>,
      %mul3A_903 = arith.mulf %gather3A_902, %get3A_845 : vector<16xf32>
      %add3A_904 = arith.addf %scan3A_839, %mul3A_903 : vector<16xf32>
      %add3A_905 = arith.addi %mul3A_101, %and3A_844 : vector<16xi32>
      %gather3A_906 = tpu.vector_load_idx %arg5[%add3A_905] : memref<32768xf32, #tpu.memory_space<vmem>>[vector<16xi32>], vector<16xf32>,
      %mul3A_907 = arith.mulf %gather3A_906, %get3A_845 : vector<16xf32>
      %add3A_908 = arith.addf %scan3A_840, %mul3A_907 : vector<16xf32>
      scf.yield %add3A_848, %add3A_852, %add3A_856, %add3A_860, %add3A_864, %add3A_868, %add3A_872, %add3A_876, %add3A_880, %add3A_884, %add3A_888, %add3A_892, %add3A_896, %add3A_900, %add3A_904, %add3A_908 : vector<16xf32>, vector<16xf32>, vector<16xf32>, vector<16xf32>, vector<16xf32>, vector<16xf32>, vector<16xf32>, vector<16xf32>, vector<16xf32>, vector<16xf32>, vector<16xf32>, vector<16xf32>, vector<16xf32>, vector<16xf32>, vector<16xf32>, vector<16xf32>
    }
    %scan3A_573 = arith.constant 128 : i32
    %dma_wait3A_574 = tpu.memref_slice %arg4[%add3A_500] : memref<100000xf32, #tpu.memory_space<hbm>> -> memref<256xf32, #tpu.memory_space<hbm>>
    %dma_wait3A_575 = tpu.memref_slice %arg4[%add3A_500] : memref<100000xf32, #tpu.memory_space<hbm>> -> memref<256xf32, #tpu.memory_space<hbm>>
    tpu.wait_dma2 semaphore(%arg12 : memref<!tpu.dma_semaphore, #tpu.memory_space<semaphore_mem>>) src(%arg8 : memref<256xf32, #tpu.memory_space<vmem>>) dst(%dma_wait3A_575 : memref<256xf32, #tpu.memory_space<hbm>>)
    %swap3A_576 = arith.constant 0 : index
    %swap3A_577 = tpu.vector_load %arg8[%swap3A_576] {strides = array<i32>} : memref<256xf32, #tpu.memory_space<vmem>>, vector<16xf32>,
    tpu.vector_store %arg8[%swap3A_576], %scan3A_572#0 {strides = array<i32>} : memref<256xf32, #tpu.memory_space<vmem>>, vector<16xf32>,
    %swap3A_578 = arith.constant 16 : index
    %swap3A_579 = tpu.vector_load %arg8[%swap3A_578] {strides = array<i32>} : memref<256xf32, #tpu.memory_space<vmem>>, vector<16xf32>,
    tpu.vector_store %arg8[%swap3A_578], %scan3A_572#1 {strides = array<i32>} : memref<256xf32, #tpu.memory_space<vmem>>, vector<16xf32>,
    %swap3A_580 = arith.constant 32 : index
    %swap3A_581 = tpu.vector_load %arg8[%swap3A_580] {strides = array<i32>} : memref<256xf32, #tpu.memory_space<vmem>>, vector<16xf32>,
    tpu.vector_store %arg8[%swap3A_580], %scan3A_572#2 {strides = array<i32>} : memref<256xf32, #tpu.memory_space<vmem>>, vector<16xf32>,
    %swap3A_582 = arith.constant 48 : index
    %swap3A_583 = tpu.vector_load %arg8[%swap3A_582] {strides = array<i32>} : memref<256xf32, #tpu.memory_space<vmem>>, vector<16xf32>,
    tpu.vector_store %arg8[%swap3A_582], %scan3A_572#3 {strides = array<i32>} : memref<256xf32, #tpu.memory_space<vmem>>, vector<16xf32>,
    %swap3A_584 = arith.constant 64 : index
    %swap3A_585 = tpu.vector_load %arg8[%swap3A_584] {strides = array<i32>} : memref<256xf32, #tpu.memory_space<vmem>>, vector<16xf32>,
    tpu.vector_store %arg8[%swap3A_584], %scan3A_572#4 {strides = array<i32>} : memref<256xf32, #tpu.memory_space<vmem>>, vector<16xf32>,
    %swap3A_586 = arith.constant 80 : index
    %swap3A_587 = tpu.vector_load %arg8[%swap3A_586] {strides = array<i32>} : memref<256xf32, #tpu.memory_space<vmem>>, vector<16xf32>,
    tpu.vector_store %arg8[%swap3A_586], %scan3A_572#5 {strides = array<i32>} : memref<256xf32, #tpu.memory_space<vmem>>, vector<16xf32>,
    %swap3A_588 = arith.constant 96 : index
    %swap3A_589 = tpu.vector_load %arg8[%swap3A_588] {strides = array<i32>} : memref<256xf32, #tpu.memory_space<vmem>>, vector<16xf32>,
    tpu.vector_store %arg8[%swap3A_588], %scan3A_572#6 {strides = array<i32>} : memref<256xf32, #tpu.memory_space<vmem>>, vector<16xf32>,
    %swap3A_590 = arith.constant 112 : index
    %swap3A_591 = tpu.vector_load %arg8[%swap3A_590] {strides = array<i32>} : memref<256xf32, #tpu.memory_space<vmem>>, vector<16xf32>,
    tpu.vector_store %arg8[%swap3A_590], %scan3A_572#7 {strides = array<i32>} : memref<256xf32, #tpu.memory_space<vmem>>, vector<16xf32>,
    %swap3A_592 = arith.constant 128 : index
    %swap3A_593 = tpu.vector_load %arg8[%swap3A_592] {strides = array<i32>} : memref<256xf32, #tpu.memory_space<vmem>>, vector<16xf32>,
    tpu.vector_store %arg8[%swap3A_592], %scan3A_572#8 {strides = array<i32>} : memref<256xf32, #tpu.memory_space<vmem>>, vector<16xf32>,
    %swap3A_594 = arith.constant 144 : index
    %swap3A_595 = tpu.vector_load %arg8[%swap3A_594] {strides = array<i32>} : memref<256xf32, #tpu.memory_space<vmem>>, vector<16xf32>,
    tpu.vector_store %arg8[%swap3A_594], %scan3A_572#9 {strides = array<i32>} : memref<256xf32, #tpu.memory_space<vmem>>, vector<16xf32>,
    %swap3A_596 = arith.constant 160 : index
    %swap3A_597 = tpu.vector_load %arg8[%swap3A_596] {strides = array<i32>} : memref<256xf32, #tpu.memory_space<vmem>>, vector<16xf32>,
    tpu.vector_store %arg8[%swap3A_596], %scan3A_572#10 {strides = array<i32>} : memref<256xf32, #tpu.memory_space<vmem>>, vector<16xf32>,
    %swap3A_598 = arith.constant 176 : index
    %swap3A_599 = tpu.vector_load %arg8[%swap3A_598] {strides = array<i32>} : memref<256xf32, #tpu.memory_space<vmem>>, vector<16xf32>,
    tpu.vector_store %arg8[%swap3A_598], %scan3A_572#11 {strides = array<i32>} : memref<256xf32, #tpu.memory_space<vmem>>, vector<16xf32>,
    %swap3A_600 = arith.constant 192 : index
    %swap3A_601 = tpu.vector_load %arg8[%swap3A_600] {strides = array<i32>} : memref<256xf32, #tpu.memory_space<vmem>>, vector<16xf32>,
    tpu.vector_store %arg8[%swap3A_600], %scan3A_572#12 {strides = array<i32>} : memref<256xf32, #tpu.memory_space<vmem>>, vector<16xf32>,
    %swap3A_602 = arith.constant 208 : index
    %swap3A_603 = tpu.vector_load %arg8[%swap3A_602] {strides = array<i32>} : memref<256xf32, #tpu.memory_space<vmem>>, vector<16xf32>,
    tpu.vector_store %arg8[%swap3A_602], %scan3A_572#13 {strides = array<i32>} : memref<256xf32, #tpu.memory_space<vmem>>, vector<16xf32>,
    %swap3A_604 = arith.constant 224 : index
    %swap3A_605 = tpu.vector_load %arg8[%swap3A_604] {strides = array<i32>} : memref<256xf32, #tpu.memory_space<vmem>>, vector<16xf32>,
    tpu.vector_store %arg8[%swap3A_604], %scan3A_572#14 {strides = array<i32>} : memref<256xf32, #tpu.memory_space<vmem>>, vector<16xf32>,
    %swap3A_606 = arith.constant 240 : index
    %swap3A_607 = tpu.vector_load %arg8[%swap3A_606] {strides = array<i32>} : memref<256xf32, #tpu.memory_space<vmem>>, vector<16xf32>,
    tpu.vector_store %arg8[%swap3A_606], %scan3A_572#15 {strides = array<i32>} : memref<256xf32, #tpu.memory_space<vmem>>, vector<16xf32>,
    %add3A_608 = arith.addi %mul3A_2, %min3A_118 : i32
    %dma_start3A_609 = tpu.memref_slice %arg4[%add3A_608] : memref<100000xf32, #tpu.memory_space<hbm>> -> memref<256xf32, #tpu.memory_space<hbm>>
    %dma_start3A_610 = tpu.memref_slice %arg4[%add3A_608] : memref<100000xf32, #tpu.memory_space<hbm>> -> memref<256xf32, #tpu.memory_space<hbm>>
    tpu.enqueue_dma source(%arg8 : memref<256xf32, #tpu.memory_space<vmem>>) target(%dma_start3A_610 : memref<256xf32, #tpu.memory_space<hbm>>) target_semaphore(%arg12 : memref<!tpu.dma_semaphore, #tpu.memory_space<semaphore_mem>>)
    %add3A_611 = arith.constant 100000 : i32
    %add3A_612 = arith.addi %add3A_611, %mul3A_2 : i32
    %add3A_613 = arith.addi %add3A_612, %min3A_122 : i32
    %mul3A_614 = arith.constant 128 : i32
    %mul3A_615 = arith.muli %add3A_613, %mul3A_614 : i32
    %dma_start3A_616 = tpu.memref_slice %arg2[%mul3A_615] : memref<25600000xf32, #tpu.memory_space<hbm>> -> memref<32768xf32, #tpu.memory_space<hbm>>
    %dma_start3A_617 = tpu.memref_slice %arg2[%mul3A_615] : memref<25600000xf32, #tpu.memory_space<hbm>> -> memref<32768xf32, #tpu.memory_space<hbm>>
    tpu.enqueue_dma source(%dma_start3A_617 : memref<32768xf32, #tpu.memory_space<hbm>>) target(%arg5 : memref<32768xf32, #tpu.memory_space<vmem>>) target_semaphore(%arg10 : memref<!tpu.dma_semaphore, #tpu.memory_space<semaphore_mem>>)
    %dma_wait3A_618 = tpu.memref_slice %arg2[%mul3A_561] : memref<25600000xf32, #tpu.memory_space<hbm>> -> memref<32768xf32, #tpu.memory_space<hbm>>
    %dma_wait3A_619 = tpu.memref_slice %arg2[%mul3A_561] : memref<25600000xf32, #tpu.memory_space<hbm>> -> memref<32768xf32, #tpu.memory_space<hbm>>
    tpu.wait_dma2 semaphore(%arg11 : memref<!tpu.dma_semaphore, #tpu.memory_space<semaphore_mem>>) src(%dma_wait3A_619 : memref<32768xf32, #tpu.memory_space<hbm>>) dst(%arg6 : memref<32768xf32, #tpu.memory_space<vmem>>)
    %broadcast_in_dim3A_620 = arith.constant 0.000000e+00 : f32
    %broadcast_in_dim3A_621 = vector.broadcast %broadcast_in_dim3A_620 : f32 to vector<16xf32>
    %scan3A_622 = arith.constant 0 : i32
    %scan3A_623 = arith.constant 128 : i32
    %scan3A_624 = arith.addi %scan3A_622, %scan3A_623 : i32
    %scan3A_625 = arith.constant 1 : i32
    %scan3A_626:16 = scf.for %scan3A_824 = %scan3A_622 to %scan3A_624 step %scan3A_625 iter_args(%scan3A_825 = %broadcast_in_dim3A_621, %scan3A_826 = %broadcast_in_dim3A_621, %scan3A_827 = %broadcast_in_dim3A_621, %scan3A_828 = %broadcast_in_dim3A_621, %scan3A_829 = %broadcast_in_dim3A_621, %scan3A_830 = %broadcast_in_dim3A_621, %scan3A_831 = %broadcast_in_dim3A_621, %scan3A_832 = %broadcast_in_dim3A_621, %scan3A_833 = %broadcast_in_dim3A_621, %scan3A_834 = %broadcast_in_dim3A_621, %scan3A_835 = %broadcast_in_dim3A_621, %scan3A_836 = %broadcast_in_dim3A_621, %scan3A_837 = %broadcast_in_dim3A_621, %scan3A_838 = %broadcast_in_dim3A_621, %scan3A_839 = %broadcast_in_dim3A_621, %scan3A_840 = %broadcast_in_dim3A_621) -> (vector<16xf32>, vector<16xf32>, vector<16xf32>, vector<16xf32>, vector<16xf32>, vector<16xf32>, vector<16xf32>, vector<16xf32>, vector<16xf32>, vector<16xf32>, vector<16xf32>, vector<16xf32>, vector<16xf32>, vector<16xf32>, vector<16xf32>, vector<16xf32>)  : i32 {
      %add3A_841 = vector.broadcast %scan3A_824 : i32 to vector<16xi32>
      %add3A_842 = arith.addi %iota3A, %add3A_841 : vector<16xi32>
      %and3A = arith.constant 127 : i32
      %and3A_843 = vector.broadcast %and3A : i32 to vector<16xi32>
      %and3A_844 = arith.andi %add3A_842, %and3A_843 : vector<16xi32>
      %get3A = arith.index_cast %scan3A_824 : i32 to index
      %get3A_845 = tpu.vector_load %arg7[%get3A] {strides = array<i32>} : memref<160xf32, #tpu.memory_space<vmem>>, vector<16xf32>,
      %add3A_846 = arith.addi %mul3A_11, %and3A_844 : vector<16xi32>
      %gather3A = tpu.vector_load_idx %arg6[%add3A_846] : memref<32768xf32, #tpu.memory_space<vmem>>[vector<16xi32>], vector<16xf32>,
      %mul3A_847 = arith.mulf %gather3A, %get3A_845 : vector<16xf32>
      %add3A_848 = arith.addf %scan3A_825, %mul3A_847 : vector<16xf32>
      %add3A_849 = arith.addi %mul3A_17, %and3A_844 : vector<16xi32>
      %gather3A_850 = tpu.vector_load_idx %arg6[%add3A_849] : memref<32768xf32, #tpu.memory_space<vmem>>[vector<16xi32>], vector<16xf32>,
      %mul3A_851 = arith.mulf %gather3A_850, %get3A_845 : vector<16xf32>
      %add3A_852 = arith.addf %scan3A_826, %mul3A_851 : vector<16xf32>
      %add3A_853 = arith.addi %mul3A_23, %and3A_844 : vector<16xi32>
      %gather3A_854 = tpu.vector_load_idx %arg6[%add3A_853] : memref<32768xf32, #tpu.memory_space<vmem>>[vector<16xi32>], vector<16xf32>,
      %mul3A_855 = arith.mulf %gather3A_854, %get3A_845 : vector<16xf32>
      %add3A_856 = arith.addf %scan3A_827, %mul3A_855 : vector<16xf32>
      %add3A_857 = arith.addi %mul3A_29, %and3A_844 : vector<16xi32>
      %gather3A_858 = tpu.vector_load_idx %arg6[%add3A_857] : memref<32768xf32, #tpu.memory_space<vmem>>[vector<16xi32>], vector<16xf32>,
      %mul3A_859 = arith.mulf %gather3A_858, %get3A_845 : vector<16xf32>
      %add3A_860 = arith.addf %scan3A_828, %mul3A_859 : vector<16xf32>
      %add3A_861 = arith.addi %mul3A_35, %and3A_844 : vector<16xi32>
      %gather3A_862 = tpu.vector_load_idx %arg6[%add3A_861] : memref<32768xf32, #tpu.memory_space<vmem>>[vector<16xi32>], vector<16xf32>,
      %mul3A_863 = arith.mulf %gather3A_862, %get3A_845 : vector<16xf32>
      %add3A_864 = arith.addf %scan3A_829, %mul3A_863 : vector<16xf32>
      %add3A_865 = arith.addi %mul3A_41, %and3A_844 : vector<16xi32>
      %gather3A_866 = tpu.vector_load_idx %arg6[%add3A_865] : memref<32768xf32, #tpu.memory_space<vmem>>[vector<16xi32>], vector<16xf32>,
      %mul3A_867 = arith.mulf %gather3A_866, %get3A_845 : vector<16xf32>
      %add3A_868 = arith.addf %scan3A_830, %mul3A_867 : vector<16xf32>
      %add3A_869 = arith.addi %mul3A_47, %and3A_844 : vector<16xi32>
      %gather3A_870 = tpu.vector_load_idx %arg6[%add3A_869] : memref<32768xf32, #tpu.memory_space<vmem>>[vector<16xi32>], vector<16xf32>,
      %mul3A_871 = arith.mulf %gather3A_870, %get3A_845 : vector<16xf32>
      %add3A_872 = arith.addf %scan3A_831, %mul3A_871 : vector<16xf32>
      %add3A_873 = arith.addi %mul3A_53, %and3A_844 : vector<16xi32>
      %gather3A_874 = tpu.vector_load_idx %arg6[%add3A_873] : memref<32768xf32, #tpu.memory_space<vmem>>[vector<16xi32>], vector<16xf32>,
      %mul3A_875 = arith.mulf %gather3A_874, %get3A_845 : vector<16xf32>
      %add3A_876 = arith.addf %scan3A_832, %mul3A_875 : vector<16xf32>
      %add3A_877 = arith.addi %mul3A_59, %and3A_844 : vector<16xi32>
      %gather3A_878 = tpu.vector_load_idx %arg6[%add3A_877] : memref<32768xf32, #tpu.memory_space<vmem>>[vector<16xi32>], vector<16xf32>,
      %mul3A_879 = arith.mulf %gather3A_878, %get3A_845 : vector<16xf32>
      %add3A_880 = arith.addf %scan3A_833, %mul3A_879 : vector<16xf32>
      %add3A_881 = arith.addi %mul3A_65, %and3A_844 : vector<16xi32>
      %gather3A_882 = tpu.vector_load_idx %arg6[%add3A_881] : memref<32768xf32, #tpu.memory_space<vmem>>[vector<16xi32>], vector<16xf32>,
      %mul3A_883 = arith.mulf %gather3A_882, %get3A_845 : vector<16xf32>
      %add3A_884 = arith.addf %scan3A_834, %mul3A_883 : vector<16xf32>
      %add3A_885 = arith.addi %mul3A_71, %and3A_844 : vector<16xi32>
      %gather3A_886 = tpu.vector_load_idx %arg6[%add3A_885] : memref<32768xf32, #tpu.memory_space<vmem>>[vector<16xi32>], vector<16xf32>,
      %mul3A_887 = arith.mulf %gather3A_886, %get3A_845 : vector<16xf32>
      %add3A_888 = arith.addf %scan3A_835, %mul3A_887 : vector<16xf32>
      %add3A_889 = arith.addi %mul3A_77, %and3A_844 : vector<16xi32>
      %gather3A_890 = tpu.vector_load_idx %arg6[%add3A_889] : memref<32768xf32, #tpu.memory_space<vmem>>[vector<16xi32>], vector<16xf32>,
      %mul3A_891 = arith.mulf %gather3A_890, %get3A_845 : vector<16xf32>
      %add3A_892 = arith.addf %scan3A_836, %mul3A_891 : vector<16xf32>
      %add3A_893 = arith.addi %mul3A_83, %and3A_844 : vector<16xi32>
      %gather3A_894 = tpu.vector_load_idx %arg6[%add3A_893] : memref<32768xf32, #tpu.memory_space<vmem>>[vector<16xi32>], vector<16xf32>,
      %mul3A_895 = arith.mulf %gather3A_894, %get3A_845 : vector<16xf32>
      %add3A_896 = arith.addf %scan3A_837, %mul3A_895 : vector<16xf32>
      %add3A_897 = arith.addi %mul3A_89, %and3A_844 : vector<16xi32>
      %gather3A_898 = tpu.vector_load_idx %arg6[%add3A_897] : memref<32768xf32, #tpu.memory_space<vmem>>[vector<16xi32>], vector<16xf32>,
      %mul3A_899 = arith.mulf %gather3A_898, %get3A_845 : vector<16xf32>
      %add3A_900 = arith.addf %scan3A_838, %mul3A_899 : vector<16xf32>
      %add3A_901 = arith.addi %mul3A_95, %and3A_844 : vector<16xi32>
      %gather3A_902 = tpu.vector_load_idx %arg6[%add3A_901] : memref<32768xf32, #tpu.memory_space<vmem>>[vector<16xi32>], vector<16xf32>,
      %mul3A_903 = arith.mulf %gather3A_902, %get3A_845 : vector<16xf32>
      %add3A_904 = arith.addf %scan3A_839, %mul3A_903 : vector<16xf32>
      %add3A_905 = arith.addi %mul3A_101, %and3A_844 : vector<16xi32>
      %gather3A_906 = tpu.vector_load_idx %arg6[%add3A_905] : memref<32768xf32, #tpu.memory_space<vmem>>[vector<16xi32>], vector<16xf32>,
      %mul3A_907 = arith.mulf %gather3A_906, %get3A_845 : vector<16xf32>
      %add3A_908 = arith.addf %scan3A_840, %mul3A_907 : vector<16xf32>
      scf.yield %add3A_848, %add3A_852, %add3A_856, %add3A_860, %add3A_864, %add3A_868, %add3A_872, %add3A_876, %add3A_880, %add3A_884, %add3A_888, %add3A_892, %add3A_896, %add3A_900, %add3A_904, %add3A_908 : vector<16xf32>, vector<16xf32>, vector<16xf32>, vector<16xf32>, vector<16xf32>, vector<16xf32>, vector<16xf32>, vector<16xf32>, vector<16xf32>, vector<16xf32>, vector<16xf32>, vector<16xf32>, vector<16xf32>, vector<16xf32>, vector<16xf32>, vector<16xf32>
    }
    %scan3A_627 = arith.constant 128 : i32
    %dma_wait3A_628 = tpu.memref_slice %arg4[%add3A_554] : memref<100000xf32, #tpu.memory_space<hbm>> -> memref<256xf32, #tpu.memory_space<hbm>>
    %dma_wait3A_629 = tpu.memref_slice %arg4[%add3A_554] : memref<100000xf32, #tpu.memory_space<hbm>> -> memref<256xf32, #tpu.memory_space<hbm>>
    tpu.wait_dma2 semaphore(%arg13 : memref<!tpu.dma_semaphore, #tpu.memory_space<semaphore_mem>>) src(%arg9 : memref<256xf32, #tpu.memory_space<vmem>>) dst(%dma_wait3A_629 : memref<256xf32, #tpu.memory_space<hbm>>)
    %swap3A_630 = arith.constant 0 : index
    %swap3A_631 = tpu.vector_load %arg9[%swap3A_630] {strides = array<i32>} : memref<256xf32, #tpu.memory_space<vmem>>, vector<16xf32>,
    tpu.vector_store %arg9[%swap3A_630], %scan3A_626#0 {strides = array<i32>} : memref<256xf32, #tpu.memory_space<vmem>>, vector<16xf32>,
    %swap3A_632 = arith.constant 16 : index
    %swap3A_633 = tpu.vector_load %arg9[%swap3A_632] {strides = array<i32>} : memref<256xf32, #tpu.memory_space<vmem>>, vector<16xf32>,
    tpu.vector_store %arg9[%swap3A_632], %scan3A_626#1 {strides = array<i32>} : memref<256xf32, #tpu.memory_space<vmem>>, vector<16xf32>,
    %swap3A_634 = arith.constant 32 : index
    %swap3A_635 = tpu.vector_load %arg9[%swap3A_634] {strides = array<i32>} : memref<256xf32, #tpu.memory_space<vmem>>, vector<16xf32>,
    tpu.vector_store %arg9[%swap3A_634], %scan3A_626#2 {strides = array<i32>} : memref<256xf32, #tpu.memory_space<vmem>>, vector<16xf32>,
    %swap3A_636 = arith.constant 48 : index
    %swap3A_637 = tpu.vector_load %arg9[%swap3A_636] {strides = array<i32>} : memref<256xf32, #tpu.memory_space<vmem>>, vector<16xf32>,
    tpu.vector_store %arg9[%swap3A_636], %scan3A_626#3 {strides = array<i32>} : memref<256xf32, #tpu.memory_space<vmem>>, vector<16xf32>,
    %swap3A_638 = arith.constant 64 : index
    %swap3A_639 = tpu.vector_load %arg9[%swap3A_638] {strides = array<i32>} : memref<256xf32, #tpu.memory_space<vmem>>, vector<16xf32>,
    tpu.vector_store %arg9[%swap3A_638], %scan3A_626#4 {strides = array<i32>} : memref<256xf32, #tpu.memory_space<vmem>>, vector<16xf32>,
    %swap3A_640 = arith.constant 80 : index
    %swap3A_641 = tpu.vector_load %arg9[%swap3A_640] {strides = array<i32>} : memref<256xf32, #tpu.memory_space<vmem>>, vector<16xf32>,
    tpu.vector_store %arg9[%swap3A_640], %scan3A_626#5 {strides = array<i32>} : memref<256xf32, #tpu.memory_space<vmem>>, vector<16xf32>,
    %swap3A_642 = arith.constant 96 : index
    %swap3A_643 = tpu.vector_load %arg9[%swap3A_642] {strides = array<i32>} : memref<256xf32, #tpu.memory_space<vmem>>, vector<16xf32>,
    tpu.vector_store %arg9[%swap3A_642], %scan3A_626#6 {strides = array<i32>} : memref<256xf32, #tpu.memory_space<vmem>>, vector<16xf32>,
    %swap3A_644 = arith.constant 112 : index
    %swap3A_645 = tpu.vector_load %arg9[%swap3A_644] {strides = array<i32>} : memref<256xf32, #tpu.memory_space<vmem>>, vector<16xf32>,
    tpu.vector_store %arg9[%swap3A_644], %scan3A_626#7 {strides = array<i32>} : memref<256xf32, #tpu.memory_space<vmem>>, vector<16xf32>,
    %swap3A_646 = arith.constant 128 : index
    %swap3A_647 = tpu.vector_load %arg9[%swap3A_646] {strides = array<i32>} : memref<256xf32, #tpu.memory_space<vmem>>, vector<16xf32>,
    tpu.vector_store %arg9[%swap3A_646], %scan3A_626#8 {strides = array<i32>} : memref<256xf32, #tpu.memory_space<vmem>>, vector<16xf32>,
    %swap3A_648 = arith.constant 144 : index
    %swap3A_649 = tpu.vector_load %arg9[%swap3A_648] {strides = array<i32>} : memref<256xf32, #tpu.memory_space<vmem>>, vector<16xf32>,
    tpu.vector_store %arg9[%swap3A_648], %scan3A_626#9 {strides = array<i32>} : memref<256xf32, #tpu.memory_space<vmem>>, vector<16xf32>,
    %swap3A_650 = arith.constant 160 : index
    %swap3A_651 = tpu.vector_load %arg9[%swap3A_650] {strides = array<i32>} : memref<256xf32, #tpu.memory_space<vmem>>, vector<16xf32>,
    tpu.vector_store %arg9[%swap3A_650], %scan3A_626#10 {strides = array<i32>} : memref<256xf32, #tpu.memory_space<vmem>>, vector<16xf32>,
    %swap3A_652 = arith.constant 176 : index
    %swap3A_653 = tpu.vector_load %arg9[%swap3A_652] {strides = array<i32>} : memref<256xf32, #tpu.memory_space<vmem>>, vector<16xf32>,
    tpu.vector_store %arg9[%swap3A_652], %scan3A_626#11 {strides = array<i32>} : memref<256xf32, #tpu.memory_space<vmem>>, vector<16xf32>,
    %swap3A_654 = arith.constant 192 : index
    %swap3A_655 = tpu.vector_load %arg9[%swap3A_654] {strides = array<i32>} : memref<256xf32, #tpu.memory_space<vmem>>, vector<16xf32>,
    tpu.vector_store %arg9[%swap3A_654], %scan3A_626#12 {strides = array<i32>} : memref<256xf32, #tpu.memory_space<vmem>>, vector<16xf32>,
    %swap3A_656 = arith.constant 208 : index
    %swap3A_657 = tpu.vector_load %arg9[%swap3A_656] {strides = array<i32>} : memref<256xf32, #tpu.memory_space<vmem>>, vector<16xf32>,
    tpu.vector_store %arg9[%swap3A_656], %scan3A_626#13 {strides = array<i32>} : memref<256xf32, #tpu.memory_space<vmem>>, vector<16xf32>,
    %swap3A_658 = arith.constant 224 : index
    %swap3A_659 = tpu.vector_load %arg9[%swap3A_658] {strides = array<i32>} : memref<256xf32, #tpu.memory_space<vmem>>, vector<16xf32>,
    tpu.vector_store %arg9[%swap3A_658], %scan3A_626#14 {strides = array<i32>} : memref<256xf32, #tpu.memory_space<vmem>>, vector<16xf32>,
    %swap3A_660 = arith.constant 240 : index
    %swap3A_661 = tpu.vector_load %arg9[%swap3A_660] {strides = array<i32>} : memref<256xf32, #tpu.memory_space<vmem>>, vector<16xf32>,
    tpu.vector_store %arg9[%swap3A_660], %scan3A_626#15 {strides = array<i32>} : memref<256xf32, #tpu.memory_space<vmem>>, vector<16xf32>,
    %add3A_662 = arith.addi %mul3A_2, %min3A_120 : i32
    %dma_start3A_663 = tpu.memref_slice %arg4[%add3A_662] : memref<100000xf32, #tpu.memory_space<hbm>> -> memref<256xf32, #tpu.memory_space<hbm>>
    %dma_start3A_664 = tpu.memref_slice %arg4[%add3A_662] : memref<100000xf32, #tpu.memory_space<hbm>> -> memref<256xf32, #tpu.memory_space<hbm>>
    tpu.enqueue_dma source(%arg9 : memref<256xf32, #tpu.memory_space<vmem>>) target(%dma_start3A_664 : memref<256xf32, #tpu.memory_space<hbm>>) target_semaphore(%arg13 : memref<!tpu.dma_semaphore, #tpu.memory_space<semaphore_mem>>)
    %add3A_665 = arith.constant 100000 : i32
    %add3A_666 = arith.addi %add3A_665, %mul3A_2 : i32
    %add3A_667 = arith.addi %add3A_666, %min3A_124 : i32
    %mul3A_668 = arith.constant 128 : i32
    %mul3A_669 = arith.muli %add3A_667, %mul3A_668 : i32
    %dma_start3A_670 = tpu.memref_slice %arg2[%mul3A_669] : memref<25600000xf32, #tpu.memory_space<hbm>> -> memref<32768xf32, #tpu.memory_space<hbm>>
    %dma_start3A_671 = tpu.memref_slice %arg2[%mul3A_669] : memref<25600000xf32, #tpu.memory_space<hbm>> -> memref<32768xf32, #tpu.memory_space<hbm>>
    tpu.enqueue_dma source(%dma_start3A_671 : memref<32768xf32, #tpu.memory_space<hbm>>) target(%arg6 : memref<32768xf32, #tpu.memory_space<vmem>>) target_semaphore(%arg11 : memref<!tpu.dma_semaphore, #tpu.memory_space<semaphore_mem>>)
    %dma_wait3A_672 = tpu.memref_slice %arg2[%mul3A_615] : memref<25600000xf32, #tpu.memory_space<hbm>> -> memref<32768xf32, #tpu.memory_space<hbm>>
    %dma_wait3A_673 = tpu.memref_slice %arg2[%mul3A_615] : memref<25600000xf32, #tpu.memory_space<hbm>> -> memref<32768xf32, #tpu.memory_space<hbm>>
    tpu.wait_dma2 semaphore(%arg10 : memref<!tpu.dma_semaphore, #tpu.memory_space<semaphore_mem>>) src(%dma_wait3A_673 : memref<32768xf32, #tpu.memory_space<hbm>>) dst(%arg5 : memref<32768xf32, #tpu.memory_space<vmem>>)
    %broadcast_in_dim3A_674 = arith.constant 0.000000e+00 : f32
    %broadcast_in_dim3A_675 = vector.broadcast %broadcast_in_dim3A_674 : f32 to vector<16xf32>
    %scan3A_676 = arith.constant 0 : i32
    %scan3A_677 = arith.constant 128 : i32
    %scan3A_678 = arith.addi %scan3A_676, %scan3A_677 : i32
    %scan3A_679 = arith.constant 1 : i32
    %scan3A_680:16 = scf.for %scan3A_824 = %scan3A_676 to %scan3A_678 step %scan3A_679 iter_args(%scan3A_825 = %broadcast_in_dim3A_675, %scan3A_826 = %broadcast_in_dim3A_675, %scan3A_827 = %broadcast_in_dim3A_675, %scan3A_828 = %broadcast_in_dim3A_675, %scan3A_829 = %broadcast_in_dim3A_675, %scan3A_830 = %broadcast_in_dim3A_675, %scan3A_831 = %broadcast_in_dim3A_675, %scan3A_832 = %broadcast_in_dim3A_675, %scan3A_833 = %broadcast_in_dim3A_675, %scan3A_834 = %broadcast_in_dim3A_675, %scan3A_835 = %broadcast_in_dim3A_675, %scan3A_836 = %broadcast_in_dim3A_675, %scan3A_837 = %broadcast_in_dim3A_675, %scan3A_838 = %broadcast_in_dim3A_675, %scan3A_839 = %broadcast_in_dim3A_675, %scan3A_840 = %broadcast_in_dim3A_675) -> (vector<16xf32>, vector<16xf32>, vector<16xf32>, vector<16xf32>, vector<16xf32>, vector<16xf32>, vector<16xf32>, vector<16xf32>, vector<16xf32>, vector<16xf32>, vector<16xf32>, vector<16xf32>, vector<16xf32>, vector<16xf32>, vector<16xf32>, vector<16xf32>)  : i32 {
      %add3A_841 = vector.broadcast %scan3A_824 : i32 to vector<16xi32>
      %add3A_842 = arith.addi %iota3A, %add3A_841 : vector<16xi32>
      %and3A = arith.constant 127 : i32
      %and3A_843 = vector.broadcast %and3A : i32 to vector<16xi32>
      %and3A_844 = arith.andi %add3A_842, %and3A_843 : vector<16xi32>
      %get3A = arith.index_cast %scan3A_824 : i32 to index
      %get3A_845 = tpu.vector_load %arg7[%get3A] {strides = array<i32>} : memref<160xf32, #tpu.memory_space<vmem>>, vector<16xf32>,
      %add3A_846 = arith.addi %mul3A_11, %and3A_844 : vector<16xi32>
      %gather3A = tpu.vector_load_idx %arg5[%add3A_846] : memref<32768xf32, #tpu.memory_space<vmem>>[vector<16xi32>], vector<16xf32>,
      %mul3A_847 = arith.mulf %gather3A, %get3A_845 : vector<16xf32>
      %add3A_848 = arith.addf %scan3A_825, %mul3A_847 : vector<16xf32>
      %add3A_849 = arith.addi %mul3A_17, %and3A_844 : vector<16xi32>
      %gather3A_850 = tpu.vector_load_idx %arg5[%add3A_849] : memref<32768xf32, #tpu.memory_space<vmem>>[vector<16xi32>], vector<16xf32>,
      %mul3A_851 = arith.mulf %gather3A_850, %get3A_845 : vector<16xf32>
      %add3A_852 = arith.addf %scan3A_826, %mul3A_851 : vector<16xf32>
      %add3A_853 = arith.addi %mul3A_23, %and3A_844 : vector<16xi32>
      %gather3A_854 = tpu.vector_load_idx %arg5[%add3A_853] : memref<32768xf32, #tpu.memory_space<vmem>>[vector<16xi32>], vector<16xf32>,
      %mul3A_855 = arith.mulf %gather3A_854, %get3A_845 : vector<16xf32>
      %add3A_856 = arith.addf %scan3A_827, %mul3A_855 : vector<16xf32>
      %add3A_857 = arith.addi %mul3A_29, %and3A_844 : vector<16xi32>
      %gather3A_858 = tpu.vector_load_idx %arg5[%add3A_857] : memref<32768xf32, #tpu.memory_space<vmem>>[vector<16xi32>], vector<16xf32>,
      %mul3A_859 = arith.mulf %gather3A_858, %get3A_845 : vector<16xf32>
      %add3A_860 = arith.addf %scan3A_828, %mul3A_859 : vector<16xf32>
      %add3A_861 = arith.addi %mul3A_35, %and3A_844 : vector<16xi32>
      %gather3A_862 = tpu.vector_load_idx %arg5[%add3A_861] : memref<32768xf32, #tpu.memory_space<vmem>>[vector<16xi32>], vector<16xf32>,
      %mul3A_863 = arith.mulf %gather3A_862, %get3A_845 : vector<16xf32>
      %add3A_864 = arith.addf %scan3A_829, %mul3A_863 : vector<16xf32>
      %add3A_865 = arith.addi %mul3A_41, %and3A_844 : vector<16xi32>
      %gather3A_866 = tpu.vector_load_idx %arg5[%add3A_865] : memref<32768xf32, #tpu.memory_space<vmem>>[vector<16xi32>], vector<16xf32>,
      %mul3A_867 = arith.mulf %gather3A_866, %get3A_845 : vector<16xf32>
      %add3A_868 = arith.addf %scan3A_830, %mul3A_867 : vector<16xf32>
      %add3A_869 = arith.addi %mul3A_47, %and3A_844 : vector<16xi32>
      %gather3A_870 = tpu.vector_load_idx %arg5[%add3A_869] : memref<32768xf32, #tpu.memory_space<vmem>>[vector<16xi32>], vector<16xf32>,
      %mul3A_871 = arith.mulf %gather3A_870, %get3A_845 : vector<16xf32>
      %add3A_872 = arith.addf %scan3A_831, %mul3A_871 : vector<16xf32>
      %add3A_873 = arith.addi %mul3A_53, %and3A_844 : vector<16xi32>
      %gather3A_874 = tpu.vector_load_idx %arg5[%add3A_873] : memref<32768xf32, #tpu.memory_space<vmem>>[vector<16xi32>], vector<16xf32>,
      %mul3A_875 = arith.mulf %gather3A_874, %get3A_845 : vector<16xf32>
      %add3A_876 = arith.addf %scan3A_832, %mul3A_875 : vector<16xf32>
      %add3A_877 = arith.addi %mul3A_59, %and3A_844 : vector<16xi32>
      %gather3A_878 = tpu.vector_load_idx %arg5[%add3A_877] : memref<32768xf32, #tpu.memory_space<vmem>>[vector<16xi32>], vector<16xf32>,
      %mul3A_879 = arith.mulf %gather3A_878, %get3A_845 : vector<16xf32>
      %add3A_880 = arith.addf %scan3A_833, %mul3A_879 : vector<16xf32>
      %add3A_881 = arith.addi %mul3A_65, %and3A_844 : vector<16xi32>
      %gather3A_882 = tpu.vector_load_idx %arg5[%add3A_881] : memref<32768xf32, #tpu.memory_space<vmem>>[vector<16xi32>], vector<16xf32>,
      %mul3A_883 = arith.mulf %gather3A_882, %get3A_845 : vector<16xf32>
      %add3A_884 = arith.addf %scan3A_834, %mul3A_883 : vector<16xf32>
      %add3A_885 = arith.addi %mul3A_71, %and3A_844 : vector<16xi32>
      %gather3A_886 = tpu.vector_load_idx %arg5[%add3A_885] : memref<32768xf32, #tpu.memory_space<vmem>>[vector<16xi32>], vector<16xf32>,
      %mul3A_887 = arith.mulf %gather3A_886, %get3A_845 : vector<16xf32>
      %add3A_888 = arith.addf %scan3A_835, %mul3A_887 : vector<16xf32>
      %add3A_889 = arith.addi %mul3A_77, %and3A_844 : vector<16xi32>
      %gather3A_890 = tpu.vector_load_idx %arg5[%add3A_889] : memref<32768xf32, #tpu.memory_space<vmem>>[vector<16xi32>], vector<16xf32>,
      %mul3A_891 = arith.mulf %gather3A_890, %get3A_845 : vector<16xf32>
      %add3A_892 = arith.addf %scan3A_836, %mul3A_891 : vector<16xf32>
      %add3A_893 = arith.addi %mul3A_83, %and3A_844 : vector<16xi32>
      %gather3A_894 = tpu.vector_load_idx %arg5[%add3A_893] : memref<32768xf32, #tpu.memory_space<vmem>>[vector<16xi32>], vector<16xf32>,
      %mul3A_895 = arith.mulf %gather3A_894, %get3A_845 : vector<16xf32>
      %add3A_896 = arith.addf %scan3A_837, %mul3A_895 : vector<16xf32>
      %add3A_897 = arith.addi %mul3A_89, %and3A_844 : vector<16xi32>
      %gather3A_898 = tpu.vector_load_idx %arg5[%add3A_897] : memref<32768xf32, #tpu.memory_space<vmem>>[vector<16xi32>], vector<16xf32>,
      %mul3A_899 = arith.mulf %gather3A_898, %get3A_845 : vector<16xf32>
      %add3A_900 = arith.addf %scan3A_838, %mul3A_899 : vector<16xf32>
      %add3A_901 = arith.addi %mul3A_95, %and3A_844 : vector<16xi32>
      %gather3A_902 = tpu.vector_load_idx %arg5[%add3A_901] : memref<32768xf32, #tpu.memory_space<vmem>>[vector<16xi32>], vector<16xf32>,
      %mul3A_903 = arith.mulf %gather3A_902, %get3A_845 : vector<16xf32>
      %add3A_904 = arith.addf %scan3A_839, %mul3A_903 : vector<16xf32>
      %add3A_905 = arith.addi %mul3A_101, %and3A_844 : vector<16xi32>
      %gather3A_906 = tpu.vector_load_idx %arg5[%add3A_905] : memref<32768xf32, #tpu.memory_space<vmem>>[vector<16xi32>], vector<16xf32>,
      %mul3A_907 = arith.mulf %gather3A_906, %get3A_845 : vector<16xf32>
      %add3A_908 = arith.addf %scan3A_840, %mul3A_907 : vector<16xf32>
      scf.yield %add3A_848, %add3A_852, %add3A_856, %add3A_860, %add3A_864, %add3A_868, %add3A_872, %add3A_876, %add3A_880, %add3A_884, %add3A_888, %add3A_892, %add3A_896, %add3A_900, %add3A_904, %add3A_908 : vector<16xf32>, vector<16xf32>, vector<16xf32>, vector<16xf32>, vector<16xf32>, vector<16xf32>, vector<16xf32>, vector<16xf32>, vector<16xf32>, vector<16xf32>, vector<16xf32>, vector<16xf32>, vector<16xf32>, vector<16xf32>, vector<16xf32>, vector<16xf32>
    }
    %scan3A_681 = arith.constant 128 : i32
    %dma_wait3A_682 = tpu.memref_slice %arg4[%add3A_608] : memref<100000xf32, #tpu.memory_space<hbm>> -> memref<256xf32, #tpu.memory_space<hbm>>
    %dma_wait3A_683 = tpu.memref_slice %arg4[%add3A_608] : memref<100000xf32, #tpu.memory_space<hbm>> -> memref<256xf32, #tpu.memory_space<hbm>>
    tpu.wait_dma2 semaphore(%arg12 : memref<!tpu.dma_semaphore, #tpu.memory_space<semaphore_mem>>) src(%arg8 : memref<256xf32, #tpu.memory_space<vmem>>) dst(%dma_wait3A_683 : memref<256xf32, #tpu.memory_space<hbm>>)
    %swap3A_684 = arith.constant 0 : index
    %swap3A_685 = tpu.vector_load %arg8[%swap3A_684] {strides = array<i32>} : memref<256xf32, #tpu.memory_space<vmem>>, vector<16xf32>,
    tpu.vector_store %arg8[%swap3A_684], %scan3A_680#0 {strides = array<i32>} : memref<256xf32, #tpu.memory_space<vmem>>, vector<16xf32>,
    %swap3A_686 = arith.constant 16 : index
    %swap3A_687 = tpu.vector_load %arg8[%swap3A_686] {strides = array<i32>} : memref<256xf32, #tpu.memory_space<vmem>>, vector<16xf32>,
    tpu.vector_store %arg8[%swap3A_686], %scan3A_680#1 {strides = array<i32>} : memref<256xf32, #tpu.memory_space<vmem>>, vector<16xf32>,
    %swap3A_688 = arith.constant 32 : index
    %swap3A_689 = tpu.vector_load %arg8[%swap3A_688] {strides = array<i32>} : memref<256xf32, #tpu.memory_space<vmem>>, vector<16xf32>,
    tpu.vector_store %arg8[%swap3A_688], %scan3A_680#2 {strides = array<i32>} : memref<256xf32, #tpu.memory_space<vmem>>, vector<16xf32>,
    %swap3A_690 = arith.constant 48 : index
    %swap3A_691 = tpu.vector_load %arg8[%swap3A_690] {strides = array<i32>} : memref<256xf32, #tpu.memory_space<vmem>>, vector<16xf32>,
    tpu.vector_store %arg8[%swap3A_690], %scan3A_680#3 {strides = array<i32>} : memref<256xf32, #tpu.memory_space<vmem>>, vector<16xf32>,
    %swap3A_692 = arith.constant 64 : index
    %swap3A_693 = tpu.vector_load %arg8[%swap3A_692] {strides = array<i32>} : memref<256xf32, #tpu.memory_space<vmem>>, vector<16xf32>,
    tpu.vector_store %arg8[%swap3A_692], %scan3A_680#4 {strides = array<i32>} : memref<256xf32, #tpu.memory_space<vmem>>, vector<16xf32>,
    %swap3A_694 = arith.constant 80 : index
    %swap3A_695 = tpu.vector_load %arg8[%swap3A_694] {strides = array<i32>} : memref<256xf32, #tpu.memory_space<vmem>>, vector<16xf32>,
    tpu.vector_store %arg8[%swap3A_694], %scan3A_680#5 {strides = array<i32>} : memref<256xf32, #tpu.memory_space<vmem>>, vector<16xf32>,
    %swap3A_696 = arith.constant 96 : index
    %swap3A_697 = tpu.vector_load %arg8[%swap3A_696] {strides = array<i32>} : memref<256xf32, #tpu.memory_space<vmem>>, vector<16xf32>,
    tpu.vector_store %arg8[%swap3A_696], %scan3A_680#6 {strides = array<i32>} : memref<256xf32, #tpu.memory_space<vmem>>, vector<16xf32>,
    %swap3A_698 = arith.constant 112 : index
    %swap3A_699 = tpu.vector_load %arg8[%swap3A_698] {strides = array<i32>} : memref<256xf32, #tpu.memory_space<vmem>>, vector<16xf32>,
    tpu.vector_store %arg8[%swap3A_698], %scan3A_680#7 {strides = array<i32>} : memref<256xf32, #tpu.memory_space<vmem>>, vector<16xf32>,
    %swap3A_700 = arith.constant 128 : index
    %swap3A_701 = tpu.vector_load %arg8[%swap3A_700] {strides = array<i32>} : memref<256xf32, #tpu.memory_space<vmem>>, vector<16xf32>,
    tpu.vector_store %arg8[%swap3A_700], %scan3A_680#8 {strides = array<i32>} : memref<256xf32, #tpu.memory_space<vmem>>, vector<16xf32>,
    %swap3A_702 = arith.constant 144 : index
    %swap3A_703 = tpu.vector_load %arg8[%swap3A_702] {strides = array<i32>} : memref<256xf32, #tpu.memory_space<vmem>>, vector<16xf32>,
    tpu.vector_store %arg8[%swap3A_702], %scan3A_680#9 {strides = array<i32>} : memref<256xf32, #tpu.memory_space<vmem>>, vector<16xf32>,
    %swap3A_704 = arith.constant 160 : index
    %swap3A_705 = tpu.vector_load %arg8[%swap3A_704] {strides = array<i32>} : memref<256xf32, #tpu.memory_space<vmem>>, vector<16xf32>,
    tpu.vector_store %arg8[%swap3A_704], %scan3A_680#10 {strides = array<i32>} : memref<256xf32, #tpu.memory_space<vmem>>, vector<16xf32>,
    %swap3A_706 = arith.constant 176 : index
    %swap3A_707 = tpu.vector_load %arg8[%swap3A_706] {strides = array<i32>} : memref<256xf32, #tpu.memory_space<vmem>>, vector<16xf32>,
    tpu.vector_store %arg8[%swap3A_706], %scan3A_680#11 {strides = array<i32>} : memref<256xf32, #tpu.memory_space<vmem>>, vector<16xf32>,
    %swap3A_708 = arith.constant 192 : index
    %swap3A_709 = tpu.vector_load %arg8[%swap3A_708] {strides = array<i32>} : memref<256xf32, #tpu.memory_space<vmem>>, vector<16xf32>,
    tpu.vector_store %arg8[%swap3A_708], %scan3A_680#12 {strides = array<i32>} : memref<256xf32, #tpu.memory_space<vmem>>, vector<16xf32>,
    %swap3A_710 = arith.constant 208 : index
    %swap3A_711 = tpu.vector_load %arg8[%swap3A_710] {strides = array<i32>} : memref<256xf32, #tpu.memory_space<vmem>>, vector<16xf32>,
    tpu.vector_store %arg8[%swap3A_710], %scan3A_680#13 {strides = array<i32>} : memref<256xf32, #tpu.memory_space<vmem>>, vector<16xf32>,
    %swap3A_712 = arith.constant 224 : index
    %swap3A_713 = tpu.vector_load %arg8[%swap3A_712] {strides = array<i32>} : memref<256xf32, #tpu.memory_space<vmem>>, vector<16xf32>,
    tpu.vector_store %arg8[%swap3A_712], %scan3A_680#14 {strides = array<i32>} : memref<256xf32, #tpu.memory_space<vmem>>, vector<16xf32>,
    %swap3A_714 = arith.constant 240 : index
    %swap3A_715 = tpu.vector_load %arg8[%swap3A_714] {strides = array<i32>} : memref<256xf32, #tpu.memory_space<vmem>>, vector<16xf32>,
    tpu.vector_store %arg8[%swap3A_714], %scan3A_680#15 {strides = array<i32>} : memref<256xf32, #tpu.memory_space<vmem>>, vector<16xf32>,
    %add3A_716 = arith.addi %mul3A_2, %min3A_122 : i32
    %dma_start3A_717 = tpu.memref_slice %arg4[%add3A_716] : memref<100000xf32, #tpu.memory_space<hbm>> -> memref<256xf32, #tpu.memory_space<hbm>>
    %dma_start3A_718 = tpu.memref_slice %arg4[%add3A_716] : memref<100000xf32, #tpu.memory_space<hbm>> -> memref<256xf32, #tpu.memory_space<hbm>>
    tpu.enqueue_dma source(%arg8 : memref<256xf32, #tpu.memory_space<vmem>>) target(%dma_start3A_718 : memref<256xf32, #tpu.memory_space<hbm>>) target_semaphore(%arg12 : memref<!tpu.dma_semaphore, #tpu.memory_space<semaphore_mem>>)
    %add3A_719 = arith.constant 100000 : i32
    %add3A_720 = arith.addi %add3A_719, %mul3A_2 : i32
    %add3A_721 = arith.addi %add3A_720, %min3A_126 : i32
    %mul3A_722 = arith.constant 128 : i32
    %mul3A_723 = arith.muli %add3A_721, %mul3A_722 : i32
    %dma_start3A_724 = tpu.memref_slice %arg2[%mul3A_723] : memref<25600000xf32, #tpu.memory_space<hbm>> -> memref<32768xf32, #tpu.memory_space<hbm>>
    %dma_start3A_725 = tpu.memref_slice %arg2[%mul3A_723] : memref<25600000xf32, #tpu.memory_space<hbm>> -> memref<32768xf32, #tpu.memory_space<hbm>>
    tpu.enqueue_dma source(%dma_start3A_725 : memref<32768xf32, #tpu.memory_space<hbm>>) target(%arg5 : memref<32768xf32, #tpu.memory_space<vmem>>) target_semaphore(%arg10 : memref<!tpu.dma_semaphore, #tpu.memory_space<semaphore_mem>>)
    %dma_wait3A_726 = tpu.memref_slice %arg2[%mul3A_669] : memref<25600000xf32, #tpu.memory_space<hbm>> -> memref<32768xf32, #tpu.memory_space<hbm>>
    %dma_wait3A_727 = tpu.memref_slice %arg2[%mul3A_669] : memref<25600000xf32, #tpu.memory_space<hbm>> -> memref<32768xf32, #tpu.memory_space<hbm>>
    tpu.wait_dma2 semaphore(%arg11 : memref<!tpu.dma_semaphore, #tpu.memory_space<semaphore_mem>>) src(%dma_wait3A_727 : memref<32768xf32, #tpu.memory_space<hbm>>) dst(%arg6 : memref<32768xf32, #tpu.memory_space<vmem>>)
    %broadcast_in_dim3A_728 = arith.constant 0.000000e+00 : f32
    %broadcast_in_dim3A_729 = vector.broadcast %broadcast_in_dim3A_728 : f32 to vector<16xf32>
    %scan3A_730 = arith.constant 0 : i32
    %scan3A_731 = arith.constant 128 : i32
    %scan3A_732 = arith.addi %scan3A_730, %scan3A_731 : i32
    %scan3A_733 = arith.constant 1 : i32
    %scan3A_734:16 = scf.for %scan3A_824 = %scan3A_730 to %scan3A_732 step %scan3A_733 iter_args(%scan3A_825 = %broadcast_in_dim3A_729, %scan3A_826 = %broadcast_in_dim3A_729, %scan3A_827 = %broadcast_in_dim3A_729, %scan3A_828 = %broadcast_in_dim3A_729, %scan3A_829 = %broadcast_in_dim3A_729, %scan3A_830 = %broadcast_in_dim3A_729, %scan3A_831 = %broadcast_in_dim3A_729, %scan3A_832 = %broadcast_in_dim3A_729, %scan3A_833 = %broadcast_in_dim3A_729, %scan3A_834 = %broadcast_in_dim3A_729, %scan3A_835 = %broadcast_in_dim3A_729, %scan3A_836 = %broadcast_in_dim3A_729, %scan3A_837 = %broadcast_in_dim3A_729, %scan3A_838 = %broadcast_in_dim3A_729, %scan3A_839 = %broadcast_in_dim3A_729, %scan3A_840 = %broadcast_in_dim3A_729) -> (vector<16xf32>, vector<16xf32>, vector<16xf32>, vector<16xf32>, vector<16xf32>, vector<16xf32>, vector<16xf32>, vector<16xf32>, vector<16xf32>, vector<16xf32>, vector<16xf32>, vector<16xf32>, vector<16xf32>, vector<16xf32>, vector<16xf32>, vector<16xf32>)  : i32 {
      %add3A_841 = vector.broadcast %scan3A_824 : i32 to vector<16xi32>
      %add3A_842 = arith.addi %iota3A, %add3A_841 : vector<16xi32>
      %and3A = arith.constant 127 : i32
      %and3A_843 = vector.broadcast %and3A : i32 to vector<16xi32>
      %and3A_844 = arith.andi %add3A_842, %and3A_843 : vector<16xi32>
      %get3A = arith.index_cast %scan3A_824 : i32 to index
      %get3A_845 = tpu.vector_load %arg7[%get3A] {strides = array<i32>} : memref<160xf32, #tpu.memory_space<vmem>>, vector<16xf32>,
      %add3A_846 = arith.addi %mul3A_11, %and3A_844 : vector<16xi32>
      %gather3A = tpu.vector_load_idx %arg6[%add3A_846] : memref<32768xf32, #tpu.memory_space<vmem>>[vector<16xi32>], vector<16xf32>,
      %mul3A_847 = arith.mulf %gather3A, %get3A_845 : vector<16xf32>
      %add3A_848 = arith.addf %scan3A_825, %mul3A_847 : vector<16xf32>
      %add3A_849 = arith.addi %mul3A_17, %and3A_844 : vector<16xi32>
      %gather3A_850 = tpu.vector_load_idx %arg6[%add3A_849] : memref<32768xf32, #tpu.memory_space<vmem>>[vector<16xi32>], vector<16xf32>,
      %mul3A_851 = arith.mulf %gather3A_850, %get3A_845 : vector<16xf32>
      %add3A_852 = arith.addf %scan3A_826, %mul3A_851 : vector<16xf32>
      %add3A_853 = arith.addi %mul3A_23, %and3A_844 : vector<16xi32>
      %gather3A_854 = tpu.vector_load_idx %arg6[%add3A_853] : memref<32768xf32, #tpu.memory_space<vmem>>[vector<16xi32>], vector<16xf32>,
      %mul3A_855 = arith.mulf %gather3A_854, %get3A_845 : vector<16xf32>
      %add3A_856 = arith.addf %scan3A_827, %mul3A_855 : vector<16xf32>
      %add3A_857 = arith.addi %mul3A_29, %and3A_844 : vector<16xi32>
      %gather3A_858 = tpu.vector_load_idx %arg6[%add3A_857] : memref<32768xf32, #tpu.memory_space<vmem>>[vector<16xi32>], vector<16xf32>,
      %mul3A_859 = arith.mulf %gather3A_858, %get3A_845 : vector<16xf32>
      %add3A_860 = arith.addf %scan3A_828, %mul3A_859 : vector<16xf32>
      %add3A_861 = arith.addi %mul3A_35, %and3A_844 : vector<16xi32>
      %gather3A_862 = tpu.vector_load_idx %arg6[%add3A_861] : memref<32768xf32, #tpu.memory_space<vmem>>[vector<16xi32>], vector<16xf32>,
      %mul3A_863 = arith.mulf %gather3A_862, %get3A_845 : vector<16xf32>
      %add3A_864 = arith.addf %scan3A_829, %mul3A_863 : vector<16xf32>
      %add3A_865 = arith.addi %mul3A_41, %and3A_844 : vector<16xi32>
      %gather3A_866 = tpu.vector_load_idx %arg6[%add3A_865] : memref<32768xf32, #tpu.memory_space<vmem>>[vector<16xi32>], vector<16xf32>,
      %mul3A_867 = arith.mulf %gather3A_866, %get3A_845 : vector<16xf32>
      %add3A_868 = arith.addf %scan3A_830, %mul3A_867 : vector<16xf32>
      %add3A_869 = arith.addi %mul3A_47, %and3A_844 : vector<16xi32>
      %gather3A_870 = tpu.vector_load_idx %arg6[%add3A_869] : memref<32768xf32, #tpu.memory_space<vmem>>[vector<16xi32>], vector<16xf32>,
      %mul3A_871 = arith.mulf %gather3A_870, %get3A_845 : vector<16xf32>
      %add3A_872 = arith.addf %scan3A_831, %mul3A_871 : vector<16xf32>
      %add3A_873 = arith.addi %mul3A_53, %and3A_844 : vector<16xi32>
      %gather3A_874 = tpu.vector_load_idx %arg6[%add3A_873] : memref<32768xf32, #tpu.memory_space<vmem>>[vector<16xi32>], vector<16xf32>,
      %mul3A_875 = arith.mulf %gather3A_874, %get3A_845 : vector<16xf32>
      %add3A_876 = arith.addf %scan3A_832, %mul3A_875 : vector<16xf32>
      %add3A_877 = arith.addi %mul3A_59, %and3A_844 : vector<16xi32>
      %gather3A_878 = tpu.vector_load_idx %arg6[%add3A_877] : memref<32768xf32, #tpu.memory_space<vmem>>[vector<16xi32>], vector<16xf32>,
      %mul3A_879 = arith.mulf %gather3A_878, %get3A_845 : vector<16xf32>
      %add3A_880 = arith.addf %scan3A_833, %mul3A_879 : vector<16xf32>
      %add3A_881 = arith.addi %mul3A_65, %and3A_844 : vector<16xi32>
      %gather3A_882 = tpu.vector_load_idx %arg6[%add3A_881] : memref<32768xf32, #tpu.memory_space<vmem>>[vector<16xi32>], vector<16xf32>,
      %mul3A_883 = arith.mulf %gather3A_882, %get3A_845 : vector<16xf32>
      %add3A_884 = arith.addf %scan3A_834, %mul3A_883 : vector<16xf32>
      %add3A_885 = arith.addi %mul3A_71, %and3A_844 : vector<16xi32>
      %gather3A_886 = tpu.vector_load_idx %arg6[%add3A_885] : memref<32768xf32, #tpu.memory_space<vmem>>[vector<16xi32>], vector<16xf32>,
      %mul3A_887 = arith.mulf %gather3A_886, %get3A_845 : vector<16xf32>
      %add3A_888 = arith.addf %scan3A_835, %mul3A_887 : vector<16xf32>
      %add3A_889 = arith.addi %mul3A_77, %and3A_844 : vector<16xi32>
      %gather3A_890 = tpu.vector_load_idx %arg6[%add3A_889] : memref<32768xf32, #tpu.memory_space<vmem>>[vector<16xi32>], vector<16xf32>,
      %mul3A_891 = arith.mulf %gather3A_890, %get3A_845 : vector<16xf32>
      %add3A_892 = arith.addf %scan3A_836, %mul3A_891 : vector<16xf32>
      %add3A_893 = arith.addi %mul3A_83, %and3A_844 : vector<16xi32>
      %gather3A_894 = tpu.vector_load_idx %arg6[%add3A_893] : memref<32768xf32, #tpu.memory_space<vmem>>[vector<16xi32>], vector<16xf32>,
      %mul3A_895 = arith.mulf %gather3A_894, %get3A_845 : vector<16xf32>
      %add3A_896 = arith.addf %scan3A_837, %mul3A_895 : vector<16xf32>
      %add3A_897 = arith.addi %mul3A_89, %and3A_844 : vector<16xi32>
      %gather3A_898 = tpu.vector_load_idx %arg6[%add3A_897] : memref<32768xf32, #tpu.memory_space<vmem>>[vector<16xi32>], vector<16xf32>,
      %mul3A_899 = arith.mulf %gather3A_898, %get3A_845 : vector<16xf32>
      %add3A_900 = arith.addf %scan3A_838, %mul3A_899 : vector<16xf32>
      %add3A_901 = arith.addi %mul3A_95, %and3A_844 : vector<16xi32>
      %gather3A_902 = tpu.vector_load_idx %arg6[%add3A_901] : memref<32768xf32, #tpu.memory_space<vmem>>[vector<16xi32>], vector<16xf32>,
      %mul3A_903 = arith.mulf %gather3A_902, %get3A_845 : vector<16xf32>
      %add3A_904 = arith.addf %scan3A_839, %mul3A_903 : vector<16xf32>
      %add3A_905 = arith.addi %mul3A_101, %and3A_844 : vector<16xi32>
      %gather3A_906 = tpu.vector_load_idx %arg6[%add3A_905] : memref<32768xf32, #tpu.memory_space<vmem>>[vector<16xi32>], vector<16xf32>,
      %mul3A_907 = arith.mulf %gather3A_906, %get3A_845 : vector<16xf32>
      %add3A_908 = arith.addf %scan3A_840, %mul3A_907 : vector<16xf32>
      scf.yield %add3A_848, %add3A_852, %add3A_856, %add3A_860, %add3A_864, %add3A_868, %add3A_872, %add3A_876, %add3A_880, %add3A_884, %add3A_888, %add3A_892, %add3A_896, %add3A_900, %add3A_904, %add3A_908 : vector<16xf32>, vector<16xf32>, vector<16xf32>, vector<16xf32>, vector<16xf32>, vector<16xf32>, vector<16xf32>, vector<16xf32>, vector<16xf32>, vector<16xf32>, vector<16xf32>, vector<16xf32>, vector<16xf32>, vector<16xf32>, vector<16xf32>, vector<16xf32>
    }
    %scan3A_735 = arith.constant 128 : i32
    %dma_wait3A_736 = tpu.memref_slice %arg4[%add3A_662] : memref<100000xf32, #tpu.memory_space<hbm>> -> memref<256xf32, #tpu.memory_space<hbm>>
    %dma_wait3A_737 = tpu.memref_slice %arg4[%add3A_662] : memref<100000xf32, #tpu.memory_space<hbm>> -> memref<256xf32, #tpu.memory_space<hbm>>
    tpu.wait_dma2 semaphore(%arg13 : memref<!tpu.dma_semaphore, #tpu.memory_space<semaphore_mem>>) src(%arg9 : memref<256xf32, #tpu.memory_space<vmem>>) dst(%dma_wait3A_737 : memref<256xf32, #tpu.memory_space<hbm>>)
    %swap3A_738 = arith.constant 0 : index
    %swap3A_739 = tpu.vector_load %arg9[%swap3A_738] {strides = array<i32>} : memref<256xf32, #tpu.memory_space<vmem>>, vector<16xf32>,
    tpu.vector_store %arg9[%swap3A_738], %scan3A_734#0 {strides = array<i32>} : memref<256xf32, #tpu.memory_space<vmem>>, vector<16xf32>,
    %swap3A_740 = arith.constant 16 : index
    %swap3A_741 = tpu.vector_load %arg9[%swap3A_740] {strides = array<i32>} : memref<256xf32, #tpu.memory_space<vmem>>, vector<16xf32>,
    tpu.vector_store %arg9[%swap3A_740], %scan3A_734#1 {strides = array<i32>} : memref<256xf32, #tpu.memory_space<vmem>>, vector<16xf32>,
    %swap3A_742 = arith.constant 32 : index
    %swap3A_743 = tpu.vector_load %arg9[%swap3A_742] {strides = array<i32>} : memref<256xf32, #tpu.memory_space<vmem>>, vector<16xf32>,
    tpu.vector_store %arg9[%swap3A_742], %scan3A_734#2 {strides = array<i32>} : memref<256xf32, #tpu.memory_space<vmem>>, vector<16xf32>,
    %swap3A_744 = arith.constant 48 : index
    %swap3A_745 = tpu.vector_load %arg9[%swap3A_744] {strides = array<i32>} : memref<256xf32, #tpu.memory_space<vmem>>, vector<16xf32>,
    tpu.vector_store %arg9[%swap3A_744], %scan3A_734#3 {strides = array<i32>} : memref<256xf32, #tpu.memory_space<vmem>>, vector<16xf32>,
    %swap3A_746 = arith.constant 64 : index
    %swap3A_747 = tpu.vector_load %arg9[%swap3A_746] {strides = array<i32>} : memref<256xf32, #tpu.memory_space<vmem>>, vector<16xf32>,
    tpu.vector_store %arg9[%swap3A_746], %scan3A_734#4 {strides = array<i32>} : memref<256xf32, #tpu.memory_space<vmem>>, vector<16xf32>,
    %swap3A_748 = arith.constant 80 : index
    %swap3A_749 = tpu.vector_load %arg9[%swap3A_748] {strides = array<i32>} : memref<256xf32, #tpu.memory_space<vmem>>, vector<16xf32>,
    tpu.vector_store %arg9[%swap3A_748], %scan3A_734#5 {strides = array<i32>} : memref<256xf32, #tpu.memory_space<vmem>>, vector<16xf32>,
    %swap3A_750 = arith.constant 96 : index
    %swap3A_751 = tpu.vector_load %arg9[%swap3A_750] {strides = array<i32>} : memref<256xf32, #tpu.memory_space<vmem>>, vector<16xf32>,
    tpu.vector_store %arg9[%swap3A_750], %scan3A_734#6 {strides = array<i32>} : memref<256xf32, #tpu.memory_space<vmem>>, vector<16xf32>,
    %swap3A_752 = arith.constant 112 : index
    %swap3A_753 = tpu.vector_load %arg9[%swap3A_752] {strides = array<i32>} : memref<256xf32, #tpu.memory_space<vmem>>, vector<16xf32>,
    tpu.vector_store %arg9[%swap3A_752], %scan3A_734#7 {strides = array<i32>} : memref<256xf32, #tpu.memory_space<vmem>>, vector<16xf32>,
    %swap3A_754 = arith.constant 128 : index
    %swap3A_755 = tpu.vector_load %arg9[%swap3A_754] {strides = array<i32>} : memref<256xf32, #tpu.memory_space<vmem>>, vector<16xf32>,
    tpu.vector_store %arg9[%swap3A_754], %scan3A_734#8 {strides = array<i32>} : memref<256xf32, #tpu.memory_space<vmem>>, vector<16xf32>,
    %swap3A_756 = arith.constant 144 : index
    %swap3A_757 = tpu.vector_load %arg9[%swap3A_756] {strides = array<i32>} : memref<256xf32, #tpu.memory_space<vmem>>, vector<16xf32>,
    tpu.vector_store %arg9[%swap3A_756], %scan3A_734#9 {strides = array<i32>} : memref<256xf32, #tpu.memory_space<vmem>>, vector<16xf32>,
    %swap3A_758 = arith.constant 160 : index
    %swap3A_759 = tpu.vector_load %arg9[%swap3A_758] {strides = array<i32>} : memref<256xf32, #tpu.memory_space<vmem>>, vector<16xf32>,
    tpu.vector_store %arg9[%swap3A_758], %scan3A_734#10 {strides = array<i32>} : memref<256xf32, #tpu.memory_space<vmem>>, vector<16xf32>,
    %swap3A_760 = arith.constant 176 : index
    %swap3A_761 = tpu.vector_load %arg9[%swap3A_760] {strides = array<i32>} : memref<256xf32, #tpu.memory_space<vmem>>, vector<16xf32>,
    tpu.vector_store %arg9[%swap3A_760], %scan3A_734#11 {strides = array<i32>} : memref<256xf32, #tpu.memory_space<vmem>>, vector<16xf32>,
    %swap3A_762 = arith.constant 192 : index
    %swap3A_763 = tpu.vector_load %arg9[%swap3A_762] {strides = array<i32>} : memref<256xf32, #tpu.memory_space<vmem>>, vector<16xf32>,
    tpu.vector_store %arg9[%swap3A_762], %scan3A_734#12 {strides = array<i32>} : memref<256xf32, #tpu.memory_space<vmem>>, vector<16xf32>,
    %swap3A_764 = arith.constant 208 : index
    %swap3A_765 = tpu.vector_load %arg9[%swap3A_764] {strides = array<i32>} : memref<256xf32, #tpu.memory_space<vmem>>, vector<16xf32>,
    tpu.vector_store %arg9[%swap3A_764], %scan3A_734#13 {strides = array<i32>} : memref<256xf32, #tpu.memory_space<vmem>>, vector<16xf32>,
    %swap3A_766 = arith.constant 224 : index
    %swap3A_767 = tpu.vector_load %arg9[%swap3A_766] {strides = array<i32>} : memref<256xf32, #tpu.memory_space<vmem>>, vector<16xf32>,
    tpu.vector_store %arg9[%swap3A_766], %scan3A_734#14 {strides = array<i32>} : memref<256xf32, #tpu.memory_space<vmem>>, vector<16xf32>,
    %swap3A_768 = arith.constant 240 : index
    %swap3A_769 = tpu.vector_load %arg9[%swap3A_768] {strides = array<i32>} : memref<256xf32, #tpu.memory_space<vmem>>, vector<16xf32>,
    tpu.vector_store %arg9[%swap3A_768], %scan3A_734#15 {strides = array<i32>} : memref<256xf32, #tpu.memory_space<vmem>>, vector<16xf32>,
    %add3A_770 = arith.addi %mul3A_2, %min3A_124 : i32
    %dma_start3A_771 = tpu.memref_slice %arg4[%add3A_770] : memref<100000xf32, #tpu.memory_space<hbm>> -> memref<256xf32, #tpu.memory_space<hbm>>
    %dma_start3A_772 = tpu.memref_slice %arg4[%add3A_770] : memref<100000xf32, #tpu.memory_space<hbm>> -> memref<256xf32, #tpu.memory_space<hbm>>
    tpu.enqueue_dma source(%arg9 : memref<256xf32, #tpu.memory_space<vmem>>) target(%dma_start3A_772 : memref<256xf32, #tpu.memory_space<hbm>>) target_semaphore(%arg13 : memref<!tpu.dma_semaphore, #tpu.memory_space<semaphore_mem>>)
    %dma_wait3A_773 = tpu.memref_slice %arg2[%mul3A_723] : memref<25600000xf32, #tpu.memory_space<hbm>> -> memref<32768xf32, #tpu.memory_space<hbm>>
    %dma_wait3A_774 = tpu.memref_slice %arg2[%mul3A_723] : memref<25600000xf32, #tpu.memory_space<hbm>> -> memref<32768xf32, #tpu.memory_space<hbm>>
    tpu.wait_dma2 semaphore(%arg10 : memref<!tpu.dma_semaphore, #tpu.memory_space<semaphore_mem>>) src(%dma_wait3A_774 : memref<32768xf32, #tpu.memory_space<hbm>>) dst(%arg5 : memref<32768xf32, #tpu.memory_space<vmem>>)
    %broadcast_in_dim3A_775 = arith.constant 0.000000e+00 : f32
    %broadcast_in_dim3A_776 = vector.broadcast %broadcast_in_dim3A_775 : f32 to vector<16xf32>
    %scan3A_777 = arith.constant 0 : i32
    %scan3A_778 = arith.constant 128 : i32
    %scan3A_779 = arith.addi %scan3A_777, %scan3A_778 : i32
    %scan3A_780 = arith.constant 1 : i32
    %scan3A_781:16 = scf.for %scan3A_824 = %scan3A_777 to %scan3A_779 step %scan3A_780 iter_args(%scan3A_825 = %broadcast_in_dim3A_776, %scan3A_826 = %broadcast_in_dim3A_776, %scan3A_827 = %broadcast_in_dim3A_776, %scan3A_828 = %broadcast_in_dim3A_776, %scan3A_829 = %broadcast_in_dim3A_776, %scan3A_830 = %broadcast_in_dim3A_776, %scan3A_831 = %broadcast_in_dim3A_776, %scan3A_832 = %broadcast_in_dim3A_776, %scan3A_833 = %broadcast_in_dim3A_776, %scan3A_834 = %broadcast_in_dim3A_776, %scan3A_835 = %broadcast_in_dim3A_776, %scan3A_836 = %broadcast_in_dim3A_776, %scan3A_837 = %broadcast_in_dim3A_776, %scan3A_838 = %broadcast_in_dim3A_776, %scan3A_839 = %broadcast_in_dim3A_776, %scan3A_840 = %broadcast_in_dim3A_776) -> (vector<16xf32>, vector<16xf32>, vector<16xf32>, vector<16xf32>, vector<16xf32>, vector<16xf32>, vector<16xf32>, vector<16xf32>, vector<16xf32>, vector<16xf32>, vector<16xf32>, vector<16xf32>, vector<16xf32>, vector<16xf32>, vector<16xf32>, vector<16xf32>)  : i32 {
      %add3A_841 = vector.broadcast %scan3A_824 : i32 to vector<16xi32>
      %add3A_842 = arith.addi %iota3A, %add3A_841 : vector<16xi32>
      %and3A = arith.constant 127 : i32
      %and3A_843 = vector.broadcast %and3A : i32 to vector<16xi32>
      %and3A_844 = arith.andi %add3A_842, %and3A_843 : vector<16xi32>
      %get3A = arith.index_cast %scan3A_824 : i32 to index
      %get3A_845 = tpu.vector_load %arg7[%get3A] {strides = array<i32>} : memref<160xf32, #tpu.memory_space<vmem>>, vector<16xf32>,
      %add3A_846 = arith.addi %mul3A_11, %and3A_844 : vector<16xi32>
      %gather3A = tpu.vector_load_idx %arg5[%add3A_846] : memref<32768xf32, #tpu.memory_space<vmem>>[vector<16xi32>], vector<16xf32>,
      %mul3A_847 = arith.mulf %gather3A, %get3A_845 : vector<16xf32>
      %add3A_848 = arith.addf %scan3A_825, %mul3A_847 : vector<16xf32>
      %add3A_849 = arith.addi %mul3A_17, %and3A_844 : vector<16xi32>
      %gather3A_850 = tpu.vector_load_idx %arg5[%add3A_849] : memref<32768xf32, #tpu.memory_space<vmem>>[vector<16xi32>], vector<16xf32>,
      %mul3A_851 = arith.mulf %gather3A_850, %get3A_845 : vector<16xf32>
      %add3A_852 = arith.addf %scan3A_826, %mul3A_851 : vector<16xf32>
      %add3A_853 = arith.addi %mul3A_23, %and3A_844 : vector<16xi32>
      %gather3A_854 = tpu.vector_load_idx %arg5[%add3A_853] : memref<32768xf32, #tpu.memory_space<vmem>>[vector<16xi32>], vector<16xf32>,
      %mul3A_855 = arith.mulf %gather3A_854, %get3A_845 : vector<16xf32>
      %add3A_856 = arith.addf %scan3A_827, %mul3A_855 : vector<16xf32>
      %add3A_857 = arith.addi %mul3A_29, %and3A_844 : vector<16xi32>
      %gather3A_858 = tpu.vector_load_idx %arg5[%add3A_857] : memref<32768xf32, #tpu.memory_space<vmem>>[vector<16xi32>], vector<16xf32>,
      %mul3A_859 = arith.mulf %gather3A_858, %get3A_845 : vector<16xf32>
      %add3A_860 = arith.addf %scan3A_828, %mul3A_859 : vector<16xf32>
      %add3A_861 = arith.addi %mul3A_35, %and3A_844 : vector<16xi32>
      %gather3A_862 = tpu.vector_load_idx %arg5[%add3A_861] : memref<32768xf32, #tpu.memory_space<vmem>>[vector<16xi32>], vector<16xf32>,
      %mul3A_863 = arith.mulf %gather3A_862, %get3A_845 : vector<16xf32>
      %add3A_864 = arith.addf %scan3A_829, %mul3A_863 : vector<16xf32>
      %add3A_865 = arith.addi %mul3A_41, %and3A_844 : vector<16xi32>
      %gather3A_866 = tpu.vector_load_idx %arg5[%add3A_865] : memref<32768xf32, #tpu.memory_space<vmem>>[vector<16xi32>], vector<16xf32>,
      %mul3A_867 = arith.mulf %gather3A_866, %get3A_845 : vector<16xf32>
      %add3A_868 = arith.addf %scan3A_830, %mul3A_867 : vector<16xf32>
      %add3A_869 = arith.addi %mul3A_47, %and3A_844 : vector<16xi32>
      %gather3A_870 = tpu.vector_load_idx %arg5[%add3A_869] : memref<32768xf32, #tpu.memory_space<vmem>>[vector<16xi32>], vector<16xf32>,
      %mul3A_871 = arith.mulf %gather3A_870, %get3A_845 : vector<16xf32>
      %add3A_872 = arith.addf %scan3A_831, %mul3A_871 : vector<16xf32>
      %add3A_873 = arith.addi %mul3A_53, %and3A_844 : vector<16xi32>
      %gather3A_874 = tpu.vector_load_idx %arg5[%add3A_873] : memref<32768xf32, #tpu.memory_space<vmem>>[vector<16xi32>], vector<16xf32>,
      %mul3A_875 = arith.mulf %gather3A_874, %get3A_845 : vector<16xf32>
      %add3A_876 = arith.addf %scan3A_832, %mul3A_875 : vector<16xf32>
      %add3A_877 = arith.addi %mul3A_59, %and3A_844 : vector<16xi32>
      %gather3A_878 = tpu.vector_load_idx %arg5[%add3A_877] : memref<32768xf32, #tpu.memory_space<vmem>>[vector<16xi32>], vector<16xf32>,
      %mul3A_879 = arith.mulf %gather3A_878, %get3A_845 : vector<16xf32>
      %add3A_880 = arith.addf %scan3A_833, %mul3A_879 : vector<16xf32>
      %add3A_881 = arith.addi %mul3A_65, %and3A_844 : vector<16xi32>
      %gather3A_882 = tpu.vector_load_idx %arg5[%add3A_881] : memref<32768xf32, #tpu.memory_space<vmem>>[vector<16xi32>], vector<16xf32>,
      %mul3A_883 = arith.mulf %gather3A_882, %get3A_845 : vector<16xf32>
      %add3A_884 = arith.addf %scan3A_834, %mul3A_883 : vector<16xf32>
      %add3A_885 = arith.addi %mul3A_71, %and3A_844 : vector<16xi32>
      %gather3A_886 = tpu.vector_load_idx %arg5[%add3A_885] : memref<32768xf32, #tpu.memory_space<vmem>>[vector<16xi32>], vector<16xf32>,
      %mul3A_887 = arith.mulf %gather3A_886, %get3A_845 : vector<16xf32>
      %add3A_888 = arith.addf %scan3A_835, %mul3A_887 : vector<16xf32>
      %add3A_889 = arith.addi %mul3A_77, %and3A_844 : vector<16xi32>
      %gather3A_890 = tpu.vector_load_idx %arg5[%add3A_889] : memref<32768xf32, #tpu.memory_space<vmem>>[vector<16xi32>], vector<16xf32>,
      %mul3A_891 = arith.mulf %gather3A_890, %get3A_845 : vector<16xf32>
      %add3A_892 = arith.addf %scan3A_836, %mul3A_891 : vector<16xf32>
      %add3A_893 = arith.addi %mul3A_83, %and3A_844 : vector<16xi32>
      %gather3A_894 = tpu.vector_load_idx %arg5[%add3A_893] : memref<32768xf32, #tpu.memory_space<vmem>>[vector<16xi32>], vector<16xf32>,
      %mul3A_895 = arith.mulf %gather3A_894, %get3A_845 : vector<16xf32>
      %add3A_896 = arith.addf %scan3A_837, %mul3A_895 : vector<16xf32>
      %add3A_897 = arith.addi %mul3A_89, %and3A_844 : vector<16xi32>
      %gather3A_898 = tpu.vector_load_idx %arg5[%add3A_897] : memref<32768xf32, #tpu.memory_space<vmem>>[vector<16xi32>], vector<16xf32>,
      %mul3A_899 = arith.mulf %gather3A_898, %get3A_845 : vector<16xf32>
      %add3A_900 = arith.addf %scan3A_838, %mul3A_899 : vector<16xf32>
      %add3A_901 = arith.addi %mul3A_95, %and3A_844 : vector<16xi32>
      %gather3A_902 = tpu.vector_load_idx %arg5[%add3A_901] : memref<32768xf32, #tpu.memory_space<vmem>>[vector<16xi32>], vector<16xf32>,
      %mul3A_903 = arith.mulf %gather3A_902, %get3A_845 : vector<16xf32>
      %add3A_904 = arith.addf %scan3A_839, %mul3A_903 : vector<16xf32>
      %add3A_905 = arith.addi %mul3A_101, %and3A_844 : vector<16xi32>
      %gather3A_906 = tpu.vector_load_idx %arg5[%add3A_905] : memref<32768xf32, #tpu.memory_space<vmem>>[vector<16xi32>], vector<16xf32>,
      %mul3A_907 = arith.mulf %gather3A_906, %get3A_845 : vector<16xf32>
      %add3A_908 = arith.addf %scan3A_840, %mul3A_907 : vector<16xf32>
      scf.yield %add3A_848, %add3A_852, %add3A_856, %add3A_860, %add3A_864, %add3A_868, %add3A_872, %add3A_876, %add3A_880, %add3A_884, %add3A_888, %add3A_892, %add3A_896, %add3A_900, %add3A_904, %add3A_908 : vector<16xf32>, vector<16xf32>, vector<16xf32>, vector<16xf32>, vector<16xf32>, vector<16xf32>, vector<16xf32>, vector<16xf32>, vector<16xf32>, vector<16xf32>, vector<16xf32>, vector<16xf32>, vector<16xf32>, vector<16xf32>, vector<16xf32>, vector<16xf32>
    }
    %scan3A_782 = arith.constant 128 : i32
    %dma_wait3A_783 = tpu.memref_slice %arg4[%add3A_716] : memref<100000xf32, #tpu.memory_space<hbm>> -> memref<256xf32, #tpu.memory_space<hbm>>
    %dma_wait3A_784 = tpu.memref_slice %arg4[%add3A_716] : memref<100000xf32, #tpu.memory_space<hbm>> -> memref<256xf32, #tpu.memory_space<hbm>>
    tpu.wait_dma2 semaphore(%arg12 : memref<!tpu.dma_semaphore, #tpu.memory_space<semaphore_mem>>) src(%arg8 : memref<256xf32, #tpu.memory_space<vmem>>) dst(%dma_wait3A_784 : memref<256xf32, #tpu.memory_space<hbm>>)
    %swap3A_785 = arith.constant 0 : index
    %swap3A_786 = tpu.vector_load %arg8[%swap3A_785] {strides = array<i32>} : memref<256xf32, #tpu.memory_space<vmem>>, vector<16xf32>,
    tpu.vector_store %arg8[%swap3A_785], %scan3A_781#0 {strides = array<i32>} : memref<256xf32, #tpu.memory_space<vmem>>, vector<16xf32>,
    %swap3A_787 = arith.constant 16 : index
    %swap3A_788 = tpu.vector_load %arg8[%swap3A_787] {strides = array<i32>} : memref<256xf32, #tpu.memory_space<vmem>>, vector<16xf32>,
    tpu.vector_store %arg8[%swap3A_787], %scan3A_781#1 {strides = array<i32>} : memref<256xf32, #tpu.memory_space<vmem>>, vector<16xf32>,
    %swap3A_789 = arith.constant 32 : index
    %swap3A_790 = tpu.vector_load %arg8[%swap3A_789] {strides = array<i32>} : memref<256xf32, #tpu.memory_space<vmem>>, vector<16xf32>,
    tpu.vector_store %arg8[%swap3A_789], %scan3A_781#2 {strides = array<i32>} : memref<256xf32, #tpu.memory_space<vmem>>, vector<16xf32>,
    %swap3A_791 = arith.constant 48 : index
    %swap3A_792 = tpu.vector_load %arg8[%swap3A_791] {strides = array<i32>} : memref<256xf32, #tpu.memory_space<vmem>>, vector<16xf32>,
    tpu.vector_store %arg8[%swap3A_791], %scan3A_781#3 {strides = array<i32>} : memref<256xf32, #tpu.memory_space<vmem>>, vector<16xf32>,
    %swap3A_793 = arith.constant 64 : index
    %swap3A_794 = tpu.vector_load %arg8[%swap3A_793] {strides = array<i32>} : memref<256xf32, #tpu.memory_space<vmem>>, vector<16xf32>,
    tpu.vector_store %arg8[%swap3A_793], %scan3A_781#4 {strides = array<i32>} : memref<256xf32, #tpu.memory_space<vmem>>, vector<16xf32>,
    %swap3A_795 = arith.constant 80 : index
    %swap3A_796 = tpu.vector_load %arg8[%swap3A_795] {strides = array<i32>} : memref<256xf32, #tpu.memory_space<vmem>>, vector<16xf32>,
    tpu.vector_store %arg8[%swap3A_795], %scan3A_781#5 {strides = array<i32>} : memref<256xf32, #tpu.memory_space<vmem>>, vector<16xf32>,
    %swap3A_797 = arith.constant 96 : index
    %swap3A_798 = tpu.vector_load %arg8[%swap3A_797] {strides = array<i32>} : memref<256xf32, #tpu.memory_space<vmem>>, vector<16xf32>,
    tpu.vector_store %arg8[%swap3A_797], %scan3A_781#6 {strides = array<i32>} : memref<256xf32, #tpu.memory_space<vmem>>, vector<16xf32>,
    %swap3A_799 = arith.constant 112 : index
    %swap3A_800 = tpu.vector_load %arg8[%swap3A_799] {strides = array<i32>} : memref<256xf32, #tpu.memory_space<vmem>>, vector<16xf32>,
    tpu.vector_store %arg8[%swap3A_799], %scan3A_781#7 {strides = array<i32>} : memref<256xf32, #tpu.memory_space<vmem>>, vector<16xf32>,
    %swap3A_801 = arith.constant 128 : index
    %swap3A_802 = tpu.vector_load %arg8[%swap3A_801] {strides = array<i32>} : memref<256xf32, #tpu.memory_space<vmem>>, vector<16xf32>,
    tpu.vector_store %arg8[%swap3A_801], %scan3A_781#8 {strides = array<i32>} : memref<256xf32, #tpu.memory_space<vmem>>, vector<16xf32>,
    %swap3A_803 = arith.constant 144 : index
    %swap3A_804 = tpu.vector_load %arg8[%swap3A_803] {strides = array<i32>} : memref<256xf32, #tpu.memory_space<vmem>>, vector<16xf32>,
    tpu.vector_store %arg8[%swap3A_803], %scan3A_781#9 {strides = array<i32>} : memref<256xf32, #tpu.memory_space<vmem>>, vector<16xf32>,
    %swap3A_805 = arith.constant 160 : index
    %swap3A_806 = tpu.vector_load %arg8[%swap3A_805] {strides = array<i32>} : memref<256xf32, #tpu.memory_space<vmem>>, vector<16xf32>,
    tpu.vector_store %arg8[%swap3A_805], %scan3A_781#10 {strides = array<i32>} : memref<256xf32, #tpu.memory_space<vmem>>, vector<16xf32>,
    %swap3A_807 = arith.constant 176 : index
    %swap3A_808 = tpu.vector_load %arg8[%swap3A_807] {strides = array<i32>} : memref<256xf32, #tpu.memory_space<vmem>>, vector<16xf32>,
    tpu.vector_store %arg8[%swap3A_807], %scan3A_781#11 {strides = array<i32>} : memref<256xf32, #tpu.memory_space<vmem>>, vector<16xf32>,
    %swap3A_809 = arith.constant 192 : index
    %swap3A_810 = tpu.vector_load %arg8[%swap3A_809] {strides = array<i32>} : memref<256xf32, #tpu.memory_space<vmem>>, vector<16xf32>,
    tpu.vector_store %arg8[%swap3A_809], %scan3A_781#12 {strides = array<i32>} : memref<256xf32, #tpu.memory_space<vmem>>, vector<16xf32>,
    %swap3A_811 = arith.constant 208 : index
    %swap3A_812 = tpu.vector_load %arg8[%swap3A_811] {strides = array<i32>} : memref<256xf32, #tpu.memory_space<vmem>>, vector<16xf32>,
    tpu.vector_store %arg8[%swap3A_811], %scan3A_781#13 {strides = array<i32>} : memref<256xf32, #tpu.memory_space<vmem>>, vector<16xf32>,
    %swap3A_813 = arith.constant 224 : index
    %swap3A_814 = tpu.vector_load %arg8[%swap3A_813] {strides = array<i32>} : memref<256xf32, #tpu.memory_space<vmem>>, vector<16xf32>,
    tpu.vector_store %arg8[%swap3A_813], %scan3A_781#14 {strides = array<i32>} : memref<256xf32, #tpu.memory_space<vmem>>, vector<16xf32>,
    %swap3A_815 = arith.constant 240 : index
    %swap3A_816 = tpu.vector_load %arg8[%swap3A_815] {strides = array<i32>} : memref<256xf32, #tpu.memory_space<vmem>>, vector<16xf32>,
    tpu.vector_store %arg8[%swap3A_815], %scan3A_781#15 {strides = array<i32>} : memref<256xf32, #tpu.memory_space<vmem>>, vector<16xf32>,
    %add3A_817 = arith.addi %mul3A_2, %min3A_126 : i32
    %dma_start3A_818 = tpu.memref_slice %arg4[%add3A_817] : memref<100000xf32, #tpu.memory_space<hbm>> -> memref<256xf32, #tpu.memory_space<hbm>>
    %dma_start3A_819 = tpu.memref_slice %arg4[%add3A_817] : memref<100000xf32, #tpu.memory_space<hbm>> -> memref<256xf32, #tpu.memory_space<hbm>>
    tpu.enqueue_dma source(%arg8 : memref<256xf32, #tpu.memory_space<vmem>>) target(%dma_start3A_819 : memref<256xf32, #tpu.memory_space<hbm>>) target_semaphore(%arg12 : memref<!tpu.dma_semaphore, #tpu.memory_space<semaphore_mem>>)
    %dma_wait3A_820 = tpu.memref_slice %arg4[%add3A_770] : memref<100000xf32, #tpu.memory_space<hbm>> -> memref<256xf32, #tpu.memory_space<hbm>>
    %dma_wait3A_821 = tpu.memref_slice %arg4[%add3A_770] : memref<100000xf32, #tpu.memory_space<hbm>> -> memref<256xf32, #tpu.memory_space<hbm>>
    tpu.wait_dma2 semaphore(%arg13 : memref<!tpu.dma_semaphore, #tpu.memory_space<semaphore_mem>>) src(%arg9 : memref<256xf32, #tpu.memory_space<vmem>>) dst(%dma_wait3A_821 : memref<256xf32, #tpu.memory_space<hbm>>)
    %dma_wait3A_822 = tpu.memref_slice %arg4[%add3A_817] : memref<100000xf32, #tpu.memory_space<hbm>> -> memref<256xf32, #tpu.memory_space<hbm>>
    %dma_wait3A_823 = tpu.memref_slice %arg4[%add3A_817] : memref<100000xf32, #tpu.memory_space<hbm>> -> memref<256xf32, #tpu.memory_space<hbm>>
    tpu.wait_dma2 semaphore(%arg12 : memref<!tpu.dma_semaphore, #tpu.memory_space<semaphore_mem>>) src(%arg8 : memref<256xf32, #tpu.memory_space<vmem>>) dst(%dma_wait3A_823 : memref<256xf32, #tpu.memory_space<hbm>>)
    return
  }
}

module attributes {stable_mosaic.version = 14 : i64} {
  func.func @_tc_matvec_body(%arg0: i32, %arg1: memref<16384x128xf32, #tpu.memory_space<vmem>>, %arg2: memref<1x128xf32, #tpu.memory_space<vmem>>, %arg3: memref<16384xf32, #tpu.memory_space<vmem>>) attributes {dimension_semantics = [#tpu.dimension_semantics<arbitrary>], iteration_bounds = array<i64: 7>, scalar_prefetch = 0 : i64, scratch_operands = 0 : i64, tpu.core_type = #tpu.core_type<tc>, window_params = [{transform_indices = @transform_0, window_bounds = array<i64: 16384, 128>}, {pipeline_mode = #tpu.pipeline_mode<synchronous>, transform_indices = @transform_1, window_bounds = array<i64: 1, 128>}, {transform_indices = @transform_2, window_bounds = array<i64: 16384>}]} {
    %get3A = arith.constant 0 : index
    %get3A_0 = arith.constant 0 : index
    %get3A_1 = vector.load %arg2[%get3A, %get3A_0] : memref<1x128xf32, #tpu.memory_space<vmem>>, vector<1x128xf32>
    %get3A_2 = arith.constant 0 : index
    %get3A_3 = arith.constant 0 : index
    %get3A_4 = vector.load %arg1[%get3A_2, %get3A_3] : memref<16384x128xf32, #tpu.memory_space<vmem>>, vector<16384x128xf32>
    %dot_general3A = arith.constant dense<0.000000e+00> : vector<1x16384xf32>
    %dot_general3A_5 = tpu.matmul %get3A_1, %get3A_4, %dot_general3A {dimension_numbers = #tpu.dot_dimension_numbers<[1], [1], [0], [0], [0, 0, 1, 0], [], []>, transpose_lhs_hint = false} : vector<1x128xf32>, vector<16384x128xf32>, vector<1x16384xf32> -> vector<1x16384xf32>
    %squeeze3A = vector.shape_cast %dot_general3A_5 : vector<1x16384xf32> to vector<16384xf32>
    %swap3A = arith.constant 0 : index
    %swap3A_6 = vector.load %arg3[%swap3A] : memref<16384xf32, #tpu.memory_space<vmem>>, vector<16384xf32>
    tpu.vector_store %arg3[%swap3A], %squeeze3A {strides = array<i32>} : memref<16384xf32, #tpu.memory_space<vmem>>, vector<16384xf32>,
    return
  }
  func.func @transform_0(%arg0: i32) -> (i32, i32) {
    %c0_i32 = arith.constant 0 : i32
    %c0_i32_0 = arith.constant 0 : i32
    return %arg0, %c0_i32 : i32, i32
  }
  func.func @transform_1(%arg0: i32) -> (i32, i32) {
    %c0_i32 = arith.constant 0 : i32
    %c0_i32_0 = arith.constant 0 : i32
    %c0_i32_1 = arith.constant 0 : i32
    return %c0_i32, %c0_i32_0 : i32, i32
  }
  func.func @transform_2(%arg0: i32) -> i32 {
    %c0_i32 = arith.constant 0 : i32
    return %arg0 : i32
  }
}

module attributes {stable_mosaic.version = 14 : i64} {
  func.func @_norm_body(%arg0: memref<100000xf32, #tpu.memory_space<vmem>>, %arg1: memref<100000xf32, #tpu.memory_space<vmem>>, %arg2: memref<4x128xf32, #tpu.memory_space<vmem>>, %arg3: memref<1x128xf32, #tpu.memory_space<vmem>>, %arg4: memref<4x50000xf32, #tpu.memory_space<vmem>>) attributes {dimension_semantics = [], scalar_prefetch = 0 : i64, scratch_operands = 0 : i64, tpu.core_type = #tpu.core_type<tc>} {
    %get3A = arith.constant 0 : index
    %get3A_0 = arith.constant 0 : index
    %get3A_1 = vector.load %arg2[%get3A, %get3A_0] : memref<4x128xf32, #tpu.memory_space<vmem>>, vector<4x128xf32>
    %get3A_2 = arith.constant 0 : index
    %get3A_3 = arith.constant 0 : index
    %get3A_4 = vector.load %arg3[%get3A_2, %get3A_3] : memref<1x128xf32, #tpu.memory_space<vmem>>, vector<1x128xf32>
    %mul3A = vector.broadcast %get3A_4 : vector<1x128xf32> to vector<4x128xf32>
    %mul3A_5 = arith.mulf %get3A_1, %mul3A : vector<4x128xf32>
    %get3A_6 = arith.constant 0 : index
    %get3A_7 = vector.load %arg0[%get3A_6] : memref<100000xf32, #tpu.memory_space<vmem>>, vector<50000xf32>
    %slice3A = vector.extract_strided_slice %mul3A_5 {offsets = [0, 0], sizes = [1, 128], strides = [1, 1]} : vector<4x128xf32> to vector<1x128xf32>
    %squeeze3A = vector.shape_cast %slice3A : vector<1x128xf32> to vector<128xf32>
    %reduce_sum3A = vector.shape_cast %squeeze3A : vector<128xf32> to vector<1x128xf32>
    %reduce_sum3A_8 = arith.constant dense<0.000000e+00> : vector<1xf32>
    %reduce_sum3A_9 = vector.multi_reduction <add>, %reduce_sum3A, %reduce_sum3A_8 [1] : vector<1x128xf32> to vector<1xf32>
    %reduce_sum3A_10 = vector.shape_cast %reduce_sum3A_9 : vector<1xf32> to vector<1x1xf32>
    %reduce_sum3A_11 = vector.extract %reduce_sum3A_10[0, 0] : f32 from vector<1x1xf32>
    %add3A = vector.broadcast %reduce_sum3A_11 : f32 to vector<50000xf32>
    %add3A_12 = arith.addf %get3A_7, %add3A : vector<50000xf32>
    %gt3A = arith.constant 0.000000e+00 : f32
    %gt3A_13 = vector.broadcast %gt3A : f32 to vector<50000xf32>
    %gt3A_14 = arith.cmpf ogt, %add3A_12, %gt3A_13 : vector<50000xf32>
    %mul3A_15 = arith.constant 0.00999999977 : f32
    %mul3A_16 = vector.broadcast %mul3A_15 : f32 to vector<50000xf32>
    %mul3A_17 = arith.mulf %mul3A_16, %add3A_12 : vector<50000xf32>
    %select_n3A = arith.select %gt3A_14, %add3A_12, %mul3A_17 : vector<50000xi1>, vector<50000xf32>
    %reduce_sum3A_18 = vector.shape_cast %select_n3A : vector<50000xf32> to vector<1x50000xf32>
    %reduce_sum3A_19 = arith.constant dense<0.000000e+00> : vector<1xf32>
    %reduce_sum3A_20 = vector.multi_reduction <add>, %reduce_sum3A_18, %reduce_sum3A_19 [1] : vector<1x50000xf32> to vector<1xf32>
    %reduce_sum3A_21 = vector.shape_cast %reduce_sum3A_20 : vector<1xf32> to vector<1x1xf32>
    %reduce_sum3A_22 = vector.extract %reduce_sum3A_21[0, 0] : f32 from vector<1x1xf32>
    %div3A = vector.broadcast %reduce_sum3A_22 : f32 to vector<50000xf32>
    %div3A_23 = arith.divf %select_n3A, %div3A : vector<50000xf32>
    %get3A_24 = arith.constant 50000 : index
    %get3A_25 = vector.load %arg0[%get3A_24] : memref<100000xf32, #tpu.memory_space<vmem>>, vector<50000xf32>
    %slice3A_26 = vector.extract_strided_slice %mul3A_5 {offsets = [1, 0], sizes = [1, 128], strides = [1, 1]} : vector<4x128xf32> to vector<1x128xf32>
    %squeeze3A_27 = vector.shape_cast %slice3A_26 : vector<1x128xf32> to vector<128xf32>
    %reduce_sum3A_28 = vector.shape_cast %squeeze3A_27 : vector<128xf32> to vector<1x128xf32>
    %reduce_sum3A_29 = arith.constant dense<0.000000e+00> : vector<1xf32>
    %reduce_sum3A_30 = vector.multi_reduction <add>, %reduce_sum3A_28, %reduce_sum3A_29 [1] : vector<1x128xf32> to vector<1xf32>
    %reduce_sum3A_31 = vector.shape_cast %reduce_sum3A_30 : vector<1xf32> to vector<1x1xf32>
    %reduce_sum3A_32 = vector.extract %reduce_sum3A_31[0, 0] : f32 from vector<1x1xf32>
    %add3A_33 = vector.broadcast %reduce_sum3A_32 : f32 to vector<50000xf32>
    %add3A_34 = arith.addf %get3A_25, %add3A_33 : vector<50000xf32>
    %gt3A_35 = arith.constant 0.000000e+00 : f32
    %gt3A_36 = vector.broadcast %gt3A_35 : f32 to vector<50000xf32>
    %gt3A_37 = arith.cmpf ogt, %add3A_34, %gt3A_36 : vector<50000xf32>
    %mul3A_38 = arith.constant 0.00999999977 : f32
    %mul3A_39 = vector.broadcast %mul3A_38 : f32 to vector<50000xf32>
    %mul3A_40 = arith.mulf %mul3A_39, %add3A_34 : vector<50000xf32>
    %select_n3A_41 = arith.select %gt3A_37, %add3A_34, %mul3A_40 : vector<50000xi1>, vector<50000xf32>
    %reduce_sum3A_42 = vector.shape_cast %select_n3A_41 : vector<50000xf32> to vector<1x50000xf32>
    %reduce_sum3A_43 = arith.constant dense<0.000000e+00> : vector<1xf32>
    %reduce_sum3A_44 = vector.multi_reduction <add>, %reduce_sum3A_42, %reduce_sum3A_43 [1] : vector<1x50000xf32> to vector<1xf32>
    %reduce_sum3A_45 = vector.shape_cast %reduce_sum3A_44 : vector<1xf32> to vector<1x1xf32>
    %reduce_sum3A_46 = vector.extract %reduce_sum3A_45[0, 0] : f32 from vector<1x1xf32>
    %div3A_47 = vector.broadcast %reduce_sum3A_46 : f32 to vector<50000xf32>
    %div3A_48 = arith.divf %select_n3A_41, %div3A_47 : vector<50000xf32>
    %get3A_49 = arith.constant 0 : index
    %get3A_50 = vector.load %arg1[%get3A_49] : memref<100000xf32, #tpu.memory_space<vmem>>, vector<50000xf32>
    %slice3A_51 = vector.extract_strided_slice %mul3A_5 {offsets = [2, 0], sizes = [1, 128], strides = [1, 1]} : vector<4x128xf32> to vector<1x128xf32>
    %squeeze3A_52 = vector.shape_cast %slice3A_51 : vector<1x128xf32> to vector<128xf32>
    %reduce_sum3A_53 = vector.shape_cast %squeeze3A_52 : vector<128xf32> to vector<1x128xf32>
    %reduce_sum3A_54 = arith.constant dense<0.000000e+00> : vector<1xf32>
    %reduce_sum3A_55 = vector.multi_reduction <add>, %reduce_sum3A_53, %reduce_sum3A_54 [1] : vector<1x128xf32> to vector<1xf32>
    %reduce_sum3A_56 = vector.shape_cast %reduce_sum3A_55 : vector<1xf32> to vector<1x1xf32>
    %reduce_sum3A_57 = vector.extract %reduce_sum3A_56[0, 0] : f32 from vector<1x1xf32>
    %add3A_58 = vector.broadcast %reduce_sum3A_57 : f32 to vector<50000xf32>
    %add3A_59 = arith.addf %get3A_50, %add3A_58 : vector<50000xf32>
    %gt3A_60 = arith.constant 0.000000e+00 : f32
    %gt3A_61 = vector.broadcast %gt3A_60 : f32 to vector<50000xf32>
    %gt3A_62 = arith.cmpf ogt, %add3A_59, %gt3A_61 : vector<50000xf32>
    %mul3A_63 = arith.constant 0.00999999977 : f32
    %mul3A_64 = vector.broadcast %mul3A_63 : f32 to vector<50000xf32>
    %mul3A_65 = arith.mulf %mul3A_64, %add3A_59 : vector<50000xf32>
    %select_n3A_66 = arith.select %gt3A_62, %add3A_59, %mul3A_65 : vector<50000xi1>, vector<50000xf32>
    %reduce_sum3A_67 = vector.shape_cast %select_n3A_66 : vector<50000xf32> to vector<1x50000xf32>
    %reduce_sum3A_68 = arith.constant dense<0.000000e+00> : vector<1xf32>
    %reduce_sum3A_69 = vector.multi_reduction <add>, %reduce_sum3A_67, %reduce_sum3A_68 [1] : vector<1x50000xf32> to vector<1xf32>
    %reduce_sum3A_70 = vector.shape_cast %reduce_sum3A_69 : vector<1xf32> to vector<1x1xf32>
    %reduce_sum3A_71 = vector.extract %reduce_sum3A_70[0, 0] : f32 from vector<1x1xf32>
    %div3A_72 = vector.broadcast %reduce_sum3A_71 : f32 to vector<50000xf32>
    %div3A_73 = arith.divf %select_n3A_66, %div3A_72 : vector<50000xf32>
    %get3A_74 = arith.constant 50000 : index
    %get3A_75 = vector.load %arg1[%get3A_74] : memref<100000xf32, #tpu.memory_space<vmem>>, vector<50000xf32>
    %slice3A_76 = vector.extract_strided_slice %mul3A_5 {offsets = [3, 0], sizes = [1, 128], strides = [1, 1]} : vector<4x128xf32> to vector<1x128xf32>
    %squeeze3A_77 = vector.shape_cast %slice3A_76 : vector<1x128xf32> to vector<128xf32>
    %reduce_sum3A_78 = vector.shape_cast %squeeze3A_77 : vector<128xf32> to vector<1x128xf32>
    %reduce_sum3A_79 = arith.constant dense<0.000000e+00> : vector<1xf32>
    %reduce_sum3A_80 = vector.multi_reduction <add>, %reduce_sum3A_78, %reduce_sum3A_79 [1] : vector<1x128xf32> to vector<1xf32>
    %reduce_sum3A_81 = vector.shape_cast %reduce_sum3A_80 : vector<1xf32> to vector<1x1xf32>
    %reduce_sum3A_82 = vector.extract %reduce_sum3A_81[0, 0] : f32 from vector<1x1xf32>
    %add3A_83 = vector.broadcast %reduce_sum3A_82 : f32 to vector<50000xf32>
    %add3A_84 = arith.addf %get3A_75, %add3A_83 : vector<50000xf32>
    %gt3A_85 = arith.constant 0.000000e+00 : f32
    %gt3A_86 = vector.broadcast %gt3A_85 : f32 to vector<50000xf32>
    %gt3A_87 = arith.cmpf ogt, %add3A_84, %gt3A_86 : vector<50000xf32>
    %mul3A_88 = arith.constant 0.00999999977 : f32
    %mul3A_89 = vector.broadcast %mul3A_88 : f32 to vector<50000xf32>
    %mul3A_90 = arith.mulf %mul3A_89, %add3A_84 : vector<50000xf32>
    %select_n3A_91 = arith.select %gt3A_87, %add3A_84, %mul3A_90 : vector<50000xi1>, vector<50000xf32>
    %reduce_sum3A_92 = vector.shape_cast %select_n3A_91 : vector<50000xf32> to vector<1x50000xf32>
    %reduce_sum3A_93 = arith.constant dense<0.000000e+00> : vector<1xf32>
    %reduce_sum3A_94 = vector.multi_reduction <add>, %reduce_sum3A_92, %reduce_sum3A_93 [1] : vector<1x50000xf32> to vector<1xf32>
    %reduce_sum3A_95 = vector.shape_cast %reduce_sum3A_94 : vector<1xf32> to vector<1x1xf32>
    %reduce_sum3A_96 = vector.extract %reduce_sum3A_95[0, 0] : f32 from vector<1x1xf32>
    %div3A_97 = vector.broadcast %reduce_sum3A_96 : f32 to vector<50000xf32>
    %div3A_98 = arith.divf %select_n3A_91, %div3A_97 : vector<50000xf32>
    %stack3A = vector.shape_cast %div3A_23 : vector<50000xf32> to vector<1x50000xf32>
    %stack3A_99 = vector.shape_cast %div3A_48 : vector<50000xf32> to vector<1x50000xf32>
    %stack3A_100 = vector.shape_cast %div3A_73 : vector<50000xf32> to vector<1x50000xf32>
    %stack3A_101 = vector.shape_cast %div3A_98 : vector<50000xf32> to vector<1x50000xf32>
    %stack3A_102 = tpu.concatenate %stack3A, %stack3A_99, %stack3A_100, %stack3A_101 in 0 : vector<1x50000xf32>, vector<1x50000xf32>, vector<1x50000xf32>, vector<1x50000xf32> -> vector<4x50000xf32>
    %swap3A = arith.constant 0 : index
    %swap3A_103 = arith.constant 0 : index
    %swap3A_104 = vector.load %arg4[%swap3A, %swap3A_103] : memref<4x50000xf32, #tpu.memory_space<vmem>>, vector<4x50000xf32>
    tpu.vector_store %arg4[%swap3A, %swap3A_103], %stack3A_102 {strides = array<i32>} : memref<4x50000xf32, #tpu.memory_space<vmem>>, vector<4x50000xf32>,
    return
  }
}

</mosaic_0001>

<sc_bundles>
// kernel: _run.5.cloned.1.call-start
scs
__scs_entry_jumppad:
0x0: {  	(pc) =	sbr.rel $0x88, $3  }
0x1: {  	(tag) =	ssettag $0x0;
	lr =	simm.s32 $0x1  }
0x2: {  	[smem:$0x3F9E] =	sst lr;
	_ =	strace $0xD0000000  }
0x3: {  	_ = 	snop  }
0x4: {  	_ = 	snop  }
0x5: {  	_ = 	snop  }
0x6: {  	_ = 	snop  }
0x7: {  	_ = 	snop  }
__scs_overlays_trampoline_lowered:
0x8: {  	[smem:$0x3FAD] =	sst s0  }
0x9: {  	[smem:$0x3FAE] =	sst s1  }
0xa: {  	[smem:$0x3FAF] =	sst s2  }
0xb: {  	[smem:$0x3FB0] =	sst s3  }
0xc: {  	[smem:$0x3FB1] =	sst s4  }
0xd: {  	[smem:$0x3FB2] =	sst s5  }
0xe: {  	[smem:$0x3FB3] =	sst s6  }
0xf: {  	[smem:$0x3FB4] =	sst s7  }
0x10: {  	[smem:$0x3FB5] =	sst s8  }
0x11: {  	[smem:$0x3FB6] =	sst s9;
	s0 =	simm.s32 @!p0 $0x0  }
0x12: {  	s1 =	sld [smem:$0x3F9C];
	s0 =	simm.s32 @p0 $0x1  }
0x13: {  	[smem:$0x3FB7] =	sst s0;
	s0 =	simm.s32 @!p1 $0x0  }
0x14: {  	s2 =	sld [smem:$0x3F9B];
	s0 =	simm.s32 @p1 $0x1  }
0x15: {  	[smem:$0x3FB8] =	sst s0;
	s0 =	simm.s32 @!p2 $0x0  }
0x16: {  	s3 =	sld [smem:$0x3FDB];
	s0 =	simm.s32 @p2 $0x1  }
0x17: {  	s4 =	simm.s32 $0x1BF5;
	[smem:$0x3FBA] =	sst s0  }
0x18: {  	s0 =	sld [smem:$0x3F9D];
	_ =	swait.ge [sflag:s4], $0x0  }
0x19: {  	s7 =	sld [smem:$0x3F9E]  }
0x1a: {  	s8 =	sadd.s32 $0xFFFFE003, lr  }
0x1b: {  	s9 =	sadd.s32 $0xFFFFFEF7, lr;
	s5 =	simm.s32 $0xFFFFFFFF;
	p2 =	slt.u32 s8, $0xFFFFF086  }
0x1c: {  	p1 =	slt.u32 s9, $0xF7A;
	s5 =	simm.s32 @!p2 $0x0  }
0x1d: {  	s5 =	simm.s32 @p1 $0x1;
	p0 =	seq.s32 s7, s2  }
0x1e: {  	s7 =	smul.u32 @!p0 $0xF7A, s2;
	p2 =	seq.s32 @!p0 s5, $0x0  }
0x1f: {  	s9 =	smul.u32 $0xF7A, s1;
	s8 =	simm.s32 @!p0 $0x1BF5;
	p2 =	por !p2, p0  }
0x20: {  	[sflag:s8] =	ssyncset.s32 @!p0 $0xFFFFF086;
	s6 =	sadd.s32 @!p0 s3, s7;
	s7 =	simm.s32 @!p0 $0x108  }
0x21: {  	s3 =	sadd.s32 s3, s9;
	s6 =	sadd.s32 @!p0 $0x88, s6;
	s7 =	simm.s32 @p2 $0x1082  }
0x22: {  	[simem:s7], [sflag:s8] =	dma.local @!p0 [hbm:s6], $0xF7A  }
0x23: {  	s9 =	sor.u32 $0xD0000000, s2;
	s6 =	simm.s32 $0x108;
	_ =	swait.ge @!p0 [sflag:s8], $0x0  }
0x24: {  	s3 =	sadd.s32 $0x88, s3;
	s6 =	simm.s32 @!p1 $0x1082;
	[sflag:s4] =	ssyncset.s32 $0xFFFFF086  }
0x25: {  	[simem:s6], [sflag:s4] =	dma.local [hbm:s3], $0xF7A  }
0x26: {  	[smem:$0x3F9E] =	sst s1;
	(tag) =	ssettag s2;
	_ =	strace s9  }
0x27: {  	s1 =	sld [smem:$0x3FAE]  }
0x28: {  	s2 =	sld [smem:$0x3FAF]  }
0x29: {  	s4 =	sld [smem:$0x3FB1]  }
0x2a: {  	p0 =	seq.s32 s5, $0x0;
	s5 =	sld [smem:$0x3FB2]  }
0x2b: {  	s6 =	sld [smem:$0x3FB3]  }
0x2c: {  	s7 =	sld [smem:$0x3FB4]  }
0x2d: {  	s3 =	simm.s32 $0x108;
	s8 =	sld [smem:$0x3FB5]  }
0x2e: {  	s3 =	simm.s32 @!p0 $0x1082;
	s9 =	sld [smem:$0x3FB6]  }
0x2f: {  	lr =	sadd.s32 s0, s3;
	s0 =	sld [smem:$0x3FAD]  }
0x30: {  	s3 =	sld [smem:$0x3FB0]  }
0x31: {  	[smem:$0x3FB9] =	sst s10  }
0x32: {  	s10 =	sld [smem:$0x3FB7];
	_ =	sdelay $0x3  }
0x33: {  	p0 =	seq.s32 s10, $0x1;
	s10 =	sld [smem:$0x3FB9];
	_ =	sdelay $0x3  }
0x34: {  	[smem:$0x3FB9] =	sst s10  }
0x35: {  	s10 =	sld [smem:$0x3FB8];
	_ =	sdelay $0x3  }
0x36: {  	p1 =	seq.s32 s10, $0x1;
	s10 =	sld [smem:$0x3FB9];
	_ =	sdelay $0x3  }
0x37: {  	[smem:$0x3FB9] =	sst s10  }
0x38: {  	s10 =	sld [smem:$0x3FBA]  }
0x39: {  	_ = 	snop;
	(pc) =	sbr.ind lr, $3  }
0x3a: {  	_ = 	snop  }
0x3b: {  	_ = 	snop  }
0x3c: {  	p2 =	seq.s32 s10, $0x1;
	s10 =	sld [smem:$0x3FB9]  }
0x3d: {  	_ =	shalt  }
0x3e: {  	_ =	shalt  }
0x3f: {  	_ =	shalt  }
0x40: {  	_ =	shalt  }
0x41: {  	_ =	shalt  }
0x42: {  	_ =	shalt  }
0x43: {  	_ =	shalt  }
0x44: {  	_ =	shalt  }
0x45: {  	_ =	shalt  }
0x46: {  	_ =	shalt  }
0x47: {  	_ =	shalt  }
0x48: {  	_ =	shalt  }
0x49: {  	_ =	shalt  }
0x4a: {  	_ =	shalt  }
0x4b: {  	_ =	shalt  }
0x4c: {  	_ =	shalt  }
0x4d: {  	_ =	shalt  }
0x4e: {  	_ =	shalt  }
0x4f: {  	_ =	shalt  }
0x50: {  	_ =	shalt  }
0x51: {  	_ =	shalt  }
0x52: {  	_ =	shalt  }
0x53: {  	_ =	shalt  }
0x54: {  	_ =	shalt  }
0x55: {  	_ =	shalt  }
0x56: {  	_ =	shalt  }
0x57: {  	_ =	shalt  }
0x58: {  	_ =	shalt  }
0x59: {  	_ =	shalt  }
0x5a: {  	_ =	shalt  }
0x5b: {  	_ =	shalt  }
0x5c: {  	_ =	shalt  }
0x5d: {  	_ =	shalt  }
0x5e: {  	_ =	shalt  }
0x5f: {  	_ =	shalt  }
0x60: {  	_ =	shalt  }
0x61: {  	_ =	shalt  }
0x62: {  	_ =	shalt  }
0x63: {  	_ =	shalt  }
0x64: {  	_ =	shalt  }
0x65: {  	_ =	shalt  }
0x66: {  	_ =	shalt  }
0x67: {  	_ =	shalt  }
0x68: {  	_ =	shalt  }
0x69: {  	_ =	shalt  }
0x6a: {  	_ =	shalt  }
0x6b: {  	_ =	shalt  }
0x6c: {  	_ =	shalt  }
0x6d: {  	_ =	shalt  }
0x6e: {  	_ =	shalt  }
0x6f: {  	_ =	shalt  }
0x70: {  	_ =	shalt  }
0x71: {  	_ =	shalt  }
0x72: {  	_ =	shalt  }
0x73: {  	_ =	shalt  }
0x74: {  	_ =	shalt  }
0x75: {  	_ =	shalt  }
0x76: {  	_ =	shalt  }
0x77: {  	_ =	shalt  }
0x78: {  	_ =	shalt  }
0x79: {  	_ =	shalt  }
0x7a: {  	_ =	shalt  }
0x7b: {  	_ =	shalt  }
0x7c: {  	_ =	shalt  }
0x7d: {  	_ =	shalt  }
0x7e: {  	_ =	shalt  }
0x7f: {  	_ =	shalt  }
0x80: {  	_ =	shalt  }
0x81: {  	_ =	shalt  }
0x82: {  	_ =	shalt  }
0x83: {  	_ =	shalt  }
0x84: {  	_ =	shalt  }
0x85: {  	_ =	shalt  }
0x86: {  	_ =	shalt  }
0x87: {  	_ =	shalt  }
.Lfunc_end0:
.L_simem_size_0:
called_computation_lowered:
.L_overlay_start_0:
0x88: {  	s2 =	sld [smem:$0x3FD9]  }
0x89: {  	s3 =	sld [smem:$0x3FFE];
	_ =	sdelay $0x1  }
0x8a: {  	s1 =	srdreg.scid  }
0x8b: {  	s0 =	sand.u32 $0x1, s1  }
0x8c: {  	s17 =	sshll.u32 s0, $0xA;
	s2 =	sadd.s32 s3, s2  }
0x8d: {  	s2 =	sadd.s32 s2, s17  }
0x8e: {  	[smem:$0x3FC5] =	sst s2  }
0x8f: {  	_ = 	snop  }
0x90: {  	s2 =	sld [smem:$0x3FC9]  }
0x91: {  	s18 =	sld [smem:$0x3FD0];
	(tm) =	ssettm $0x1  }
0x92: {  	s4 =	sld [smem:$0x3FFB];
	_ =	sdelay $0x3  }
0x93: {  	_ =	strace s4  }
0x94: {  	s4 =	sld [smem:$0x3FFC];
	_ =	sdelay $0x3  }
0x95: {  	_ =	strace s4  }
0x96: {  	s4 =	sld [smem:$0x3FFD];
	_ =	sdelay $0x3  }
0x97: {  	_ =	strace s4  }
0x98: {  	_ =	strace $0x8FFFFFFF  }
0x99: {  	s19 =	sld [smem:$0x3FDB];
	_ =	sdelay $0x1  }
0x9a: {  	s5 =	simm.s32 $_scs_section_size  }
0x9b: {  	s6 =	simm.s32 $_size__tile_overlayer_lowered;
	s7 =	simm.s32 $_tile_overlayer_lowered  }
0x9c: {  	s22 =	simm.s32 $0x1BFF;
	s21 =	sshll.u32 s7, $0x1;
	s4 =	sadd.s32 s5, s19  }
0x9d: {  	s8 =	simm.s32 $0x0;
	s20 =	sshll.u32 s6, $0x1;
	s6 =	sadd.s32 s21, s4  }
0x9e: {  	[timem:s8], [sflag:s22] =	dma.local [hbm:s6], s20  }
0x9f: {  	_ =	swait.ge [sflag:s22], s20  }
0xa0: {  	s5 =	ssub.s32 $0x0, s20;
	[sflag:s22] =	ssyncset.done $0x0  }
0xa1: {  	[sflag:s22] =	ssyncadd.s32 s5;
	_ =	sdelay $0x1  }
0xa2: {  	s23 =	simm.s32 $0x1B8B  }
0xa3: {  	_ =	swait.ge [sflag:s23], $0x1  }
0xa4: {  	[sflag:s23] =	ssyncset.done $0x0  }
0xa5: {  	s25 =	simm.s32 $0x1B8E;
	s24 =	sld [smem:$0x3FFE];
	[sflag:s23] =	ssyncadd.s32 $0xFFFFFFFF  }
0xa6: {  	s26 =	simm.s32 $execute0_lowered;
	[smem:$0x3FD2] =	sst s25  }
0xa7: {  	s6 =	sshll.u32 s26, $0x1;
	_ =	strace $0x80000046;
	[dreg:$0x1] =	wrdreg $0xFFFFFFFF  }
0xa8: {  	s28 =	simm.s32 $_size_execute0_lowered;
	s4 =	sadd.s32 s4, s6;
	[dreg:$0x0] =	wrdreg $0x0  }
0xa9: {  	s6 =	sshll.u32 s28, $0x1;
	[dreg:$0x2] =	wrdreg s4  }
0xaa: {  	[dreg:$0x3] =	wrdreg s6  }
0xab: {  	[dreg:$0x4] =	wrdreg $0xC0  }
0xac: {  	_ =	task [dreg:s8], $0x5FFFF  }
0xad: {  	[dreg:$0x1] =	wrdreg $0xFFFFFFFF  }
0xae: {  	[dreg:$0x0] =	wrdreg $0x60  }
0xaf: {  	[dreg:$0x2] =	wrdreg s2  }
0xb0: {  	[dreg:$0x3] =	wrdreg s24  }
0xb1: {  	[dreg:$0x4] =	wrdreg s18  }
0xb2: {  	[dreg:$0x5] =	wrdreg $0x9  }
0xb3: {  	_ =	task.clear_ibuf [dreg:s8], $0x6FFFF;
	_ =	strace $0x90000046  }
0xb4: {  	s29 =	simm.s32 $0x9;
	_ =	strace $0x80000048  }
0xb5: {  	_ =	swait.ge [sflag:s29], $0x1  }
0xb6: {  	[sflag:s29] =	ssyncadd.s32 $0xFFFFFFFF  }
0xb7: {  	_ =	strace $0x90000048  }
0xb8: {  	_ =	sfence  }
0xb9: {  	s30 =	sld [smem:$0x0];
	_ =	sdelay $0x2  }
0xba: {  	s31 =	sshll.u32 s1, $0xD;
	s1 =	sshrl.u32 s1, $0x2  }
0xbb: {  	s3 =	sand.u32 $0x4000, s31;
	s1 =	sadd.s32 s1, s30  }
0xbc: {  	s0 =	sor.u32 s3, s0;
	s1 =	sshll.u32 s1, $0x11  }
0xbd: {  	s0 =	sor.u32 s1, s0  }
0xbe: {  	s0 =	sadd.s32 $0x8F2B, s0  }
0xbf: {  	[sflag:s0] =	ssyncadd.remote.s32 $0x1  }
0xc0: {  	_ =	sfence.sel $0xFFFF  }
0xc1: {  	[dreg:$0x0] =	wrdreg $0xFFFFFFFF;
	(pc) =	sbr.abs _section_cstart, $3  }
0xc2: {  	[dreg:$0x1] =	wrdreg $0xFFFFFFFF  }
0xc3: {  	_ =	task.clear_ibuf [dreg:s8], $0x2FFFF;
	_ =	strace $0x9FFFFFFF  }
0xc4: {  	(tm) =	ssettm $0x7FFFFFFF  }
0xc5: {  	_ =	shalt  }
tec
execute0_lowered:
.L_overlay_start_1:
0x0: {  	(tag) =	ssettag $0x1  }
0x1: {  	s0 =	rddreg [dreg:$0x0]  }
0x2: {  	s1 =	rddreg [dreg:$0x1]  }
0x3: {  	s4 =	rddreg [dreg:$0x2]  }
0x4: {  	s2 =	simm.s32 $0x0;
	s3 =	srdreg.scid;
	s6 =	stileid.u32  }
0x5: {  	s8 =	simm.s32 $0x9E0;
	s5 =	sand.u32 $0x1, s3;
	s6 =	sshll.u32 s6, $0x1  }
0x6: {  	[smem:$0x7FF] =	sst s2;
	s12 =	ssub.s32 $0x2, s5;
	s5 =	sor.u32 s5, s6  }
0x7: {  	s3 =	sadd.s32 $0x800, s1;
	s7 =	smul.u32 $0xC40, s5;
	p0 =	seq.s32 s5, $0x1F  }
0x8: {  	s13 =	sshrl.u32 s12, $0x1;
	s5 =	smul.u32 $0x62000, s5;
	s8 =	simm.s32 @!p0 $0xB40  }
0x9: {  	_ =	strace $0x80000047;
	s1 =	ssub.s32 s12, s13;
	s9 =	smin.u32 s8, $0xA00  }
0xa: {  	s10 =	sadd.s32 $0x186A0, s7;
	s11 =	smin.u32 s8, $0xB00;
	s5 =	sshrl.u32 s5, $0x3  }
0xb: {  	s15 =	sshrl.u32 s7, $0x3;
	s14 =	sshll.u32 s10, $0x4;
	s5 =	sadd.s32 s0, s5  }
0xc: {  	s23 =	sadd.s32 s10, s9;
	s13 =	sadd.s32 s10, s11;
	s10 =	sadd.s32 s8, s10  }
0xd: {  	s24 =	sadd.s32 s7, s9;
	s25 =	sadd.s32 s7, s11;
	s7 =	sadd.s32 s7, s8  }
0xe: {  	s8 =	simm.s32 $0x10200;
	s9 =	simm.s32 $0x3;
	s11 =	simm.s32 $0x0  }
0xf: {  	s6 =	sadd.s32 s0, s14;
	s12 =	sadd.s32 $0x187A00, s5;
	s16 =	sadd.s32 $0x188A00, s5  }
0x10: {  	s18 =	sadd.s32 $0x189A00, s5;
	s20 =	sadd.s32 $0x18AA00, s5;
	[dreg:$0x4] =	wrdreg s6  }
0x11: {  	s22 =	sadd.s32 $0x18BA00, s5;
	s13 =	sshll.u32 s13, $0x4;
	[dreg:$0x5] =	wrdreg s12  }
0x12: {  	s10 =	sshll.u32 s10, $0x4;
	s26 =	sshrl.u32 s25, $0x3;
	[dreg:$0x6] =	wrdreg s16  }
0x13: {  	s7 =	sshrl.u32 s7, $0x3;
	s25 =	smax.u32 s1, $0x1;
	[dreg:$0x8] =	wrdreg s18  }
0x14: {  	s1 =	simm.s32 $0x8000;
	s6 =	sadd.s32 s4, s15;
	[dreg:$0xa] =	wrdreg s20  }
0x15: {  	[dreg:$0xc] =	wrdreg s22;
	s12 =	sshll.u32 s23, $0x4;
	s13 =	sand.u32 $0x1FFFFE00, s13  }
0x16: {  	s10 =	sand.u32 $0x1FFFFE00, s10;
	s18 =	sadd.s32 $0x18CA00, s5;
	s22 =	sadd.s32 s4, s7  }
0x17: {  	s23 =	sadd.s32 $0x18EA00, s5;
	s7 =	simm.s32 $0x2;
	s17 =	sadd.s32 $0x20, s6  }
0x18: {  	v0 =	vlaneseq.u32;
	s19 =	sadd.s32 $0x40, s6;
	s21 =	sadd.s32 $0x60, s6;
	s14 =	sadd.s32 $0x80, s6  }
0x19: {  	v1 =	vmul.u32 $0x80, v0;
	s12 =	sand.u32 $0x1FFFFE00, s12;
	s16 =	sadd.s32 s0, s13;
	[dreg:$0x7] =	wrdreg s17  }
0x1a: {  	s28 =	sadd.s32 $0xC0, s6;
	s29 =	sadd.s32 $0xE0, s6;
	[dreg:$0x9] =	wrdreg s19  }
0x1b: {  	v2 =	vor.u32 $0x800, v1;
	v3 =	vor.u32 $0x1000, v1;
	v4 =	vor.u32 $0x1800, v1;
	s30 =	sadd.s32 $0x100, s6;
	s31 =	sadd.s32 $0x120, s6;
	[dreg:$0xb] =	wrdreg s21  }
0x1c: {  	v5 =	vor.u32 $0x2000, v1;
	v6 =	vor.u32 $0x2800, v1;
	v7 =	vor.u32 $0x3000, v1;
	s15 =	sadd.s32 s0, s12;
	s17 =	sadd.s32 s0, s10;
	s19 =	sadd.s32 $0x18DA00, s5  }
0x1d: {  	v8 =	vor.u32 $0x3800, v1;
	v9 =	vor.u32 $0x4000, v1;
	v10 =	vor.u32 $0x4800, v1;
	s0 =	sshrl.u32 s24, $0x3;
	s21 =	sadd.s32 s4, s26;
	s24 =	sadd.s32 $0x18FA00, s5  }
0x1e: {  	v11 =	vor.u32 $0x5000, v1;
	v12 =	vor.u32 $0x5800, v1;
	v13 =	vor.u32 $0x6000, v1;
	s26 =	sadd.s32 $0xA0, s6;
	s5 =	simm.s32 $0x10100;
	s10 =	simm.s32 $0x4  }
0x1f: {  	v14 =	vor.u32 $0x6800, v1;
	v15 =	vor.u32 $0x7000, v1;
	v16 =	vor.u32 $0x7800, v1;
	s20 =	sadd.s32 s4, s0;
	s0 =	simm.s32 $0x5;
	s4 =	simm.s32 $0x1  }
.LBB2_1:
0x20: {  	s12 =	simm.s32 $0x10000  }
0x21: {  	[tilespmem:s12], [sflag:$0x5] =	stream.linear.gather [hbm4b:s3+s2], $0x80, $0x38;
	[tilespmem:$0x10300] =	vst v63  }
0x22: {  	_ =	swait.ge [sflag:s0], $0x80  }
0x23: {  	[sflag:s0] =	ssyncset.done $0x0  }
0x24: {  	s13 =	simm.s32 $0x10080;
	[sflag:s0] =	ssyncadd.s32 $0xFFFFFF80  }
0x25: {  	[tilespmem:s13], [sflag:$0x5] =	stream.linear.gather [hbm4b:s3+s2], $0x10, $0x38;
	[tilespmem:$0x10300] =	vst v63  }
0x26: {  	_ =	swait.ge [sflag:s0], $0x10  }
0x27: {  	[sflag:s0] =	ssyncset.done $0x0  }
0x28: {  	v17 =	vadd.s32 s2, v0;
	s13 =	rddreg [dreg:$0x4];
	[sflag:s0] =	ssyncadd.s32 $0xFFFFFFF0  }
0x29: {  	v17 =	vand.u32 $0x7F, v17;
	[tilespmem:s2], [sflag:$0x1] =	stream.linear.gather [hbm4b:s13+s2], $0x8000, $0x38;
	[tilespmem:$0x10300] =	vst v63  }
0x2a: {  	v18 =	vor.u32 v16, v17;
	s13 =	rddreg [dreg:$0x5]  }
0x2b: {  	[tilespmem:s1], [sflag:$0x2] =	stream.linear.gather [hbm4b:s13+s2], $0x8000, $0x38;
	[tilespmem:$0x10300] =	vst v63  }
0x2c: {  	v19 =	vor.u32 v1, v17;
	_ =	swait.ge [sflag:s4], $0x8000  }
0x2d: {  	v20 =	vor.u32 v2, v17;
	[sflag:s4] =	ssyncset.done $0x0  }
0x2e: {  	v21 =	vor.u32 v3, v17;
	[sflag:s4] =	ssyncadd.s32 $0xFFFF8000  }
0x2f: {  	v23 =	vor.u32 v4, v17;
	v22 =	vld.idx.msk [tilespmem:v18+s2+$0x0], $0xffff  }
0x30: {  	v29 =	vimm.f32 $0.0e+00;
	v25 =	vor.u32 v6, v17;
	v18 =	vld [tilespmem:s12+$0x0]  }
0x31: {  	v33 =	vimm.f32 $0.0e+00;
	v32 =	vimm.f32 $0.0e+00;
	v26 =	vor.u32 v7, v17;
	v19 =	vld.idx.msk [tilespmem:v19+s2+$0x0], $0xffff  }
0x32: {  	v31 =	vimm.f32 $0.0e+00;
	v30 =	vimm.f32 $0.0e+00;
	v24 =	vor.u32 v5, v17;
	v20 =	vld.idx.msk [tilespmem:v20+s2+$0x0], $0xffff  }
0x33: {  	v27 =	vimm.f32 $0.0e+00;
	v44 =	vor.u32 v8, v17;
	v45 =	vor.u32 v9, v17;
	v21 =	vld.idx.msk [tilespmem:v21+s2+$0x0], $0xffff  }
0x34: {  	v42 =	vor.u32 v10, v17;
	v39 =	vor.u32 v11, v17;
	v38 =	vor.u32 v12, v17;
	v46 =	vld.idx.msk [tilespmem:v23+s2+$0x0], $0xffff  }
0x35: {  	v36 =	vor.u32 v13, v17;
	v35 =	vor.u32 v14, v17;
	v34 =	vor.u32 v15, v17;
	s13 =	simm.s32 $0x1;
	v40 =	vld.idx.msk [tilespmem:v25+s2+$0x0], $0xffff  }
0x36: {  	v48 =	vadd.s32 s13, v0;
	v41 =	vld.idx.msk [tilespmem:v26+s2+$0x0], $0xffff;
	v26 =	vimm.f32 $0.0e+00;
	v25 =	vimm.f32 $0.0e+00  }
0x37: {  	v37 =	vld.idx.msk [tilespmem:v24+s2+$0x0], $0xffff;
	v24 =	vimm.f32 $0.0e+00;
	v22 =	vmul.f32 v22, v18;
	v19 =	vmul.f32 v19, v18  }
0x38: {  	v23 =	vimm.f32 $0.0e+00;
	v47 =	vmul.f32 v20, v18;
	v43 =	vmul.f32 v21, v18  }
0x39: {  	v44 =	vld.idx.msk [tilespmem:v44+s2+$0x0], $0xffff;
	v21 =	vimm.f32 $0.0e+00;
	v20 =	vimm.f32 $0.0e+00;
	v17 =	vadd.f32 v22, v29  }
0x3a: {  	s13 =	simm.s32 $0x2;
	v45 =	vld.idx.msk [tilespmem:v45+s2+$0x0], $0xffff;
	v28 =	vadd.f32 v19, v29;
	v22 =	vimm.f32 $0.0e+00;
	v19 =	vimm.f32 $0.0e+00  }
.LBB2_2:
0x3b: {  	p0 =	sne.s32 s13, $0x7F;
	v48 =	vand.u32 $0x7F, v48;
	v29 =	vadd.f32 v47, v29;
	v46 =	vmul.f32 v46, v18;
	v47 =	vld.idx.msk [tilespmem:v42+s2+$0x0], $0xffff  }
0x3c: {  	v49 =	vor.u32 v1, v48;
	v50 =	vor.u32 v2, v48;
	v51 =	vor.u32 v16, v48;
	v52 =	vld.idx.msk [tilespmem:v39+s2+$0x0], $0xffff  }
0x3d: {  	v53 =	vor.u32 v3, v48;
	v54 =	vor.u32 v4, v48;
	v55 =	vor.u32 v5, v48;
	v56 =	vld.idx.msk [tilespmem:v38+s2+$0x0], $0xffff  }
0x3e: {  	v57 =	vor.u32 v6, v48;
	v58 =	vor.u32 v7, v48;
	v59 =	vor.u32 v8, v48;
	v60 =	vld.idx.msk [tilespmem:v36+s2+$0x0], $0xffff  }
0x3f: {  	v61 =	vor.u32 v9, v48;
	v42 =	vor.u32 v10, v48;
	v39 =	vor.u32 v11, v48;
	v62 =	vld.idx.msk [tilespmem:v35+s2+$0x0], $0xffff  }
0x40: {  	v38 =	vor.u32 v12, v48;
	v36 =	vor.u32 v13, v48;
	v35 =	vor.u32 v14, v48;
	v63 =	vld.idx.msk [tilespmem:v34+s2+$0x0], $0xffff  }
0x41: {  	v37 =	vmul.f32 v37, v18;
	s12 =	sadd.s32 $0x1, s12;
	v40 =	vmul.f32 v40, v18;
	v34 =	vor.u32 v15, v48;
	v48 =	vld.idx.msk [tilespmem:v51+s2+$0x0], $0xffff  }
0x42: {  	v33 =	vadd.f32 v43, v33;
	v41 =	vmul.f32 v41, v18;
	v43 =	vmul.f32 v44, v18;
	v51 =	vld [tilespmem:s12+$0x0]  }
0x43: {  	v32 =	vadd.f32 v46, v32;
	v45 =	vmul.f32 v45, v18;
	v47 =	vmul.f32 v47, v18;
	v44 =	vld.idx.msk [tilespmem:v49+s2+$0x0], $0xffff  }
0x44: {  	v31 =	vadd.f32 v37, v31;
	v49 =	vld.idx.msk [tilespmem:v50+s2+$0x0], $0xffff;
	v50 =	vmul.f32 v52, v18;
	v52 =	vmul.f32 v56, v18  }
0x45: {  	v30 =	vadd.f32 v40, v30;
	v56 =	vmul.f32 v60, v18;
	v60 =	vmul.f32 v62, v18;
	v53 =	vld.idx.msk [tilespmem:v53+s2+$0x0], $0xffff  }
0x46: {  	v27 =	vadd.f32 v41, v27;
	v26 =	vadd.f32 v43, v26;
	v43 =	vmul.f32 v63, v18;
	v46 =	vld.idx.msk [tilespmem:v54+s2+$0x0], $0xffff  }
.Ltmp0:
0x47: {  	v25 =	vadd.f32 v45, v25;
	v24 =	vadd.f32 v47, v24;
	v37 =	vld.idx.msk [tilespmem:v55+s2+$0x0], $0xffff;
	v48 =	vmul.f32 v48, v51;
	(pc) =	sbr.rel @p0 .LBB2_2-.Ltmp0, $4  }
0x48: {  	v23 =	vadd.f32 v50, v23;
	v22 =	vadd.f32 v52, v22;
	v18 =	vmov v51;
	v40 =	vld.idx.msk [tilespmem:v57+s2+$0x0], $0xffff  }
0x49: {  	v21 =	vadd.f32 v56, v21;
	v45 =	vmul.f32 v44, v18;
	v41 =	vld.idx.msk [tilespmem:v58+s2+$0x0], $0xffff;
	v17 =	vadd.f32 v48, v17  }
0x4a: {  	v20 =	vadd.f32 v60, v20;
	v19 =	vadd.f32 v43, v19;
	v47 =	vmul.f32 v49, v18;
	v44 =	vld.idx.msk [tilespmem:v59+s2+$0x0], $0xffff  }
0x4b: {  	v48 =	vadd.s32 s13, v0;
	s13 =	sadd.s32 $0x1, s13;
	v28 =	vadd.f32 v45, v28;
	v43 =	vmul.f32 v53, v18;
	v45 =	vld.idx.msk [tilespmem:v61+s2+$0x0], $0xffff  }
0x4c: {  	_ =	sdelay $0x3  }
0x4d: {  	v42 =	vld.idx.msk [tilespmem:v42+s2+$0x0], $0xffff  }
0x4e: {  	v48 =	vand.u32 $0x7F, v48;
	v39 =	vld.idx.msk [tilespmem:v39+s2+$0x0], $0xffff  }
0x4f: {  	v38 =	vld.idx.msk [tilespmem:v38+s2+$0x0], $0xffff;
	v49 =	vor.u32 v16, v48  }
0x50: {  	v36 =	vld.idx.msk [tilespmem:v36+s2+$0x0], $0xffff;
	v50 =	vor.u32 v1, v48  }
0x51: {  	v35 =	vld.idx.msk [tilespmem:v35+s2+$0x0], $0xffff;
	v51 =	vor.u32 v2, v48  }
0x52: {  	v34 =	vld.idx.msk [tilespmem:v34+s2+$0x0], $0xffff;
	s12 =	sadd.s32 $0x1, s12;
	v52 =	vor.u32 v3, v48  }
0x53: {  	v53 =	vor.u32 v4, v48;
	v55 =	vld [tilespmem:s12+$0x0]  }
0x54: {  	v54 =	vor.u32 v5, v48;
	v49 =	vld.idx.msk [tilespmem:v49+s2+$0x0], $0xffff  }
0x55: {  	v56 =	vor.u32 v6, v48;
	v50 =	vld.idx.msk [tilespmem:v50+s2+$0x0], $0xffff  }
0x56: {  	v57 =	vor.u32 v7, v48;
	v51 =	vld.idx.msk [tilespmem:v51+s2+$0x0], $0xffff  }
0x57: {  	v58 =	vor.u32 v8, v48;
	v52 =	vld.idx.msk [tilespmem:v52+s2+$0x0], $0xffff  }
0x58: {  	v29 =	vadd.f32 v47, v29;
	v59 =	vor.u32 v9, v48;
	v53 =	vld.idx.msk [tilespmem:v53+s2+$0x0], $0xffff  }
0x59: {  	v60 =	vor.u32 v10, v48;
	v61 =	vor.u32 v11, v48;
	v62 =	vor.u32 v12, v48;
	v54 =	vld.idx.msk [tilespmem:v54+s2+$0x0], $0xffff  }
0x5a: {  	v47 =	vor.u32 v13, v48;
	v63 =	vor.u32 v14, v48;
	v48 =	vor.u32 v15, v48;
	v56 =	vld.idx.msk [tilespmem:v56+s2+$0x0], $0xffff  }
0x5b: {  	v46 =	vmul.f32 v46, v18;
	v57 =	vld.idx.msk [tilespmem:v57+s2+$0x0], $0xffff  }
0x5c: {  	v37 =	vmul.f32 v37, v18;
	v40 =	vmul.f32 v40, v18;
	v58 =	vld.idx.msk [tilespmem:v58+s2+$0x0], $0xffff  }
0x5d: {  	v41 =	vmul.f32 v41, v18;
	v44 =	vmul.f32 v44, v18;
	v59 =	vld.idx.msk [tilespmem:v59+s2+$0x0], $0xffff  }
0x5e: {  	v33 =	vadd.f32 v43, v33;
	v43 =	vmul.f32 v45, v18;
	v42 =	vmul.f32 v42, v18;
	v60 =	vld.idx.msk [tilespmem:v60+s2+$0x0], $0xffff  }
0x5f: {  	v31 =	vadd.f32 v37, v31;
	v39 =	vmul.f32 v39, v18;
	v37 =	vmul.f32 v38, v18;
	v48 =	vld.idx.msk [tilespmem:v48+s2+$0x0], $0xffff  }
0x60: {  	v36 =	vmul.f32 v36, v18;
	v45 =	vld.idx.msk [tilespmem:v61+s2+$0x0], $0xffff;
	v61 =	vmul.f32 v50, v55  }
0x61: {  	v32 =	vadd.f32 v46, v32;
	v35 =	vmul.f32 v35, v18;
	v50 =	vld.idx.msk [tilespmem:v62+s2+$0x0], $0xffff;
	v51 =	vmul.f32 v51, v55  }
0x62: {  	v18 =	vmul.f32 v34, v18;
	v62 =	vld.idx.msk [tilespmem:v63+s2+$0x0], $0xffff;
	v63 =	vmul.f32 v53, v55;
	v28 =	vadd.f32 v61, v28  }
0x63: {  	v47 =	vld.idx.msk [tilespmem:v47+s2+$0x0], $0xffff;
	v54 =	vmul.f32 v54, v55;
	v29 =	vadd.f32 v51, v29  }
0x64: {  	v18 =	vadd.f32 v18, v19;
	v19 =	vmul.f32 v48, v55;
	v32 =	vadd.f32 v63, v32;
	[tilespmem:$0x10100] =	vst v28  }
0x65: {  	v61 =	vmul.f32 v52, v55;
	v31 =	vadd.f32 v54, v31;
	[tilespmem:$0x10110] =	vst v29  }
0x66: {  	v30 =	vadd.f32 v40, v30;
	v18 =	vadd.f32 v19, v18;
	v28 =	vmul.f32 v56, v55;
	[tilespmem:$0x10130] =	vst v32  }
0x67: {  	v27 =	vadd.f32 v41, v27;
	v33 =	vadd.f32 v61, v33;
	v29 =	vmul.f32 v57, v55;
	[tilespmem:$0x10140] =	vst v31  }
0x68: {  	v26 =	vadd.f32 v44, v26;
	v61 =	vmul.f32 v58, v55;
	[tilespmem:$0x101E0] =	vst v18;
	v28 =	vadd.f32 v28, v30  }
0x69: {  	v25 =	vadd.f32 v43, v25;
	[tilespmem:$0x10120] =	vst v33;
	v30 =	vmul.f32 v59, v55;
	v27 =	vadd.f32 v29, v27  }
0x6a: {  	v24 =	vadd.f32 v42, v24;
	v29 =	vmul.f32 v60, v55;
	v26 =	vadd.f32 v61, v26;
	[tilespmem:$0x10150] =	vst v28  }
0x6b: {  	v23 =	vadd.f32 v39, v23;
	v28 =	vmul.f32 v45, v55;
	v25 =	vadd.f32 v30, v25;
	[tilespmem:$0x10160] =	vst v27  }
0x6c: {  	v22 =	vadd.f32 v37, v22;
	v27 =	vmul.f32 v50, v55;
	v24 =	vadd.f32 v29, v24;
	[tilespmem:$0x10170] =	vst v26  }
0x6d: {  	v21 =	vadd.f32 v36, v21;
	v26 =	vmul.f32 v47, v55;
	v23 =	vadd.f32 v28, v23;
	[tilespmem:$0x10180] =	vst v25  }
0x6e: {  	v20 =	vadd.f32 v35, v20;
	v25 =	vmul.f32 v62, v55;
	v22 =	vadd.f32 v27, v22;
	[tilespmem:$0x10190] =	vst v24  }
0x6f: {  	v21 =	vadd.f32 v26, v21;
	[tilespmem:$0x101A0] =	vst v23;
	v23 =	vmul.f32 v49, v55  }
0x70: {  	v20 =	vadd.f32 v25, v20;
	[tilespmem:$0x101B0] =	vst v22  }
0x71: {  	[tilespmem:$0x101C0] =	vst v21;
	v17 =	vadd.f32 v23, v17  }
0x72: {  	s12 =	simm.s32 $0x0;
	[tilespmem:$0x101D0] =	vst v20  }
0x73: {  	[tilespmem:$0x101F0] =	vst v17;
	v17 =	vadd.s32 s12, v0  }
0x74: {  	[hbm4b:s6+s12] =	stream.linear.scatter [tilespmem:s5], [sflag:$0x3], $0x100, $0x38;
	v17 =	vand.u32 $0x7F, v17;
	[tilespmem:$0x10300] =	vst v63  }
0x75: {  	s13 =	rddreg [dreg:$0x6];
	v18 =	vor.u32 v16, v17  }
0x76: {  	[tilespmem:s12], [sflag:$0x1] =	stream.linear.gather [hbm4b:s13+s12], $0x8000, $0x38;
	[tilespmem:$0x10300] =	vst v63  }
0x77: {  	v19 =	vor.u32 v1, v17;
	_ =	swait.ge [sflag:s7], $0x8000  }
0x78: {  	v20 =	vor.u32 v2, v17;
	[sflag:s7] =	ssyncset.done $0x0  }
0x79: {  	v21 =	vor.u32 v3, v17;
	[sflag:s7] =	ssyncadd.s32 $0xFFFF8000  }
0x7a: {  	v23 =	vor.u32 v4, v17;
	s12 =	simm.s32 $0x10000;
	v22 =	vld.idx.msk [tilespmem:v18+s1+$0x0], $0xffff  }
0x7b: {  	v32 =	vimm.f32 $0.0e+00;
	v25 =	vor.u32 v6, v17;
	v18 =	vld [tilespmem:s12+$0x0]  }
0x7c: {  	v31 =	vimm.f32 $0.0e+00;
	v33 =	vimm.f32 $0.0e+00;
	v26 =	vor.u32 v7, v17;
	v19 =	vld.idx.msk [tilespmem:v19+s1+$0x0], $0xffff  }
0x7d: {  	v29 =	vimm.f32 $0.0e+00;
	v30 =	vimm.f32 $0.0e+00;
	v24 =	vor.u32 v5, v17;
	v20 =	vld.idx.msk [tilespmem:v20+s1+$0x0], $0xffff  }
0x7e: {  	v27 =	vimm.f32 $0.0e+00;
	v62 =	vor.u32 v8, v17;
	v63 =	vor.u32 v9, v17;
	v21 =	vld.idx.msk [tilespmem:v21+s1+$0x0], $0xffff  }
0x7f: {  	v42 =	vor.u32 v10, v17;
	v39 =	vor.u32 v11, v17;
	v38 =	vor.u32 v12, v17;
	v46 =	vld.idx.msk [tilespmem:v23+s1+$0x0], $0xffff  }
0x80: {  	v36 =	vor.u32 v13, v17;
	v35 =	vor.u32 v14, v17;
	v34 =	vor.u32 v15, v17;
	s13 =	simm.s32 $0x1;
	v40 =	vld.idx.msk [tilespmem:v25+s1+$0x0], $0xffff  }
0x81: {  	v48 =	vadd.s32 s13, v0;
	v41 =	vld.idx.msk [tilespmem:v26+s1+$0x0], $0xffff;
	v26 =	vimm.f32 $0.0e+00;
	v25 =	vimm.f32 $0.0e+00  }
0x82: {  	v37 =	vld.idx.msk [tilespmem:v24+s1+$0x0], $0xffff;
	v24 =	vimm.f32 $0.0e+00;
	v22 =	vmul.f32 v22, v18;
	v19 =	vmul.f32 v19, v18  }
0x83: {  	v23 =	vimm.f32 $0.0e+00;
	v47 =	vmul.f32 v20, v18;
	v43 =	vmul.f32 v21, v18  }
0x84: {  	v44 =	vld.idx.msk [tilespmem:v62+s1+$0x0], $0xffff;
	v21 =	vimm.f32 $0.0e+00;
	v20 =	vimm.f32 $0.0e+00;
	v17 =	vadd.f32 v22, v29  }
0x85: {  	s13 =	simm.s32 $0x2;
	v45 =	vld.idx.msk [tilespmem:v63+s1+$0x0], $0xffff;
	v28 =	vadd.f32 v19, v29;
	v22 =	vimm.f32 $0.0e+00;
	v19 =	vimm.f32 $0.0e+00  }
.LBB2_4:
0x86: {  	p0 =	sne.s32 s13, $0x7F;
	v48 =	vand.u32 $0x7F, v48;
	v29 =	vadd.f32 v47, v29;
	v46 =	vmul.f32 v46, v18;
	v47 =	vld.idx.msk [tilespmem:v42+s1+$0x0], $0xffff  }
0x87: {  	v49 =	vor.u32 v1, v48;
	v50 =	vor.u32 v2, v48;
	v51 =	vor.u32 v16, v48;
	v52 =	vld.idx.msk [tilespmem:v39+s1+$0x0], $0xffff  }
0x88: {  	v53 =	vor.u32 v3, v48;
	v54 =	vor.u32 v4, v48;
	v55 =	vor.u32 v5, v48;
	v56 =	vld.idx.msk [tilespmem:v38+s1+$0x0], $0xffff  }
0x89: {  	v57 =	vor.u32 v6, v48;
	v58 =	vor.u32 v7, v48;
	v59 =	vor.u32 v8, v48;
	v60 =	vld.idx.msk [tilespmem:v36+s1+$0x0], $0xffff  }
0x8a: {  	v61 =	vor.u32 v9, v48;
	v42 =	vor.u32 v10, v48;
	v39 =	vor.u32 v11, v48;
	v62 =	vld.idx.msk [tilespmem:v35+s1+$0x0], $0xffff  }
0x8b: {  	v38 =	vor.u32 v12, v48;
	v36 =	vor.u32 v13, v48;
	v35 =	vor.u32 v14, v48;
	v63 =	vld.idx.msk [tilespmem:v34+s1+$0x0], $0xffff  }
0x8c: {  	v37 =	vmul.f32 v37, v18;
	s12 =	sadd.s32 $0x1, s12;
	v40 =	vmul.f32 v40, v18;
	v34 =	vor.u32 v15, v48;
	v48 =	vld.idx.msk [tilespmem:v51+s1+$0x0], $0xffff  }
0x8d: {  	v33 =	vadd.f32 v43, v33;
	v41 =	vmul.f32 v41, v18;
	v43 =	vmul.f32 v44, v18;
	v51 =	vld [tilespmem:s12+$0x0]  }
0x8e: {  	v32 =	vadd.f32 v46, v32;
	v45 =	vmul.f32 v45, v18;
	v47 =	vmul.f32 v47, v18;
	v44 =	vld.idx.msk [tilespmem:v49+s1+$0x0], $0xffff  }
0x8f: {  	v31 =	vadd.f32 v37, v31;
	v49 =	vld.idx.msk [tilespmem:v50+s1+$0x0], $0xffff;
	v50 =	vmul.f32 v52, v18;
	v52 =	vmul.f32 v56, v18  }
0x90: {  	v30 =	vadd.f32 v40, v30;
	v56 =	vmul.f32 v60, v18;
	v60 =	vmul.f32 v62, v18;
	v53 =	vld.idx.msk [tilespmem:v53+s1+$0x0], $0xffff  }
0x91: {  	v27 =	vadd.f32 v41, v27;
	v26 =	vadd.f32 v43, v26;
	v43 =	vmul.f32 v63, v18;
	v46 =	vld.idx.msk [tilespmem:v54+s1+$0x0], $0xffff  }
.Ltmp1:
0x92: {  	v25 =	vadd.f32 v45, v25;
	v24 =	vadd.f32 v47, v24;
	v37 =	vld.idx.msk [tilespmem:v55+s1+$0x0], $0xffff;
	v48 =	vmul.f32 v48, v51;
	(pc) =	sbr.rel @p0 .LBB2_4-.Ltmp1, $4  }
0x93: {  	v23 =	vadd.f32 v50, v23;
	v22 =	vadd.f32 v52, v22;
	v18 =	vmov v51;
	v40 =	vld.idx.msk [tilespmem:v57+s1+$0x0], $0xffff  }
0x94: {  	v21 =	vadd.f32 v56, v21;
	v45 =	vmul.f32 v44, v18;
	v41 =	vld.idx.msk [tilespmem:v58+s1+$0x0], $0xffff;
	v17 =	vadd.f32 v48, v17  }
0x95: {  	v20 =	vadd.f32 v60, v20;
	v19 =	vadd.f32 v43, v19;
	v47 =	vmul.f32 v49, v18;
	v44 =	vld.idx.msk [tilespmem:v59+s1+$0x0], $0xffff  }
0x96: {  	v48 =	vadd.s32 s13, v0;
	s13 =	sadd.s32 $0x1, s13;
	v28 =	vadd.f32 v45, v28;
	v43 =	vmul.f32 v53, v18;
	v45 =	vld.idx.msk [tilespmem:v61+s1+$0x0], $0xffff  }
0x97: {  	_ =	sdelay $0x3  }
0x98: {  	v42 =	vld.idx.msk [tilespmem:v42+s1+$0x0], $0xffff  }
0x99: {  	v48 =	vand.u32 $0x7F, v48;
	v39 =	vld.idx.msk [tilespmem:v39+s1+$0x0], $0xffff  }
0x9a: {  	v38 =	vld.idx.msk [tilespmem:v38+s1+$0x0], $0xffff;
	v49 =	vor.u32 v16, v48  }
0x9b: {  	v36 =	vld.idx.msk [tilespmem:v36+s1+$0x0], $0xffff;
	v50 =	vor.u32 v1, v48  }
0x9c: {  	v35 =	vld.idx.msk [tilespmem:v35+s1+$0x0], $0xffff;
	v51 =	vor.u32 v2, v48  }
0x9d: {  	v34 =	vld.idx.msk [tilespmem:v34+s1+$0x0], $0xffff;
	s12 =	sadd.s32 $0x1, s12;
	v52 =	vor.u32 v3, v48  }
0x9e: {  	v53 =	vor.u32 v4, v48;
	v55 =	vld [tilespmem:s12+$0x0]  }
0x9f: {  	v54 =	vor.u32 v5, v48;
	v49 =	vld.idx.msk [tilespmem:v49+s1+$0x0], $0xffff  }
0xa0: {  	v56 =	vor.u32 v6, v48;
	v50 =	vld.idx.msk [tilespmem:v50+s1+$0x0], $0xffff  }
0xa1: {  	v57 =	vor.u32 v7, v48;
	v51 =	vld.idx.msk [tilespmem:v51+s1+$0x0], $0xffff  }
0xa2: {  	v58 =	vor.u32 v8, v48;
	v52 =	vld.idx.msk [tilespmem:v52+s1+$0x0], $0xffff  }
0xa3: {  	v29 =	vadd.f32 v47, v29;
	v59 =	vor.u32 v9, v48;
	v53 =	vld.idx.msk [tilespmem:v53+s1+$0x0], $0xffff  }
0xa4: {  	v60 =	vor.u32 v10, v48;
	v61 =	vor.u32 v11, v48;
	v62 =	vor.u32 v12, v48;
	v54 =	vld.idx.msk [tilespmem:v54+s1+$0x0], $0xffff  }
0xa5: {  	v47 =	vor.u32 v13, v48;
	v63 =	vor.u32 v14, v48;
	v48 =	vor.u32 v15, v48;
	v56 =	vld.idx.msk [tilespmem:v56+s1+$0x0], $0xffff  }
0xa6: {  	v46 =	vmul.f32 v46, v18;
	v57 =	vld.idx.msk [tilespmem:v57+s1+$0x0], $0xffff  }
0xa7: {  	v37 =	vmul.f32 v37, v18;
	v40 =	vmul.f32 v40, v18;
	v58 =	vld.idx.msk [tilespmem:v58+s1+$0x0], $0xffff  }
0xa8: {  	v41 =	vmul.f32 v41, v18;
	v44 =	vmul.f32 v44, v18;
	v59 =	vld.idx.msk [tilespmem:v59+s1+$0x0], $0xffff  }
0xa9: {  	v33 =	vadd.f32 v43, v33;
	v43 =	vmul.f32 v45, v18;
	v42 =	vmul.f32 v42, v18;
	v60 =	vld.idx.msk [tilespmem:v60+s1+$0x0], $0xffff  }
0xaa: {  	v31 =	vadd.f32 v37, v31;
	v39 =	vmul.f32 v39, v18;
	v37 =	vmul.f32 v38, v18;
	v48 =	vld.idx.msk [tilespmem:v48+s1+$0x0], $0xffff  }
0xab: {  	v36 =	vmul.f32 v36, v18;
	v45 =	vld.idx.msk [tilespmem:v61+s1+$0x0], $0xffff;
	v61 =	vmul.f32 v50, v55  }
0xac: {  	v32 =	vadd.f32 v46, v32;
	v35 =	vmul.f32 v35, v18;
	v50 =	vld.idx.msk [tilespmem:v62+s1+$0x0], $0xffff;
	v51 =	vmul.f32 v51, v55  }
0xad: {  	v18 =	vmul.f32 v34, v18;
	v62 =	vld.idx.msk [tilespmem:v63+s1+$0x0], $0xffff;
	v63 =	vmul.f32 v53, v55;
	v28 =	vadd.f32 v61, v28  }
0xae: {  	v47 =	vld.idx.msk [tilespmem:v47+s1+$0x0], $0xffff;
	v54 =	vmul.f32 v54, v55;
	v29 =	vadd.f32 v51, v29  }
0xaf: {  	v18 =	vadd.f32 v18, v19;
	v19 =	vmul.f32 v48, v55;
	v32 =	vadd.f32 v63, v32;
	[tilespmem:$0x10200] =	vst v28  }
0xb0: {  	v61 =	vmul.f32 v52, v55;
	v31 =	vadd.f32 v54, v31;
	[tilespmem:$0x10210] =	vst v29  }
0xb1: {  	v30 =	vadd.f32 v40, v30;
	v18 =	vadd.f32 v19, v18;
	v28 =	vmul.f32 v56, v55;
	[tilespmem:$0x10230] =	vst v32  }
0xb2: {  	v27 =	vadd.f32 v41, v27;
	v33 =	vadd.f32 v61, v33;
	v29 =	vmul.f32 v57, v55;
	[tilespmem:$0x10240] =	vst v31  }
0xb3: {  	v26 =	vadd.f32 v44, v26;
	v61 =	vmul.f32 v58, v55;
	[tilespmem:$0x102E0] =	vst v18;
	v28 =	vadd.f32 v28, v30  }
0xb4: {  	v25 =	vadd.f32 v43, v25;
	[tilespmem:$0x10220] =	vst v33;
	v30 =	vmul.f32 v59, v55;
	v27 =	vadd.f32 v29, v27  }
0xb5: {  	v24 =	vadd.f32 v42, v24;
	v29 =	vmul.f32 v60, v55;
	v26 =	vadd.f32 v61, v26;
	[tilespmem:$0x10250] =	vst v28  }
0xb6: {  	v23 =	vadd.f32 v39, v23;
	v28 =	vmul.f32 v45, v55;
	v25 =	vadd.f32 v30, v25;
	[tilespmem:$0x10260] =	vst v27  }
0xb7: {  	v22 =	vadd.f32 v37, v22;
	v27 =	vmul.f32 v50, v55;
	v24 =	vadd.f32 v29, v24;
	[tilespmem:$0x10270] =	vst v26  }
0xb8: {  	v21 =	vadd.f32 v36, v21;
	v26 =	vmul.f32 v47, v55;
	v23 =	vadd.f32 v28, v23;
	[tilespmem:$0x10280] =	vst v25  }
0xb9: {  	v20 =	vadd.f32 v35, v20;
	v25 =	vmul.f32 v62, v55;
	v22 =	vadd.f32 v27, v22;
	[tilespmem:$0x10290] =	vst v24  }
0xba: {  	v21 =	vadd.f32 v26, v21;
	[tilespmem:$0x102A0] =	vst v23;
	v23 =	vmul.f32 v49, v55  }
0xbb: {  	v20 =	vadd.f32 v25, v20;
	[tilespmem:$0x102B0] =	vst v22  }
0xbc: {  	[tilespmem:$0x102C0] =	vst v21;
	v17 =	vadd.f32 v23, v17  }
0xbd: {  	s12 =	simm.s32 $0x0;
	[tilespmem:$0x102D0] =	vst v20  }
0xbe: {  	s13 =	rddreg [dreg:$0x7];
	[tilespmem:$0x102F0] =	vst v17;
	v17 =	vadd.s32 s12, v0  }
0xbf: {  	[hbm4b:s13+s12] =	stream.linear.scatter [tilespmem:s8], [sflag:$0x4], $0x100, $0x38;
	v17 =	vand.u32 $0x7F, v17;
	[tilespmem:$0x10300] =	vst v63  }
0xc0: {  	s13 =	rddreg [dreg:$0x8];
	v18 =	vor.u32 v16, v17  }
0xc1: {  	[tilespmem:s1], [sflag:$0x2] =	stream.linear.gather [hbm4b:s13+s12], $0x8000, $0x38;
	[tilespmem:$0x10300] =	vst v63  }
0xc2: {  	v19 =	vor.u32 v1, v17;
	_ =	swait.ge [sflag:s4], $0x8000  }
0xc3: {  	v20 =	vor.u32 v2, v17;
	[sflag:s4] =	ssyncset.done $0x0  }
0xc4: {  	v21 =	vor.u32 v3, v17;
	[sflag:s4] =	ssyncadd.s32 $0xFFFF8000  }
0xc5: {  	v23 =	vor.u32 v4, v17;
	s12 =	simm.s32 $0x10000;
	v22 =	vld.idx.msk [tilespmem:v18+s2+$0x0], $0xffff  }
0xc6: {  	v32 =	vimm.f32 $0.0e+00;
	v25 =	vor.u32 v6, v17;
	v18 =	vld [tilespmem:s12+$0x0]  }
0xc7: {  	v31 =	vimm.f32 $0.0e+00;
	v33 =	vimm.f32 $0.0e+00;
	v27 =	vor.u32 v7, v17;
	v19 =	vld.idx.msk [tilespmem:v19+s2+$0x0], $0xffff  }
0xc8: {  	v30 =	vimm.f32 $0.0e+00;
	v26 =	vimm.f32 $0.0e+00;
	v24 =	vor.u32 v5, v17;
	v20 =	vld.idx.msk [tilespmem:v20+s2+$0x0], $0xffff  }
0xc9: {  	v28 =	vimm.f32 $0.0e+00;
	v62 =	vor.u32 v8, v17;
	v63 =	vor.u32 v9, v17;
	v21 =	vld.idx.msk [tilespmem:v21+s2+$0x0], $0xffff  }
0xca: {  	v42 =	vor.u32 v10, v17;
	v40 =	vor.u32 v11, v17;
	v38 =	vor.u32 v12, v17;
	v46 =	vld.idx.msk [tilespmem:v23+s2+$0x0], $0xffff  }
0xcb: {  	v37 =	vor.u32 v13, v17;
	v35 =	vor.u32 v14, v17;
	v34 =	vor.u32 v15, v17;
	s13 =	simm.s32 $0x1;
	v39 =	vld.idx.msk [tilespmem:v25+s2+$0x0], $0xffff  }
0xcc: {  	v48 =	vadd.s32 s13, v0;
	v41 =	vld.idx.msk [tilespmem:v27+s2+$0x0], $0xffff;
	v27 =	vimm.f32 $0.0e+00;
	v25 =	vimm.f32 $0.0e+00  }
0xcd: {  	v36 =	vld.idx.msk [tilespmem:v24+s2+$0x0], $0xffff;
	v24 =	vimm.f32 $0.0e+00;
	v22 =	vmul.f32 v22, v18;
	v19 =	vmul.f32 v19, v18  }
0xce: {  	v23 =	vimm.f32 $0.0e+00;
	v47 =	vmul.f32 v20, v18;
	v43 =	vmul.f32 v21, v18  }
0xcf: {  	v44 =	vld.idx.msk [tilespmem:v62+s2+$0x0], $0xffff;
	v21 =	vimm.f32 $0.0e+00;
	v20 =	vimm.f32 $0.0e+00;
	v17 =	vadd.f32 v22, v26  }
0xd0: {  	s13 =	simm.s32 $0x2;
	v45 =	vld.idx.msk [tilespmem:v63+s2+$0x0], $0xffff;
	v29 =	vadd.f32 v19, v26;
	v22 =	vimm.f32 $0.0e+00;
	v19 =	vimm.f32 $0.0e+00  }
.LBB2_6:
0xd1: {  	p0 =	sne.s32 s13, $0x7F;
	v48 =	vand.u32 $0x7F, v48;
	v26 =	vadd.f32 v47, v26;
	v46 =	vmul.f32 v46, v18;
	v47 =	vld.idx.msk [tilespmem:v42+s2+$0x0], $0xffff  }
0xd2: {  	v49 =	vor.u32 v1, v48;
	v50 =	vor.u32 v2, v48;
	v51 =	vor.u32 v16, v48;
	v52 =	vld.idx.msk [tilespmem:v40+s2+$0x0], $0xffff  }
0xd3: {  	v53 =	vor.u32 v3, v48;
	v54 =	vor.u32 v4, v48;
	v55 =	vor.u32 v5, v48;
	v56 =	vld.idx.msk [tilespmem:v38+s2+$0x0], $0xffff  }
0xd4: {  	v57 =	vor.u32 v6, v48;
	v58 =	vor.u32 v7, v48;
	v59 =	vor.u32 v8, v48;
	v60 =	vld.idx.msk [tilespmem:v37+s2+$0x0], $0xffff  }
0xd5: {  	v61 =	vor.u32 v9, v48;
	v42 =	vor.u32 v10, v48;
	v40 =	vor.u32 v11, v48;
	v62 =	vld.idx.msk [tilespmem:v35+s2+$0x0], $0xffff  }
0xd6: {  	v38 =	vor.u32 v12, v48;
	v37 =	vor.u32 v13, v48;
	v35 =	vor.u32 v14, v48;
	v63 =	vld.idx.msk [tilespmem:v34+s2+$0x0], $0xffff  }
0xd7: {  	v36 =	vmul.f32 v36, v18;
	s12 =	sadd.s32 $0x1, s12;
	v39 =	vmul.f32 v39, v18;
	v34 =	vor.u32 v15, v48;
	v48 =	vld.idx.msk [tilespmem:v51+s2+$0x0], $0xffff  }
0xd8: {  	v33 =	vadd.f32 v43, v33;
	v41 =	vmul.f32 v41, v18;
	v43 =	vmul.f32 v44, v18;
	v51 =	vld [tilespmem:s12+$0x0]  }
0xd9: {  	v32 =	vadd.f32 v46, v32;
	v45 =	vmul.f32 v45, v18;
	v47 =	vmul.f32 v47, v18;
	v44 =	vld.idx.msk [tilespmem:v49+s2+$0x0], $0xffff  }
0xda: {  	v31 =	vadd.f32 v36, v31;
	v49 =	vld.idx.msk [tilespmem:v50+s2+$0x0], $0xffff;
	v50 =	vmul.f32 v52, v18;
	v52 =	vmul.f32 v56, v18  }
0xdb: {  	v30 =	vadd.f32 v39, v30;
	v56 =	vmul.f32 v60, v18;
	v60 =	vmul.f32 v62, v18;
	v53 =	vld.idx.msk [tilespmem:v53+s2+$0x0], $0xffff  }
0xdc: {  	v28 =	vadd.f32 v41, v28;
	v27 =	vadd.f32 v43, v27;
	v43 =	vmul.f32 v63, v18;
	v46 =	vld.idx.msk [tilespmem:v54+s2+$0x0], $0xffff  }
.Ltmp2:
0xdd: {  	v25 =	vadd.f32 v45, v25;
	v24 =	vadd.f32 v47, v24;
	v36 =	vld.idx.msk [tilespmem:v55+s2+$0x0], $0xffff;
	v48 =	vmul.f32 v48, v51;
	(pc) =	sbr.rel @p0 .LBB2_6-.Ltmp2, $4  }
0xde: {  	v23 =	vadd.f32 v50, v23;
	v22 =	vadd.f32 v52, v22;
	v18 =	vmov v51;
	v39 =	vld.idx.msk [tilespmem:v57+s2+$0x0], $0xffff  }
0xdf: {  	v21 =	vadd.f32 v56, v21;
	v45 =	vmul.f32 v44, v18;
	v41 =	vld.idx.msk [tilespmem:v58+s2+$0x0], $0xffff;
	v17 =	vadd.f32 v48, v17  }
0xe0: {  	v20 =	vadd.f32 v60, v20;
	v19 =	vadd.f32 v43, v19;
	v47 =	vmul.f32 v49, v18;
	v44 =	vld.idx.msk [tilespmem:v59+s2+$0x0], $0xffff  }
0xe1: {  	v48 =	vadd.s32 s13, v0;
	s13 =	sadd.s32 $0x1, s13;
	v29 =	vadd.f32 v45, v29;
	v43 =	vmul.f32 v53, v18;
	v45 =	vld.idx.msk [tilespmem:v61+s2+$0x0], $0xffff  }
0xe2: {  	_ =	sdelay $0x3  }
0xe3: {  	v42 =	vld.idx.msk [tilespmem:v42+s2+$0x0], $0xffff  }
0xe4: {  	v48 =	vand.u32 $0x7F, v48;
	v40 =	vld.idx.msk [tilespmem:v40+s2+$0x0], $0xffff  }
0xe5: {  	v38 =	vld.idx.msk [tilespmem:v38+s2+$0x0], $0xffff;
	v49 =	vor.u32 v16, v48  }
0xe6: {  	v37 =	vld.idx.msk [tilespmem:v37+s2+$0x0], $0xffff;
	v50 =	vor.u32 v1, v48  }
0xe7: {  	v35 =	vld.idx.msk [tilespmem:v35+s2+$0x0], $0xffff;
	v51 =	vor.u32 v2, v48  }
0xe8: {  	v34 =	vld.idx.msk [tilespmem:v34+s2+$0x0], $0xffff;
	s12 =	sadd.s32 $0x1, s12;
	v52 =	vor.u32 v3, v48  }
0xe9: {  	v53 =	vor.u32 v4, v48;
	v55 =	vld [tilespmem:s12+$0x0]  }
0xea: {  	v54 =	vor.u32 v5, v48;
	v49 =	vld.idx.msk [tilespmem:v49+s2+$0x0], $0xffff  }
0xeb: {  	v56 =	vor.u32 v6, v48;
	v50 =	vld.idx.msk [tilespmem:v50+s2+$0x0], $0xffff  }
0xec: {  	v57 =	vor.u32 v7, v48;
	v51 =	vld.idx.msk [tilespmem:v51+s2+$0x0], $0xffff  }
0xed: {  	v58 =	vor.u32 v8, v48;
	v52 =	vld.idx.msk [tilespmem:v52+s2+$0x0], $0xffff  }
0xee: {  	v59 =	vor.u32 v9, v48;
	v53 =	vld.idx.msk [tilespmem:v53+s2+$0x0], $0xffff  }
0xef: {  	v60 =	vor.u32 v10, v48;
	v54 =	vld.idx.msk [tilespmem:v54+s2+$0x0], $0xffff  }
0xf0: {  	v61 =	vor.u32 v11, v48;
	v56 =	vld.idx.msk [tilespmem:v56+s2+$0x0], $0xffff  }
0xf1: {  	v62 =	vor.u32 v12, v48;
	v57 =	vld.idx.msk [tilespmem:v57+s2+$0x0], $0xffff  }
0xf2: {  	v63 =	vor.u32 v13, v48;
	v58 =	vld.idx.msk [tilespmem:v58+s2+$0x0], $0xffff  }
0xf3: {  	[tilespmem:$0x1FFF0] =	vst v34;
	v34 =	vor.u32 v14, v48;
	v59 =	vld.idx.msk [tilespmem:v59+s2+$0x0], $0xffff  }
0xf4: {  	v48 =	vor.u32 v15, v48;
	v60 =	vld.idx.msk [tilespmem:v60+s2+$0x0], $0xffff  }
0xf5: {  	v46 =	vmul.f32 v46, v18;
	v36 =	vmul.f32 v36, v18;
	v26 =	vadd.f32 v47, v26;
	v61 =	vld.idx.msk [tilespmem:v61+s2+$0x0], $0xffff  }
0xf6: {  	v39 =	vmul.f32 v39, v18;
	v33 =	vadd.f32 v43, v33;
	v41 =	vmul.f32 v41, v18;
	v62 =	vld.idx.msk [tilespmem:v62+s2+$0x0], $0xffff  }
0xf7: {  	v32 =	vadd.f32 v46, v32;
	v31 =	vadd.f32 v36, v31;
	v44 =	vmul.f32 v44, v18;
	v47 =	vld.idx.msk [tilespmem:v63+s2+$0x0], $0xffff  }
0xf8: {  	v30 =	vadd.f32 v39, v30;
	v43 =	vmul.f32 v45, v18;
	v34 =	vld.idx.msk [tilespmem:v34+s2+$0x0], $0xffff;
	v63 =	vmul.f32 v50, v55  }
0xf9: {  	v28 =	vadd.f32 v41, v28;
	v42 =	vmul.f32 v42, v18;
	v48 =	vld.idx.msk [tilespmem:v48+s2+$0x0], $0xffff;
	_ =	swait.ge [sflag:s9], $0x100;
	v51 =	vmul.f32 v51, v55  }
0xfa: {  	v40 =	vmul.f32 v40, v18;
	v52 =	vmul.f32 v52, v55;
	[sflag:s9] =	ssyncset.done $0x0;
	v29 =	vadd.f32 v63, v29  }
0xfb: {  	v37 =	vmul.f32 v37, v18;
	v53 =	vmul.f32 v53, v55;
	[sflag:s9] =	ssyncadd.s32 $0xFFFFFF00;
	v26 =	vadd.f32 v51, v26  }
0xfc: {  	v35 =	vmul.f32 v35, v18;
	v54 =	vmul.f32 v54, v55;
	v33 =	vadd.f32 v52, v33;
	[tilespmem:$0x10100] =	vst v29  }
0xfd: {  	v25 =	vadd.f32 v43, v25;
	v32 =	vadd.f32 v53, v32;
	v29 =	vmul.f32 v56, v55;
	[tilespmem:$0x10110] =	vst v26  }
0xfe: {  	v31 =	vadd.f32 v54, v31;
	v26 =	vadd.f32 v44, v27;
	v27 =	vmul.f32 v57, v55;
	[tilespmem:$0x10120] =	vst v33  }
0xff: {  	v24 =	vadd.f32 v42, v24;
	v58 =	vmul.f32 v58, v55;
	v57 =	vld [tilespmem:$0x1FFF0];
	[tilespmem:$0x10130] =	vst v32;
	v29 =	vadd.f32 v29, v30  }
0x100: {  	v23 =	vadd.f32 v40, v23;
	[tilespmem:$0x10140] =	vst v31;
	v30 =	vmul.f32 v59, v55;
	v27 =	vadd.f32 v27, v28  }
0x101: {  	v50 =	vmul.f32 v38, v18;
	v28 =	vmul.f32 v60, v55;
	v26 =	vadd.f32 v58, v26;
	[tilespmem:$0x10150] =	vst v29  }
0x102: {  	v21 =	vadd.f32 v37, v21;
	v29 =	vmul.f32 v61, v55;
	v25 =	vadd.f32 v30, v25;
	[tilespmem:$0x10160] =	vst v27  }
0x103: {  	v22 =	vadd.f32 v50, v22;
	v27 =	vmul.f32 v62, v55;
	v24 =	vadd.f32 v28, v24;
	[tilespmem:$0x10170] =	vst v26  }
0x104: {  	v26 =	vmul.f32 v47, v55;
	v18 =	vmul.f32 v57, v18;
	v23 =	vadd.f32 v29, v23;
	[tilespmem:$0x10180] =	vst v25  }
0x105: {  	v20 =	vadd.f32 v35, v20;
	v25 =	vmul.f32 v34, v55;
	v22 =	vadd.f32 v27, v22;
	[tilespmem:$0x10190] =	vst v24  }
0x106: {  	v21 =	vadd.f32 v26, v21;
	v18 =	vadd.f32 v18, v19;
	v19 =	vmul.f32 v48, v55;
	[tilespmem:$0x101A0] =	vst v23  }
0x107: {  	v23 =	vmul.f32 v49, v55;
	v20 =	vadd.f32 v25, v20;
	[tilespmem:$0x101B0] =	vst v22  }
0x108: {  	[tilespmem:$0x101C0] =	vst v21;
	v18 =	vadd.f32 v19, v18  }
0x109: {  	v17 =	vadd.f32 v23, v17;
	[tilespmem:$0x101D0] =	vst v20  }
0x10a: {  	s12 =	simm.s32 $0x0;
	[tilespmem:$0x101E0] =	vst v18  }
0x10b: {  	s13 =	rddreg [dreg:$0x9];
	[tilespmem:$0x101F0] =	vst v17;
	v17 =	vadd.s32 s12, v0  }
0x10c: {  	[hbm4b:s13+s12] =	stream.linear.scatter [tilespmem:s5], [sflag:$0x3], $0x100, $0x38;
	v17 =	vand.u32 $0x7F, v17;
	[tilespmem:$0x10300] =	vst v63  }
0x10d: {  	s13 =	rddreg [dreg:$0xa];
	v18 =	vor.u32 v16, v17  }
0x10e: {  	[tilespmem:s12], [sflag:$0x1] =	stream.linear.gather [hbm4b:s13+s12], $0x8000, $0x38;
	[tilespmem:$0x10300] =	vst v63  }
0x10f: {  	v19 =	vor.u32 v1, v17;
	_ =	swait.ge [sflag:s7], $0x8000  }
0x110: {  	v20 =	vor.u32 v2, v17;
	[sflag:s7] =	ssyncset.done $0x0  }
0x111: {  	v21 =	vor.u32 v3, v17;
	[sflag:s7] =	ssyncadd.s32 $0xFFFF8000  }
0x112: {  	v23 =	vor.u32 v4, v17;
	s12 =	simm.s32 $0x10000;
	v22 =	vld.idx.msk [tilespmem:v18+s1+$0x0], $0xffff  }
0x113: {  	v33 =	vimm.f32 $0.0e+00;
	v25 =	vor.u32 v6, v17;
	v18 =	vld [tilespmem:s12+$0x0]  }
0x114: {  	v32 =	vimm.f32 $0.0e+00;
	v31 =	vimm.f32 $0.0e+00;
	v27 =	vor.u32 v7, v17;
	v19 =	vld.idx.msk [tilespmem:v19+s1+$0x0], $0xffff  }
0x115: {  	v30 =	vimm.f32 $0.0e+00;
	v28 =	vimm.f32 $0.0e+00;
	v24 =	vor.u32 v5, v17;
	v20 =	vld.idx.msk [tilespmem:v20+s1+$0x0], $0xffff  }
0x116: {  	v26 =	vimm.f32 $0.0e+00;
	v62 =	vor.u32 v8, v17;
	v63 =	vor.u32 v9, v17;
	v21 =	vld.idx.msk [tilespmem:v21+s1+$0x0], $0xffff  }
0x117: {  	v42 =	vor.u32 v10, v17;
	v40 =	vor.u32 v11, v17;
	v38 =	vor.u32 v12, v17;
	v46 =	vld.idx.msk [tilespmem:v23+s1+$0x0], $0xffff  }
0x118: {  	v37 =	vor.u32 v13, v17;
	v35 =	vor.u32 v14, v17;
	v34 =	vor.u32 v15, v17;
	s13 =	simm.s32 $0x1;
	v39 =	vld.idx.msk [tilespmem:v25+s1+$0x0], $0xffff  }
0x119: {  	v48 =	vadd.s32 s13, v0;
	v41 =	vld.idx.msk [tilespmem:v27+s1+$0x0], $0xffff;
	v27 =	vimm.f32 $0.0e+00;
	v25 =	vimm.f32 $0.0e+00  }
0x11a: {  	v36 =	vld.idx.msk [tilespmem:v24+s1+$0x0], $0xffff;
	v24 =	vimm.f32 $0.0e+00;
	v22 =	vmul.f32 v22, v18;
	v19 =	vmul.f32 v19, v18  }
0x11b: {  	v23 =	vimm.f32 $0.0e+00;
	v47 =	vmul.f32 v20, v18;
	v43 =	vmul.f32 v21, v18  }
0x11c: {  	v44 =	vld.idx.msk [tilespmem:v62+s1+$0x0], $0xffff;
	v21 =	vimm.f32 $0.0e+00;
	v20 =	vimm.f32 $0.0e+00;
	v17 =	vadd.f32 v22, v26  }
0x11d: {  	s13 =	simm.s32 $0x2;
	v45 =	vld.idx.msk [tilespmem:v63+s1+$0x0], $0xffff;
	v29 =	vadd.f32 v19, v26;
	v22 =	vimm.f32 $0.0e+00;
	v19 =	vimm.f32 $0.0e+00  }
.LBB2_8:
0x11e: {  	p0 =	sne.s32 s13, $0x7F;
	v48 =	vand.u32 $0x7F, v48;
	v26 =	vadd.f32 v47, v26;
	v46 =	vmul.f32 v46, v18;
	v47 =	vld.idx.msk [tilespmem:v42+s1+$0x0], $0xffff  }
0x11f: {  	v49 =	vor.u32 v1, v48;
	v50 =	vor.u32 v2, v48;
	v51 =	vor.u32 v16, v48;
	v52 =	vld.idx.msk [tilespmem:v40+s1+$0x0], $0xffff  }
0x120: {  	v53 =	vor.u32 v3, v48;
	v54 =	vor.u32 v4, v48;
	v55 =	vor.u32 v5, v48;
	v56 =	vld.idx.msk [tilespmem:v38+s1+$0x0], $0xffff  }
0x121: {  	v57 =	vor.u32 v6, v48;
	v58 =	vor.u32 v7, v48;
	v59 =	vor.u32 v8, v48;
	v60 =	vld.idx.msk [tilespmem:v37+s1+$0x0], $0xffff  }
0x122: {  	v61 =	vor.u32 v9, v48;
	v42 =	vor.u32 v10, v48;
	v40 =	vor.u32 v11, v48;
	v62 =	vld.idx.msk [tilespmem:v35+s1+$0x0], $0xffff  }
0x123: {  	v38 =	vor.u32 v12, v48;
	v37 =	vor.u32 v13, v48;
	v35 =	vor.u32 v14, v48;
	v63 =	vld.idx.msk [tilespmem:v34+s1+$0x0], $0xffff  }
0x124: {  	v36 =	vmul.f32 v36, v18;
	s12 =	sadd.s32 $0x1, s12;
	v39 =	vmul.f32 v39, v18;
	v34 =	vor.u32 v15, v48;
	v48 =	vld.idx.msk [tilespmem:v51+s1+$0x0], $0xffff  }
0x125: {  	v33 =	vadd.f32 v43, v33;
	v41 =	vmul.f32 v41, v18;
	v43 =	vmul.f32 v44, v18;
	v51 =	vld [tilespmem:s12+$0x0]  }
0x126: {  	v32 =	vadd.f32 v46, v32;
	v45 =	vmul.f32 v45, v18;
	v47 =	vmul.f32 v47, v18;
	v44 =	vld.idx.msk [tilespmem:v49+s1+$0x0], $0xffff  }
0x127: {  	v31 =	vadd.f32 v36, v31;
	v49 =	vld.idx.msk [tilespmem:v50+s1+$0x0], $0xffff;
	v50 =	vmul.f32 v52, v18;
	v52 =	vmul.f32 v56, v18  }
0x128: {  	v30 =	vadd.f32 v39, v30;
	v56 =	vmul.f32 v60, v18;
	v60 =	vmul.f32 v62, v18;
	v53 =	vld.idx.msk [tilespmem:v53+s1+$0x0], $0xffff  }
0x129: {  	v28 =	vadd.f32 v41, v28;
	v27 =	vadd.f32 v43, v27;
	v43 =	vmul.f32 v63, v18;
	v46 =	vld.idx.msk [tilespmem:v54+s1+$0x0], $0xffff  }
.Ltmp3:
0x12a: {  	v25 =	vadd.f32 v45, v25;
	v24 =	vadd.f32 v47, v24;
	v36 =	vld.idx.msk [tilespmem:v55+s1+$0x0], $0xffff;
	v48 =	vmul.f32 v48, v51;
	(pc) =	sbr.rel @p0 .LBB2_8-.Ltmp3, $4  }
0x12b: {  	v23 =	vadd.f32 v50, v23;
	v22 =	vadd.f32 v52, v22;
	v18 =	vmov v51;
	v39 =	vld.idx.msk [tilespmem:v57+s1+$0x0], $0xffff  }
0x12c: {  	v21 =	vadd.f32 v56, v21;
	v45 =	vmul.f32 v44, v18;
	v41 =	vld.idx.msk [tilespmem:v58+s1+$0x0], $0xffff;
	v17 =	vadd.f32 v48, v17  }
0x12d: {  	v20 =	vadd.f32 v60, v20;
	v19 =	vadd.f32 v43, v19;
	v47 =	vmul.f32 v49, v18;
	v44 =	vld.idx.msk [tilespmem:v59+s1+$0x0], $0xffff  }
0x12e: {  	v48 =	vadd.s32 s13, v0;
	s13 =	sadd.s32 $0x1, s13;
	v29 =	vadd.f32 v45, v29;
	v43 =	vmul.f32 v53, v18;
	v45 =	vld.idx.msk [tilespmem:v61+s1+$0x0], $0xffff  }
0x12f: {  	_ =	sdelay $0x3  }
0x130: {  	v42 =	vld.idx.msk [tilespmem:v42+s1+$0x0], $0xffff  }
0x131: {  	v48 =	vand.u32 $0x7F, v48;
	v40 =	vld.idx.msk [tilespmem:v40+s1+$0x0], $0xffff  }
0x132: {  	v38 =	vld.idx.msk [tilespmem:v38+s1+$0x0], $0xffff;
	v49 =	vor.u32 v16, v48  }
0x133: {  	v37 =	vld.idx.msk [tilespmem:v37+s1+$0x0], $0xffff;
	v50 =	vor.u32 v1, v48  }
0x134: {  	v35 =	vld.idx.msk [tilespmem:v35+s1+$0x0], $0xffff;
	v51 =	vor.u32 v2, v48  }
0x135: {  	v34 =	vld.idx.msk [tilespmem:v34+s1+$0x0], $0xffff;
	s12 =	sadd.s32 $0x1, s12;
	v52 =	vor.u32 v3, v48  }
0x136: {  	v53 =	vor.u32 v4, v48;
	v55 =	vld [tilespmem:s12+$0x0]  }
0x137: {  	v54 =	vor.u32 v5, v48;
	v49 =	vld.idx.msk [tilespmem:v49+s1+$0x0], $0xffff  }
0x138: {  	v56 =	vor.u32 v6, v48;
	v50 =	vld.idx.msk [tilespmem:v50+s1+$0x0], $0xffff  }
0x139: {  	v57 =	vor.u32 v7, v48;
	v51 =	vld.idx.msk [tilespmem:v51+s1+$0x0], $0xffff  }
0x13a: {  	v58 =	vor.u32 v8, v48;
	v52 =	vld.idx.msk [tilespmem:v52+s1+$0x0], $0xffff  }
0x13b: {  	v59 =	vor.u32 v9, v48;
	v53 =	vld.idx.msk [tilespmem:v53+s1+$0x0], $0xffff  }
0x13c: {  	v60 =	vor.u32 v10, v48;
	v54 =	vld.idx.msk [tilespmem:v54+s1+$0x0], $0xffff  }
0x13d: {  	v61 =	vor.u32 v11, v48;
	v56 =	vld.idx.msk [tilespmem:v56+s1+$0x0], $0xffff  }
0x13e: {  	v62 =	vor.u32 v12, v48;
	v57 =	vld.idx.msk [tilespmem:v57+s1+$0x0], $0xffff  }
0x13f: {  	v63 =	vor.u32 v13, v48;
	v58 =	vld.idx.msk [tilespmem:v58+s1+$0x0], $0xffff  }
0x140: {  	[tilespmem:$0x1FFE0] =	vst v34;
	v34 =	vor.u32 v14, v48;
	v59 =	vld.idx.msk [tilespmem:v59+s1+$0x0], $0xffff  }
0x141: {  	v48 =	vor.u32 v15, v48;
	v60 =	vld.idx.msk [tilespmem:v60+s1+$0x0], $0xffff  }
0x142: {  	v46 =	vmul.f32 v46, v18;
	v36 =	vmul.f32 v36, v18;
	v26 =	vadd.f32 v47, v26;
	v61 =	vld.idx.msk [tilespmem:v61+s1+$0x0], $0xffff  }
0x143: {  	v39 =	vmul.f32 v39, v18;
	v33 =	vadd.f32 v43, v33;
	v41 =	vmul.f32 v41, v18;
	v62 =	vld.idx.msk [tilespmem:v62+s1+$0x0], $0xffff  }
0x144: {  	v32 =	vadd.f32 v46, v32;
	v31 =	vadd.f32 v36, v31;
	v44 =	vmul.f32 v44, v18;
	v47 =	vld.idx.msk [tilespmem:v63+s1+$0x0], $0xffff  }
0x145: {  	v30 =	vadd.f32 v39, v30;
	v43 =	vmul.f32 v45, v18;
	v34 =	vld.idx.msk [tilespmem:v34+s1+$0x0], $0xffff;
	v63 =	vmul.f32 v50, v55  }
0x146: {  	v28 =	vadd.f32 v41, v28;
	v42 =	vmul.f32 v42, v18;
	v48 =	vld.idx.msk [tilespmem:v48+s1+$0x0], $0xffff;
	_ =	swait.ge [sflag:s10], $0x100;
	v51 =	vmul.f32 v51, v55  }
0x147: {  	v40 =	vmul.f32 v40, v18;
	v52 =	vmul.f32 v52, v55;
	[sflag:s10] =	ssyncset.done $0x0;
	v29 =	vadd.f32 v63, v29  }
0x148: {  	v37 =	vmul.f32 v37, v18;
	v53 =	vmul.f32 v53, v55;
	[sflag:s10] =	ssyncadd.s32 $0xFFFFFF00;
	v26 =	vadd.f32 v51, v26  }
0x149: {  	v35 =	vmul.f32 v35, v18;
	v54 =	vmul.f32 v54, v55;
	v33 =	vadd.f32 v52, v33;
	[tilespmem:$0x10200] =	vst v29  }
0x14a: {  	v25 =	vadd.f32 v43, v25;
	v32 =	vadd.f32 v53, v32;
	v29 =	vmul.f32 v56, v55;
	[tilespmem:$0x10210] =	vst v26  }
0x14b: {  	v31 =	vadd.f32 v54, v31;
	v26 =	vadd.f32 v44, v27;
	v27 =	vmul.f32 v57, v55;
	[tilespmem:$0x10220] =	vst v33  }
0x14c: {  	v24 =	vadd.f32 v42, v24;
	v58 =	vmul.f32 v58, v55;
	v57 =	vld [tilespmem:$0x1FFE0];
	[tilespmem:$0x10230] =	vst v32;
	v29 =	vadd.f32 v29, v30  }
0x14d: {  	v23 =	vadd.f32 v40, v23;
	[tilespmem:$0x10240] =	vst v31;
	v30 =	vmul.f32 v59, v55;
	v27 =	vadd.f32 v27, v28  }
0x14e: {  	v50 =	vmul.f32 v38, v18;
	v28 =	vmul.f32 v60, v55;
	v26 =	vadd.f32 v58, v26;
	[tilespmem:$0x10250] =	vst v29  }
0x14f: {  	v21 =	vadd.f32 v37, v21;
	v29 =	vmul.f32 v61, v55;
	v25 =	vadd.f32 v30, v25;
	[tilespmem:$0x10260] =	vst v27  }
0x150: {  	v22 =	vadd.f32 v50, v22;
	v27 =	vmul.f32 v62, v55;
	v24 =	vadd.f32 v28, v24;
	[tilespmem:$0x10270] =	vst v26  }
0x151: {  	v26 =	vmul.f32 v47, v55;
	v18 =	vmul.f32 v57, v18;
	v23 =	vadd.f32 v29, v23;
	[tilespmem:$0x10280] =	vst v25  }
0x152: {  	v20 =	vadd.f32 v35, v20;
	v25 =	vmul.f32 v34, v55;
	v22 =	vadd.f32 v27, v22;
	[tilespmem:$0x10290] =	vst v24  }
0x153: {  	v21 =	vadd.f32 v26, v21;
	v18 =	vadd.f32 v18, v19;
	v19 =	vmul.f32 v48, v55;
	[tilespmem:$0x102A0] =	vst v23  }
0x154: {  	v23 =	vmul.f32 v49, v55;
	v20 =	vadd.f32 v25, v20;
	[tilespmem:$0x102B0] =	vst v22  }
0x155: {  	[tilespmem:$0x102C0] =	vst v21;
	v18 =	vadd.f32 v19, v18  }
0x156: {  	v17 =	vadd.f32 v23, v17;
	[tilespmem:$0x102D0] =	vst v20  }
0x157: {  	s12 =	simm.s32 $0x0;
	[tilespmem:$0x102E0] =	vst v18  }
0x158: {  	s13 =	rddreg [dreg:$0xb];
	[tilespmem:$0x102F0] =	vst v17;
	v17 =	vadd.s32 s12, v0  }
0x159: {  	[hbm4b:s13+s12] =	stream.linear.scatter [tilespmem:s8], [sflag:$0x4], $0x100, $0x38;
	v17 =	vand.u32 $0x7F, v17;
	[tilespmem:$0x10300] =	vst v63  }
0x15a: {  	s13 =	rddreg [dreg:$0xc];
	v18 =	vor.u32 v16, v17  }
0x15b: {  	[tilespmem:s1], [sflag:$0x2] =	stream.linear.gather [hbm4b:s13+s12], $0x8000, $0x38;
	[tilespmem:$0x10300] =	vst v63  }
0x15c: {  	v19 =	vor.u32 v1, v17;
	_ =	swait.ge [sflag:s4], $0x8000  }
0x15d: {  	v20 =	vor.u32 v2, v17;
	[sflag:s4] =	ssyncset.done $0x0  }
0x15e: {  	v21 =	vor.u32 v3, v17;
	[sflag:s4] =	ssyncadd.s32 $0xFFFF8000  }
0x15f: {  	v23 =	vor.u32 v4, v17;
	s12 =	simm.s32 $0x10000;
	v22 =	vld.idx.msk [tilespmem:v18+s2+$0x0], $0xffff  }
0x160: {  	v33 =	vimm.f32 $0.0e+00;
	v25 =	vor.u32 v6, v17;
	v18 =	vld [tilespmem:s12+$0x0]  }
0x161: {  	v32 =	vimm.f32 $0.0e+00;
	v31 =	vimm.f32 $0.0e+00;
	v27 =	vor.u32 v7, v17;
	v19 =	vld.idx.msk [tilespmem:v19+s2+$0x0], $0xffff  }
0x162: {  	v30 =	vimm.f32 $0.0e+00;
	v28 =	vimm.f32 $0.0e+00;
	v24 =	vor.u32 v5, v17;
	v20 =	vld.idx.msk [tilespmem:v20+s2+$0x0], $0xffff  }
0x163: {  	v26 =	vimm.f32 $0.0e+00;
	v62 =	vor.u32 v8, v17;
	v63 =	vor.u32 v9, v17;
	v21 =	vld.idx.msk [tilespmem:v21+s2+$0x0], $0xffff  }
0x164: {  	v42 =	vor.u32 v10, v17;
	v40 =	vor.u32 v11, v17;
	v38 =	vor.u32 v12, v17;
	v46 =	vld.idx.msk [tilespmem:v23+s2+$0x0], $0xffff  }
0x165: {  	v37 =	vor.u32 v13, v17;
	v35 =	vor.u32 v14, v17;
	v34 =	vor.u32 v15, v17;
	s13 =	simm.s32 $0x1;
	v39 =	vld.idx.msk [tilespmem:v25+s2+$0x0], $0xffff  }
0x166: {  	v48 =	vadd.s32 s13, v0;
	v41 =	vld.idx.msk [tilespmem:v27+s2+$0x0], $0xffff;
	v27 =	vimm.f32 $0.0e+00;
	v25 =	vimm.f32 $0.0e+00  }
0x167: {  	v36 =	vld.idx.msk [tilespmem:v24+s2+$0x0], $0xffff;
	v24 =	vimm.f32 $0.0e+00;
	v22 =	vmul.f32 v22, v18;
	v19 =	vmul.f32 v19, v18  }
0x168: {  	v23 =	vimm.f32 $0.0e+00;
	v47 =	vmul.f32 v20, v18;
	v43 =	vmul.f32 v21, v18  }
0x169: {  	v44 =	vld.idx.msk [tilespmem:v62+s2+$0x0], $0xffff;
	v21 =	vimm.f32 $0.0e+00;
	v20 =	vimm.f32 $0.0e+00;
	v17 =	vadd.f32 v22, v26  }
0x16a: {  	s13 =	simm.s32 $0x2;
	v45 =	vld.idx.msk [tilespmem:v63+s2+$0x0], $0xffff;
	v29 =	vadd.f32 v19, v26;
	v22 =	vimm.f32 $0.0e+00;
	v19 =	vimm.f32 $0.0e+00  }
.LBB2_10:
0x16b: {  	p0 =	sne.s32 s13, $0x7F;
	v48 =	vand.u32 $0x7F, v48;
	v26 =	vadd.f32 v47, v26;
	v46 =	vmul.f32 v46, v18;
	v47 =	vld.idx.msk [tilespmem:v42+s2+$0x0], $0xffff  }
0x16c: {  	v49 =	vor.u32 v1, v48;
	v50 =	vor.u32 v2, v48;
	v51 =	vor.u32 v16, v48;
	v52 =	vld.idx.msk [tilespmem:v40+s2+$0x0], $0xffff  }
0x16d: {  	v53 =	vor.u32 v3, v48;
	v54 =	vor.u32 v4, v48;
	v55 =	vor.u32 v5, v48;
	v56 =	vld.idx.msk [tilespmem:v38+s2+$0x0], $0xffff  }
0x16e: {  	v57 =	vor.u32 v6, v48;
	v58 =	vor.u32 v7, v48;
	v59 =	vor.u32 v8, v48;
	v60 =	vld.idx.msk [tilespmem:v37+s2+$0x0], $0xffff  }
0x16f: {  	v61 =	vor.u32 v9, v48;
	v42 =	vor.u32 v10, v48;
	v40 =	vor.u32 v11, v48;
	v62 =	vld.idx.msk [tilespmem:v35+s2+$0x0], $0xffff  }
0x170: {  	v38 =	vor.u32 v12, v48;
	v37 =	vor.u32 v13, v48;
	v35 =	vor.u32 v14, v48;
	v63 =	vld.idx.msk [tilespmem:v34+s2+$0x0], $0xffff  }
0x171: {  	v36 =	vmul.f32 v36, v18;
	s12 =	sadd.s32 $0x1, s12;
	v39 =	vmul.f32 v39, v18;
	v34 =	vor.u32 v15, v48;
	v48 =	vld.idx.msk [tilespmem:v51+s2+$0x0], $0xffff  }
0x172: {  	v33 =	vadd.f32 v43, v33;
	v41 =	vmul.f32 v41, v18;
	v43 =	vmul.f32 v44, v18;
	v51 =	vld [tilespmem:s12+$0x0]  }
0x173: {  	v32 =	vadd.f32 v46, v32;
	v45 =	vmul.f32 v45, v18;
	v47 =	vmul.f32 v47, v18;
	v44 =	vld.idx.msk [tilespmem:v49+s2+$0x0], $0xffff  }
0x174: {  	v31 =	vadd.f32 v36, v31;
	v49 =	vld.idx.msk [tilespmem:v50+s2+$0x0], $0xffff;
	v50 =	vmul.f32 v52, v18;
	v52 =	vmul.f32 v56, v18  }
0x175: {  	v30 =	vadd.f32 v39, v30;
	v56 =	vmul.f32 v60, v18;
	v60 =	vmul.f32 v62, v18;
	v53 =	vld.idx.msk [tilespmem:v53+s2+$0x0], $0xffff  }
0x176: {  	v28 =	vadd.f32 v41, v28;
	v27 =	vadd.f32 v43, v27;
	v43 =	vmul.f32 v63, v18;
	v46 =	vld.idx.msk [tilespmem:v54+s2+$0x0], $0xffff  }
.Ltmp4:
0x177: {  	v25 =	vadd.f32 v45, v25;
	v24 =	vadd.f32 v47, v24;
	v36 =	vld.idx.msk [tilespmem:v55+s2+$0x0], $0xffff;
	v48 =	vmul.f32 v48, v51;
	(pc) =	sbr.rel @p0 .LBB2_10-.Ltmp4, $4  }
0x178: {  	v23 =	vadd.f32 v50, v23;
	v22 =	vadd.f32 v52, v22;
	v18 =	vmov v51;
	v39 =	vld.idx.msk [tilespmem:v57+s2+$0x0], $0xffff  }
0x179: {  	v21 =	vadd.f32 v56, v21;
	v45 =	vmul.f32 v44, v18;
	v41 =	vld.idx.msk [tilespmem:v58+s2+$0x0], $0xffff;
	v17 =	vadd.f32 v48, v17  }
0x17a: {  	v20 =	vadd.f32 v60, v20;
	v19 =	vadd.f32 v43, v19;
	v47 =	vmul.f32 v49, v18;
	v44 =	vld.idx.msk [tilespmem:v59+s2+$0x0], $0xffff  }
0x17b: {  	v48 =	vadd.s32 s13, v0;
	s13 =	sadd.s32 $0x1, s13;
	v29 =	vadd.f32 v45, v29;
	v43 =	vmul.f32 v53, v18;
	v45 =	vld.idx.msk [tilespmem:v61+s2+$0x0], $0xffff  }
0x17c: {  	_ =	sdelay $0x3  }
0x17d: {  	v42 =	vld.idx.msk [tilespmem:v42+s2+$0x0], $0xffff  }
0x17e: {  	v48 =	vand.u32 $0x7F, v48;
	v40 =	vld.idx.msk [tilespmem:v40+s2+$0x0], $0xffff  }
0x17f: {  	v38 =	vld.idx.msk [tilespmem:v38+s2+$0x0], $0xffff;
	v49 =	vor.u32 v16, v48  }
0x180: {  	v37 =	vld.idx.msk [tilespmem:v37+s2+$0x0], $0xffff;
	v50 =	vor.u32 v1, v48  }
0x181: {  	v35 =	vld.idx.msk [tilespmem:v35+s2+$0x0], $0xffff;
	v51 =	vor.u32 v2, v48  }
0x182: {  	v34 =	vld.idx.msk [tilespmem:v34+s2+$0x0], $0xffff;
	s12 =	sadd.s32 $0x1, s12;
	v52 =	vor.u32 v3, v48  }
0x183: {  	v53 =	vor.u32 v4, v48;
	v55 =	vld [tilespmem:s12+$0x0]  }
0x184: {  	v54 =	vor.u32 v5, v48;
	v49 =	vld.idx.msk [tilespmem:v49+s2+$0x0], $0xffff  }
0x185: {  	v56 =	vor.u32 v6, v48;
	v50 =	vld.idx.msk [tilespmem:v50+s2+$0x0], $0xffff  }
0x186: {  	v57 =	vor.u32 v7, v48;
	v51 =	vld.idx.msk [tilespmem:v51+s2+$0x0], $0xffff  }
0x187: {  	v58 =	vor.u32 v8, v48;
	v52 =	vld.idx.msk [tilespmem:v52+s2+$0x0], $0xffff  }
0x188: {  	v59 =	vor.u32 v9, v48;
	v53 =	vld.idx.msk [tilespmem:v53+s2+$0x0], $0xffff  }
0x189: {  	v60 =	vor.u32 v10, v48;
	v54 =	vld.idx.msk [tilespmem:v54+s2+$0x0], $0xffff  }
0x18a: {  	v61 =	vor.u32 v11, v48;
	v56 =	vld.idx.msk [tilespmem:v56+s2+$0x0], $0xffff  }
0x18b: {  	v62 =	vor.u32 v12, v48;
	v57 =	vld.idx.msk [tilespmem:v57+s2+$0x0], $0xffff  }
0x18c: {  	v63 =	vor.u32 v13, v48;
	v58 =	vld.idx.msk [tilespmem:v58+s2+$0x0], $0xffff  }
0x18d: {  	[tilespmem:$0x1FFD0] =	vst v34;
	v34 =	vor.u32 v14, v48;
	v59 =	vld.idx.msk [tilespmem:v59+s2+$0x0], $0xffff  }
0x18e: {  	v48 =	vor.u32 v15, v48;
	v60 =	vld.idx.msk [tilespmem:v60+s2+$0x0], $0xffff  }
0x18f: {  	v46 =	vmul.f32 v46, v18;
	v36 =	vmul.f32 v36, v18;
	v26 =	vadd.f32 v47, v26;
	v61 =	vld.idx.msk [tilespmem:v61+s2+$0x0], $0xffff  }
0x190: {  	v39 =	vmul.f32 v39, v18;
	v33 =	vadd.f32 v43, v33;
	v41 =	vmul.f32 v41, v18;
	v62 =	vld.idx.msk [tilespmem:v62+s2+$0x0], $0xffff  }
0x191: {  	v32 =	vadd.f32 v46, v32;
	v31 =	vadd.f32 v36, v31;
	v44 =	vmul.f32 v44, v18;
	v47 =	vld.idx.msk [tilespmem:v63+s2+$0x0], $0xffff  }
0x192: {  	v30 =	vadd.f32 v39, v30;
	v43 =	vmul.f32 v45, v18;
	v34 =	vld.idx.msk [tilespmem:v34+s2+$0x0], $0xffff;
	v63 =	vmul.f32 v50, v55  }
0x193: {  	v28 =	vadd.f32 v41, v28;
	v42 =	vmul.f32 v42, v18;
	v48 =	vld.idx.msk [tilespmem:v48+s2+$0x0], $0xffff;
	_ =	swait.ge [sflag:s9], $0x100;
	v51 =	vmul.f32 v51, v55  }
0x194: {  	v40 =	vmul.f32 v40, v18;
	v52 =	vmul.f32 v52, v55;
	[sflag:s9] =	ssyncset.done $0x0;
	v29 =	vadd.f32 v63, v29  }
0x195: {  	v37 =	vmul.f32 v37, v18;
	v53 =	vmul.f32 v53, v55;
	[sflag:s9] =	ssyncadd.s32 $0xFFFFFF00;
	v26 =	vadd.f32 v51, v26  }
0x196: {  	v35 =	vmul.f32 v35, v18;
	v54 =	vmul.f32 v54, v55;
	v33 =	vadd.f32 v52, v33;
	[tilespmem:$0x10100] =	vst v29  }
0x197: {  	v25 =	vadd.f32 v43, v25;
	v32 =	vadd.f32 v53, v32;
	v29 =	vmul.f32 v56, v55;
	[tilespmem:$0x10110] =	vst v26  }
0x198: {  	v31 =	vadd.f32 v54, v31;
	v26 =	vadd.f32 v44, v27;
	v27 =	vmul.f32 v57, v55;
	[tilespmem:$0x10120] =	vst v33  }
0x199: {  	v24 =	vadd.f32 v42, v24;
	v58 =	vmul.f32 v58, v55;
	v57 =	vld [tilespmem:$0x1FFD0];
	[tilespmem:$0x10130] =	vst v32;
	v29 =	vadd.f32 v29, v30  }
0x19a: {  	v23 =	vadd.f32 v40, v23;
	[tilespmem:$0x10140] =	vst v31;
	v30 =	vmul.f32 v59, v55;
	v27 =	vadd.f32 v27, v28  }
0x19b: {  	v50 =	vmul.f32 v38, v18;
	v28 =	vmul.f32 v60, v55;
	v26 =	vadd.f32 v58, v26;
	[tilespmem:$0x10150] =	vst v29  }
0x19c: {  	v21 =	vadd.f32 v37, v21;
	v29 =	vmul.f32 v61, v55;
	v25 =	vadd.f32 v30, v25;
	[tilespmem:$0x10160] =	vst v27  }
0x19d: {  	v22 =	vadd.f32 v50, v22;
	v27 =	vmul.f32 v62, v55;
	v24 =	vadd.f32 v28, v24;
	[tilespmem:$0x10170] =	vst v26  }
0x19e: {  	v26 =	vmul.f32 v47, v55;
	v18 =	vmul.f32 v57, v18;
	v23 =	vadd.f32 v29, v23;
	[tilespmem:$0x10180] =	vst v25  }
0x19f: {  	v20 =	vadd.f32 v35, v20;
	v25 =	vmul.f32 v34, v55;
	v22 =	vadd.f32 v27, v22;
	[tilespmem:$0x10190] =	vst v24  }
0x1a0: {  	v21 =	vadd.f32 v26, v21;
	v18 =	vadd.f32 v18, v19;
	v19 =	vmul.f32 v48, v55;
	[tilespmem:$0x101A0] =	vst v23  }
0x1a1: {  	v23 =	vmul.f32 v49, v55;
	v20 =	vadd.f32 v25, v20;
	[tilespmem:$0x101B0] =	vst v22  }
0x1a2: {  	[tilespmem:$0x101C0] =	vst v21;
	v18 =	vadd.f32 v19, v18  }
0x1a3: {  	v17 =	vadd.f32 v23, v17;
	[tilespmem:$0x101D0] =	vst v20  }
0x1a4: {  	s13 =	simm.s32 $0x0;
	[tilespmem:$0x101E0] =	vst v18  }
0x1a5: {  	[tilespmem:$0x101F0] =	vst v17;
	v17 =	vadd.s32 s13, v0  }
0x1a6: {  	[hbm4b:s14+s13] =	stream.linear.scatter [tilespmem:s5], [sflag:$0x3], $0x100, $0x38;
	v17 =	vand.u32 $0x7F, v17;
	[tilespmem:$0x10300] =	vst v63  }
0x1a7: {  	v18 =	vor.u32 v16, v17  }
0x1a8: {  	[tilespmem:s13], [sflag:$0x1] =	stream.linear.gather [hbm4b:s18+s13], $0x8000, $0x38;
	[tilespmem:$0x10300] =	vst v63  }
0x1a9: {  	v19 =	vor.u32 v1, v17;
	_ =	swait.ge [sflag:s7], $0x8000  }
0x1aa: {  	v20 =	vor.u32 v2, v17;
	[sflag:s7] =	ssyncset.done $0x0  }
0x1ab: {  	v21 =	vor.u32 v3, v17;
	[sflag:s7] =	ssyncadd.s32 $0xFFFF8000  }
0x1ac: {  	s12 =	simm.s32 $0x10000;
	v23 =	vor.u32 v4, v17;
	v22 =	vld.idx.msk [tilespmem:v18+s1+$0x0], $0xffff  }
0x1ad: {  	v33 =	vimm.f32 $0.0e+00;
	v25 =	vor.u32 v6, v17;
	v18 =	vld [tilespmem:s12+$0x0]  }
0x1ae: {  	v32 =	vimm.f32 $0.0e+00;
	v31 =	vimm.f32 $0.0e+00;
	v27 =	vor.u32 v7, v17;
	v19 =	vld.idx.msk [tilespmem:v19+s1+$0x0], $0xffff  }
0x1af: {  	v30 =	vimm.f32 $0.0e+00;
	v28 =	vimm.f32 $0.0e+00;
	v24 =	vor.u32 v5, v17;
	v20 =	vld.idx.msk [tilespmem:v20+s1+$0x0], $0xffff  }
0x1b0: {  	v26 =	vimm.f32 $0.0e+00;
	v62 =	vor.u32 v8, v17;
	v63 =	vor.u32 v9, v17;
	v21 =	vld.idx.msk [tilespmem:v21+s1+$0x0], $0xffff  }
0x1b1: {  	v42 =	vor.u32 v10, v17;
	v40 =	vor.u32 v11, v17;
	v38 =	vor.u32 v12, v17;
	v46 =	vld.idx.msk [tilespmem:v23+s1+$0x0], $0xffff  }
0x1b2: {  	v37 =	vor.u32 v13, v17;
	v35 =	vor.u32 v14, v17;
	v34 =	vor.u32 v15, v17;
	s13 =	simm.s32 $0x1;
	v39 =	vld.idx.msk [tilespmem:v25+s1+$0x0], $0xffff  }
0x1b3: {  	v48 =	vadd.s32 s13, v0;
	v41 =	vld.idx.msk [tilespmem:v27+s1+$0x0], $0xffff;
	v27 =	vimm.f32 $0.0e+00;
	v25 =	vimm.f32 $0.0e+00  }
0x1b4: {  	v36 =	vld.idx.msk [tilespmem:v24+s1+$0x0], $0xffff;
	v24 =	vimm.f32 $0.0e+00;
	v22 =	vmul.f32 v22, v18;
	v19 =	vmul.f32 v19, v18  }
0x1b5: {  	v23 =	vimm.f32 $0.0e+00;
	v47 =	vmul.f32 v20, v18;
	v43 =	vmul.f32 v21, v18  }
0x1b6: {  	v44 =	vld.idx.msk [tilespmem:v62+s1+$0x0], $0xffff;
	v21 =	vimm.f32 $0.0e+00;
	v20 =	vimm.f32 $0.0e+00;
	v17 =	vadd.f32 v22, v26  }
0x1b7: {  	s13 =	simm.s32 $0x2;
	v45 =	vld.idx.msk [tilespmem:v63+s1+$0x0], $0xffff;
	v29 =	vadd.f32 v19, v26;
	v22 =	vimm.f32 $0.0e+00;
	v19 =	vimm.f32 $0.0e+00  }
.LBB2_12:
0x1b8: {  	p0 =	sne.s32 s13, $0x7F;
	v48 =	vand.u32 $0x7F, v48;
	v26 =	vadd.f32 v47, v26;
	v46 =	vmul.f32 v46, v18;
	v47 =	vld.idx.msk [tilespmem:v42+s1+$0x0], $0xffff  }
0x1b9: {  	v49 =	vor.u32 v1, v48;
	v50 =	vor.u32 v2, v48;
	v51 =	vor.u32 v16, v48;
	v52 =	vld.idx.msk [tilespmem:v40+s1+$0x0], $0xffff  }
0x1ba: {  	v53 =	vor.u32 v3, v48;
	v54 =	vor.u32 v4, v48;
	v55 =	vor.u32 v5, v48;
	v56 =	vld.idx.msk [tilespmem:v38+s1+$0x0], $0xffff  }
0x1bb: {  	v57 =	vor.u32 v6, v48;
	v58 =	vor.u32 v7, v48;
	v59 =	vor.u32 v8, v48;
	v60 =	vld.idx.msk [tilespmem:v37+s1+$0x0], $0xffff  }
0x1bc: {  	v61 =	vor.u32 v9, v48;
	v42 =	vor.u32 v10, v48;
	v40 =	vor.u32 v11, v48;
	v62 =	vld.idx.msk [tilespmem:v35+s1+$0x0], $0xffff  }
0x1bd: {  	v38 =	vor.u32 v12, v48;
	v37 =	vor.u32 v13, v48;
	v35 =	vor.u32 v14, v48;
	v63 =	vld.idx.msk [tilespmem:v34+s1+$0x0], $0xffff  }
0x1be: {  	v36 =	vmul.f32 v36, v18;
	s12 =	sadd.s32 $0x1, s12;
	v39 =	vmul.f32 v39, v18;
	v34 =	vor.u32 v15, v48;
	v48 =	vld.idx.msk [tilespmem:v51+s1+$0x0], $0xffff  }
0x1bf: {  	v33 =	vadd.f32 v43, v33;
	v41 =	vmul.f32 v41, v18;
	v43 =	vmul.f32 v44, v18;
	v51 =	vld [tilespmem:s12+$0x0]  }
0x1c0: {  	v32 =	vadd.f32 v46, v32;
	v45 =	vmul.f32 v45, v18;
	v47 =	vmul.f32 v47, v18;
	v44 =	vld.idx.msk [tilespmem:v49+s1+$0x0], $0xffff  }
0x1c1: {  	v31 =	vadd.f32 v36, v31;
	v49 =	vld.idx.msk [tilespmem:v50+s1+$0x0], $0xffff;
	v50 =	vmul.f32 v52, v18;
	v52 =	vmul.f32 v56, v18  }
0x1c2: {  	v30 =	vadd.f32 v39, v30;
	v56 =	vmul.f32 v60, v18;
	v60 =	vmul.f32 v62, v18;
	v53 =	vld.idx.msk [tilespmem:v53+s1+$0x0], $0xffff  }
0x1c3: {  	v28 =	vadd.f32 v41, v28;
	v27 =	vadd.f32 v43, v27;
	v43 =	vmul.f32 v63, v18;
	v46 =	vld.idx.msk [tilespmem:v54+s1+$0x0], $0xffff  }
.Ltmp5:
0x1c4: {  	v25 =	vadd.f32 v45, v25;
	v24 =	vadd.f32 v47, v24;
	v36 =	vld.idx.msk [tilespmem:v55+s1+$0x0], $0xffff;
	v48 =	vmul.f32 v48, v51;
	(pc) =	sbr.rel @p0 .LBB2_12-.Ltmp5, $4  }
0x1c5: {  	v23 =	vadd.f32 v50, v23;
	v22 =	vadd.f32 v52, v22;
	v18 =	vmov v51;
	v39 =	vld.idx.msk [tilespmem:v57+s1+$0x0], $0xffff  }
0x1c6: {  	v21 =	vadd.f32 v56, v21;
	v45 =	vmul.f32 v44, v18;
	v41 =	vld.idx.msk [tilespmem:v58+s1+$0x0], $0xffff;
	v17 =	vadd.f32 v48, v17  }
0x1c7: {  	v20 =	vadd.f32 v60, v20;
	v19 =	vadd.f32 v43, v19;
	v47 =	vmul.f32 v49, v18;
	v44 =	vld.idx.msk [tilespmem:v59+s1+$0x0], $0xffff  }
0x1c8: {  	v48 =	vadd.s32 s13, v0;
	s13 =	sadd.s32 $0x1, s13;
	v29 =	vadd.f32 v45, v29;
	v43 =	vmul.f32 v53, v18;
	v45 =	vld.idx.msk [tilespmem:v61+s1+$0x0], $0xffff  }
0x1c9: {  	_ =	sdelay $0x3  }
0x1ca: {  	v42 =	vld.idx.msk [tilespmem:v42+s1+$0x0], $0xffff  }
0x1cb: {  	v48 =	vand.u32 $0x7F, v48;
	v40 =	vld.idx.msk [tilespmem:v40+s1+$0x0], $0xffff  }
0x1cc: {  	v38 =	vld.idx.msk [tilespmem:v38+s1+$0x0], $0xffff;
	v49 =	vor.u32 v16, v48  }
0x1cd: {  	v37 =	vld.idx.msk [tilespmem:v37+s1+$0x0], $0xffff;
	v50 =	vor.u32 v1, v48  }
0x1ce: {  	v35 =	vld.idx.msk [tilespmem:v35+s1+$0x0], $0xffff;
	v51 =	vor.u32 v2, v48  }
0x1cf: {  	v34 =	vld.idx.msk [tilespmem:v34+s1+$0x0], $0xffff;
	s12 =	sadd.s32 $0x1, s12;
	v52 =	vor.u32 v3, v48  }
0x1d0: {  	v53 =	vor.u32 v4, v48;
	v55 =	vld [tilespmem:s12+$0x0]  }
0x1d1: {  	v54 =	vor.u32 v5, v48;
	v49 =	vld.idx.msk [tilespmem:v49+s1+$0x0], $0xffff  }
0x1d2: {  	v56 =	vor.u32 v6, v48;
	v50 =	vld.idx.msk [tilespmem:v50+s1+$0x0], $0xffff  }
0x1d3: {  	v57 =	vor.u32 v7, v48;
	v51 =	vld.idx.msk [tilespmem:v51+s1+$0x0], $0xffff  }
0x1d4: {  	v58 =	vor.u32 v8, v48;
	v52 =	vld.idx.msk [tilespmem:v52+s1+$0x0], $0xffff  }
0x1d5: {  	v59 =	vor.u32 v9, v48;
	v53 =	vld.idx.msk [tilespmem:v53+s1+$0x0], $0xffff  }
0x1d6: {  	v60 =	vor.u32 v10, v48;
	v54 =	vld.idx.msk [tilespmem:v54+s1+$0x0], $0xffff  }
0x1d7: {  	v61 =	vor.u32 v11, v48;
	v56 =	vld.idx.msk [tilespmem:v56+s1+$0x0], $0xffff  }
0x1d8: {  	v62 =	vor.u32 v12, v48;
	v57 =	vld.idx.msk [tilespmem:v57+s1+$0x0], $0xffff  }
0x1d9: {  	v63 =	vor.u32 v13, v48;
	v58 =	vld.idx.msk [tilespmem:v58+s1+$0x0], $0xffff  }
0x1da: {  	[tilespmem:$0x1FFC0] =	vst v34;
	v34 =	vor.u32 v14, v48;
	v59 =	vld.idx.msk [tilespmem:v59+s1+$0x0], $0xffff  }
0x1db: {  	v48 =	vor.u32 v15, v48;
	v60 =	vld.idx.msk [tilespmem:v60+s1+$0x0], $0xffff  }
0x1dc: {  	v46 =	vmul.f32 v46, v18;
	v36 =	vmul.f32 v36, v18;
	v26 =	vadd.f32 v47, v26;
	v61 =	vld.idx.msk [tilespmem:v61+s1+$0x0], $0xffff  }
0x1dd: {  	v39 =	vmul.f32 v39, v18;
	v33 =	vadd.f32 v43, v33;
	v41 =	vmul.f32 v41, v18;
	v62 =	vld.idx.msk [tilespmem:v62+s1+$0x0], $0xffff  }
0x1de: {  	v32 =	vadd.f32 v46, v32;
	v31 =	vadd.f32 v36, v31;
	v44 =	vmul.f32 v44, v18;
	v47 =	vld.idx.msk [tilespmem:v63+s1+$0x0], $0xffff  }
0x1df: {  	v30 =	vadd.f32 v39, v30;
	v43 =	vmul.f32 v45, v18;
	v34 =	vld.idx.msk [tilespmem:v34+s1+$0x0], $0xffff;
	v63 =	vmul.f32 v50, v55  }
0x1e0: {  	v28 =	vadd.f32 v41, v28;
	v42 =	vmul.f32 v42, v18;
	v48 =	vld.idx.msk [tilespmem:v48+s1+$0x0], $0xffff;
	_ =	swait.ge [sflag:s10], $0x100;
	v51 =	vmul.f32 v51, v55  }
0x1e1: {  	v40 =	vmul.f32 v40, v18;
	v52 =	vmul.f32 v52, v55;
	[sflag:s10] =	ssyncset.done $0x0;
	v29 =	vadd.f32 v63, v29  }
0x1e2: {  	v37 =	vmul.f32 v37, v18;
	v53 =	vmul.f32 v53, v55;
	[sflag:s10] =	ssyncadd.s32 $0xFFFFFF00;
	v26 =	vadd.f32 v51, v26  }
0x1e3: {  	v35 =	vmul.f32 v35, v18;
	v54 =	vmul.f32 v54, v55;
	v33 =	vadd.f32 v52, v33;
	[tilespmem:$0x10200] =	vst v29  }
0x1e4: {  	v25 =	vadd.f32 v43, v25;
	v32 =	vadd.f32 v53, v32;
	v29 =	vmul.f32 v56, v55;
	[tilespmem:$0x10210] =	vst v26  }
0x1e5: {  	v31 =	vadd.f32 v54, v31;
	v26 =	vadd.f32 v44, v27;
	v27 =	vmul.f32 v57, v55;
	[tilespmem:$0x10220] =	vst v33  }
0x1e6: {  	v24 =	vadd.f32 v42, v24;
	v58 =	vmul.f32 v58, v55;
	v57 =	vld [tilespmem:$0x1FFC0];
	[tilespmem:$0x10230] =	vst v32;
	v29 =	vadd.f32 v29, v30  }
0x1e7: {  	v23 =	vadd.f32 v40, v23;
	[tilespmem:$0x10240] =	vst v31;
	v30 =	vmul.f32 v59, v55;
	v27 =	vadd.f32 v27, v28  }
0x1e8: {  	v50 =	vmul.f32 v38, v18;
	v28 =	vmul.f32 v60, v55;
	v26 =	vadd.f32 v58, v26;
	[tilespmem:$0x10250] =	vst v29  }
0x1e9: {  	v21 =	vadd.f32 v37, v21;
	v29 =	vmul.f32 v61, v55;
	v25 =	vadd.f32 v30, v25;
	[tilespmem:$0x10260] =	vst v27  }
0x1ea: {  	v22 =	vadd.f32 v50, v22;
	v27 =	vmul.f32 v62, v55;
	v24 =	vadd.f32 v28, v24;
	[tilespmem:$0x10270] =	vst v26  }
0x1eb: {  	v26 =	vmul.f32 v47, v55;
	v18 =	vmul.f32 v57, v18;
	v23 =	vadd.f32 v29, v23;
	[tilespmem:$0x10280] =	vst v25  }
0x1ec: {  	v20 =	vadd.f32 v35, v20;
	v25 =	vmul.f32 v34, v55;
	v22 =	vadd.f32 v27, v22;
	[tilespmem:$0x10290] =	vst v24  }
0x1ed: {  	v21 =	vadd.f32 v26, v21;
	v18 =	vadd.f32 v18, v19;
	v19 =	vmul.f32 v48, v55;
	[tilespmem:$0x102A0] =	vst v23  }
0x1ee: {  	v23 =	vmul.f32 v49, v55;
	v20 =	vadd.f32 v25, v20;
	[tilespmem:$0x102B0] =	vst v22  }
0x1ef: {  	[tilespmem:$0x102C0] =	vst v21;
	v18 =	vadd.f32 v19, v18  }
0x1f0: {  	v17 =	vadd.f32 v23, v17;
	[tilespmem:$0x102D0] =	vst v20  }
0x1f1: {  	s13 =	simm.s32 $0x0;
	[tilespmem:$0x102E0] =	vst v18  }
0x1f2: {  	[tilespmem:$0x102F0] =	vst v17;
	v17 =	vadd.s32 s13, v0  }
0x1f3: {  	[hbm4b:s26+s13] =	stream.linear.scatter [tilespmem:s8], [sflag:$0x4], $0x100, $0x38;
	v17 =	vand.u32 $0x7F, v17;
	[tilespmem:$0x10300] =	vst v63  }
0x1f4: {  	v18 =	vor.u32 v16, v17  }
0x1f5: {  	[tilespmem:s1], [sflag:$0x2] =	stream.linear.gather [hbm4b:s19+s13], $0x8000, $0x38;
	[tilespmem:$0x10300] =	vst v63  }
0x1f6: {  	v19 =	vor.u32 v1, v17;
	_ =	swait.ge [sflag:s4], $0x8000  }
0x1f7: {  	v20 =	vor.u32 v2, v17;
	[sflag:s4] =	ssyncset.done $0x0  }
0x1f8: {  	v21 =	vor.u32 v3, v17;
	[sflag:s4] =	ssyncadd.s32 $0xFFFF8000  }
0x1f9: {  	s12 =	simm.s32 $0x10000;
	v23 =	vor.u32 v4, v17;
	v22 =	vld.idx.msk [tilespmem:v18+s2+$0x0], $0xffff  }
0x1fa: {  	v33 =	vimm.f32 $0.0e+00;
	v25 =	vor.u32 v6, v17;
	v18 =	vld [tilespmem:s12+$0x0]  }
0x1fb: {  	v32 =	vimm.f32 $0.0e+00;
	v31 =	vimm.f32 $0.0e+00;
	v27 =	vor.u32 v7, v17;
	v19 =	vld.idx.msk [tilespmem:v19+s2+$0x0], $0xffff  }
0x1fc: {  	v30 =	vimm.f32 $0.0e+00;
	v28 =	vimm.f32 $0.0e+00;
	v24 =	vor.u32 v5, v17;
	v20 =	vld.idx.msk [tilespmem:v20+s2+$0x0], $0xffff  }
0x1fd: {  	v26 =	vimm.f32 $0.0e+00;
	v62 =	vor.u32 v8, v17;
	v63 =	vor.u32 v9, v17;
	v21 =	vld.idx.msk [tilespmem:v21+s2+$0x0], $0xffff  }
0x1fe: {  	v42 =	vor.u32 v10, v17;
	v40 =	vor.u32 v11, v17;
	v38 =	vor.u32 v12, v17;
	v46 =	vld.idx.msk [tilespmem:v23+s2+$0x0], $0xffff  }
0x1ff: {  	v37 =	vor.u32 v13, v17;
	v35 =	vor.u32 v14, v17;
	v34 =	vor.u32 v15, v17;
	s13 =	simm.s32 $0x1;
	v39 =	vld.idx.msk [tilespmem:v25+s2+$0x0], $0xffff  }
0x200: {  	v48 =	vadd.s32 s13, v0;
	v41 =	vld.idx.msk [tilespmem:v27+s2+$0x0], $0xffff;
	v27 =	vimm.f32 $0.0e+00;
	v25 =	vimm.f32 $0.0e+00  }
0x201: {  	v36 =	vld.idx.msk [tilespmem:v24+s2+$0x0], $0xffff;
	v24 =	vimm.f32 $0.0e+00;
	v22 =	vmul.f32 v22, v18;
	v19 =	vmul.f32 v19, v18  }
0x202: {  	v23 =	vimm.f32 $0.0e+00;
	v47 =	vmul.f32 v20, v18;
	v43 =	vmul.f32 v21, v18  }
0x203: {  	v44 =	vld.idx.msk [tilespmem:v62+s2+$0x0], $0xffff;
	v21 =	vimm.f32 $0.0e+00;
	v20 =	vimm.f32 $0.0e+00;
	v17 =	vadd.f32 v22, v26  }
0x204: {  	s13 =	simm.s32 $0x2;
	v45 =	vld.idx.msk [tilespmem:v63+s2+$0x0], $0xffff;
	v29 =	vadd.f32 v19, v26;
	v22 =	vimm.f32 $0.0e+00;
	v19 =	vimm.f32 $0.0e+00  }
.LBB2_14:
0x205: {  	p0 =	sne.s32 s13, $0x7F;
	v48 =	vand.u32 $0x7F, v48;
	v26 =	vadd.f32 v47, v26;
	v46 =	vmul.f32 v46, v18;
	v47 =	vld.idx.msk [tilespmem:v42+s2+$0x0], $0xffff  }
0x206: {  	v49 =	vor.u32 v1, v48;
	v50 =	vor.u32 v2, v48;
	v51 =	vor.u32 v16, v48;
	v52 =	vld.idx.msk [tilespmem:v40+s2+$0x0], $0xffff  }
0x207: {  	v53 =	vor.u32 v3, v48;
	v54 =	vor.u32 v4, v48;
	v55 =	vor.u32 v5, v48;
	v56 =	vld.idx.msk [tilespmem:v38+s2+$0x0], $0xffff  }
0x208: {  	v57 =	vor.u32 v6, v48;
	v58 =	vor.u32 v7, v48;
	v59 =	vor.u32 v8, v48;
	v60 =	vld.idx.msk [tilespmem:v37+s2+$0x0], $0xffff  }
0x209: {  	v61 =	vor.u32 v9, v48;
	v42 =	vor.u32 v10, v48;
	v40 =	vor.u32 v11, v48;
	v62 =	vld.idx.msk [tilespmem:v35+s2+$0x0], $0xffff  }
0x20a: {  	v38 =	vor.u32 v12, v48;
	v37 =	vor.u32 v13, v48;
	v35 =	vor.u32 v14, v48;
	v63 =	vld.idx.msk [tilespmem:v34+s2+$0x0], $0xffff  }
0x20b: {  	v36 =	vmul.f32 v36, v18;
	s12 =	sadd.s32 $0x1, s12;
	v39 =	vmul.f32 v39, v18;
	v34 =	vor.u32 v15, v48;
	v48 =	vld.idx.msk [tilespmem:v51+s2+$0x0], $0xffff  }
0x20c: {  	v33 =	vadd.f32 v43, v33;
	v41 =	vmul.f32 v41, v18;
	v43 =	vmul.f32 v44, v18;
	v51 =	vld [tilespmem:s12+$0x0]  }
0x20d: {  	v32 =	vadd.f32 v46, v32;
	v45 =	vmul.f32 v45, v18;
	v47 =	vmul.f32 v47, v18;
	v44 =	vld.idx.msk [tilespmem:v49+s2+$0x0], $0xffff  }
0x20e: {  	v31 =	vadd.f32 v36, v31;
	v49 =	vld.idx.msk [tilespmem:v50+s2+$0x0], $0xffff;
	v50 =	vmul.f32 v52, v18;
	v52 =	vmul.f32 v56, v18  }
0x20f: {  	v30 =	vadd.f32 v39, v30;
	v56 =	vmul.f32 v60, v18;
	v60 =	vmul.f32 v62, v18;
	v53 =	vld.idx.msk [tilespmem:v53+s2+$0x0], $0xffff  }
0x210: {  	v28 =	vadd.f32 v41, v28;
	v27 =	vadd.f32 v43, v27;
	v43 =	vmul.f32 v63, v18;
	v46 =	vld.idx.msk [tilespmem:v54+s2+$0x0], $0xffff  }
.Ltmp6:
0x211: {  	v25 =	vadd.f32 v45, v25;
	v24 =	vadd.f32 v47, v24;
	v36 =	vld.idx.msk [tilespmem:v55+s2+$0x0], $0xffff;
	v48 =	vmul.f32 v48, v51;
	(pc) =	sbr.rel @p0 .LBB2_14-.Ltmp6, $4  }
0x212: {  	v23 =	vadd.f32 v50, v23;
	v22 =	vadd.f32 v52, v22;
	v18 =	vmov v51;
	v39 =	vld.idx.msk [tilespmem:v57+s2+$0x0], $0xffff  }
0x213: {  	v21 =	vadd.f32 v56, v21;
	v45 =	vmul.f32 v44, v18;
	v41 =	vld.idx.msk [tilespmem:v58+s2+$0x0], $0xffff;
	v17 =	vadd.f32 v48, v17  }
0x214: {  	v20 =	vadd.f32 v60, v20;
	v19 =	vadd.f32 v43, v19;
	v47 =	vmul.f32 v49, v18;
	v44 =	vld.idx.msk [tilespmem:v59+s2+$0x0], $0xffff  }
0x215: {  	v48 =	vadd.s32 s13, v0;
	s13 =	sadd.s32 $0x1, s13;
	v29 =	vadd.f32 v45, v29;
	v43 =	vmul.f32 v53, v18;
	v45 =	vld.idx.msk [tilespmem:v61+s2+$0x0], $0xffff  }
0x216: {  	_ =	sdelay $0x3  }
0x217: {  	v42 =	vld.idx.msk [tilespmem:v42+s2+$0x0], $0xffff  }
0x218: {  	v48 =	vand.u32 $0x7F, v48;
	v40 =	vld.idx.msk [tilespmem:v40+s2+$0x0], $0xffff  }
0x219: {  	v38 =	vld.idx.msk [tilespmem:v38+s2+$0x0], $0xffff;
	v49 =	vor.u32 v16, v48  }
0x21a: {  	v37 =	vld.idx.msk [tilespmem:v37+s2+$0x0], $0xffff;
	v50 =	vor.u32 v1, v48  }
0x21b: {  	v35 =	vld.idx.msk [tilespmem:v35+s2+$0x0], $0xffff;
	v51 =	vor.u32 v2, v48  }
0x21c: {  	v34 =	vld.idx.msk [tilespmem:v34+s2+$0x0], $0xffff;
	s12 =	sadd.s32 $0x1, s12;
	v52 =	vor.u32 v3, v48  }
0x21d: {  	v53 =	vor.u32 v4, v48;
	v55 =	vld [tilespmem:s12+$0x0]  }
0x21e: {  	v54 =	vor.u32 v5, v48;
	v49 =	vld.idx.msk [tilespmem:v49+s2+$0x0], $0xffff  }
0x21f: {  	v56 =	vor.u32 v6, v48;
	v50 =	vld.idx.msk [tilespmem:v50+s2+$0x0], $0xffff  }
0x220: {  	v57 =	vor.u32 v7, v48;
	v51 =	vld.idx.msk [tilespmem:v51+s2+$0x0], $0xffff  }
0x221: {  	v58 =	vor.u32 v8, v48;
	v52 =	vld.idx.msk [tilespmem:v52+s2+$0x0], $0xffff  }
0x222: {  	v59 =	vor.u32 v9, v48;
	v53 =	vld.idx.msk [tilespmem:v53+s2+$0x0], $0xffff  }
0x223: {  	v60 =	vor.u32 v10, v48;
	v54 =	vld.idx.msk [tilespmem:v54+s2+$0x0], $0xffff  }
0x224: {  	v61 =	vor.u32 v11, v48;
	v56 =	vld.idx.msk [tilespmem:v56+s2+$0x0], $0xffff  }
0x225: {  	v62 =	vor.u32 v12, v48;
	v57 =	vld.idx.msk [tilespmem:v57+s2+$0x0], $0xffff  }
0x226: {  	v63 =	vor.u32 v13, v48;
	v58 =	vld.idx.msk [tilespmem:v58+s2+$0x0], $0xffff  }
0x227: {  	[tilespmem:$0x1FFB0] =	vst v34;
	v34 =	vor.u32 v14, v48;
	v59 =	vld.idx.msk [tilespmem:v59+s2+$0x0], $0xffff  }
0x228: {  	v48 =	vor.u32 v15, v48;
	v60 =	vld.idx.msk [tilespmem:v60+s2+$0x0], $0xffff  }
0x229: {  	v46 =	vmul.f32 v46, v18;
	v36 =	vmul.f32 v36, v18;
	v26 =	vadd.f32 v47, v26;
	v61 =	vld.idx.msk [tilespmem:v61+s2+$0x0], $0xffff  }
0x22a: {  	v39 =	vmul.f32 v39, v18;
	v33 =	vadd.f32 v43, v33;
	v41 =	vmul.f32 v41, v18;
	v62 =	vld.idx.msk [tilespmem:v62+s2+$0x0], $0xffff  }
0x22b: {  	v32 =	vadd.f32 v46, v32;
	v31 =	vadd.f32 v36, v31;
	v44 =	vmul.f32 v44, v18;
	v47 =	vld.idx.msk [tilespmem:v63+s2+$0x0], $0xffff  }
0x22c: {  	v30 =	vadd.f32 v39, v30;
	v43 =	vmul.f32 v45, v18;
	v34 =	vld.idx.msk [tilespmem:v34+s2+$0x0], $0xffff;
	v63 =	vmul.f32 v50, v55  }
0x22d: {  	v28 =	vadd.f32 v41, v28;
	v42 =	vmul.f32 v42, v18;
	v48 =	vld.idx.msk [tilespmem:v48+s2+$0x0], $0xffff;
	_ =	swait.ge [sflag:s9], $0x100;
	v51 =	vmul.f32 v51, v55  }
0x22e: {  	v40 =	vmul.f32 v40, v18;
	v52 =	vmul.f32 v52, v55;
	[sflag:s9] =	ssyncset.done $0x0;
	v29 =	vadd.f32 v63, v29  }
0x22f: {  	v37 =	vmul.f32 v37, v18;
	v53 =	vmul.f32 v53, v55;
	[sflag:s9] =	ssyncadd.s32 $0xFFFFFF00;
	v26 =	vadd.f32 v51, v26  }
0x230: {  	v35 =	vmul.f32 v35, v18;
	v54 =	vmul.f32 v54, v55;
	v33 =	vadd.f32 v52, v33;
	[tilespmem:$0x10100] =	vst v29  }
0x231: {  	v25 =	vadd.f32 v43, v25;
	v32 =	vadd.f32 v53, v32;
	v29 =	vmul.f32 v56, v55;
	[tilespmem:$0x10110] =	vst v26  }
0x232: {  	v31 =	vadd.f32 v54, v31;
	v26 =	vadd.f32 v44, v27;
	v27 =	vmul.f32 v57, v55;
	[tilespmem:$0x10120] =	vst v33  }
0x233: {  	v24 =	vadd.f32 v42, v24;
	v58 =	vmul.f32 v58, v55;
	v57 =	vld [tilespmem:$0x1FFB0];
	[tilespmem:$0x10130] =	vst v32;
	v29 =	vadd.f32 v29, v30  }
0x234: {  	v23 =	vadd.f32 v40, v23;
	[tilespmem:$0x10140] =	vst v31;
	v30 =	vmul.f32 v59, v55;
	v27 =	vadd.f32 v27, v28  }
0x235: {  	v50 =	vmul.f32 v38, v18;
	v28 =	vmul.f32 v60, v55;
	v26 =	vadd.f32 v58, v26;
	[tilespmem:$0x10150] =	vst v29  }
0x236: {  	v21 =	vadd.f32 v37, v21;
	v29 =	vmul.f32 v61, v55;
	v25 =	vadd.f32 v30, v25;
	[tilespmem:$0x10160] =	vst v27  }
0x237: {  	v22 =	vadd.f32 v50, v22;
	v27 =	vmul.f32 v62, v55;
	v24 =	vadd.f32 v28, v24;
	[tilespmem:$0x10170] =	vst v26  }
0x238: {  	v26 =	vmul.f32 v47, v55;
	v18 =	vmul.f32 v57, v18;
	v23 =	vadd.f32 v29, v23;
	[tilespmem:$0x10180] =	vst v25  }
0x239: {  	v20 =	vadd.f32 v35, v20;
	v25 =	vmul.f32 v34, v55;
	v22 =	vadd.f32 v27, v22;
	[tilespmem:$0x10190] =	vst v24  }
0x23a: {  	v21 =	vadd.f32 v26, v21;
	v18 =	vadd.f32 v18, v19;
	v19 =	vmul.f32 v48, v55;
	[tilespmem:$0x101A0] =	vst v23  }
0x23b: {  	v23 =	vmul.f32 v49, v55;
	v20 =	vadd.f32 v25, v20;
	[tilespmem:$0x101B0] =	vst v22  }
0x23c: {  	[tilespmem:$0x101C0] =	vst v21;
	v18 =	vadd.f32 v19, v18  }
0x23d: {  	v17 =	vadd.f32 v23, v17;
	[tilespmem:$0x101D0] =	vst v20  }
0x23e: {  	s13 =	simm.s32 $0x0;
	[tilespmem:$0x101E0] =	vst v18  }
0x23f: {  	[tilespmem:$0x101F0] =	vst v17;
	v17 =	vadd.s32 s13, v0  }
0x240: {  	[hbm4b:s28+s13] =	stream.linear.scatter [tilespmem:s5], [sflag:$0x3], $0x100, $0x38;
	v17 =	vand.u32 $0x7F, v17;
	[tilespmem:$0x10300] =	vst v63  }
0x241: {  	v18 =	vor.u32 v16, v17  }
0x242: {  	[tilespmem:s13], [sflag:$0x1] =	stream.linear.gather [hbm4b:s23+s13], $0x8000, $0x38;
	[tilespmem:$0x10300] =	vst v63  }
0x243: {  	v19 =	vor.u32 v1, v17;
	_ =	swait.ge [sflag:s7], $0x8000  }
0x244: {  	v20 =	vor.u32 v2, v17;
	[sflag:s7] =	ssyncset.done $0x0  }
0x245: {  	v21 =	vor.u32 v3, v17;
	[sflag:s7] =	ssyncadd.s32 $0xFFFF8000  }
0x246: {  	s12 =	simm.s32 $0x10000;
	v23 =	vor.u32 v4, v17;
	v22 =	vld.idx.msk [tilespmem:v18+s1+$0x0], $0xffff  }
0x247: {  	v33 =	vimm.f32 $0.0e+00;
	v25 =	vor.u32 v6, v17;
	v18 =	vld [tilespmem:s12+$0x0]  }
0x248: {  	v32 =	vimm.f32 $0.0e+00;
	v31 =	vimm.f32 $0.0e+00;
	v27 =	vor.u32 v7, v17;
	v19 =	vld.idx.msk [tilespmem:v19+s1+$0x0], $0xffff  }
0x249: {  	v30 =	vimm.f32 $0.0e+00;
	v28 =	vimm.f32 $0.0e+00;
	v24 =	vor.u32 v5, v17;
	v20 =	vld.idx.msk [tilespmem:v20+s1+$0x0], $0xffff  }
0x24a: {  	v26 =	vimm.f32 $0.0e+00;
	v62 =	vor.u32 v8, v17;
	v63 =	vor.u32 v9, v17;
	v21 =	vld.idx.msk [tilespmem:v21+s1+$0x0], $0xffff  }
0x24b: {  	v42 =	vor.u32 v10, v17;
	v40 =	vor.u32 v11, v17;
	v38 =	vor.u32 v12, v17;
	v46 =	vld.idx.msk [tilespmem:v23+s1+$0x0], $0xffff  }
0x24c: {  	v37 =	vor.u32 v13, v17;
	v35 =	vor.u32 v14, v17;
	v34 =	vor.u32 v15, v17;
	s13 =	simm.s32 $0x1;
	v39 =	vld.idx.msk [tilespmem:v25+s1+$0x0], $0xffff  }
0x24d: {  	v48 =	vadd.s32 s13, v0;
	v41 =	vld.idx.msk [tilespmem:v27+s1+$0x0], $0xffff;
	v27 =	vimm.f32 $0.0e+00;
	v25 =	vimm.f32 $0.0e+00  }
0x24e: {  	v36 =	vld.idx.msk [tilespmem:v24+s1+$0x0], $0xffff;
	v24 =	vimm.f32 $0.0e+00;
	v22 =	vmul.f32 v22, v18;
	v19 =	vmul.f32 v19, v18  }
0x24f: {  	v23 =	vimm.f32 $0.0e+00;
	v47 =	vmul.f32 v20, v18;
	v43 =	vmul.f32 v21, v18  }
0x250: {  	v44 =	vld.idx.msk [tilespmem:v62+s1+$0x0], $0xffff;
	v21 =	vimm.f32 $0.0e+00;
	v20 =	vimm.f32 $0.0e+00;
	v17 =	vadd.f32 v22, v26  }
0x251: {  	s13 =	simm.s32 $0x2;
	v45 =	vld.idx.msk [tilespmem:v63+s1+$0x0], $0xffff;
	v29 =	vadd.f32 v19, v26;
	v22 =	vimm.f32 $0.0e+00;
	v19 =	vimm.f32 $0.0e+00  }
.LBB2_16:
0x252: {  	p0 =	sne.s32 s13, $0x7F;
	v48 =	vand.u32 $0x7F, v48;
	v26 =	vadd.f32 v47, v26;
	v46 =	vmul.f32 v46, v18;
	v47 =	vld.idx.msk [tilespmem:v42+s1+$0x0], $0xffff  }
0x253: {  	v49 =	vor.u32 v1, v48;
	v50 =	vor.u32 v2, v48;
	v51 =	vor.u32 v16, v48;
	v52 =	vld.idx.msk [tilespmem:v40+s1+$0x0], $0xffff  }
0x254: {  	v53 =	vor.u32 v3, v48;
	v54 =	vor.u32 v4, v48;
	v55 =	vor.u32 v5, v48;
	v56 =	vld.idx.msk [tilespmem:v38+s1+$0x0], $0xffff  }
0x255: {  	v57 =	vor.u32 v6, v48;
	v58 =	vor.u32 v7, v48;
	v59 =	vor.u32 v8, v48;
	v60 =	vld.idx.msk [tilespmem:v37+s1+$0x0], $0xffff  }
0x256: {  	v61 =	vor.u32 v9, v48;
	v42 =	vor.u32 v10, v48;
	v40 =	vor.u32 v11, v48;
	v62 =	vld.idx.msk [tilespmem:v35+s1+$0x0], $0xffff  }
0x257: {  	v38 =	vor.u32 v12, v48;
	v37 =	vor.u32 v13, v48;
	v35 =	vor.u32 v14, v48;
	v63 =	vld.idx.msk [tilespmem:v34+s1+$0x0], $0xffff  }
0x258: {  	v36 =	vmul.f32 v36, v18;
	s12 =	sadd.s32 $0x1, s12;
	v39 =	vmul.f32 v39, v18;
	v34 =	vor.u32 v15, v48;
	v48 =	vld.idx.msk [tilespmem:v51+s1+$0x0], $0xffff  }
0x259: {  	v33 =	vadd.f32 v43, v33;
	v41 =	vmul.f32 v41, v18;
	v43 =	vmul.f32 v44, v18;
	v51 =	vld [tilespmem:s12+$0x0]  }
0x25a: {  	v32 =	vadd.f32 v46, v32;
	v45 =	vmul.f32 v45, v18;
	v47 =	vmul.f32 v47, v18;
	v44 =	vld.idx.msk [tilespmem:v49+s1+$0x0], $0xffff  }
0x25b: {  	v31 =	vadd.f32 v36, v31;
	v49 =	vld.idx.msk [tilespmem:v50+s1+$0x0], $0xffff;
	v50 =	vmul.f32 v52, v18;
	v52 =	vmul.f32 v56, v18  }
0x25c: {  	v30 =	vadd.f32 v39, v30;
	v56 =	vmul.f32 v60, v18;
	v60 =	vmul.f32 v62, v18;
	v53 =	vld.idx.msk [tilespmem:v53+s1+$0x0], $0xffff  }
0x25d: {  	v28 =	vadd.f32 v41, v28;
	v27 =	vadd.f32 v43, v27;
	v43 =	vmul.f32 v63, v18;
	v46 =	vld.idx.msk [tilespmem:v54+s1+$0x0], $0xffff  }
.Ltmp7:
0x25e: {  	v25 =	vadd.f32 v45, v25;
	v24 =	vadd.f32 v47, v24;
	v36 =	vld.idx.msk [tilespmem:v55+s1+$0x0], $0xffff;
	v48 =	vmul.f32 v48, v51;
	(pc) =	sbr.rel @p0 .LBB2_16-.Ltmp7, $4  }
0x25f: {  	v23 =	vadd.f32 v50, v23;
	v22 =	vadd.f32 v52, v22;
	v18 =	vmov v51;
	v39 =	vld.idx.msk [tilespmem:v57+s1+$0x0], $0xffff  }
0x260: {  	v21 =	vadd.f32 v56, v21;
	v45 =	vmul.f32 v44, v18;
	v41 =	vld.idx.msk [tilespmem:v58+s1+$0x0], $0xffff;
	v17 =	vadd.f32 v48, v17  }
0x261: {  	v20 =	vadd.f32 v60, v20;
	v19 =	vadd.f32 v43, v19;
	v47 =	vmul.f32 v49, v18;
	v44 =	vld.idx.msk [tilespmem:v59+s1+$0x0], $0xffff  }
0x262: {  	v48 =	vadd.s32 s13, v0;
	s13 =	sadd.s32 $0x1, s13;
	v29 =	vadd.f32 v45, v29;
	v43 =	vmul.f32 v53, v18;
	v45 =	vld.idx.msk [tilespmem:v61+s1+$0x0], $0xffff  }
0x263: {  	_ =	sdelay $0x3  }
0x264: {  	v42 =	vld.idx.msk [tilespmem:v42+s1+$0x0], $0xffff  }
0x265: {  	v48 =	vand.u32 $0x7F, v48;
	v40 =	vld.idx.msk [tilespmem:v40+s1+$0x0], $0xffff  }
0x266: {  	v38 =	vld.idx.msk [tilespmem:v38+s1+$0x0], $0xffff;
	v49 =	vor.u32 v16, v48  }
0x267: {  	v37 =	vld.idx.msk [tilespmem:v37+s1+$0x0], $0xffff;
	v50 =	vor.u32 v1, v48  }
0x268: {  	v35 =	vld.idx.msk [tilespmem:v35+s1+$0x0], $0xffff;
	v51 =	vor.u32 v2, v48  }
0x269: {  	v34 =	vld.idx.msk [tilespmem:v34+s1+$0x0], $0xffff;
	s12 =	sadd.s32 $0x1, s12;
	v52 =	vor.u32 v3, v48  }
0x26a: {  	v53 =	vor.u32 v4, v48;
	v55 =	vld [tilespmem:s12+$0x0]  }
0x26b: {  	v54 =	vor.u32 v5, v48;
	v49 =	vld.idx.msk [tilespmem:v49+s1+$0x0], $0xffff  }
0x26c: {  	v56 =	vor.u32 v6, v48;
	v50 =	vld.idx.msk [tilespmem:v50+s1+$0x0], $0xffff  }
0x26d: {  	v57 =	vor.u32 v7, v48;
	v51 =	vld.idx.msk [tilespmem:v51+s1+$0x0], $0xffff  }
0x26e: {  	v58 =	vor.u32 v8, v48;
	v52 =	vld.idx.msk [tilespmem:v52+s1+$0x0], $0xffff  }
0x26f: {  	v59 =	vor.u32 v9, v48;
	v53 =	vld.idx.msk [tilespmem:v53+s1+$0x0], $0xffff  }
0x270: {  	v60 =	vor.u32 v10, v48;
	v54 =	vld.idx.msk [tilespmem:v54+s1+$0x0], $0xffff  }
0x271: {  	v61 =	vor.u32 v11, v48;
	v56 =	vld.idx.msk [tilespmem:v56+s1+$0x0], $0xffff  }
0x272: {  	v62 =	vor.u32 v12, v48;
	v57 =	vld.idx.msk [tilespmem:v57+s1+$0x0], $0xffff  }
0x273: {  	v63 =	vor.u32 v13, v48;
	v58 =	vld.idx.msk [tilespmem:v58+s1+$0x0], $0xffff  }
0x274: {  	[tilespmem:$0x1FFA0] =	vst v34;
	v34 =	vor.u32 v14, v48;
	v59 =	vld.idx.msk [tilespmem:v59+s1+$0x0], $0xffff  }
0x275: {  	v48 =	vor.u32 v15, v48;
	v60 =	vld.idx.msk [tilespmem:v60+s1+$0x0], $0xffff  }
0x276: {  	v46 =	vmul.f32 v46, v18;
	v36 =	vmul.f32 v36, v18;
	v26 =	vadd.f32 v47, v26;
	v61 =	vld.idx.msk [tilespmem:v61+s1+$0x0], $0xffff  }
0x277: {  	v39 =	vmul.f32 v39, v18;
	v33 =	vadd.f32 v43, v33;
	v41 =	vmul.f32 v41, v18;
	v62 =	vld.idx.msk [tilespmem:v62+s1+$0x0], $0xffff  }
0x278: {  	v32 =	vadd.f32 v46, v32;
	v31 =	vadd.f32 v36, v31;
	v44 =	vmul.f32 v44, v18;
	v47 =	vld.idx.msk [tilespmem:v63+s1+$0x0], $0xffff  }
0x279: {  	v30 =	vadd.f32 v39, v30;
	v43 =	vmul.f32 v45, v18;
	v34 =	vld.idx.msk [tilespmem:v34+s1+$0x0], $0xffff;
	v63 =	vmul.f32 v50, v55  }
0x27a: {  	v28 =	vadd.f32 v41, v28;
	v42 =	vmul.f32 v42, v18;
	v48 =	vld.idx.msk [tilespmem:v48+s1+$0x0], $0xffff;
	_ =	swait.ge [sflag:s10], $0x100;
	v51 =	vmul.f32 v51, v55  }
0x27b: {  	v40 =	vmul.f32 v40, v18;
	v52 =	vmul.f32 v52, v55;
	[sflag:s10] =	ssyncset.done $0x0;
	v29 =	vadd.f32 v63, v29  }
0x27c: {  	v37 =	vmul.f32 v37, v18;
	v53 =	vmul.f32 v53, v55;
	[sflag:s10] =	ssyncadd.s32 $0xFFFFFF00;
	v26 =	vadd.f32 v51, v26  }
0x27d: {  	v35 =	vmul.f32 v35, v18;
	v54 =	vmul.f32 v54, v55;
	v33 =	vadd.f32 v52, v33;
	[tilespmem:$0x10200] =	vst v29  }
0x27e: {  	v25 =	vadd.f32 v43, v25;
	v32 =	vadd.f32 v53, v32;
	v29 =	vmul.f32 v56, v55;
	[tilespmem:$0x10210] =	vst v26  }
0x27f: {  	v31 =	vadd.f32 v54, v31;
	v26 =	vadd.f32 v44, v27;
	v27 =	vmul.f32 v57, v55;
	[tilespmem:$0x10220] =	vst v33  }
0x280: {  	v24 =	vadd.f32 v42, v24;
	v58 =	vmul.f32 v58, v55;
	v57 =	vld [tilespmem:$0x1FFA0];
	[tilespmem:$0x10230] =	vst v32;
	v29 =	vadd.f32 v29, v30  }
0x281: {  	v23 =	vadd.f32 v40, v23;
	[tilespmem:$0x10240] =	vst v31;
	v30 =	vmul.f32 v59, v55;
	v27 =	vadd.f32 v27, v28  }
0x282: {  	v50 =	vmul.f32 v38, v18;
	v28 =	vmul.f32 v60, v55;
	v26 =	vadd.f32 v58, v26;
	[tilespmem:$0x10250] =	vst v29  }
0x283: {  	v21 =	vadd.f32 v37, v21;
	v29 =	vmul.f32 v61, v55;
	v25 =	vadd.f32 v30, v25;
	[tilespmem:$0x10260] =	vst v27  }
0x284: {  	v22 =	vadd.f32 v50, v22;
	v27 =	vmul.f32 v62, v55;
	v24 =	vadd.f32 v28, v24;
	[tilespmem:$0x10270] =	vst v26  }
0x285: {  	v26 =	vmul.f32 v47, v55;
	v18 =	vmul.f32 v57, v18;
	v23 =	vadd.f32 v29, v23;
	[tilespmem:$0x10280] =	vst v25  }
0x286: {  	v20 =	vadd.f32 v35, v20;
	v25 =	vmul.f32 v34, v55;
	v22 =	vadd.f32 v27, v22;
	[tilespmem:$0x10290] =	vst v24  }
0x287: {  	v21 =	vadd.f32 v26, v21;
	v18 =	vadd.f32 v18, v19;
	v19 =	vmul.f32 v48, v55;
	[tilespmem:$0x102A0] =	vst v23  }
0x288: {  	v23 =	vmul.f32 v49, v55;
	v20 =	vadd.f32 v25, v20;
	[tilespmem:$0x102B0] =	vst v22  }
0x289: {  	[tilespmem:$0x102C0] =	vst v21;
	v18 =	vadd.f32 v19, v18  }
0x28a: {  	v17 =	vadd.f32 v23, v17;
	[tilespmem:$0x102D0] =	vst v20  }
0x28b: {  	s13 =	simm.s32 $0x0;
	[tilespmem:$0x102E0] =	vst v18  }
0x28c: {  	[tilespmem:$0x102F0] =	vst v17;
	v17 =	vadd.s32 s13, v0  }
0x28d: {  	[hbm4b:s29+s13] =	stream.linear.scatter [tilespmem:s8], [sflag:$0x4], $0x100, $0x38;
	v17 =	vand.u32 $0x7F, v17;
	[tilespmem:$0x10300] =	vst v63  }
0x28e: {  	v18 =	vor.u32 v16, v17  }
0x28f: {  	[tilespmem:s1], [sflag:$0x2] =	stream.linear.gather [hbm4b:s24+s13], $0x8000, $0x38;
	[tilespmem:$0x10300] =	vst v63  }
0x290: {  	v19 =	vor.u32 v1, v17;
	_ =	swait.ge [sflag:s4], $0x8000  }
0x291: {  	v20 =	vor.u32 v2, v17;
	[sflag:s4] =	ssyncset.done $0x0  }
0x292: {  	v21 =	vor.u32 v3, v17;
	[sflag:s4] =	ssyncadd.s32 $0xFFFF8000  }
0x293: {  	s12 =	simm.s32 $0x10000;
	v23 =	vor.u32 v4, v17;
	v22 =	vld.idx.msk [tilespmem:v18+s2+$0x0], $0xffff  }
0x294: {  	v33 =	vimm.f32 $0.0e+00;
	v25 =	vor.u32 v6, v17;
	v18 =	vld [tilespmem:s12+$0x0]  }
0x295: {  	v32 =	vimm.f32 $0.0e+00;
	v31 =	vimm.f32 $0.0e+00;
	v27 =	vor.u32 v7, v17;
	v19 =	vld.idx.msk [tilespmem:v19+s2+$0x0], $0xffff  }
0x296: {  	v30 =	vimm.f32 $0.0e+00;
	v28 =	vimm.f32 $0.0e+00;
	v24 =	vor.u32 v5, v17;
	v20 =	vld.idx.msk [tilespmem:v20+s2+$0x0], $0xffff  }
0x297: {  	v26 =	vimm.f32 $0.0e+00;
	v62 =	vor.u32 v8, v17;
	v63 =	vor.u32 v9, v17;
	v21 =	vld.idx.msk [tilespmem:v21+s2+$0x0], $0xffff  }
0x298: {  	v42 =	vor.u32 v10, v17;
	v40 =	vor.u32 v11, v17;
	v38 =	vor.u32 v12, v17;
	v46 =	vld.idx.msk [tilespmem:v23+s2+$0x0], $0xffff  }
0x299: {  	v37 =	vor.u32 v13, v17;
	v35 =	vor.u32 v14, v17;
	v34 =	vor.u32 v15, v17;
	s13 =	simm.s32 $0x1;
	v39 =	vld.idx.msk [tilespmem:v25+s2+$0x0], $0xffff  }
0x29a: {  	v48 =	vadd.s32 s13, v0;
	v41 =	vld.idx.msk [tilespmem:v27+s2+$0x0], $0xffff;
	v27 =	vimm.f32 $0.0e+00;
	v25 =	vimm.f32 $0.0e+00  }
0x29b: {  	v36 =	vld.idx.msk [tilespmem:v24+s2+$0x0], $0xffff;
	v24 =	vimm.f32 $0.0e+00;
	v22 =	vmul.f32 v22, v18;
	v19 =	vmul.f32 v19, v18  }
0x29c: {  	v23 =	vimm.f32 $0.0e+00;
	v47 =	vmul.f32 v20, v18;
	v43 =	vmul.f32 v21, v18  }
0x29d: {  	v44 =	vld.idx.msk [tilespmem:v62+s2+$0x0], $0xffff;
	v21 =	vimm.f32 $0.0e+00;
	v20 =	vimm.f32 $0.0e+00;
	v17 =	vadd.f32 v22, v26  }
0x29e: {  	s13 =	simm.s32 $0x2;
	v45 =	vld.idx.msk [tilespmem:v63+s2+$0x0], $0xffff;
	v29 =	vadd.f32 v19, v26;
	v22 =	vimm.f32 $0.0e+00;
	v19 =	vimm.f32 $0.0e+00  }
.LBB2_18:
0x29f: {  	p0 =	sne.s32 s13, $0x7F;
	v48 =	vand.u32 $0x7F, v48;
	v26 =	vadd.f32 v47, v26;
	v46 =	vmul.f32 v46, v18;
	v47 =	vld.idx.msk [tilespmem:v42+s2+$0x0], $0xffff  }
0x2a0: {  	v49 =	vor.u32 v1, v48;
	v50 =	vor.u32 v2, v48;
	v51 =	vor.u32 v16, v48;
	v52 =	vld.idx.msk [tilespmem:v40+s2+$0x0], $0xffff  }
0x2a1: {  	v53 =	vor.u32 v3, v48;
	v54 =	vor.u32 v4, v48;
	v55 =	vor.u32 v5, v48;
	v56 =	vld.idx.msk [tilespmem:v38+s2+$0x0], $0xffff  }
0x2a2: {  	v57 =	vor.u32 v6, v48;
	v58 =	vor.u32 v7, v48;
	v59 =	vor.u32 v8, v48;
	v60 =	vld.idx.msk [tilespmem:v37+s2+$0x0], $0xffff  }
0x2a3: {  	v61 =	vor.u32 v9, v48;
	v42 =	vor.u32 v10, v48;
	v40 =	vor.u32 v11, v48;
	v62 =	vld.idx.msk [tilespmem:v35+s2+$0x0], $0xffff  }
0x2a4: {  	v38 =	vor.u32 v12, v48;
	v37 =	vor.u32 v13, v48;
	v35 =	vor.u32 v14, v48;
	v63 =	vld.idx.msk [tilespmem:v34+s2+$0x0], $0xffff  }
0x2a5: {  	v36 =	vmul.f32 v36, v18;
	s12 =	sadd.s32 $0x1, s12;
	v39 =	vmul.f32 v39, v18;
	v34 =	vor.u32 v15, v48;
	v48 =	vld.idx.msk [tilespmem:v51+s2+$0x0], $0xffff  }
0x2a6: {  	v33 =	vadd.f32 v43, v33;
	v41 =	vmul.f32 v41, v18;
	v43 =	vmul.f32 v44, v18;
	v51 =	vld [tilespmem:s12+$0x0]  }
0x2a7: {  	v32 =	vadd.f32 v46, v32;
	v45 =	vmul.f32 v45, v18;
	v47 =	vmul.f32 v47, v18;
	v44 =	vld.idx.msk [tilespmem:v49+s2+$0x0], $0xffff  }
0x2a8: {  	v31 =	vadd.f32 v36, v31;
	v49 =	vld.idx.msk [tilespmem:v50+s2+$0x0], $0xffff;
	v50 =	vmul.f32 v52, v18;
	v52 =	vmul.f32 v56, v18  }
0x2a9: {  	v30 =	vadd.f32 v39, v30;
	v56 =	vmul.f32 v60, v18;
	v60 =	vmul.f32 v62, v18;
	v53 =	vld.idx.msk [tilespmem:v53+s2+$0x0], $0xffff  }
0x2aa: {  	v28 =	vadd.f32 v41, v28;
	v27 =	vadd.f32 v43, v27;
	v43 =	vmul.f32 v63, v18;
	v46 =	vld.idx.msk [tilespmem:v54+s2+$0x0], $0xffff  }
.Ltmp8:
0x2ab: {  	v25 =	vadd.f32 v45, v25;
	v24 =	vadd.f32 v47, v24;
	v36 =	vld.idx.msk [tilespmem:v55+s2+$0x0], $0xffff;
	v48 =	vmul.f32 v48, v51;
	(pc) =	sbr.rel @p0 .LBB2_18-.Ltmp8, $4  }
0x2ac: {  	v23 =	vadd.f32 v50, v23;
	v22 =	vadd.f32 v52, v22;
	v18 =	vmov v51;
	v39 =	vld.idx.msk [tilespmem:v57+s2+$0x0], $0xffff  }
0x2ad: {  	v21 =	vadd.f32 v56, v21;
	v45 =	vmul.f32 v44, v18;
	v41 =	vld.idx.msk [tilespmem:v58+s2+$0x0], $0xffff;
	v17 =	vadd.f32 v48, v17  }
0x2ae: {  	v20 =	vadd.f32 v60, v20;
	v19 =	vadd.f32 v43, v19;
	v47 =	vmul.f32 v49, v18;
	v44 =	vld.idx.msk [tilespmem:v59+s2+$0x0], $0xffff  }
0x2af: {  	v48 =	vadd.s32 s13, v0;
	s13 =	sadd.s32 $0x1, s13;
	v29 =	vadd.f32 v45, v29;
	v43 =	vmul.f32 v53, v18;
	v45 =	vld.idx.msk [tilespmem:v61+s2+$0x0], $0xffff  }
0x2b0: {  	_ =	sdelay $0x3  }
0x2b1: {  	v42 =	vld.idx.msk [tilespmem:v42+s2+$0x0], $0xffff  }
0x2b2: {  	v48 =	vand.u32 $0x7F, v48;
	v40 =	vld.idx.msk [tilespmem:v40+s2+$0x0], $0xffff  }
0x2b3: {  	v38 =	vld.idx.msk [tilespmem:v38+s2+$0x0], $0xffff;
	v49 =	vor.u32 v16, v48  }
0x2b4: {  	v37 =	vld.idx.msk [tilespmem:v37+s2+$0x0], $0xffff;
	v50 =	vor.u32 v1, v48  }
0x2b5: {  	v35 =	vld.idx.msk [tilespmem:v35+s2+$0x0], $0xffff;
	v51 =	vor.u32 v2, v48  }
0x2b6: {  	v34 =	vld.idx.msk [tilespmem:v34+s2+$0x0], $0xffff;
	s12 =	sadd.s32 $0x1, s12;
	v52 =	vor.u32 v3, v48  }
0x2b7: {  	v53 =	vor.u32 v4, v48;
	v55 =	vld [tilespmem:s12+$0x0]  }
0x2b8: {  	v54 =	vor.u32 v5, v48;
	v49 =	vld.idx.msk [tilespmem:v49+s2+$0x0], $0xffff  }
0x2b9: {  	v56 =	vor.u32 v6, v48;
	v50 =	vld.idx.msk [tilespmem:v50+s2+$0x0], $0xffff  }
0x2ba: {  	v57 =	vor.u32 v7, v48;
	v51 =	vld.idx.msk [tilespmem:v51+s2+$0x0], $0xffff  }
0x2bb: {  	v58 =	vor.u32 v8, v48;
	v52 =	vld.idx.msk [tilespmem:v52+s2+$0x0], $0xffff  }
0x2bc: {  	v59 =	vor.u32 v9, v48;
	v53 =	vld.idx.msk [tilespmem:v53+s2+$0x0], $0xffff  }
0x2bd: {  	v60 =	vor.u32 v10, v48;
	v54 =	vld.idx.msk [tilespmem:v54+s2+$0x0], $0xffff  }
0x2be: {  	v61 =	vor.u32 v11, v48;
	v56 =	vld.idx.msk [tilespmem:v56+s2+$0x0], $0xffff  }
0x2bf: {  	v62 =	vor.u32 v12, v48;
	v57 =	vld.idx.msk [tilespmem:v57+s2+$0x0], $0xffff  }
0x2c0: {  	v63 =	vor.u32 v13, v48;
	v58 =	vld.idx.msk [tilespmem:v58+s2+$0x0], $0xffff  }
0x2c1: {  	[tilespmem:$0x1FF90] =	vst v34;
	v34 =	vor.u32 v14, v48;
	v59 =	vld.idx.msk [tilespmem:v59+s2+$0x0], $0xffff  }
0x2c2: {  	v48 =	vor.u32 v15, v48;
	v60 =	vld.idx.msk [tilespmem:v60+s2+$0x0], $0xffff  }
0x2c3: {  	v46 =	vmul.f32 v46, v18;
	v36 =	vmul.f32 v36, v18;
	v26 =	vadd.f32 v47, v26;
	v61 =	vld.idx.msk [tilespmem:v61+s2+$0x0], $0xffff  }
0x2c4: {  	v39 =	vmul.f32 v39, v18;
	v33 =	vadd.f32 v43, v33;
	v41 =	vmul.f32 v41, v18;
	v62 =	vld.idx.msk [tilespmem:v62+s2+$0x0], $0xffff  }
0x2c5: {  	v32 =	vadd.f32 v46, v32;
	v31 =	vadd.f32 v36, v31;
	v44 =	vmul.f32 v44, v18;
	v47 =	vld.idx.msk [tilespmem:v63+s2+$0x0], $0xffff  }
0x2c6: {  	v30 =	vadd.f32 v39, v30;
	v43 =	vmul.f32 v45, v18;
	v34 =	vld.idx.msk [tilespmem:v34+s2+$0x0], $0xffff;
	v63 =	vmul.f32 v50, v55  }
0x2c7: {  	v28 =	vadd.f32 v41, v28;
	v42 =	vmul.f32 v42, v18;
	v48 =	vld.idx.msk [tilespmem:v48+s2+$0x0], $0xffff;
	_ =	swait.ge [sflag:s9], $0x100;
	v51 =	vmul.f32 v51, v55  }
0x2c8: {  	v40 =	vmul.f32 v40, v18;
	v52 =	vmul.f32 v52, v55;
	[sflag:s9] =	ssyncset.done $0x0;
	v29 =	vadd.f32 v63, v29  }
0x2c9: {  	v37 =	vmul.f32 v37, v18;
	v53 =	vmul.f32 v53, v55;
	[sflag:s9] =	ssyncadd.s32 $0xFFFFFF00;
	v26 =	vadd.f32 v51, v26  }
0x2ca: {  	v35 =	vmul.f32 v35, v18;
	v54 =	vmul.f32 v54, v55;
	v33 =	vadd.f32 v52, v33;
	[tilespmem:$0x10100] =	vst v29  }
0x2cb: {  	v25 =	vadd.f32 v43, v25;
	v32 =	vadd.f32 v53, v32;
	v29 =	vmul.f32 v56, v55;
	[tilespmem:$0x10110] =	vst v26  }
0x2cc: {  	v31 =	vadd.f32 v54, v31;
	v26 =	vadd.f32 v44, v27;
	v27 =	vmul.f32 v57, v55;
	[tilespmem:$0x10120] =	vst v33  }
0x2cd: {  	v24 =	vadd.f32 v42, v24;
	v58 =	vmul.f32 v58, v55;
	v57 =	vld [tilespmem:$0x1FF90];
	[tilespmem:$0x10130] =	vst v32;
	v29 =	vadd.f32 v29, v30  }
0x2ce: {  	v23 =	vadd.f32 v40, v23;
	[tilespmem:$0x10140] =	vst v31;
	v30 =	vmul.f32 v59, v55;
	v27 =	vadd.f32 v27, v28  }
0x2cf: {  	v50 =	vmul.f32 v38, v18;
	v28 =	vmul.f32 v60, v55;
	v26 =	vadd.f32 v58, v26;
	[tilespmem:$0x10150] =	vst v29  }
0x2d0: {  	v21 =	vadd.f32 v37, v21;
	v29 =	vmul.f32 v61, v55;
	v25 =	vadd.f32 v30, v25;
	[tilespmem:$0x10160] =	vst v27  }
0x2d1: {  	v22 =	vadd.f32 v50, v22;
	v27 =	vmul.f32 v62, v55;
	v24 =	vadd.f32 v28, v24;
	[tilespmem:$0x10170] =	vst v26  }
0x2d2: {  	v26 =	vmul.f32 v47, v55;
	v18 =	vmul.f32 v57, v18;
	v23 =	vadd.f32 v29, v23;
	[tilespmem:$0x10180] =	vst v25  }
0x2d3: {  	v20 =	vadd.f32 v35, v20;
	v25 =	vmul.f32 v34, v55;
	v22 =	vadd.f32 v27, v22;
	[tilespmem:$0x10190] =	vst v24  }
0x2d4: {  	v21 =	vadd.f32 v26, v21;
	v18 =	vadd.f32 v18, v19;
	v19 =	vmul.f32 v48, v55;
	[tilespmem:$0x101A0] =	vst v23  }
0x2d5: {  	v23 =	vmul.f32 v49, v55;
	v20 =	vadd.f32 v25, v20;
	[tilespmem:$0x101B0] =	vst v22  }
0x2d6: {  	[tilespmem:$0x101C0] =	vst v21;
	v18 =	vadd.f32 v19, v18  }
0x2d7: {  	v17 =	vadd.f32 v23, v17;
	[tilespmem:$0x101D0] =	vst v20  }
0x2d8: {  	s13 =	simm.s32 $0x0;
	[tilespmem:$0x101E0] =	vst v18  }
0x2d9: {  	[tilespmem:$0x101F0] =	vst v17;
	v17 =	vadd.s32 s13, v0  }
0x2da: {  	[hbm4b:s30+s13] =	stream.linear.scatter [tilespmem:s5], [sflag:$0x3], $0x100, $0x38;
	v17 =	vand.u32 $0x7F, v17;
	[tilespmem:$0x10300] =	vst v63  }
0x2db: {  	v18 =	vor.u32 v16, v17  }
0x2dc: {  	[tilespmem:s13], [sflag:$0x1] =	stream.linear.gather [hbm4b:s15+s13], $0x8000, $0x38;
	[tilespmem:$0x10300] =	vst v63  }
0x2dd: {  	v19 =	vor.u32 v1, v17;
	_ =	swait.ge [sflag:s7], $0x8000  }
0x2de: {  	v20 =	vor.u32 v2, v17;
	[sflag:s7] =	ssyncset.done $0x0  }
0x2df: {  	v21 =	vor.u32 v3, v17;
	[sflag:s7] =	ssyncadd.s32 $0xFFFF8000  }
0x2e0: {  	s12 =	simm.s32 $0x10000;
	v23 =	vor.u32 v4, v17;
	v22 =	vld.idx.msk [tilespmem:v18+s1+$0x0], $0xffff  }
0x2e1: {  	v33 =	vimm.f32 $0.0e+00;
	v25 =	vor.u32 v6, v17;
	v18 =	vld [tilespmem:s12+$0x0]  }
0x2e2: {  	v32 =	vimm.f32 $0.0e+00;
	v31 =	vimm.f32 $0.0e+00;
	v27 =	vor.u32 v7, v17;
	v19 =	vld.idx.msk [tilespmem:v19+s1+$0x0], $0xffff  }
0x2e3: {  	v30 =	vimm.f32 $0.0e+00;
	v28 =	vimm.f32 $0.0e+00;
	v24 =	vor.u32 v5, v17;
	v20 =	vld.idx.msk [tilespmem:v20+s1+$0x0], $0xffff  }
0x2e4: {  	v26 =	vimm.f32 $0.0e+00;
	v62 =	vor.u32 v8, v17;
	v63 =	vor.u32 v9, v17;
	v21 =	vld.idx.msk [tilespmem:v21+s1+$0x0], $0xffff  }
0x2e5: {  	v42 =	vor.u32 v10, v17;
	v40 =	vor.u32 v11, v17;
	v38 =	vor.u32 v12, v17;
	v46 =	vld.idx.msk [tilespmem:v23+s1+$0x0], $0xffff  }
0x2e6: {  	v37 =	vor.u32 v13, v17;
	v35 =	vor.u32 v14, v17;
	v34 =	vor.u32 v15, v17;
	s13 =	simm.s32 $0x1;
	v39 =	vld.idx.msk [tilespmem:v25+s1+$0x0], $0xffff  }
0x2e7: {  	v48 =	vadd.s32 s13, v0;
	v41 =	vld.idx.msk [tilespmem:v27+s1+$0x0], $0xffff;
	v27 =	vimm.f32 $0.0e+00;
	v25 =	vimm.f32 $0.0e+00  }
0x2e8: {  	v36 =	vld.idx.msk [tilespmem:v24+s1+$0x0], $0xffff;
	v24 =	vimm.f32 $0.0e+00;
	v22 =	vmul.f32 v22, v18;
	v19 =	vmul.f32 v19, v18  }
0x2e9: {  	v23 =	vimm.f32 $0.0e+00;
	v47 =	vmul.f32 v20, v18;
	v43 =	vmul.f32 v21, v18  }
0x2ea: {  	v44 =	vld.idx.msk [tilespmem:v62+s1+$0x0], $0xffff;
	v21 =	vimm.f32 $0.0e+00;
	v20 =	vimm.f32 $0.0e+00;
	v17 =	vadd.f32 v22, v26  }
0x2eb: {  	s13 =	simm.s32 $0x2;
	v45 =	vld.idx.msk [tilespmem:v63+s1+$0x0], $0xffff;
	v29 =	vadd.f32 v19, v26;
	v22 =	vimm.f32 $0.0e+00;
	v19 =	vimm.f32 $0.0e+00  }
.LBB2_20:
0x2ec: {  	p0 =	sne.s32 s13, $0x7F;
	v48 =	vand.u32 $0x7F, v48;
	v26 =	vadd.f32 v47, v26;
	v46 =	vmul.f32 v46, v18;
	v47 =	vld.idx.msk [tilespmem:v42+s1+$0x0], $0xffff  }
0x2ed: {  	v49 =	vor.u32 v1, v48;
	v50 =	vor.u32 v2, v48;
	v51 =	vor.u32 v16, v48;
	v52 =	vld.idx.msk [tilespmem:v40+s1+$0x0], $0xffff  }
0x2ee: {  	v53 =	vor.u32 v3, v48;
	v54 =	vor.u32 v4, v48;
	v55 =	vor.u32 v5, v48;
	v56 =	vld.idx.msk [tilespmem:v38+s1+$0x0], $0xffff  }
0x2ef: {  	v57 =	vor.u32 v6, v48;
	v58 =	vor.u32 v7, v48;
	v59 =	vor.u32 v8, v48;
	v60 =	vld.idx.msk [tilespmem:v37+s1+$0x0], $0xffff  }
0x2f0: {  	v61 =	vor.u32 v9, v48;
	v42 =	vor.u32 v10, v48;
	v40 =	vor.u32 v11, v48;
	v62 =	vld.idx.msk [tilespmem:v35+s1+$0x0], $0xffff  }
0x2f1: {  	v38 =	vor.u32 v12, v48;
	v37 =	vor.u32 v13, v48;
	v35 =	vor.u32 v14, v48;
	v63 =	vld.idx.msk [tilespmem:v34+s1+$0x0], $0xffff  }
0x2f2: {  	v36 =	vmul.f32 v36, v18;
	s12 =	sadd.s32 $0x1, s12;
	v39 =	vmul.f32 v39, v18;
	v34 =	vor.u32 v15, v48;
	v48 =	vld.idx.msk [tilespmem:v51+s1+$0x0], $0xffff  }
0x2f3: {  	v33 =	vadd.f32 v43, v33;
	v41 =	vmul.f32 v41, v18;
	v43 =	vmul.f32 v44, v18;
	v51 =	vld [tilespmem:s12+$0x0]  }
0x2f4: {  	v32 =	vadd.f32 v46, v32;
	v45 =	vmul.f32 v45, v18;
	v47 =	vmul.f32 v47, v18;
	v44 =	vld.idx.msk [tilespmem:v49+s1+$0x0], $0xffff  }
0x2f5: {  	v31 =	vadd.f32 v36, v31;
	v49 =	vld.idx.msk [tilespmem:v50+s1+$0x0], $0xffff;
	v50 =	vmul.f32 v52, v18;
	v52 =	vmul.f32 v56, v18  }
0x2f6: {  	v30 =	vadd.f32 v39, v30;
	v56 =	vmul.f32 v60, v18;
	v60 =	vmul.f32 v62, v18;
	v53 =	vld.idx.msk [tilespmem:v53+s1+$0x0], $0xffff  }
0x2f7: {  	v28 =	vadd.f32 v41, v28;
	v27 =	vadd.f32 v43, v27;
	v43 =	vmul.f32 v63, v18;
	v46 =	vld.idx.msk [tilespmem:v54+s1+$0x0], $0xffff  }
.Ltmp9:
0x2f8: {  	v25 =	vadd.f32 v45, v25;
	v24 =	vadd.f32 v47, v24;
	v36 =	vld.idx.msk [tilespmem:v55+s1+$0x0], $0xffff;
	v48 =	vmul.f32 v48, v51;
	(pc) =	sbr.rel @p0 .LBB2_20-.Ltmp9, $4  }
0x2f9: {  	v23 =	vadd.f32 v50, v23;
	v22 =	vadd.f32 v52, v22;
	v18 =	vmov v51;
	v39 =	vld.idx.msk [tilespmem:v57+s1+$0x0], $0xffff  }
0x2fa: {  	v21 =	vadd.f32 v56, v21;
	v45 =	vmul.f32 v44, v18;
	v41 =	vld.idx.msk [tilespmem:v58+s1+$0x0], $0xffff;
	v17 =	vadd.f32 v48, v17  }
0x2fb: {  	v20 =	vadd.f32 v60, v20;
	v19 =	vadd.f32 v43, v19;
	v47 =	vmul.f32 v49, v18;
	v44 =	vld.idx.msk [tilespmem:v59+s1+$0x0], $0xffff  }
0x2fc: {  	v48 =	vadd.s32 s13, v0;
	s13 =	sadd.s32 $0x1, s13;
	v29 =	vadd.f32 v45, v29;
	v43 =	vmul.f32 v53, v18;
	v45 =	vld.idx.msk [tilespmem:v61+s1+$0x0], $0xffff  }
0x2fd: {  	_ =	sdelay $0x3  }
0x2fe: {  	v42 =	vld.idx.msk [tilespmem:v42+s1+$0x0], $0xffff  }
0x2ff: {  	v48 =	vand.u32 $0x7F, v48;
	v40 =	vld.idx.msk [tilespmem:v40+s1+$0x0], $0xffff  }
0x300: {  	v38 =	vld.idx.msk [tilespmem:v38+s1+$0x0], $0xffff;
	v49 =	vor.u32 v16, v48  }
0x301: {  	v37 =	vld.idx.msk [tilespmem:v37+s1+$0x0], $0xffff;
	v50 =	vor.u32 v1, v48  }
0x302: {  	v35 =	vld.idx.msk [tilespmem:v35+s1+$0x0], $0xffff;
	v51 =	vor.u32 v2, v48  }
0x303: {  	v34 =	vld.idx.msk [tilespmem:v34+s1+$0x0], $0xffff;
	s12 =	sadd.s32 $0x1, s12;
	v52 =	vor.u32 v3, v48  }
0x304: {  	v53 =	vor.u32 v4, v48;
	v55 =	vld [tilespmem:s12+$0x0]  }
0x305: {  	v54 =	vor.u32 v5, v48;
	v49 =	vld.idx.msk [tilespmem:v49+s1+$0x0], $0xffff  }
0x306: {  	v56 =	vor.u32 v6, v48;
	v50 =	vld.idx.msk [tilespmem:v50+s1+$0x0], $0xffff  }
0x307: {  	v57 =	vor.u32 v7, v48;
	v51 =	vld.idx.msk [tilespmem:v51+s1+$0x0], $0xffff  }
0x308: {  	v58 =	vor.u32 v8, v48;
	v52 =	vld.idx.msk [tilespmem:v52+s1+$0x0], $0xffff  }
0x309: {  	v59 =	vor.u32 v9, v48;
	v53 =	vld.idx.msk [tilespmem:v53+s1+$0x0], $0xffff  }
0x30a: {  	v60 =	vor.u32 v10, v48;
	v54 =	vld.idx.msk [tilespmem:v54+s1+$0x0], $0xffff  }
0x30b: {  	v61 =	vor.u32 v11, v48;
	v56 =	vld.idx.msk [tilespmem:v56+s1+$0x0], $0xffff  }
0x30c: {  	v62 =	vor.u32 v12, v48;
	v57 =	vld.idx.msk [tilespmem:v57+s1+$0x0], $0xffff  }
0x30d: {  	v63 =	vor.u32 v13, v48;
	v58 =	vld.idx.msk [tilespmem:v58+s1+$0x0], $0xffff  }
0x30e: {  	[tilespmem:$0x1FF80] =	vst v34;
	v34 =	vor.u32 v14, v48;
	v59 =	vld.idx.msk [tilespmem:v59+s1+$0x0], $0xffff  }
0x30f: {  	v48 =	vor.u32 v15, v48;
	v60 =	vld.idx.msk [tilespmem:v60+s1+$0x0], $0xffff  }
0x310: {  	v46 =	vmul.f32 v46, v18;
	v36 =	vmul.f32 v36, v18;
	v26 =	vadd.f32 v47, v26;
	v61 =	vld.idx.msk [tilespmem:v61+s1+$0x0], $0xffff  }
0x311: {  	v39 =	vmul.f32 v39, v18;
	v33 =	vadd.f32 v43, v33;
	v41 =	vmul.f32 v41, v18;
	v62 =	vld.idx.msk [tilespmem:v62+s1+$0x0], $0xffff  }
0x312: {  	v32 =	vadd.f32 v46, v32;
	v31 =	vadd.f32 v36, v31;
	v44 =	vmul.f32 v44, v18;
	v47 =	vld.idx.msk [tilespmem:v63+s1+$0x0], $0xffff  }
0x313: {  	v30 =	vadd.f32 v39, v30;
	v43 =	vmul.f32 v45, v18;
	v34 =	vld.idx.msk [tilespmem:v34+s1+$0x0], $0xffff;
	v63 =	vmul.f32 v50, v55  }
0x314: {  	v28 =	vadd.f32 v41, v28;
	v42 =	vmul.f32 v42, v18;
	v48 =	vld.idx.msk [tilespmem:v48+s1+$0x0], $0xffff;
	_ =	swait.ge [sflag:s10], $0x100;
	v51 =	vmul.f32 v51, v55  }
0x315: {  	v40 =	vmul.f32 v40, v18;
	v52 =	vmul.f32 v52, v55;
	[sflag:s10] =	ssyncset.done $0x0;
	v29 =	vadd.f32 v63, v29  }
0x316: {  	v37 =	vmul.f32 v37, v18;
	v53 =	vmul.f32 v53, v55;
	[sflag:s10] =	ssyncadd.s32 $0xFFFFFF00;
	v26 =	vadd.f32 v51, v26  }
0x317: {  	v35 =	vmul.f32 v35, v18;
	v54 =	vmul.f32 v54, v55;
	v33 =	vadd.f32 v52, v33;
	[tilespmem:$0x10200] =	vst v29  }
0x318: {  	v25 =	vadd.f32 v43, v25;
	v32 =	vadd.f32 v53, v32;
	v29 =	vmul.f32 v56, v55;
	[tilespmem:$0x10210] =	vst v26  }
0x319: {  	v31 =	vadd.f32 v54, v31;
	v26 =	vadd.f32 v44, v27;
	v27 =	vmul.f32 v57, v55;
	[tilespmem:$0x10220] =	vst v33  }
0x31a: {  	v24 =	vadd.f32 v42, v24;
	v58 =	vmul.f32 v58, v55;
	v57 =	vld [tilespmem:$0x1FF80];
	[tilespmem:$0x10230] =	vst v32;
	v29 =	vadd.f32 v29, v30  }
0x31b: {  	v23 =	vadd.f32 v40, v23;
	[tilespmem:$0x10240] =	vst v31;
	v30 =	vmul.f32 v59, v55;
	v27 =	vadd.f32 v27, v28  }
0x31c: {  	v50 =	vmul.f32 v38, v18;
	v28 =	vmul.f32 v60, v55;
	v26 =	vadd.f32 v58, v26;
	[tilespmem:$0x10250] =	vst v29  }
0x31d: {  	v21 =	vadd.f32 v37, v21;
	v29 =	vmul.f32 v61, v55;
	v25 =	vadd.f32 v30, v25;
	[tilespmem:$0x10260] =	vst v27  }
0x31e: {  	v22 =	vadd.f32 v50, v22;
	v27 =	vmul.f32 v62, v55;
	v24 =	vadd.f32 v28, v24;
	[tilespmem:$0x10270] =	vst v26  }
0x31f: {  	v26 =	vmul.f32 v47, v55;
	v18 =	vmul.f32 v57, v18;
	v23 =	vadd.f32 v29, v23;
	[tilespmem:$0x10280] =	vst v25  }
0x320: {  	v20 =	vadd.f32 v35, v20;
	v25 =	vmul.f32 v34, v55;
	v22 =	vadd.f32 v27, v22;
	[tilespmem:$0x10290] =	vst v24  }
0x321: {  	v21 =	vadd.f32 v26, v21;
	v18 =	vadd.f32 v18, v19;
	v19 =	vmul.f32 v48, v55;
	[tilespmem:$0x102A0] =	vst v23  }
0x322: {  	v23 =	vmul.f32 v49, v55;
	v20 =	vadd.f32 v25, v20;
	[tilespmem:$0x102B0] =	vst v22  }
0x323: {  	[tilespmem:$0x102C0] =	vst v21;
	v18 =	vadd.f32 v19, v18  }
0x324: {  	v17 =	vadd.f32 v23, v17;
	[tilespmem:$0x102D0] =	vst v20  }
0x325: {  	s13 =	simm.s32 $0x0;
	[tilespmem:$0x102E0] =	vst v18  }
0x326: {  	[tilespmem:$0x102F0] =	vst v17;
	v17 =	vadd.s32 s13, v0  }
0x327: {  	[hbm4b:s31+s13] =	stream.linear.scatter [tilespmem:s8], [sflag:$0x4], $0x100, $0x38;
	v17 =	vand.u32 $0x7F, v17;
	[tilespmem:$0x10300] =	vst v63  }
0x328: {  	v18 =	vor.u32 v16, v17  }
0x329: {  	[tilespmem:s1], [sflag:$0x2] =	stream.linear.gather [hbm4b:s16+s13], $0x8000, $0x38;
	[tilespmem:$0x10300] =	vst v63  }
0x32a: {  	v19 =	vor.u32 v1, v17;
	_ =	swait.ge [sflag:s4], $0x8000  }
0x32b: {  	v20 =	vor.u32 v2, v17;
	[sflag:s4] =	ssyncset.done $0x0  }
0x32c: {  	v21 =	vor.u32 v3, v17;
	[sflag:s4] =	ssyncadd.s32 $0xFFFF8000  }
0x32d: {  	s12 =	simm.s32 $0x10000;
	v23 =	vor.u32 v4, v17;
	v22 =	vld.idx.msk [tilespmem:v18+s2+$0x0], $0xffff  }
0x32e: {  	v33 =	vimm.f32 $0.0e+00;
	v25 =	vor.u32 v6, v17;
	v18 =	vld [tilespmem:s12+$0x0]  }
0x32f: {  	v32 =	vimm.f32 $0.0e+00;
	v31 =	vimm.f32 $0.0e+00;
	v27 =	vor.u32 v7, v17;
	v19 =	vld.idx.msk [tilespmem:v19+s2+$0x0], $0xffff  }
0x330: {  	v30 =	vimm.f32 $0.0e+00;
	v28 =	vimm.f32 $0.0e+00;
	v24 =	vor.u32 v5, v17;
	v20 =	vld.idx.msk [tilespmem:v20+s2+$0x0], $0xffff  }
0x331: {  	v26 =	vimm.f32 $0.0e+00;
	v62 =	vor.u32 v8, v17;
	v63 =	vor.u32 v9, v17;
	v21 =	vld.idx.msk [tilespmem:v21+s2+$0x0], $0xffff  }
0x332: {  	v42 =	vor.u32 v10, v17;
	v40 =	vor.u32 v11, v17;
	v38 =	vor.u32 v12, v17;
	v46 =	vld.idx.msk [tilespmem:v23+s2+$0x0], $0xffff  }
0x333: {  	v37 =	vor.u32 v13, v17;
	v35 =	vor.u32 v14, v17;
	v34 =	vor.u32 v15, v17;
	s13 =	simm.s32 $0x1;
	v39 =	vld.idx.msk [tilespmem:v25+s2+$0x0], $0xffff  }
0x334: {  	v48 =	vadd.s32 s13, v0;
	v41 =	vld.idx.msk [tilespmem:v27+s2+$0x0], $0xffff;
	v27 =	vimm.f32 $0.0e+00;
	v25 =	vimm.f32 $0.0e+00  }
0x335: {  	v36 =	vld.idx.msk [tilespmem:v24+s2+$0x0], $0xffff;
	v24 =	vimm.f32 $0.0e+00;
	v22 =	vmul.f32 v22, v18;
	v19 =	vmul.f32 v19, v18  }
0x336: {  	v23 =	vimm.f32 $0.0e+00;
	v47 =	vmul.f32 v20, v18;
	v43 =	vmul.f32 v21, v18  }
0x337: {  	v44 =	vld.idx.msk [tilespmem:v62+s2+$0x0], $0xffff;
	v21 =	vimm.f32 $0.0e+00;
	v20 =	vimm.f32 $0.0e+00;
	v17 =	vadd.f32 v22, v26  }
0x338: {  	s13 =	simm.s32 $0x2;
	v45 =	vld.idx.msk [tilespmem:v63+s2+$0x0], $0xffff;
	v29 =	vadd.f32 v19, v26;
	v22 =	vimm.f32 $0.0e+00;
	v19 =	vimm.f32 $0.0e+00  }
.LBB2_22:
0x339: {  	p0 =	sne.s32 s13, $0x7F;
	v48 =	vand.u32 $0x7F, v48;
	v26 =	vadd.f32 v47, v26;
	v46 =	vmul.f32 v46, v18;
	v47 =	vld.idx.msk [tilespmem:v42+s2+$0x0], $0xffff  }
0x33a: {  	v49 =	vor.u32 v1, v48;
	v50 =	vor.u32 v2, v48;
	v51 =	vor.u32 v16, v48;
	v52 =	vld.idx.msk [tilespmem:v40+s2+$0x0], $0xffff  }
0x33b: {  	v53 =	vor.u32 v3, v48;
	v54 =	vor.u32 v4, v48;
	v55 =	vor.u32 v5, v48;
	v56 =	vld.idx.msk [tilespmem:v38+s2+$0x0], $0xffff  }
0x33c: {  	v57 =	vor.u32 v6, v48;
	v58 =	vor.u32 v7, v48;
	v59 =	vor.u32 v8, v48;
	v60 =	vld.idx.msk [tilespmem:v37+s2+$0x0], $0xffff  }
0x33d: {  	v61 =	vor.u32 v9, v48;
	v42 =	vor.u32 v10, v48;
	v40 =	vor.u32 v11, v48;
	v62 =	vld.idx.msk [tilespmem:v35+s2+$0x0], $0xffff  }
0x33e: {  	v38 =	vor.u32 v12, v48;
	v37 =	vor.u32 v13, v48;
	v35 =	vor.u32 v14, v48;
	v63 =	vld.idx.msk [tilespmem:v34+s2+$0x0], $0xffff  }
0x33f: {  	v36 =	vmul.f32 v36, v18;
	s12 =	sadd.s32 $0x1, s12;
	v39 =	vmul.f32 v39, v18;
	v34 =	vor.u32 v15, v48;
	v48 =	vld.idx.msk [tilespmem:v51+s2+$0x0], $0xffff  }
0x340: {  	v33 =	vadd.f32 v43, v33;
	v41 =	vmul.f32 v41, v18;
	v43 =	vmul.f32 v44, v18;
	v51 =	vld [tilespmem:s12+$0x0]  }
0x341: {  	v32 =	vadd.f32 v46, v32;
	v45 =	vmul.f32 v45, v18;
	v47 =	vmul.f32 v47, v18;
	v44 =	vld.idx.msk [tilespmem:v49+s2+$0x0], $0xffff  }
0x342: {  	v31 =	vadd.f32 v36, v31;
	v49 =	vld.idx.msk [tilespmem:v50+s2+$0x0], $0xffff;
	v50 =	vmul.f32 v52, v18;
	v52 =	vmul.f32 v56, v18  }
0x343: {  	v30 =	vadd.f32 v39, v30;
	v56 =	vmul.f32 v60, v18;
	v60 =	vmul.f32 v62, v18;
	v53 =	vld.idx.msk [tilespmem:v53+s2+$0x0], $0xffff  }
0x344: {  	v28 =	vadd.f32 v41, v28;
	v27 =	vadd.f32 v43, v27;
	v43 =	vmul.f32 v63, v18;
	v46 =	vld.idx.msk [tilespmem:v54+s2+$0x0], $0xffff  }
.Ltmp10:
0x345: {  	v25 =	vadd.f32 v45, v25;
	v24 =	vadd.f32 v47, v24;
	v36 =	vld.idx.msk [tilespmem:v55+s2+$0x0], $0xffff;
	v48 =	vmul.f32 v48, v51;
	(pc) =	sbr.rel @p0 .LBB2_22-.Ltmp10, $4  }
0x346: {  	v23 =	vadd.f32 v50, v23;
	v22 =	vadd.f32 v52, v22;
	v18 =	vmov v51;
	v39 =	vld.idx.msk [tilespmem:v57+s2+$0x0], $0xffff  }
0x347: {  	v21 =	vadd.f32 v56, v21;
	v45 =	vmul.f32 v44, v18;
	v41 =	vld.idx.msk [tilespmem:v58+s2+$0x0], $0xffff;
	v17 =	vadd.f32 v48, v17  }
0x348: {  	v20 =	vadd.f32 v60, v20;
	v19 =	vadd.f32 v43, v19;
	v47 =	vmul.f32 v49, v18;
	v44 =	vld.idx.msk [tilespmem:v59+s2+$0x0], $0xffff  }
0x349: {  	v48 =	vadd.s32 s13, v0;
	s13 =	sadd.s32 $0x1, s13;
	v29 =	vadd.f32 v45, v29;
	v43 =	vmul.f32 v53, v18;
	v45 =	vld.idx.msk [tilespmem:v61+s2+$0x0], $0xffff  }
0x34a: {  	_ =	sdelay $0x3  }
0x34b: {  	v42 =	vld.idx.msk [tilespmem:v42+s2+$0x0], $0xffff  }
0x34c: {  	v48 =	vand.u32 $0x7F, v48;
	v40 =	vld.idx.msk [tilespmem:v40+s2+$0x0], $0xffff  }
0x34d: {  	v38 =	vld.idx.msk [tilespmem:v38+s2+$0x0], $0xffff;
	v49 =	vor.u32 v16, v48  }
0x34e: {  	v37 =	vld.idx.msk [tilespmem:v37+s2+$0x0], $0xffff;
	v50 =	vor.u32 v1, v48  }
0x34f: {  	v35 =	vld.idx.msk [tilespmem:v35+s2+$0x0], $0xffff;
	v51 =	vor.u32 v2, v48  }
0x350: {  	v34 =	vld.idx.msk [tilespmem:v34+s2+$0x0], $0xffff;
	s12 =	sadd.s32 $0x1, s12;
	v52 =	vor.u32 v3, v48  }
0x351: {  	v53 =	vor.u32 v4, v48;
	v55 =	vld [tilespmem:s12+$0x0]  }
0x352: {  	v54 =	vor.u32 v5, v48;
	v49 =	vld.idx.msk [tilespmem:v49+s2+$0x0], $0xffff  }
0x353: {  	v56 =	vor.u32 v6, v48;
	v50 =	vld.idx.msk [tilespmem:v50+s2+$0x0], $0xffff  }
0x354: {  	v57 =	vor.u32 v7, v48;
	v51 =	vld.idx.msk [tilespmem:v51+s2+$0x0], $0xffff  }
0x355: {  	v58 =	vor.u32 v8, v48;
	v52 =	vld.idx.msk [tilespmem:v52+s2+$0x0], $0xffff  }
0x356: {  	v59 =	vor.u32 v9, v48;
	v53 =	vld.idx.msk [tilespmem:v53+s2+$0x0], $0xffff  }
0x357: {  	v60 =	vor.u32 v10, v48;
	v54 =	vld.idx.msk [tilespmem:v54+s2+$0x0], $0xffff  }
0x358: {  	v61 =	vor.u32 v11, v48;
	v56 =	vld.idx.msk [tilespmem:v56+s2+$0x0], $0xffff  }
0x359: {  	v62 =	vor.u32 v12, v48;
	v57 =	vld.idx.msk [tilespmem:v57+s2+$0x0], $0xffff  }
0x35a: {  	v63 =	vor.u32 v13, v48;
	v58 =	vld.idx.msk [tilespmem:v58+s2+$0x0], $0xffff  }
0x35b: {  	[tilespmem:$0x1FF70] =	vst v34;
	v34 =	vor.u32 v14, v48;
	v59 =	vld.idx.msk [tilespmem:v59+s2+$0x0], $0xffff  }
0x35c: {  	v48 =	vor.u32 v15, v48;
	v60 =	vld.idx.msk [tilespmem:v60+s2+$0x0], $0xffff  }
0x35d: {  	v46 =	vmul.f32 v46, v18;
	v36 =	vmul.f32 v36, v18;
	v26 =	vadd.f32 v47, v26;
	v61 =	vld.idx.msk [tilespmem:v61+s2+$0x0], $0xffff  }
0x35e: {  	v39 =	vmul.f32 v39, v18;
	v33 =	vadd.f32 v43, v33;
	v41 =	vmul.f32 v41, v18;
	v62 =	vld.idx.msk [tilespmem:v62+s2+$0x0], $0xffff  }
0x35f: {  	v32 =	vadd.f32 v46, v32;
	v31 =	vadd.f32 v36, v31;
	v44 =	vmul.f32 v44, v18;
	v47 =	vld.idx.msk [tilespmem:v63+s2+$0x0], $0xffff  }
0x360: {  	v30 =	vadd.f32 v39, v30;
	v43 =	vmul.f32 v45, v18;
	v34 =	vld.idx.msk [tilespmem:v34+s2+$0x0], $0xffff;
	v63 =	vmul.f32 v50, v55  }
0x361: {  	v28 =	vadd.f32 v41, v28;
	v42 =	vmul.f32 v42, v18;
	v48 =	vld.idx.msk [tilespmem:v48+s2+$0x0], $0xffff;
	_ =	swait.ge [sflag:s9], $0x100;
	v51 =	vmul.f32 v51, v55  }
0x362: {  	v40 =	vmul.f32 v40, v18;
	v52 =	vmul.f32 v52, v55;
	[sflag:s9] =	ssyncset.done $0x0;
	v29 =	vadd.f32 v63, v29  }
0x363: {  	v37 =	vmul.f32 v37, v18;
	v53 =	vmul.f32 v53, v55;
	[sflag:s9] =	ssyncadd.s32 $0xFFFFFF00;
	v26 =	vadd.f32 v51, v26  }
0x364: {  	v35 =	vmul.f32 v35, v18;
	v54 =	vmul.f32 v54, v55;
	v33 =	vadd.f32 v52, v33;
	[tilespmem:$0x10100] =	vst v29  }
0x365: {  	v25 =	vadd.f32 v43, v25;
	v32 =	vadd.f32 v53, v32;
	v29 =	vmul.f32 v56, v55;
	[tilespmem:$0x10110] =	vst v26  }
0x366: {  	v31 =	vadd.f32 v54, v31;
	v26 =	vadd.f32 v44, v27;
	v27 =	vmul.f32 v57, v55;
	[tilespmem:$0x10120] =	vst v33  }
0x367: {  	v24 =	vadd.f32 v42, v24;
	v58 =	vmul.f32 v58, v55;
	v57 =	vld [tilespmem:$0x1FF70];
	[tilespmem:$0x10130] =	vst v32;
	v29 =	vadd.f32 v29, v30  }
0x368: {  	v23 =	vadd.f32 v40, v23;
	[tilespmem:$0x10140] =	vst v31;
	v30 =	vmul.f32 v59, v55;
	v27 =	vadd.f32 v27, v28  }
0x369: {  	v50 =	vmul.f32 v38, v18;
	v28 =	vmul.f32 v60, v55;
	v26 =	vadd.f32 v58, v26;
	[tilespmem:$0x10150] =	vst v29  }
0x36a: {  	v21 =	vadd.f32 v37, v21;
	v29 =	vmul.f32 v61, v55;
	v25 =	vadd.f32 v30, v25;
	[tilespmem:$0x10160] =	vst v27  }
0x36b: {  	v22 =	vadd.f32 v50, v22;
	v27 =	vmul.f32 v62, v55;
	v24 =	vadd.f32 v28, v24;
	[tilespmem:$0x10170] =	vst v26  }
0x36c: {  	v26 =	vmul.f32 v47, v55;
	v18 =	vmul.f32 v57, v18;
	v23 =	vadd.f32 v29, v23;
	[tilespmem:$0x10180] =	vst v25  }
0x36d: {  	v20 =	vadd.f32 v35, v20;
	v25 =	vmul.f32 v34, v55;
	v22 =	vadd.f32 v27, v22;
	[tilespmem:$0x10190] =	vst v24  }
0x36e: {  	v21 =	vadd.f32 v26, v21;
	v18 =	vadd.f32 v18, v19;
	v19 =	vmul.f32 v48, v55;
	[tilespmem:$0x101A0] =	vst v23  }
0x36f: {  	v23 =	vmul.f32 v49, v55;
	v20 =	vadd.f32 v25, v20;
	[tilespmem:$0x101B0] =	vst v22  }
0x370: {  	[tilespmem:$0x101C0] =	vst v21;
	v18 =	vadd.f32 v19, v18  }
0x371: {  	v17 =	vadd.f32 v23, v17;
	[tilespmem:$0x101D0] =	vst v20  }
0x372: {  	s13 =	simm.s32 $0x0;
	[tilespmem:$0x101E0] =	vst v18  }
0x373: {  	[tilespmem:$0x101F0] =	vst v17;
	v17 =	vadd.s32 s13, v0  }
0x374: {  	[hbm4b:s20+s13] =	stream.linear.scatter [tilespmem:s5], [sflag:$0x3], $0x100, $0x38;
	v17 =	vand.u32 $0x7F, v17;
	[tilespmem:$0x10300] =	vst v63  }
0x375: {  	v18 =	vor.u32 v16, v17  }
0x376: {  	[tilespmem:s13], [sflag:$0x1] =	stream.linear.gather [hbm4b:s17+s13], $0x8000, $0x38;
	[tilespmem:$0x10300] =	vst v63  }
0x377: {  	v19 =	vor.u32 v1, v17;
	_ =	swait.ge [sflag:s7], $0x8000  }
0x378: {  	v20 =	vor.u32 v2, v17;
	[sflag:s7] =	ssyncset.done $0x0  }
0x379: {  	v21 =	vor.u32 v3, v17;
	[sflag:s7] =	ssyncadd.s32 $0xFFFF8000  }
0x37a: {  	s12 =	simm.s32 $0x10000;
	v23 =	vor.u32 v4, v17;
	v22 =	vld.idx.msk [tilespmem:v18+s1+$0x0], $0xffff  }
0x37b: {  	v33 =	vimm.f32 $0.0e+00;
	v25 =	vor.u32 v6, v17;
	v18 =	vld [tilespmem:s12+$0x0]  }
0x37c: {  	v32 =	vimm.f32 $0.0e+00;
	v31 =	vimm.f32 $0.0e+00;
	v27 =	vor.u32 v7, v17;
	v19 =	vld.idx.msk [tilespmem:v19+s1+$0x0], $0xffff  }
0x37d: {  	v30 =	vimm.f32 $0.0e+00;
	v28 =	vimm.f32 $0.0e+00;
	v24 =	vor.u32 v5, v17;
	v20 =	vld.idx.msk [tilespmem:v20+s1+$0x0], $0xffff  }
0x37e: {  	v26 =	vimm.f32 $0.0e+00;
	v62 =	vor.u32 v8, v17;
	v63 =	vor.u32 v9, v17;
	v21 =	vld.idx.msk [tilespmem:v21+s1+$0x0], $0xffff  }
0x37f: {  	v42 =	vor.u32 v10, v17;
	v40 =	vor.u32 v11, v17;
	v38 =	vor.u32 v12, v17;
	v46 =	vld.idx.msk [tilespmem:v23+s1+$0x0], $0xffff  }
0x380: {  	v37 =	vor.u32 v13, v17;
	v35 =	vor.u32 v14, v17;
	v34 =	vor.u32 v15, v17;
	s13 =	simm.s32 $0x1;
	v39 =	vld.idx.msk [tilespmem:v25+s1+$0x0], $0xffff  }
0x381: {  	v48 =	vadd.s32 s13, v0;
	v41 =	vld.idx.msk [tilespmem:v27+s1+$0x0], $0xffff;
	v27 =	vimm.f32 $0.0e+00;
	v25 =	vimm.f32 $0.0e+00  }
0x382: {  	v36 =	vld.idx.msk [tilespmem:v24+s1+$0x0], $0xffff;
	v24 =	vimm.f32 $0.0e+00;
	v22 =	vmul.f32 v22, v18;
	v19 =	vmul.f32 v19, v18  }
0x383: {  	v23 =	vimm.f32 $0.0e+00;
	v47 =	vmul.f32 v20, v18;
	v43 =	vmul.f32 v21, v18  }
0x384: {  	v44 =	vld.idx.msk [tilespmem:v62+s1+$0x0], $0xffff;
	v21 =	vimm.f32 $0.0e+00;
	v20 =	vimm.f32 $0.0e+00;
	v17 =	vadd.f32 v22, v26  }
0x385: {  	s13 =	simm.s32 $0x2;
	v45 =	vld.idx.msk [tilespmem:v63+s1+$0x0], $0xffff;
	v29 =	vadd.f32 v19, v26;
	v22 =	vimm.f32 $0.0e+00;
	v19 =	vimm.f32 $0.0e+00  }
.LBB2_24:
0x386: {  	p0 =	sne.s32 s13, $0x7F;
	v48 =	vand.u32 $0x7F, v48;
	v26 =	vadd.f32 v47, v26;
	v46 =	vmul.f32 v46, v18;
	v47 =	vld.idx.msk [tilespmem:v42+s1+$0x0], $0xffff  }
0x387: {  	v49 =	vor.u32 v1, v48;
	v50 =	vor.u32 v2, v48;
	v51 =	vor.u32 v16, v48;
	v52 =	vld.idx.msk [tilespmem:v40+s1+$0x0], $0xffff  }
0x388: {  	v53 =	vor.u32 v3, v48;
	v54 =	vor.u32 v4, v48;
	v55 =	vor.u32 v5, v48;
	v56 =	vld.idx.msk [tilespmem:v38+s1+$0x0], $0xffff  }
0x389: {  	v57 =	vor.u32 v6, v48;
	v58 =	vor.u32 v7, v48;
	v59 =	vor.u32 v8, v48;
	v60 =	vld.idx.msk [tilespmem:v37+s1+$0x0], $0xffff  }
0x38a: {  	v61 =	vor.u32 v9, v48;
	v42 =	vor.u32 v10, v48;
	v40 =	vor.u32 v11, v48;
	v62 =	vld.idx.msk [tilespmem:v35+s1+$0x0], $0xffff  }
0x38b: {  	v38 =	vor.u32 v12, v48;
	v37 =	vor.u32 v13, v48;
	v35 =	vor.u32 v14, v48;
	v63 =	vld.idx.msk [tilespmem:v34+s1+$0x0], $0xffff  }
0x38c: {  	v36 =	vmul.f32 v36, v18;
	s12 =	sadd.s32 $0x1, s12;
	v39 =	vmul.f32 v39, v18;
	v34 =	vor.u32 v15, v48;
	v48 =	vld.idx.msk [tilespmem:v51+s1+$0x0], $0xffff  }
0x38d: {  	v33 =	vadd.f32 v43, v33;
	v41 =	vmul.f32 v41, v18;
	v43 =	vmul.f32 v44, v18;
	v51 =	vld [tilespmem:s12+$0x0]  }
0x38e: {  	v32 =	vadd.f32 v46, v32;
	v45 =	vmul.f32 v45, v18;
	v47 =	vmul.f32 v47, v18;
	v44 =	vld.idx.msk [tilespmem:v49+s1+$0x0], $0xffff  }
0x38f: {  	v31 =	vadd.f32 v36, v31;
	v49 =	vld.idx.msk [tilespmem:v50+s1+$0x0], $0xffff;
	v50 =	vmul.f32 v52, v18;
	v52 =	vmul.f32 v56, v18  }
0x390: {  	v30 =	vadd.f32 v39, v30;
	v56 =	vmul.f32 v60, v18;
	v60 =	vmul.f32 v62, v18;
	v53 =	vld.idx.msk [tilespmem:v53+s1+$0x0], $0xffff  }
0x391: {  	v28 =	vadd.f32 v41, v28;
	v27 =	vadd.f32 v43, v27;
	v43 =	vmul.f32 v63, v18;
	v46 =	vld.idx.msk [tilespmem:v54+s1+$0x0], $0xffff  }
.Ltmp11:
0x392: {  	v25 =	vadd.f32 v45, v25;
	v24 =	vadd.f32 v47, v24;
	v36 =	vld.idx.msk [tilespmem:v55+s1+$0x0], $0xffff;
	v48 =	vmul.f32 v48, v51;
	(pc) =	sbr.rel @p0 .LBB2_24-.Ltmp11, $4  }
0x393: {  	v23 =	vadd.f32 v50, v23;
	v22 =	vadd.f32 v52, v22;
	v18 =	vmov v51;
	v39 =	vld.idx.msk [tilespmem:v57+s1+$0x0], $0xffff  }
0x394: {  	v21 =	vadd.f32 v56, v21;
	v45 =	vmul.f32 v44, v18;
	v41 =	vld.idx.msk [tilespmem:v58+s1+$0x0], $0xffff;
	v17 =	vadd.f32 v48, v17  }
0x395: {  	v20 =	vadd.f32 v60, v20;
	v19 =	vadd.f32 v43, v19;
	v47 =	vmul.f32 v49, v18;
	v44 =	vld.idx.msk [tilespmem:v59+s1+$0x0], $0xffff  }
0x396: {  	v48 =	vadd.s32 s13, v0;
	s13 =	sadd.s32 $0x1, s13;
	v29 =	vadd.f32 v45, v29;
	v43 =	vmul.f32 v53, v18;
	v45 =	vld.idx.msk [tilespmem:v61+s1+$0x0], $0xffff  }
0x397: {  	_ =	sdelay $0x3  }
0x398: {  	v42 =	vld.idx.msk [tilespmem:v42+s1+$0x0], $0xffff  }
0x399: {  	v48 =	vand.u32 $0x7F, v48;
	v40 =	vld.idx.msk [tilespmem:v40+s1+$0x0], $0xffff  }
0x39a: {  	v38 =	vld.idx.msk [tilespmem:v38+s1+$0x0], $0xffff;
	v49 =	vor.u32 v16, v48  }
0x39b: {  	v37 =	vld.idx.msk [tilespmem:v37+s1+$0x0], $0xffff;
	v50 =	vor.u32 v1, v48  }
0x39c: {  	v35 =	vld.idx.msk [tilespmem:v35+s1+$0x0], $0xffff;
	v51 =	vor.u32 v2, v48  }
0x39d: {  	v34 =	vld.idx.msk [tilespmem:v34+s1+$0x0], $0xffff;
	s12 =	sadd.s32 $0x1, s12;
	v52 =	vor.u32 v3, v48  }
0x39e: {  	v53 =	vor.u32 v4, v48;
	v55 =	vld [tilespmem:s12+$0x0]  }
0x39f: {  	v54 =	vor.u32 v5, v48;
	v49 =	vld.idx.msk [tilespmem:v49+s1+$0x0], $0xffff  }
0x3a0: {  	v56 =	vor.u32 v6, v48;
	v50 =	vld.idx.msk [tilespmem:v50+s1+$0x0], $0xffff  }
0x3a1: {  	v57 =	vor.u32 v7, v48;
	v51 =	vld.idx.msk [tilespmem:v51+s1+$0x0], $0xffff  }
0x3a2: {  	v58 =	vor.u32 v8, v48;
	v52 =	vld.idx.msk [tilespmem:v52+s1+$0x0], $0xffff  }
0x3a3: {  	v59 =	vor.u32 v9, v48;
	v53 =	vld.idx.msk [tilespmem:v53+s1+$0x0], $0xffff  }
0x3a4: {  	v60 =	vor.u32 v10, v48;
	v54 =	vld.idx.msk [tilespmem:v54+s1+$0x0], $0xffff  }
0x3a5: {  	v61 =	vor.u32 v11, v48;
	v56 =	vld.idx.msk [tilespmem:v56+s1+$0x0], $0xffff  }
0x3a6: {  	v62 =	vor.u32 v12, v48;
	v57 =	vld.idx.msk [tilespmem:v57+s1+$0x0], $0xffff  }
0x3a7: {  	v63 =	vor.u32 v13, v48;
	v58 =	vld.idx.msk [tilespmem:v58+s1+$0x0], $0xffff  }
0x3a8: {  	[tilespmem:$0x1FF60] =	vst v34;
	v34 =	vor.u32 v14, v48;
	v59 =	vld.idx.msk [tilespmem:v59+s1+$0x0], $0xffff  }
0x3a9: {  	v48 =	vor.u32 v15, v48;
	v60 =	vld.idx.msk [tilespmem:v60+s1+$0x0], $0xffff  }
0x3aa: {  	v46 =	vmul.f32 v46, v18;
	v36 =	vmul.f32 v36, v18;
	v26 =	vadd.f32 v47, v26;
	v61 =	vld.idx.msk [tilespmem:v61+s1+$0x0], $0xffff  }
0x3ab: {  	v39 =	vmul.f32 v39, v18;
	v33 =	vadd.f32 v43, v33;
	v41 =	vmul.f32 v41, v18;
	v62 =	vld.idx.msk [tilespmem:v62+s1+$0x0], $0xffff  }
0x3ac: {  	v32 =	vadd.f32 v46, v32;
	v31 =	vadd.f32 v36, v31;
	v44 =	vmul.f32 v44, v18;
	v47 =	vld.idx.msk [tilespmem:v63+s1+$0x0], $0xffff  }
0x3ad: {  	v30 =	vadd.f32 v39, v30;
	v43 =	vmul.f32 v45, v18;
	v34 =	vld.idx.msk [tilespmem:v34+s1+$0x0], $0xffff;
	v63 =	vmul.f32 v50, v55  }
0x3ae: {  	v28 =	vadd.f32 v41, v28;
	v42 =	vmul.f32 v42, v18;
	v48 =	vld.idx.msk [tilespmem:v48+s1+$0x0], $0xffff;
	_ =	swait.ge [sflag:s10], $0x100;
	v51 =	vmul.f32 v51, v55  }
0x3af: {  	v40 =	vmul.f32 v40, v18;
	v52 =	vmul.f32 v52, v55;
	[sflag:s10] =	ssyncset.done $0x0;
	v29 =	vadd.f32 v63, v29  }
0x3b0: {  	v37 =	vmul.f32 v37, v18;
	v53 =	vmul.f32 v53, v55;
	[sflag:s10] =	ssyncadd.s32 $0xFFFFFF00;
	v26 =	vadd.f32 v51, v26  }
0x3b1: {  	v35 =	vmul.f32 v35, v18;
	v54 =	vmul.f32 v54, v55;
	v33 =	vadd.f32 v52, v33;
	[tilespmem:$0x10200] =	vst v29  }
0x3b2: {  	v25 =	vadd.f32 v43, v25;
	v32 =	vadd.f32 v53, v32;
	v29 =	vmul.f32 v56, v55;
	[tilespmem:$0x10210] =	vst v26  }
0x3b3: {  	v31 =	vadd.f32 v54, v31;
	v26 =	vadd.f32 v44, v27;
	v27 =	vmul.f32 v57, v55;
	[tilespmem:$0x10220] =	vst v33  }
0x3b4: {  	v24 =	vadd.f32 v42, v24;
	v58 =	vmul.f32 v58, v55;
	v57 =	vld [tilespmem:$0x1FF60];
	[tilespmem:$0x10230] =	vst v32;
	v29 =	vadd.f32 v29, v30  }
0x3b5: {  	v23 =	vadd.f32 v40, v23;
	[tilespmem:$0x10240] =	vst v31;
	v30 =	vmul.f32 v59, v55;
	v27 =	vadd.f32 v27, v28  }
0x3b6: {  	v50 =	vmul.f32 v38, v18;
	v28 =	vmul.f32 v60, v55;
	v26 =	vadd.f32 v58, v26;
	[tilespmem:$0x10250] =	vst v29  }
0x3b7: {  	v21 =	vadd.f32 v37, v21;
	v29 =	vmul.f32 v61, v55;
	v25 =	vadd.f32 v30, v25;
	[tilespmem:$0x10260] =	vst v27  }
0x3b8: {  	v22 =	vadd.f32 v50, v22;
	v27 =	vmul.f32 v62, v55;
	v24 =	vadd.f32 v28, v24;
	[tilespmem:$0x10270] =	vst v26  }
0x3b9: {  	v26 =	vmul.f32 v47, v55;
	v18 =	vmul.f32 v57, v18;
	v23 =	vadd.f32 v29, v23;
	[tilespmem:$0x10280] =	vst v25  }
0x3ba: {  	v20 =	vadd.f32 v35, v20;
	v25 =	vmul.f32 v34, v55;
	v22 =	vadd.f32 v27, v22;
	[tilespmem:$0x10290] =	vst v24  }
0x3bb: {  	v21 =	vadd.f32 v26, v21;
	v18 =	vadd.f32 v18, v19;
	v19 =	vmul.f32 v48, v55;
	[tilespmem:$0x102A0] =	vst v23  }
0x3bc: {  	v23 =	vmul.f32 v49, v55;
	v20 =	vadd.f32 v25, v20;
	[tilespmem:$0x102B0] =	vst v22  }
0x3bd: {  	s13 =	simm.s32 $0x0;
	[tilespmem:$0x102C0] =	vst v21;
	v18 =	vadd.f32 v19, v18  }
0x3be: {  	v19 =	vadd.s32 s13, v0;
	v17 =	vadd.f32 v23, v17;
	[tilespmem:$0x102D0] =	vst v20  }
0x3bf: {  	v19 =	vand.u32 $0x7F, v19;
	[tilespmem:$0x102E0] =	vst v18  }
0x3c0: {  	[tilespmem:$0x102F0] =	vst v17;
	v17 =	vor.u32 v16, v19  }
0x3c1: {  	[hbm4b:s21+s13] =	stream.linear.scatter [tilespmem:s8], [sflag:$0x4], $0x100, $0x38;
	[tilespmem:$0x10300] =	vst v63  }
0x3c2: {  	v20 =	vor.u32 v1, v19;
	_ =	swait.ge [sflag:s4], $0x8000  }
0x3c3: {  	v21 =	vor.u32 v2, v19;
	[sflag:s4] =	ssyncset.done $0x0  }
0x3c4: {  	v22 =	vor.u32 v3, v19;
	[sflag:s4] =	ssyncadd.s32 $0xFFFF8000  }
0x3c5: {  	s12 =	simm.s32 $0x10000;
	v23 =	vor.u32 v4, v19;
	v17 =	vld.idx.msk [tilespmem:v17+s2+$0x0], $0xffff  }
0x3c6: {  	v33 =	vimm.f32 $0.0e+00;
	v25 =	vor.u32 v6, v19;
	v18 =	vld [tilespmem:s12+$0x0]  }
0x3c7: {  	v32 =	vimm.f32 $0.0e+00;
	v31 =	vimm.f32 $0.0e+00;
	v27 =	vor.u32 v7, v19;
	v20 =	vld.idx.msk [tilespmem:v20+s2+$0x0], $0xffff  }
0x3c8: {  	v30 =	vimm.f32 $0.0e+00;
	v28 =	vimm.f32 $0.0e+00;
	v24 =	vor.u32 v5, v19;
	v21 =	vld.idx.msk [tilespmem:v21+s2+$0x0], $0xffff  }
0x3c9: {  	v26 =	vimm.f32 $0.0e+00;
	v62 =	vor.u32 v8, v19;
	v63 =	vor.u32 v9, v19;
	v22 =	vld.idx.msk [tilespmem:v22+s2+$0x0], $0xffff  }
0x3ca: {  	v42 =	vor.u32 v10, v19;
	v40 =	vor.u32 v11, v19;
	v38 =	vor.u32 v12, v19;
	v46 =	vld.idx.msk [tilespmem:v23+s2+$0x0], $0xffff  }
0x3cb: {  	v37 =	vor.u32 v13, v19;
	v35 =	vor.u32 v14, v19;
	v34 =	vor.u32 v15, v19;
	s13 =	simm.s32 $0x1;
	v39 =	vld.idx.msk [tilespmem:v25+s2+$0x0], $0xffff  }
0x3cc: {  	v48 =	vadd.s32 s13, v0;
	v41 =	vld.idx.msk [tilespmem:v27+s2+$0x0], $0xffff;
	v27 =	vimm.f32 $0.0e+00;
	v25 =	vimm.f32 $0.0e+00  }
0x3cd: {  	v36 =	vld.idx.msk [tilespmem:v24+s2+$0x0], $0xffff;
	v24 =	vimm.f32 $0.0e+00;
	v17 =	vmul.f32 v17, v18;
	v19 =	vmul.f32 v20, v18  }
0x3ce: {  	v23 =	vimm.f32 $0.0e+00;
	v47 =	vmul.f32 v21, v18;
	v43 =	vmul.f32 v22, v18  }
0x3cf: {  	v44 =	vld.idx.msk [tilespmem:v62+s2+$0x0], $0xffff;
	v22 =	vimm.f32 $0.0e+00;
	v21 =	vimm.f32 $0.0e+00;
	v20 =	vimm.f32 $0.0e+00  }
0x3d0: {  	s13 =	simm.s32 $0x2;
	v45 =	vld.idx.msk [tilespmem:v63+s2+$0x0], $0xffff;
	v17 =	vadd.f32 v17, v26;
	v29 =	vadd.f32 v19, v26;
	v19 =	vimm.f32 $0.0e+00  }
.LBB2_26:
0x3d1: {  	p0 =	sne.s32 s13, $0x7F;
	v48 =	vand.u32 $0x7F, v48;
	v26 =	vadd.f32 v47, v26;
	v46 =	vmul.f32 v46, v18;
	v47 =	vld.idx.msk [tilespmem:v42+s2+$0x0], $0xffff  }
0x3d2: {  	v49 =	vor.u32 v1, v48;
	v50 =	vor.u32 v2, v48;
	v51 =	vor.u32 v16, v48;
	v52 =	vld.idx.msk [tilespmem:v40+s2+$0x0], $0xffff  }
0x3d3: {  	v53 =	vor.u32 v3, v48;
	v54 =	vor.u32 v4, v48;
	v55 =	vor.u32 v5, v48;
	v56 =	vld.idx.msk [tilespmem:v38+s2+$0x0], $0xffff  }
0x3d4: {  	v57 =	vor.u32 v6, v48;
	v58 =	vor.u32 v7, v48;
	v59 =	vor.u32 v8, v48;
	v60 =	vld.idx.msk [tilespmem:v37+s2+$0x0], $0xffff  }
0x3d5: {  	v61 =	vor.u32 v9, v48;
	v42 =	vor.u32 v10, v48;
	v40 =	vor.u32 v11, v48;
	v62 =	vld.idx.msk [tilespmem:v35+s2+$0x0], $0xffff  }
0x3d6: {  	v38 =	vor.u32 v12, v48;
	v37 =	vor.u32 v13, v48;
	v35 =	vor.u32 v14, v48;
	v63 =	vld.idx.msk [tilespmem:v34+s2+$0x0], $0xffff  }
0x3d7: {  	v36 =	vmul.f32 v36, v18;
	s12 =	sadd.s32 $0x1, s12;
	v39 =	vmul.f32 v39, v18;
	v34 =	vor.u32 v15, v48;
	v48 =	vld.idx.msk [tilespmem:v51+s2+$0x0], $0xffff  }
0x3d8: {  	v33 =	vadd.f32 v43, v33;
	v41 =	vmul.f32 v41, v18;
	v43 =	vmul.f32 v44, v18;
	v51 =	vld [tilespmem:s12+$0x0]  }
0x3d9: {  	v32 =	vadd.f32 v46, v32;
	v45 =	vmul.f32 v45, v18;
	v47 =	vmul.f32 v47, v18;
	v44 =	vld.idx.msk [tilespmem:v49+s2+$0x0], $0xffff  }
0x3da: {  	v31 =	vadd.f32 v36, v31;
	v49 =	vld.idx.msk [tilespmem:v50+s2+$0x0], $0xffff;
	v50 =	vmul.f32 v52, v18;
	v52 =	vmul.f32 v56, v18  }
0x3db: {  	v30 =	vadd.f32 v39, v30;
	v56 =	vmul.f32 v60, v18;
	v60 =	vmul.f32 v62, v18;
	v53 =	vld.idx.msk [tilespmem:v53+s2+$0x0], $0xffff  }
0x3dc: {  	v28 =	vadd.f32 v41, v28;
	v27 =	vadd.f32 v43, v27;
	v43 =	vmul.f32 v63, v18;
	v46 =	vld.idx.msk [tilespmem:v54+s2+$0x0], $0xffff  }
.Ltmp12:
0x3dd: {  	v25 =	vadd.f32 v45, v25;
	v24 =	vadd.f32 v47, v24;
	v36 =	vld.idx.msk [tilespmem:v55+s2+$0x0], $0xffff;
	v48 =	vmul.f32 v48, v51;
	(pc) =	sbr.rel @p0 .LBB2_26-.Ltmp12, $4  }
0x3de: {  	v23 =	vadd.f32 v50, v23;
	v22 =	vadd.f32 v52, v22;
	v18 =	vmov v51;
	v39 =	vld.idx.msk [tilespmem:v57+s2+$0x0], $0xffff  }
0x3df: {  	v21 =	vadd.f32 v56, v21;
	v45 =	vmul.f32 v44, v18;
	v41 =	vld.idx.msk [tilespmem:v58+s2+$0x0], $0xffff;
	v17 =	vadd.f32 v48, v17  }
0x3e0: {  	v20 =	vadd.f32 v60, v20;
	v19 =	vadd.f32 v43, v19;
	v47 =	vmul.f32 v49, v18;
	v44 =	vld.idx.msk [tilespmem:v59+s2+$0x0], $0xffff  }
0x3e1: {  	v48 =	vadd.s32 s13, v0;
	s13 =	sadd.s32 $0x1, s13;
	v29 =	vadd.f32 v45, v29;
	v43 =	vmul.f32 v53, v18;
	v45 =	vld.idx.msk [tilespmem:v61+s2+$0x0], $0xffff  }
0x3e2: {  	_ =	sdelay $0x3  }
0x3e3: {  	v42 =	vld.idx.msk [tilespmem:v42+s2+$0x0], $0xffff  }
0x3e4: {  	v48 =	vand.u32 $0x7F, v48;
	v40 =	vld.idx.msk [tilespmem:v40+s2+$0x0], $0xffff  }
0x3e5: {  	v38 =	vld.idx.msk [tilespmem:v38+s2+$0x0], $0xffff;
	v49 =	vor.u32 v16, v48  }
0x3e6: {  	v37 =	vld.idx.msk [tilespmem:v37+s2+$0x0], $0xffff;
	v50 =	vor.u32 v1, v48  }
0x3e7: {  	v35 =	vld.idx.msk [tilespmem:v35+s2+$0x0], $0xffff;
	v51 =	vor.u32 v2, v48  }
0x3e8: {  	v34 =	vld.idx.msk [tilespmem:v34+s2+$0x0], $0xffff;
	s12 =	sadd.s32 $0x1, s12;
	v52 =	vor.u32 v3, v48  }
0x3e9: {  	v53 =	vor.u32 v4, v48;
	v55 =	vld [tilespmem:s12+$0x0]  }
0x3ea: {  	v54 =	vor.u32 v5, v48;
	v49 =	vld.idx.msk [tilespmem:v49+s2+$0x0], $0xffff  }
0x3eb: {  	v56 =	vor.u32 v6, v48;
	v50 =	vld.idx.msk [tilespmem:v50+s2+$0x0], $0xffff  }
0x3ec: {  	v57 =	vor.u32 v7, v48;
	v51 =	vld.idx.msk [tilespmem:v51+s2+$0x0], $0xffff  }
0x3ed: {  	v58 =	vor.u32 v8, v48;
	v52 =	vld.idx.msk [tilespmem:v52+s2+$0x0], $0xffff  }
0x3ee: {  	v59 =	vor.u32 v9, v48;
	v53 =	vld.idx.msk [tilespmem:v53+s2+$0x0], $0xffff  }
0x3ef: {  	v60 =	vor.u32 v10, v48;
	v54 =	vld.idx.msk [tilespmem:v54+s2+$0x0], $0xffff  }
0x3f0: {  	v61 =	vor.u32 v11, v48;
	v56 =	vld.idx.msk [tilespmem:v56+s2+$0x0], $0xffff  }
0x3f1: {  	v62 =	vor.u32 v12, v48;
	v57 =	vld.idx.msk [tilespmem:v57+s2+$0x0], $0xffff  }
0x3f2: {  	v63 =	vor.u32 v13, v48;
	v58 =	vld.idx.msk [tilespmem:v58+s2+$0x0], $0xffff  }
0x3f3: {  	[tilespmem:$0x1FF50] =	vst v34;
	v34 =	vor.u32 v14, v48;
	v59 =	vld.idx.msk [tilespmem:v59+s2+$0x0], $0xffff  }
0x3f4: {  	v48 =	vor.u32 v15, v48;
	v60 =	vld.idx.msk [tilespmem:v60+s2+$0x0], $0xffff  }
0x3f5: {  	v46 =	vmul.f32 v46, v18;
	v36 =	vmul.f32 v36, v18;
	v61 =	vld.idx.msk [tilespmem:v61+s2+$0x0], $0xffff  }
0x3f6: {  	v26 =	vadd.f32 v47, v26;
	v39 =	vmul.f32 v39, v18;
	v33 =	vadd.f32 v43, v33;
	v62 =	vld.idx.msk [tilespmem:v62+s2+$0x0], $0xffff  }
0x3f7: {  	v41 =	vmul.f32 v41, v18;
	v32 =	vadd.f32 v46, v32;
	v31 =	vadd.f32 v36, v31;
	v47 =	vld.idx.msk [tilespmem:v63+s2+$0x0], $0xffff  }
0x3f8: {  	v44 =	vmul.f32 v44, v18;
	v30 =	vadd.f32 v39, v30;
	v34 =	vld.idx.msk [tilespmem:v34+s2+$0x0], $0xffff;
	v50 =	vmul.f32 v50, v55  }
0x3f9: {  	v43 =	vmul.f32 v45, v18;
	v28 =	vadd.f32 v41, v28;
	v46 =	vld.idx.msk [tilespmem:v48+s2+$0x0], $0xffff;
	_ =	swait.ge [sflag:s9], $0x100;
	v51 =	vmul.f32 v51, v55  }
0x3fa: {  	v40 =	vmul.f32 v40, v18;
	v63 =	vmul.f32 v52, v55;
	[sflag:s9] =	ssyncset.done $0x0;
	v29 =	vadd.f32 v50, v29  }
0x3fb: {  	v37 =	vmul.f32 v37, v18;
	v48 =	vmul.f32 v53, v55;
	[sflag:s9] =	ssyncadd.s32 $0xFFFFFF00;
	v26 =	vadd.f32 v51, v26  }
0x3fc: {  	v25 =	vadd.f32 v43, v25;
	v53 =	vmul.f32 v57, v55;
	v33 =	vadd.f32 v63, v33;
	[tilespmem:$0x10100] =	vst v29  }
0x3fd: {  	v23 =	vadd.f32 v40, v23;
	v57 =	vmul.f32 v59, v55;
	v32 =	vadd.f32 v48, v32;
	[tilespmem:$0x10110] =	vst v26  }
0x3fe: {  	v52 =	vadd.f32 v44, v27;
	v59 =	vmul.f32 v61, v55;
	v27 =	vadd.f32 v53, v28;
	[tilespmem:$0x10120] =	vst v33  }
0x3ff: {  	v21 =	vadd.f32 v37, v21;
	v61 =	vmul.f32 v47, v55;
	v25 =	vadd.f32 v57, v25;
	[tilespmem:$0x10130] =	vst v32  }
0x400: {  	v42 =	vmul.f32 v42, v18;
	v50 =	vmul.f32 v54, v55;
	v54 =	vld [tilespmem:$0x1FF50];
	v23 =	vadd.f32 v59, v23;
	[tilespmem:$0x10160] =	vst v27  }
0x401: {  	v36 =	vmul.f32 v38, v18;
	v51 =	vmul.f32 v56, v55;
	v21 =	vadd.f32 v61, v21;
	[tilespmem:$0x10180] =	vst v25  }
0x402: {  	v35 =	vmul.f32 v35, v18;
	v56 =	vmul.f32 v58, v55;
	v31 =	vadd.f32 v50, v31;
	[tilespmem:$0x101A0] =	vst v23  }
0x403: {  	v24 =	vadd.f32 v42, v24;
	v58 =	vmul.f32 v60, v55;
	v29 =	vadd.f32 v51, v30;
	[tilespmem:$0x101C0] =	vst v21  }
0x404: {  	v22 =	vadd.f32 v36, v22;
	v60 =	vmul.f32 v62, v55;
	v26 =	vadd.f32 v56, v52;
	[tilespmem:$0x10140] =	vst v31  }
0x405: {  	v63 =	vmul.f32 v49, v55;
	v24 =	vadd.f32 v58, v24;
	[tilespmem:$0x10150] =	vst v29;
	v18 =	vmul.f32 v54, v18  }
0x406: {  	v20 =	vadd.f32 v35, v20;
	v62 =	vmul.f32 v34, v55;
	v22 =	vadd.f32 v60, v22;
	[tilespmem:$0x10170] =	vst v26  }
0x407: {  	v17 =	vadd.f32 v63, v17;
	[tilespmem:$0x10190] =	vst v24;
	v18 =	vadd.f32 v18, v19;
	v19 =	vmul.f32 v46, v55  }
0x408: {  	v20 =	vadd.f32 v62, v20;
	[tilespmem:$0x101B0] =	vst v22  }
0x409: {  	[tilespmem:$0x101F0] =	vst v17;
	v18 =	vadd.f32 v19, v18  }
0x40a: {  	[tilespmem:$0x101D0] =	vst v20  }
0x40b: {  	s11 =	sadd.s32 $0x1, s11;
	[tilespmem:$0x101E0] =	vst v18  }
0x40c: {  	[hbm4b:s22+s2] =	stream.linear.scatter [tilespmem:s5], [sflag:$0x3], $0x100, $0x38;
	[tilespmem:$0x10300] =	vst v63  }
0x40d: {  	p0 =	sne.s32 s11, s25;
	_ =	swait.ge [sflag:s10], $0x100  }
.Ltmp13:
0x40e: {  	[sflag:s10] =	ssyncset.done $0x0;
	(pc) =	sbr.rel @p0 .LBB2_1-.Ltmp13, $4  }
0x40f: {  	[sflag:s10] =	ssyncadd.s32 $0xFFFFFF00  }
0x410: {  	_ =	swait.ge [sflag:s9], $0x100  }
0x411: {  	[sflag:s9] =	ssyncset.done $0x0  }
0x412: {  	[sflag:s9] =	ssyncadd.s32 $0xFFFFFF00  }
0x413: {  	_ =	sfence.sel $0x180000  }
0x414: {  	[bflag:$0x0] =	sbarrier.arrive $0xFFFF  }
0x415: {  	_ =	strace $0x90000047  }
0x416: {  	s0 =	stileid.u32;
	[bflag:$0x2] =	sbarrier.arrive $0xFFFF  }
0x417: {  	p0 =	sne.s32 s0, $0x0;
	s0 =	rddreg [dreg:$0x3]  }
0x418: {  	s0 =	sadd.s32 @!p0 $0x100000, s0  }
0x419: {  	[sflag:s0] =	ssyncadd.tile.s32 @!p0 $0x1;
	_ =	shalt  }
.Lfunc_end2:
_tile_overlayer_lowered:
.L_overlay_start_2:
0x41a: {  	(tag) =	ssettag $0x2  }
0x41b: {  	s0 =	rddreg [dreg:$0x0];
	s2 =	stileid.u32  }
0x41c: {  	s1 =	rddreg [dreg:$0x1];
	p0 =	sne.s32 s2, $0x0  }
0x41d: {  	s3 =	rddreg [dreg:$0x2];
	[bflag:$0x3] =	sbarrier.arrive $0xFFFF;
	s2 =	simm.s32 @!p0 $0x1C05  }
0x41e: {  	[timem:s3], [sflag:s2] =	dma.local @!p0 [hbm:s0], s1  }
0x41f: {  	s0 =	simm.s32 @!p0 $0x5  }
0x420: {  	_ =	swait.ge @!p0 [sflag:s0], s1  }
0x421: {  	s1 =	ssub.s32 @!p0 $0x0, s1;
	[sflag:s0] =	ssyncset.done @!p0 $0x0  }
0x422: {  	[sflag:s0] =	ssyncadd.s32 @!p0 s1  }
0x423: {  	[bflag:$0x3] =	sbarrier.arrive $0xFFFF  }
0x424: {  	_ =	shalt  }

</sc_bundles>
